<compile_context>
chip_gen: v7x
topology: tpu7x:2x2x1
jax: 0.10.2.dev20260603
libtpu: 0.0.44.dev20260713+nightly
codegen_flags: <defaults>
</compile_context>

<pallas_src>
import functools

import jax
import jax.numpy as jnp
from jax import lax
from jax.experimental import pallas as pl
from jax.experimental.pallas import tpu as pltpu
from jax.experimental.pallas import tpu_sc as plsc

NC = 2
NS = 16
NW = NC * NS
L = 16


def _wg_body(bv, nb, w_ref, sj_ref, relw_ref, c_ref, g_ref, wj_ref):
    i = pl.program_id(0)

    @pl.when(i == 0)
    def _():
        relw_ref[0, 0] = 0.0
        wj_ref[...] = jnp.zeros_like(wj_ref)

    @pl.when(i < nb)
    def _():
        w = w_ref[...]
        rw = jnp.maximum(w, 0.0)
        relw_ref[0, 0] += jnp.sum(rw * rw)
        c_ref[0, :] = jnp.sum(w * w, axis=0)
        sj = sj_ref[0, :]
        iota = lax.broadcasted_iota(jnp.int32, (bv, sj.shape[0]), 0) + i * bv
        oh = (iota == sj[None, :]).astype(jnp.float32)
        wj_ref[...] += jax.lax.dot_general(
            w, oh, (((1,), (0,)), ((), ())),
            preferred_element_type=jnp.float32)

    @pl.when(i >= nb)
    def _():
        g_ref[...] = jax.lax.dot_general(
            wj_ref[...], w_ref[...], (((0,), (0,)), ((), ())),
            preferred_element_type=jnp.float32)


def _wg_pass(W, sj, bv=1024):
    d, V = W.shape
    M = sj.shape[1]
    nb = V // bv
    return pl.pallas_call(
        functools.partial(_wg_body, bv, nb),
        grid=(2 * nb,),
        in_specs=[
            pl.BlockSpec((d, bv), lambda i: (0, jnp.where(i < nb, i, i - nb))),
            pl.BlockSpec((1, M), lambda i: (0, 0)),
        ],
        out_specs=[
            pl.BlockSpec((1, 1), lambda i: (0, 0), memory_space=pltpu.SMEM),
            pl.BlockSpec((1, bv), lambda i: (0, jnp.where(i < nb, i, nb - 1))),
            pl.BlockSpec((M, bv), lambda i: (0, jnp.where(i < nb, 0, i - nb))),
        ],
        out_shape=[
            jax.ShapeDtypeStruct((1, 1), jnp.float32),
            jax.ShapeDtypeStruct((1, V), jnp.float32),
            jax.ShapeDtypeStruct((M, V), jnp.float32),
        ],
        scratch_shapes=[pltpu.VMEM((d, M), jnp.float32)],
    )(W, sj)


def _ape_body(bb, nb, ne, M2, a_ref, p_ref, e_ref, ej_ref, ri_ref,
              apsq_ref, rele_ref, desq_ref, ejr_ref, ei_ref):
    i = pl.program_id(0)

    @pl.when(i == 0)
    def _():
        apsq_ref[0, 0] = 0.0
        rele_ref[0, 0] = 0.0
        ejr_ref[...] = jnp.zeros_like(ejr_ref)
        ei_ref[...] = jnp.zeros_like(ei_ref)

    @pl.when(i < nb)
    def _():
        dd = a_ref[...] - p_ref[...]
        apsq_ref[0, 0] += jnp.sum(dd * dd)

    @pl.when(i >= nb)
    def _():
        e = e_ref[...]
        re = jnp.maximum(e, 0.0)
        rele_ref[0, 0] += jnp.sum(re * re)
        base = (i - nb) * bb
        ej = ej_ref[0, :]
        iota = lax.broadcasted_iota(jnp.int32, (bb, M2), 0) + base
        oh = (iota == ej[None, :]).astype(jnp.float32)
        ejr_ref[...] += jax.lax.dot_general(
            oh, e, (((0,), (0,)), ((), ())),
            preferred_element_type=jnp.float32)
        ri = ri_ref[0]
        oh_r = (lax.broadcasted_iota(jnp.int32, (bb, 1), 0) + base ==
                ri).astype(jnp.float32)
        ei_ref[...] += jax.lax.dot_general(
            oh_r, e, (((0,), (0,)), ((), ())),
            preferred_element_type=jnp.float32)

    @pl.when(i == nb + ne - 1)
    def _():
        dd = ejr_ref[...] - ei_ref[...]
        desq_ref[0, 0] = jnp.sum(dd * dd)


def _ape_pass(a, p, E, ej, ri1, bb=2048):
    B, d = a.shape
    V, _ = E.shape
    M2 = ej.shape[1]
    nb = B // bb
    ne = V // bb
    smem = pl.BlockSpec(memory_space=pltpu.SMEM)
    return pl.pallas_call(
        functools.partial(_ape_body, bb, nb, ne, M2),
        grid=(nb + ne,),
        in_specs=[
            pl.BlockSpec((bb, d), lambda i: (jnp.where(i < nb, i, nb - 1), 0)),
            pl.BlockSpec((bb, d), lambda i: (jnp.where(i < nb, i, nb - 1), 0)),
            pl.BlockSpec((bb, d), lambda i: (jnp.where(i < nb, 0, i - nb), 0)),
            pl.BlockSpec((1, M2), lambda i: (0, 0)),
            smem,
        ],
        out_specs=[smem, smem, smem],
        out_shape=[
            jax.ShapeDtypeStruct((1, 1), jnp.float32),
            jax.ShapeDtypeStruct((1, 1), jnp.float32),
            jax.ShapeDtypeStruct((1, 1), jnp.float32),
        ],
        scratch_shapes=[
            pltpu.VMEM((M2, d), jnp.float32),
            pltpu.VMEM((1, d), jnp.float32),
        ],
    )(a, p, E, ej, ri1)


def _make_sc_gather(V, M, K, M2, JS):
    mesh = plsc.VectorSubcoreMesh(
        core_axis_name="c", subcore_axis_name="s",
        num_cores=NC, num_subcores=NS)

    @functools.partial(
        pl.kernel,
        compiler_params=pltpu.CompilerParams(needs_layout_passes=False),
        out_type=[
            jax.ShapeDtypeStruct((M,), jnp.float32),
            jax.ShapeDtypeStruct((M,), jnp.float32),
            jax.ShapeDtypeStruct((M,), jnp.float32),
            jax.ShapeDtypeStruct((M,), jnp.float32),
            jax.ShapeDtypeStruct((L,), jnp.float32),
        ],
        mesh=mesh,
        scratch_types=[
            pltpu.VMEM((8, V), jnp.float32),
            pltpu.VMEM((8, V), jnp.float32),
            pltpu.VMEM((8, V), jnp.float32),
            pltpu.VMEM((K, JS), jnp.int32),
            pltpu.VMEM((JS,), jnp.int32),
            pltpu.VMEM((V,), jnp.float32),
            pltpu.VMEM((8,), jnp.int32),
            pltpu.VMEM((M2,), jnp.int32),
            pltpu.VMEM((L,), jnp.float32),
            pltpu.SemaphoreType.DMA,
            pltpu.SemaphoreType.DMA,
            pltpu.SemaphoreType.DMA,
        ],
    )
    def sc_gather(sw_hbm, se_hbm, g_hbm, c_hbm,
                  wiT_hbm, sj_hbm, ri_hbm, ej_hbm,
                  swsum_hbm, gsum_hbm, csum_hbm, cj_hbm, sesum_hbm,
                  bufa, bufb, bufc, wiT_v, sj_v, c_v, ri_v, ej_v, stage,
                  sema, semb, semc):
        wid = lax.axis_index("s") * NC + lax.axis_index("c")
        base = wid * JS
        pltpu.sync_copy(sj_hbm.at[pl.ds(base, JS)], sj_v)
        pltpu.sync_copy(wiT_hbm.at[wid], wiT_v)

        cp_sw0 = pltpu.async_copy(sw_hbm.at[sj_v.at[pl.ds(0, 8)]], bufa, sema)
        cp_sw1 = pltpu.async_copy(sw_hbm.at[sj_v.at[pl.ds(8, 8)]], bufb, semb)
        cp_g0 = pltpu.async_copy(g_hbm.at[pl.ds(base, 8), :], bufc, semc)
        pltpu.sync_copy(c_hbm, c_v)

        lanes = lax.iota(jnp.int32, L)
        rows = lanes & 7
        lo = lanes < 8
        hi = jnp.logical_not(lo)
        zerov = jnp.zeros((L,), jnp.float32)

        acc = zerov
        for k in range(K):
            acc = acc + plsc.load_gather(c_v, [wiT_v[k]])
        stage[...] = acc
        pltpu.sync_copy(stage, csum_hbm.at[pl.ds(base, JS)])
        stage[...] = plsc.load_gather(c_v, [sj_v[...]])
        pltpu.sync_copy(stage, cj_hbm.at[pl.ds(base, JS)])

        def gather_sum(b_ref):
            acc = zerov
            for k in range(K):
                acc = acc + plsc.load_gather(b_ref, [rows, wiT_v[k]])
            return acc

        cp_sw0.wait()
        sw_lo = gather_sum(bufa)
        cp_g1 = pltpu.async_copy(g_hbm.at[pl.ds(base + 8, 8), :], bufa, sema)
        cp_sw1.wait()
        sw_hi = gather_sum(bufb)
        stage[...] = jnp.where(lo, sw_lo, zerov) + jnp.where(hi, sw_hi, zerov)
        pltpu.sync_copy(stage, swsum_hbm.at[pl.ds(base, JS)])

        @pl.when(wid == 0)
        def _():
            pltpu.sync_copy(ri_hbm, ri_v)
            pltpu.sync_copy(ej_hbm, ej_v)
            pltpu.async_copy(se_hbm.at[ri_v], bufb, semb)

        cp_g0.wait()
        g_lo = gather_sum(bufc)
        cp_g1.wait()
        g_hi = gather_sum(bufa)
        stage[...] = jnp.where(lo, g_lo, zerov) + jnp.where(hi, g_hi, zerov)
        pltpu.sync_copy(stage, gsum_hbm.at[pl.ds(base, JS)])

        @pl.when(wid == 0)
        def _():
            pltpu.make_async_copy(se_hbm.at[ri_v], bufb, semb).wait()
            zeros = jnp.zeros((L,), jnp.int32)
            se_acc = zerov
            for t in range(M2 // L):
                idx = ej_v[pl.ds(t * L, L)]
                se_acc = se_acc + plsc.load_gather(bufb, [zeros, idx])
            s = jnp.sum(se_acc)
            stage[...] = jnp.full((L,), s, jnp.float32)
            pltpu.sync_copy(stage, sesum_hbm)

    return sc_gather


def _combine_body(K, apsq_ref, relw_ref, rele_ref, desq_ref, sesum_ref,
                  lamb_ref, swsum_ref, gsum_ref, csum_ref, cj_ref, out_ref):
    t = K * cj_ref[...] - 2.0 * gsum_ref[...] + csum_ref[...]
    t = jnp.maximum(t, 0.0)
    sim = jnp.sum(jnp.sqrt(t) * swsum_ref[...])
    diff_e = jnp.sqrt(jnp.maximum(desq_ref[0, 0], 0.0))
    sim = sim + diff_e * sesum_ref[0, 0]
    out_ref[0, 0] = (jnp.sqrt(apsq_ref[0, 0])
                     + lamb_ref[0, 0] * (jnp.sqrt(relw_ref[0, 0])
                                         + jnp.sqrt(rele_ref[0, 0]))
                     + sim)


def _combine(K, apsq, relw, rele, desq, sesum, lamb, swsum, gsum, csum, cj):
    M = swsum.shape[1]
    smem = pl.BlockSpec(memory_space=pltpu.SMEM)
    vm = pl.BlockSpec((1, M), lambda: (0, 0))
    return pl.pallas_call(
        functools.partial(_combine_body, float(K)),
        in_specs=[smem, smem, smem, smem, smem, smem, vm, vm, vm, vm],
        out_specs=pl.BlockSpec(memory_space=pltpu.SMEM),
        out_shape=jax.ShapeDtypeStruct((1, 1), jnp.float32),
    )(apsq, relw, rele, desq, sesum, lamb, swsum, gsum, csum, cj)


def kernel(actual, prediction, W, E, Sw, Se, lamb, row_ind,
           word_i_indices, entity_j_indices, sample_j_indices):
    d, V = W.shape
    M, K = word_i_indices.shape
    M2 = entity_j_indices.shape[0]
    JS = M // NW

    sj = jnp.asarray(sample_j_indices, jnp.int32)
    ej = jnp.asarray(entity_j_indices, jnp.int32)
    ri = jnp.asarray(row_ind, jnp.int32)
    ri1 = jnp.reshape(ri, (1,))
    wi = jnp.asarray(word_i_indices, jnp.int32)
    wiT = jnp.transpose(wi.reshape(NW, JS, K), (0, 2, 1))
    ri8 = jnp.full((8,), ri, jnp.int32)

    relw, c, g = _wg_pass(W, jnp.reshape(sj, (1, M)))
    apsq, rele, desq = _ape_pass(
        actual, prediction, E, jnp.reshape(ej, (1, M2)), ri1)

    swsum, gsum, csum, cjv, sesum = _make_sc_gather(V, M, K, M2, JS)(
        Sw, Se, g, jnp.reshape(c, (V,)), wiT, sj, ri8, ej)

    out = _combine(
        K, apsq, relw, rele, desq,
        jnp.reshape(sesum, (1, L)), jnp.reshape(lamb, (1, 1)),
        jnp.reshape(swsum, (1, M)), jnp.reshape(gsum, (1, M)),
        jnp.reshape(csum, (1, M)), jnp.reshape(cjv, (1, M)))
    return out[0, 0]

# --- scband reference (transcript-rebuilt; emitter-appended) ---
"""Pipeline reference for scband-custom-loss-38165079392610 (READ-ONLY COPY).

The authoritative reference and input builder live on the scoring server;
editing this copy changes nothing except your own understanding.
"""

import jax, jax.numpy as jnp
import numpy as np


def setup_inputs(seed: int = 0) -> dict:
    key = jax.random.key(seed)
    ks = jax.random.split(key, 10)
    V = 4096   # shared word/entity vocab (rows/cols of similarity matrices)
    d = 256    # embedding dim
    B = 16384  # batch rows of actual/prediction
    M = 512    # number of sampled j columns for Sw penalty
    K = 64     # i-neighbors per sampled j
    M2 = 256   # entity j indices for Se penalty
    actual = jax.random.normal(ks[0], (B, d), dtype=jnp.float32)
    prediction = jax.random.normal(ks[1], (B, d), dtype=jnp.float32)
    W = jax.random.normal(ks[2], (d, V), dtype=jnp.float32) * 0.02   # model.W, columns are words
    E = jax.random.normal(ks[3], (V, d), dtype=jnp.float32) * 0.02   # model.E, rows are entities
    Sw = jax.random.uniform(ks[4], (V, V), dtype=jnp.float32)        # word similarity matrix (densified)
    Se = jax.random.uniform(ks[5], (V, V), dtype=jnp.float32)        # entity similarity matrix (densified)
    sample_j_indices = jax.random.randint(ks[6], (M,), 0, V, dtype=jnp.int32)
    word_i_indices = jax.random.randint(ks[7], (M, K), 0, V, dtype=jnp.int32)
    entity_j_indices = jax.random.randint(ks[8], (M2,), 0, V, dtype=jnp.int32)
    row_ind = 7
    lamb = jnp.asarray(0.01, dtype=jnp.float32)
    return {
        "actual": actual,
        "prediction": prediction,
        "W": W,
        "E": E,
        "Sw": Sw,
        "Se": Se,
        "lamb": lamb,
        "row_ind": row_ind,
        "word_i_indices": word_i_indices,
        "entity_j_indices": entity_j_indices,
        "sample_j_indices": sample_j_indices,
    }


def reference(actual, prediction, W, E, Sw, Se, lamb, row_ind, word_i_indices, entity_j_indices, sample_j_indices):
    # penalty over model parameters: || (p>0) * clamp(p, min=0) ||_2 == ||relu(p)||_2
    penalty = jnp.linalg.norm(jnp.maximum(W, 0.0)) + jnp.linalg.norm(jnp.maximum(E, 0.0))

    # similarity_penalty_Sw: for each j, diff_j = ||W[:, j:j+1] - W[:, i_inds]||_F (scalar),
    # contribution = diff_j * sum(Sw[j, i_inds])   (vectorized over the python loop)
    Wj = W[:, sample_j_indices]                                    # [d, M]
    Wi = W[:, word_i_indices]                                      # [d, M, K]
    diff_w = jnp.sqrt(jnp.sum((Wj[:, :, None] - Wi) ** 2, axis=(0, 2)))  # [M]
    Swj = Sw[sample_j_indices[:, None], word_i_indices]            # [M, K] gather
    similarity_penalty = jnp.sum(diff_w * jnp.sum(Swj, axis=1))

    # similarity_penalty_Se: diff = ||E[i:i+1] - E[j_indices]||_F (scalar),
    # penalty = diff * sum(Se[i, j_indices])
    Ei = E[row_ind]                                                # [d]
    Ej = E[entity_j_indices]                                       # [M2, d]
    diff_e = jnp.sqrt(jnp.sum((Ei[None, :] - Ej) ** 2))
    Se_sample = Se[row_ind, entity_j_indices]                      # [M2]
    similarity_penalty = similarity_penalty + diff_e * jnp.sum(Se_sample)

    return jnp.linalg.norm(actual - prediction) + lamb * penalty + similarity_penalty

if __name__ == "__main__":
    import jax
    _d = setup_inputs()
    print(jax.jit(kernel)(*tuple(_d.values())))

</pallas_src>

<mosaic_0001>
#map = affine_map<(d0, d1) -> (0, 0)>
#map1 = affine_map<(d0, d1) -> (0)>
#map2 = affine_map<(d0, d1) -> (0, 0, 0)>
module attributes {stable_mosaic.version = 14 : i64} {
  func.func @sc_gather(%arg0: i32, %arg1: i32, %arg2: memref<4096x4096xf32, #tpu.memory_space<hbm>>, %arg3: memref<4096x4096xf32, #tpu.memory_space<hbm>>, %arg4: memref<512x4096xf32, #tpu.memory_space<hbm>>, %arg5: memref<4096xf32, #tpu.memory_space<hbm>>, %arg6: memref<32x64x16xi32, #tpu.memory_space<hbm>>, %arg7: memref<512xi32, #tpu.memory_space<hbm>>, %arg8: memref<8xi32, #tpu.memory_space<hbm>>, %arg9: memref<256xi32, #tpu.memory_space<hbm>>, %arg10: memref<512xf32, #tpu.memory_space<hbm>>, %arg11: memref<512xf32, #tpu.memory_space<hbm>>, %arg12: memref<512xf32, #tpu.memory_space<hbm>>, %arg13: memref<512xf32, #tpu.memory_space<hbm>>, %arg14: memref<16xf32, #tpu.memory_space<hbm>>, %arg15: memref<8x4096xf32, #tpu.memory_space<vmem>>, %arg16: memref<8x4096xf32, #tpu.memory_space<vmem>>, %arg17: memref<8x4096xf32, #tpu.memory_space<vmem>>, %arg18: memref<64x16xi32, #tpu.memory_space<vmem>>, %arg19: memref<16xi32, #tpu.memory_space<vmem>>, %arg20: memref<4096xf32, #tpu.memory_space<vmem>>, %arg21: memref<8xi32, #tpu.memory_space<vmem>>, %arg22: memref<256xi32, #tpu.memory_space<vmem>>, %arg23: memref<16xf32, #tpu.memory_space<vmem>>, %arg24: memref<!tpu.dma_semaphore, #tpu.memory_space<semaphore_mem>>, %arg25: memref<!tpu.dma_semaphore, #tpu.memory_space<semaphore_mem>>, %arg26: memref<!tpu.dma_semaphore, #tpu.memory_space<semaphore_mem>>) attributes {dimension_semantics = [#tpu.dimension_semantics<core_parallel>, #tpu.dimension_semantics<subcore_parallel>], iteration_bounds = array<i64: 2, 16>, scalar_prefetch = 0 : i64, scratch_operands = 12 : i64, tpu.core_type = #tpu.core_type<sc_vector_subcore>, window_params = [{transform_indices = #map}, {transform_indices = #map}, {transform_indices = #map}, {transform_indices = #map1}, {transform_indices = #map2}, {transform_indices = #map1}, {transform_indices = #map1}, {transform_indices = #map1}, {transform_indices = #map1}, {transform_indices = #map1}, {transform_indices = #map1}, {transform_indices = #map1}, {transform_indices = #map1}]} {
    %mul3A = arith.constant 2 : i32
    %mul3A_0 = arith.muli %arg1, %mul3A : i32
    %add3A = arith.addi %mul3A_0, %arg0 : i32
    %mul3A_1 = arith.constant 16 : i32
    %mul3A_2 = arith.muli %add3A, %mul3A_1 : i32
    "tpu.region"() ({
      %run_scoped3A = tpu.sem_alloc : memref<!tpu.dma_semaphore, #tpu.memory_space<semaphore_mem>>
      %dma_start3A_1985 = tpu.memref_slice %arg7[%mul3A_2] : memref<512xi32, #tpu.memory_space<hbm>> -> memref<16xi32, #tpu.memory_space<hbm>>
      %dma_start3A_1986 = tpu.memref_slice %arg7[%mul3A_2] : memref<512xi32, #tpu.memory_space<hbm>> -> memref<16xi32, #tpu.memory_space<hbm>>
      tpu.enqueue_dma source(%dma_start3A_1986 : memref<16xi32, #tpu.memory_space<hbm>>) target(%arg19 : memref<16xi32, #tpu.memory_space<vmem>>) target_semaphore(%run_scoped3A : memref<!tpu.dma_semaphore, #tpu.memory_space<semaphore_mem>>)
      %dma_wait3A_1987 = tpu.memref_slice %arg7[%mul3A_2] : memref<512xi32, #tpu.memory_space<hbm>> -> memref<16xi32, #tpu.memory_space<hbm>>
      %dma_wait3A_1988 = tpu.memref_slice %arg7[%mul3A_2] : memref<512xi32, #tpu.memory_space<hbm>> -> memref<16xi32, #tpu.memory_space<hbm>>
      tpu.wait_dma2 semaphore(%run_scoped3A : memref<!tpu.dma_semaphore, #tpu.memory_space<semaphore_mem>>) src(%dma_wait3A_1988 : memref<16xi32, #tpu.memory_space<hbm>>) dst(%arg19 : memref<16xi32, #tpu.memory_space<vmem>>)
      tpu.yield
    }) : () -> ()
    "tpu.region"() ({
      %run_scoped3A = tpu.sem_alloc : memref<!tpu.dma_semaphore, #tpu.memory_space<semaphore_mem>>
      %dma_start3A_1985 = arith.constant 0 : i32
      %dma_start3A_1986 = arith.constant 0 : i32
      %dma_start3A_1987 = tpu.memref_slice %arg6[%add3A, %dma_start3A_1985, %dma_start3A_1986] : memref<32x64x16xi32, #tpu.memory_space<hbm>> -> memref<1x64x16xi32, #tpu.memory_space<hbm>>
      %dma_start3A_1988 = tpu.memref_squeeze %dma_start3A_1987 : memref<1x64x16xi32, #tpu.memory_space<hbm>> -> memref<64x16xi32, #tpu.memory_space<hbm>>
      %dma_start3A_1989 = arith.constant 0 : i32
      %dma_start3A_1990 = arith.constant 0 : i32
      %dma_start3A_1991 = tpu.memref_slice %arg6[%add3A, %dma_start3A_1989, %dma_start3A_1990] : memref<32x64x16xi32, #tpu.memory_space<hbm>> -> memref<1x64x16xi32, #tpu.memory_space<hbm>>
      %dma_start3A_1992 = tpu.memref_squeeze %dma_start3A_1991 : memref<1x64x16xi32, #tpu.memory_space<hbm>> -> memref<64x16xi32, #tpu.memory_space<hbm>>
      tpu.enqueue_dma source(%dma_start3A_1992 : memref<64x16xi32, #tpu.memory_space<hbm>>) target(%arg18 : memref<64x16xi32, #tpu.memory_space<vmem>>) target_semaphore(%run_scoped3A : memref<!tpu.dma_semaphore, #tpu.memory_space<semaphore_mem>>)
      %dma_wait3A_1993 = arith.constant 0 : i32
      %dma_wait3A_1994 = arith.constant 0 : i32
      %dma_wait3A_1995 = tpu.memref_slice %arg6[%add3A, %dma_wait3A_1993, %dma_wait3A_1994] : memref<32x64x16xi32, #tpu.memory_space<hbm>> -> memref<1x64x16xi32, #tpu.memory_space<hbm>>
      %dma_wait3A_1996 = tpu.memref_squeeze %dma_wait3A_1995 : memref<1x64x16xi32, #tpu.memory_space<hbm>> -> memref<64x16xi32, #tpu.memory_space<hbm>>
      %dma_wait3A_1997 = arith.constant 0 : i32
      %dma_wait3A_1998 = arith.constant 0 : i32
      %dma_wait3A_1999 = tpu.memref_slice %arg6[%add3A, %dma_wait3A_1997, %dma_wait3A_1998] : memref<32x64x16xi32, #tpu.memory_space<hbm>> -> memref<1x64x16xi32, #tpu.memory_space<hbm>>
      %dma_wait3A_2000 = tpu.memref_squeeze %dma_wait3A_1999 : memref<1x64x16xi32, #tpu.memory_space<hbm>> -> memref<64x16xi32, #tpu.memory_space<hbm>>
      tpu.wait_dma2 semaphore(%run_scoped3A : memref<!tpu.dma_semaphore, #tpu.memory_space<semaphore_mem>>) src(%dma_wait3A_2000 : memref<64x16xi32, #tpu.memory_space<hbm>>) dst(%arg18 : memref<64x16xi32, #tpu.memory_space<vmem>>)
      tpu.yield
    }) : () -> ()
    %dma_start3A = arith.constant 0 : i32
    %dma_start3A_3 = tpu.memref_slice %arg19[%dma_start3A] : memref<16xi32, #tpu.memory_space<vmem>> -> memref<8xi32, #tpu.memory_space<vmem>>
    %dma_start3A_4 = arith.constant 0 : i32
    %dma_start3A_5 = arith.constant 0 : i32
    %dma_start3A_6 = tpu.memref_slice %arg2[%dma_start3A_4, %dma_start3A_5] : memref<4096x4096xf32, #tpu.memory_space<hbm>> -> memref<4096x4096xf32, #tpu.memory_space<hbm>>
    tpu.enqueue_indirect_dma source(%dma_start3A_6 : memref<4096x4096xf32, #tpu.memory_space<hbm>>) target(%arg15 : memref<8x4096xf32, #tpu.memory_space<vmem>>) offsets(%dma_start3A_3 : memref<8xi32, #tpu.memory_space<vmem>>) semaphore(%arg24 : memref<!tpu.dma_semaphore, #tpu.memory_space<semaphore_mem>>)
    %dma_start3A_7 = arith.constant 8 : i32
    %dma_start3A_8 = tpu.memref_slice %arg19[%dma_start3A_7] : memref<16xi32, #tpu.memory_space<vmem>> -> memref<8xi32, #tpu.memory_space<vmem>>
    %dma_start3A_9 = arith.constant 0 : i32
    %dma_start3A_10 = arith.constant 0 : i32
    %dma_start3A_11 = tpu.memref_slice %arg2[%dma_start3A_9, %dma_start3A_10] : memref<4096x4096xf32, #tpu.memory_space<hbm>> -> memref<4096x4096xf32, #tpu.memory_space<hbm>>
    tpu.enqueue_indirect_dma source(%dma_start3A_11 : memref<4096x4096xf32, #tpu.memory_space<hbm>>) target(%arg16 : memref<8x4096xf32, #tpu.memory_space<vmem>>) offsets(%dma_start3A_8 : memref<8xi32, #tpu.memory_space<vmem>>) semaphore(%arg25 : memref<!tpu.dma_semaphore, #tpu.memory_space<semaphore_mem>>)
    %dma_start3A_12 = arith.constant 0 : i32
    %dma_start3A_13 = tpu.memref_slice %arg4[%mul3A_2, %dma_start3A_12] : memref<512x4096xf32, #tpu.memory_space<hbm>> -> memref<8x4096xf32, #tpu.memory_space<hbm>>
    %dma_start3A_14 = arith.constant 0 : i32
    %dma_start3A_15 = tpu.memref_slice %arg4[%mul3A_2, %dma_start3A_14] : memref<512x4096xf32, #tpu.memory_space<hbm>> -> memref<8x4096xf32, #tpu.memory_space<hbm>>
    tpu.enqueue_dma source(%dma_start3A_15 : memref<8x4096xf32, #tpu.memory_space<hbm>>) target(%arg17 : memref<8x4096xf32, #tpu.memory_space<vmem>>) target_semaphore(%arg26 : memref<!tpu.dma_semaphore, #tpu.memory_space<semaphore_mem>>)
    "tpu.region"() ({
      %run_scoped3A = tpu.sem_alloc : memref<!tpu.dma_semaphore, #tpu.memory_space<semaphore_mem>>
      tpu.enqueue_dma source(%arg5 : memref<4096xf32, #tpu.memory_space<hbm>>) target(%arg20 : memref<4096xf32, #tpu.memory_space<vmem>>) target_semaphore(%run_scoped3A : memref<!tpu.dma_semaphore, #tpu.memory_space<semaphore_mem>>)
      tpu.wait_dma2 semaphore(%run_scoped3A : memref<!tpu.dma_semaphore, #tpu.memory_space<semaphore_mem>>) src(%arg5 : memref<4096xf32, #tpu.memory_space<hbm>>) dst(%arg20 : memref<4096xf32, #tpu.memory_space<vmem>>)
      tpu.yield
    }) : () -> ()
    %iota3A = tpu.iota {dimensions = array<i32: 0>} : vector<16xi32>
    %and3A = arith.constant 7 : i32
    %and3A_16 = vector.broadcast %and3A : i32 to vector<16xi32>
    %and3A_17 = arith.andi %iota3A, %and3A_16 : vector<16xi32>
    %lt3A = arith.constant 8 : i32
    %lt3A_18 = vector.broadcast %lt3A : i32 to vector<16xi32>
    %lt3A_19 = arith.cmpi slt, %iota3A, %lt3A_18 : vector<16xi32>
    %not3A = arith.constant dense<true> : vector<16xi1>
    %not3A_20 = arith.xori %lt3A_19, %not3A : vector<16xi1>
    %broadcast_in_dim3A = arith.constant 0.000000e+00 : f32
    %broadcast_in_dim3A_21 = vector.broadcast %broadcast_in_dim3A : f32 to vector<16xf32>
    %get3A = arith.constant 0 : i32
    %get3A_22 = arith.index_cast %get3A : i32 to index
    %get3A_23 = arith.constant 0 : index
    %get3A_24 = tpu.vector_load %arg18[%get3A_22, %get3A_23] {strides = array<i32>} : memref<64x16xi32, #tpu.memory_space<vmem>>, vector<16xi32>,
    %gather3A = tpu.vector_load_idx %arg20[%get3A_24] : memref<4096xf32, #tpu.memory_space<vmem>>[vector<16xi32>], vector<16xf32>,
    %add3A_25 = arith.addf %broadcast_in_dim3A_21, %gather3A : vector<16xf32>
    %get3A_26 = arith.constant 1 : i32
    %get3A_27 = arith.index_cast %get3A_26 : i32 to index
    %get3A_28 = arith.constant 0 : index
    %get3A_29 = tpu.vector_load %arg18[%get3A_27, %get3A_28] {strides = array<i32>} : memref<64x16xi32, #tpu.memory_space<vmem>>, vector<16xi32>,
    %gather3A_30 = tpu.vector_load_idx %arg20[%get3A_29] : memref<4096xf32, #tpu.memory_space<vmem>>[vector<16xi32>], vector<16xf32>,
    %add3A_31 = arith.addf %add3A_25, %gather3A_30 : vector<16xf32>
    %get3A_32 = arith.constant 2 : i32
    %get3A_33 = arith.index_cast %get3A_32 : i32 to index
    %get3A_34 = arith.constant 0 : index
    %get3A_35 = tpu.vector_load %arg18[%get3A_33, %get3A_34] {strides = array<i32>} : memref<64x16xi32, #tpu.memory_space<vmem>>, vector<16xi32>,
    %gather3A_36 = tpu.vector_load_idx %arg20[%get3A_35] : memref<4096xf32, #tpu.memory_space<vmem>>[vector<16xi32>], vector<16xf32>,
    %add3A_37 = arith.addf %add3A_31, %gather3A_36 : vector<16xf32>
    %get3A_38 = arith.constant 3 : i32
    %get3A_39 = arith.index_cast %get3A_38 : i32 to index
    %get3A_40 = arith.constant 0 : index
    %get3A_41 = tpu.vector_load %arg18[%get3A_39, %get3A_40] {strides = array<i32>} : memref<64x16xi32, #tpu.memory_space<vmem>>, vector<16xi32>,
    %gather3A_42 = tpu.vector_load_idx %arg20[%get3A_41] : memref<4096xf32, #tpu.memory_space<vmem>>[vector<16xi32>], vector<16xf32>,
    %add3A_43 = arith.addf %add3A_37, %gather3A_42 : vector<16xf32>
    %get3A_44 = arith.constant 4 : i32
    %get3A_45 = arith.index_cast %get3A_44 : i32 to index
    %get3A_46 = arith.constant 0 : index
    %get3A_47 = tpu.vector_load %arg18[%get3A_45, %get3A_46] {strides = array<i32>} : memref<64x16xi32, #tpu.memory_space<vmem>>, vector<16xi32>,
    %gather3A_48 = tpu.vector_load_idx %arg20[%get3A_47] : memref<4096xf32, #tpu.memory_space<vmem>>[vector<16xi32>], vector<16xf32>,
    %add3A_49 = arith.addf %add3A_43, %gather3A_48 : vector<16xf32>
    %get3A_50 = arith.constant 5 : i32
    %get3A_51 = arith.index_cast %get3A_50 : i32 to index
    %get3A_52 = arith.constant 0 : index
    %get3A_53 = tpu.vector_load %arg18[%get3A_51, %get3A_52] {strides = array<i32>} : memref<64x16xi32, #tpu.memory_space<vmem>>, vector<16xi32>,
    %gather3A_54 = tpu.vector_load_idx %arg20[%get3A_53] : memref<4096xf32, #tpu.memory_space<vmem>>[vector<16xi32>], vector<16xf32>,
    %add3A_55 = arith.addf %add3A_49, %gather3A_54 : vector<16xf32>
    %get3A_56 = arith.constant 6 : i32
    %get3A_57 = arith.index_cast %get3A_56 : i32 to index
    %get3A_58 = arith.constant 0 : index
    %get3A_59 = tpu.vector_load %arg18[%get3A_57, %get3A_58] {strides = array<i32>} : memref<64x16xi32, #tpu.memory_space<vmem>>, vector<16xi32>,
    %gather3A_60 = tpu.vector_load_idx %arg20[%get3A_59] : memref<4096xf32, #tpu.memory_space<vmem>>[vector<16xi32>], vector<16xf32>,
    %add3A_61 = arith.addf %add3A_55, %gather3A_60 : vector<16xf32>
    %get3A_62 = arith.constant 7 : i32
    %get3A_63 = arith.index_cast %get3A_62 : i32 to index
    %get3A_64 = arith.constant 0 : index
    %get3A_65 = tpu.vector_load %arg18[%get3A_63, %get3A_64] {strides = array<i32>} : memref<64x16xi32, #tpu.memory_space<vmem>>, vector<16xi32>,
    %gather3A_66 = tpu.vector_load_idx %arg20[%get3A_65] : memref<4096xf32, #tpu.memory_space<vmem>>[vector<16xi32>], vector<16xf32>,
    %add3A_67 = arith.addf %add3A_61, %gather3A_66 : vector<16xf32>
    %get3A_68 = arith.constant 8 : i32
    %get3A_69 = arith.index_cast %get3A_68 : i32 to index
    %get3A_70 = arith.constant 0 : index
    %get3A_71 = tpu.vector_load %arg18[%get3A_69, %get3A_70] {strides = array<i32>} : memref<64x16xi32, #tpu.memory_space<vmem>>, vector<16xi32>,
    %gather3A_72 = tpu.vector_load_idx %arg20[%get3A_71] : memref<4096xf32, #tpu.memory_space<vmem>>[vector<16xi32>], vector<16xf32>,
    %add3A_73 = arith.addf %add3A_67, %gather3A_72 : vector<16xf32>
    %get3A_74 = arith.constant 9 : i32
    %get3A_75 = arith.index_cast %get3A_74 : i32 to index
    %get3A_76 = arith.constant 0 : index
    %get3A_77 = tpu.vector_load %arg18[%get3A_75, %get3A_76] {strides = array<i32>} : memref<64x16xi32, #tpu.memory_space<vmem>>, vector<16xi32>,
    %gather3A_78 = tpu.vector_load_idx %arg20[%get3A_77] : memref<4096xf32, #tpu.memory_space<vmem>>[vector<16xi32>], vector<16xf32>,
    %add3A_79 = arith.addf %add3A_73, %gather3A_78 : vector<16xf32>
    %get3A_80 = arith.constant 10 : i32
    %get3A_81 = arith.index_cast %get3A_80 : i32 to index
    %get3A_82 = arith.constant 0 : index
    %get3A_83 = tpu.vector_load %arg18[%get3A_81, %get3A_82] {strides = array<i32>} : memref<64x16xi32, #tpu.memory_space<vmem>>, vector<16xi32>,
    %gather3A_84 = tpu.vector_load_idx %arg20[%get3A_83] : memref<4096xf32, #tpu.memory_space<vmem>>[vector<16xi32>], vector<16xf32>,
    %add3A_85 = arith.addf %add3A_79, %gather3A_84 : vector<16xf32>
    %get3A_86 = arith.constant 11 : i32
    %get3A_87 = arith.index_cast %get3A_86 : i32 to index
    %get3A_88 = arith.constant 0 : index
    %get3A_89 = tpu.vector_load %arg18[%get3A_87, %get3A_88] {strides = array<i32>} : memref<64x16xi32, #tpu.memory_space<vmem>>, vector<16xi32>,
    %gather3A_90 = tpu.vector_load_idx %arg20[%get3A_89] : memref<4096xf32, #tpu.memory_space<vmem>>[vector<16xi32>], vector<16xf32>,
    %add3A_91 = arith.addf %add3A_85, %gather3A_90 : vector<16xf32>
    %get3A_92 = arith.constant 12 : i32
    %get3A_93 = arith.index_cast %get3A_92 : i32 to index
    %get3A_94 = arith.constant 0 : index
    %get3A_95 = tpu.vector_load %arg18[%get3A_93, %get3A_94] {strides = array<i32>} : memref<64x16xi32, #tpu.memory_space<vmem>>, vector<16xi32>,
    %gather3A_96 = tpu.vector_load_idx %arg20[%get3A_95] : memref<4096xf32, #tpu.memory_space<vmem>>[vector<16xi32>], vector<16xf32>,
    %add3A_97 = arith.addf %add3A_91, %gather3A_96 : vector<16xf32>
    %get3A_98 = arith.constant 13 : i32
    %get3A_99 = arith.index_cast %get3A_98 : i32 to index
    %get3A_100 = arith.constant 0 : index
    %get3A_101 = tpu.vector_load %arg18[%get3A_99, %get3A_100] {strides = array<i32>} : memref<64x16xi32, #tpu.memory_space<vmem>>, vector<16xi32>,
    %gather3A_102 = tpu.vector_load_idx %arg20[%get3A_101] : memref<4096xf32, #tpu.memory_space<vmem>>[vector<16xi32>], vector<16xf32>,
    %add3A_103 = arith.addf %add3A_97, %gather3A_102 : vector<16xf32>
    %get3A_104 = arith.constant 14 : i32
    %get3A_105 = arith.index_cast %get3A_104 : i32 to index
    %get3A_106 = arith.constant 0 : index
    %get3A_107 = tpu.vector_load %arg18[%get3A_105, %get3A_106] {strides = array<i32>} : memref<64x16xi32, #tpu.memory_space<vmem>>, vector<16xi32>,
    %gather3A_108 = tpu.vector_load_idx %arg20[%get3A_107] : memref<4096xf32, #tpu.memory_space<vmem>>[vector<16xi32>], vector<16xf32>,
    %add3A_109 = arith.addf %add3A_103, %gather3A_108 : vector<16xf32>
    %get3A_110 = arith.constant 15 : i32
    %get3A_111 = arith.index_cast %get3A_110 : i32 to index
    %get3A_112 = arith.constant 0 : index
    %get3A_113 = tpu.vector_load %arg18[%get3A_111, %get3A_112] {strides = array<i32>} : memref<64x16xi32, #tpu.memory_space<vmem>>, vector<16xi32>,
    %gather3A_114 = tpu.vector_load_idx %arg20[%get3A_113] : memref<4096xf32, #tpu.memory_space<vmem>>[vector<16xi32>], vector<16xf32>,
    %add3A_115 = arith.addf %add3A_109, %gather3A_114 : vector<16xf32>
    %get3A_116 = arith.constant 16 : i32
    %get3A_117 = arith.index_cast %get3A_116 : i32 to index
    %get3A_118 = arith.constant 0 : index
    %get3A_119 = tpu.vector_load %arg18[%get3A_117, %get3A_118] {strides = array<i32>} : memref<64x16xi32, #tpu.memory_space<vmem>>, vector<16xi32>,
    %gather3A_120 = tpu.vector_load_idx %arg20[%get3A_119] : memref<4096xf32, #tpu.memory_space<vmem>>[vector<16xi32>], vector<16xf32>,
    %add3A_121 = arith.addf %add3A_115, %gather3A_120 : vector<16xf32>
    %get3A_122 = arith.constant 17 : i32
    %get3A_123 = arith.index_cast %get3A_122 : i32 to index
    %get3A_124 = arith.constant 0 : index
    %get3A_125 = tpu.vector_load %arg18[%get3A_123, %get3A_124] {strides = array<i32>} : memref<64x16xi32, #tpu.memory_space<vmem>>, vector<16xi32>,
    %gather3A_126 = tpu.vector_load_idx %arg20[%get3A_125] : memref<4096xf32, #tpu.memory_space<vmem>>[vector<16xi32>], vector<16xf32>,
    %add3A_127 = arith.addf %add3A_121, %gather3A_126 : vector<16xf32>
    %get3A_128 = arith.constant 18 : i32
    %get3A_129 = arith.index_cast %get3A_128 : i32 to index
    %get3A_130 = arith.constant 0 : index
    %get3A_131 = tpu.vector_load %arg18[%get3A_129, %get3A_130] {strides = array<i32>} : memref<64x16xi32, #tpu.memory_space<vmem>>, vector<16xi32>,
    %gather3A_132 = tpu.vector_load_idx %arg20[%get3A_131] : memref<4096xf32, #tpu.memory_space<vmem>>[vector<16xi32>], vector<16xf32>,
    %add3A_133 = arith.addf %add3A_127, %gather3A_132 : vector<16xf32>
    %get3A_134 = arith.constant 19 : i32
    %get3A_135 = arith.index_cast %get3A_134 : i32 to index
    %get3A_136 = arith.constant 0 : index
    %get3A_137 = tpu.vector_load %arg18[%get3A_135, %get3A_136] {strides = array<i32>} : memref<64x16xi32, #tpu.memory_space<vmem>>, vector<16xi32>,
    %gather3A_138 = tpu.vector_load_idx %arg20[%get3A_137] : memref<4096xf32, #tpu.memory_space<vmem>>[vector<16xi32>], vector<16xf32>,
    %add3A_139 = arith.addf %add3A_133, %gather3A_138 : vector<16xf32>
    %get3A_140 = arith.constant 20 : i32
    %get3A_141 = arith.index_cast %get3A_140 : i32 to index
    %get3A_142 = arith.constant 0 : index
    %get3A_143 = tpu.vector_load %arg18[%get3A_141, %get3A_142] {strides = array<i32>} : memref<64x16xi32, #tpu.memory_space<vmem>>, vector<16xi32>,
    %gather3A_144 = tpu.vector_load_idx %arg20[%get3A_143] : memref<4096xf32, #tpu.memory_space<vmem>>[vector<16xi32>], vector<16xf32>,
    %add3A_145 = arith.addf %add3A_139, %gather3A_144 : vector<16xf32>
    %get3A_146 = arith.constant 21 : i32
    %get3A_147 = arith.index_cast %get3A_146 : i32 to index
    %get3A_148 = arith.constant 0 : index
    %get3A_149 = tpu.vector_load %arg18[%get3A_147, %get3A_148] {strides = array<i32>} : memref<64x16xi32, #tpu.memory_space<vmem>>, vector<16xi32>,
    %gather3A_150 = tpu.vector_load_idx %arg20[%get3A_149] : memref<4096xf32, #tpu.memory_space<vmem>>[vector<16xi32>], vector<16xf32>,
    %add3A_151 = arith.addf %add3A_145, %gather3A_150 : vector<16xf32>
    %get3A_152 = arith.constant 22 : i32
    %get3A_153 = arith.index_cast %get3A_152 : i32 to index
    %get3A_154 = arith.constant 0 : index
    %get3A_155 = tpu.vector_load %arg18[%get3A_153, %get3A_154] {strides = array<i32>} : memref<64x16xi32, #tpu.memory_space<vmem>>, vector<16xi32>,
    %gather3A_156 = tpu.vector_load_idx %arg20[%get3A_155] : memref<4096xf32, #tpu.memory_space<vmem>>[vector<16xi32>], vector<16xf32>,
    %add3A_157 = arith.addf %add3A_151, %gather3A_156 : vector<16xf32>
    %get3A_158 = arith.constant 23 : i32
    %get3A_159 = arith.index_cast %get3A_158 : i32 to index
    %get3A_160 = arith.constant 0 : index
    %get3A_161 = tpu.vector_load %arg18[%get3A_159, %get3A_160] {strides = array<i32>} : memref<64x16xi32, #tpu.memory_space<vmem>>, vector<16xi32>,
    %gather3A_162 = tpu.vector_load_idx %arg20[%get3A_161] : memref<4096xf32, #tpu.memory_space<vmem>>[vector<16xi32>], vector<16xf32>,
    %add3A_163 = arith.addf %add3A_157, %gather3A_162 : vector<16xf32>
    %get3A_164 = arith.constant 24 : i32
    %get3A_165 = arith.index_cast %get3A_164 : i32 to index
    %get3A_166 = arith.constant 0 : index
    %get3A_167 = tpu.vector_load %arg18[%get3A_165, %get3A_166] {strides = array<i32>} : memref<64x16xi32, #tpu.memory_space<vmem>>, vector<16xi32>,
    %gather3A_168 = tpu.vector_load_idx %arg20[%get3A_167] : memref<4096xf32, #tpu.memory_space<vmem>>[vector<16xi32>], vector<16xf32>,
    %add3A_169 = arith.addf %add3A_163, %gather3A_168 : vector<16xf32>
    %get3A_170 = arith.constant 25 : i32
    %get3A_171 = arith.index_cast %get3A_170 : i32 to index
    %get3A_172 = arith.constant 0 : index
    %get3A_173 = tpu.vector_load %arg18[%get3A_171, %get3A_172] {strides = array<i32>} : memref<64x16xi32, #tpu.memory_space<vmem>>, vector<16xi32>,
    %gather3A_174 = tpu.vector_load_idx %arg20[%get3A_173] : memref<4096xf32, #tpu.memory_space<vmem>>[vector<16xi32>], vector<16xf32>,
    %add3A_175 = arith.addf %add3A_169, %gather3A_174 : vector<16xf32>
    %get3A_176 = arith.constant 26 : i32
    %get3A_177 = arith.index_cast %get3A_176 : i32 to index
    %get3A_178 = arith.constant 0 : index
    %get3A_179 = tpu.vector_load %arg18[%get3A_177, %get3A_178] {strides = array<i32>} : memref<64x16xi32, #tpu.memory_space<vmem>>, vector<16xi32>,
    %gather3A_180 = tpu.vector_load_idx %arg20[%get3A_179] : memref<4096xf32, #tpu.memory_space<vmem>>[vector<16xi32>], vector<16xf32>,
    %add3A_181 = arith.addf %add3A_175, %gather3A_180 : vector<16xf32>
    %get3A_182 = arith.constant 27 : i32
    %get3A_183 = arith.index_cast %get3A_182 : i32 to index
    %get3A_184 = arith.constant 0 : index
    %get3A_185 = tpu.vector_load %arg18[%get3A_183, %get3A_184] {strides = array<i32>} : memref<64x16xi32, #tpu.memory_space<vmem>>, vector<16xi32>,
    %gather3A_186 = tpu.vector_load_idx %arg20[%get3A_185] : memref<4096xf32, #tpu.memory_space<vmem>>[vector<16xi32>], vector<16xf32>,
    %add3A_187 = arith.addf %add3A_181, %gather3A_186 : vector<16xf32>
    %get3A_188 = arith.constant 28 : i32
    %get3A_189 = arith.index_cast %get3A_188 : i32 to index
    %get3A_190 = arith.constant 0 : index
    %get3A_191 = tpu.vector_load %arg18[%get3A_189, %get3A_190] {strides = array<i32>} : memref<64x16xi32, #tpu.memory_space<vmem>>, vector<16xi32>,
    %gather3A_192 = tpu.vector_load_idx %arg20[%get3A_191] : memref<4096xf32, #tpu.memory_space<vmem>>[vector<16xi32>], vector<16xf32>,
    %add3A_193 = arith.addf %add3A_187, %gather3A_192 : vector<16xf32>
    %get3A_194 = arith.constant 29 : i32
    %get3A_195 = arith.index_cast %get3A_194 : i32 to index
    %get3A_196 = arith.constant 0 : index
    %get3A_197 = tpu.vector_load %arg18[%get3A_195, %get3A_196] {strides = array<i32>} : memref<64x16xi32, #tpu.memory_space<vmem>>, vector<16xi32>,
    %gather3A_198 = tpu.vector_load_idx %arg20[%get3A_197] : memref<4096xf32, #tpu.memory_space<vmem>>[vector<16xi32>], vector<16xf32>,
    %add3A_199 = arith.addf %add3A_193, %gather3A_198 : vector<16xf32>
    %get3A_200 = arith.constant 30 : i32
    %get3A_201 = arith.index_cast %get3A_200 : i32 to index
    %get3A_202 = arith.constant 0 : index
    %get3A_203 = tpu.vector_load %arg18[%get3A_201, %get3A_202] {strides = array<i32>} : memref<64x16xi32, #tpu.memory_space<vmem>>, vector<16xi32>,
    %gather3A_204 = tpu.vector_load_idx %arg20[%get3A_203] : memref<4096xf32, #tpu.memory_space<vmem>>[vector<16xi32>], vector<16xf32>,
    %add3A_205 = arith.addf %add3A_199, %gather3A_204 : vector<16xf32>
    %get3A_206 = arith.constant 31 : i32
    %get3A_207 = arith.index_cast %get3A_206 : i32 to index
    %get3A_208 = arith.constant 0 : index
    %get3A_209 = tpu.vector_load %arg18[%get3A_207, %get3A_208] {strides = array<i32>} : memref<64x16xi32, #tpu.memory_space<vmem>>, vector<16xi32>,
    %gather3A_210 = tpu.vector_load_idx %arg20[%get3A_209] : memref<4096xf32, #tpu.memory_space<vmem>>[vector<16xi32>], vector<16xf32>,
    %add3A_211 = arith.addf %add3A_205, %gather3A_210 : vector<16xf32>
    %get3A_212 = arith.constant 32 : i32
    %get3A_213 = arith.index_cast %get3A_212 : i32 to index
    %get3A_214 = arith.constant 0 : index
    %get3A_215 = tpu.vector_load %arg18[%get3A_213, %get3A_214] {strides = array<i32>} : memref<64x16xi32, #tpu.memory_space<vmem>>, vector<16xi32>,
    %gather3A_216 = tpu.vector_load_idx %arg20[%get3A_215] : memref<4096xf32, #tpu.memory_space<vmem>>[vector<16xi32>], vector<16xf32>,
    %add3A_217 = arith.addf %add3A_211, %gather3A_216 : vector<16xf32>
    %get3A_218 = arith.constant 33 : i32
    %get3A_219 = arith.index_cast %get3A_218 : i32 to index
    %get3A_220 = arith.constant 0 : index
    %get3A_221 = tpu.vector_load %arg18[%get3A_219, %get3A_220] {strides = array<i32>} : memref<64x16xi32, #tpu.memory_space<vmem>>, vector<16xi32>,
    %gather3A_222 = tpu.vector_load_idx %arg20[%get3A_221] : memref<4096xf32, #tpu.memory_space<vmem>>[vector<16xi32>], vector<16xf32>,
    %add3A_223 = arith.addf %add3A_217, %gather3A_222 : vector<16xf32>
    %get3A_224 = arith.constant 34 : i32
    %get3A_225 = arith.index_cast %get3A_224 : i32 to index
    %get3A_226 = arith.constant 0 : index
    %get3A_227 = tpu.vector_load %arg18[%get3A_225, %get3A_226] {strides = array<i32>} : memref<64x16xi32, #tpu.memory_space<vmem>>, vector<16xi32>,
    %gather3A_228 = tpu.vector_load_idx %arg20[%get3A_227] : memref<4096xf32, #tpu.memory_space<vmem>>[vector<16xi32>], vector<16xf32>,
    %add3A_229 = arith.addf %add3A_223, %gather3A_228 : vector<16xf32>
    %get3A_230 = arith.constant 35 : i32
    %get3A_231 = arith.index_cast %get3A_230 : i32 to index
    %get3A_232 = arith.constant 0 : index
    %get3A_233 = tpu.vector_load %arg18[%get3A_231, %get3A_232] {strides = array<i32>} : memref<64x16xi32, #tpu.memory_space<vmem>>, vector<16xi32>,
    %gather3A_234 = tpu.vector_load_idx %arg20[%get3A_233] : memref<4096xf32, #tpu.memory_space<vmem>>[vector<16xi32>], vector<16xf32>,
    %add3A_235 = arith.addf %add3A_229, %gather3A_234 : vector<16xf32>
    %get3A_236 = arith.constant 36 : i32
    %get3A_237 = arith.index_cast %get3A_236 : i32 to index
    %get3A_238 = arith.constant 0 : index
    %get3A_239 = tpu.vector_load %arg18[%get3A_237, %get3A_238] {strides = array<i32>} : memref<64x16xi32, #tpu.memory_space<vmem>>, vector<16xi32>,
    %gather3A_240 = tpu.vector_load_idx %arg20[%get3A_239] : memref<4096xf32, #tpu.memory_space<vmem>>[vector<16xi32>], vector<16xf32>,
    %add3A_241 = arith.addf %add3A_235, %gather3A_240 : vector<16xf32>
    %get3A_242 = arith.constant 37 : i32
    %get3A_243 = arith.index_cast %get3A_242 : i32 to index
    %get3A_244 = arith.constant 0 : index
    %get3A_245 = tpu.vector_load %arg18[%get3A_243, %get3A_244] {strides = array<i32>} : memref<64x16xi32, #tpu.memory_space<vmem>>, vector<16xi32>,
    %gather3A_246 = tpu.vector_load_idx %arg20[%get3A_245] : memref<4096xf32, #tpu.memory_space<vmem>>[vector<16xi32>], vector<16xf32>,
    %add3A_247 = arith.addf %add3A_241, %gather3A_246 : vector<16xf32>
    %get3A_248 = arith.constant 38 : i32
    %get3A_249 = arith.index_cast %get3A_248 : i32 to index
    %get3A_250 = arith.constant 0 : index
    %get3A_251 = tpu.vector_load %arg18[%get3A_249, %get3A_250] {strides = array<i32>} : memref<64x16xi32, #tpu.memory_space<vmem>>, vector<16xi32>,
    %gather3A_252 = tpu.vector_load_idx %arg20[%get3A_251] : memref<4096xf32, #tpu.memory_space<vmem>>[vector<16xi32>], vector<16xf32>,
    %add3A_253 = arith.addf %add3A_247, %gather3A_252 : vector<16xf32>
    %get3A_254 = arith.constant 39 : i32
    %get3A_255 = arith.index_cast %get3A_254 : i32 to index
    %get3A_256 = arith.constant 0 : index
    %get3A_257 = tpu.vector_load %arg18[%get3A_255, %get3A_256] {strides = array<i32>} : memref<64x16xi32, #tpu.memory_space<vmem>>, vector<16xi32>,
    %gather3A_258 = tpu.vector_load_idx %arg20[%get3A_257] : memref<4096xf32, #tpu.memory_space<vmem>>[vector<16xi32>], vector<16xf32>,
    %add3A_259 = arith.addf %add3A_253, %gather3A_258 : vector<16xf32>
    %get3A_260 = arith.constant 40 : i32
    %get3A_261 = arith.index_cast %get3A_260 : i32 to index
    %get3A_262 = arith.constant 0 : index
    %get3A_263 = tpu.vector_load %arg18[%get3A_261, %get3A_262] {strides = array<i32>} : memref<64x16xi32, #tpu.memory_space<vmem>>, vector<16xi32>,
    %gather3A_264 = tpu.vector_load_idx %arg20[%get3A_263] : memref<4096xf32, #tpu.memory_space<vmem>>[vector<16xi32>], vector<16xf32>,
    %add3A_265 = arith.addf %add3A_259, %gather3A_264 : vector<16xf32>
    %get3A_266 = arith.constant 41 : i32
    %get3A_267 = arith.index_cast %get3A_266 : i32 to index
    %get3A_268 = arith.constant 0 : index
    %get3A_269 = tpu.vector_load %arg18[%get3A_267, %get3A_268] {strides = array<i32>} : memref<64x16xi32, #tpu.memory_space<vmem>>, vector<16xi32>,
    %gather3A_270 = tpu.vector_load_idx %arg20[%get3A_269] : memref<4096xf32, #tpu.memory_space<vmem>>[vector<16xi32>], vector<16xf32>,
    %add3A_271 = arith.addf %add3A_265, %gather3A_270 : vector<16xf32>
    %get3A_272 = arith.constant 42 : i32
    %get3A_273 = arith.index_cast %get3A_272 : i32 to index
    %get3A_274 = arith.constant 0 : index
    %get3A_275 = tpu.vector_load %arg18[%get3A_273, %get3A_274] {strides = array<i32>} : memref<64x16xi32, #tpu.memory_space<vmem>>, vector<16xi32>,
    %gather3A_276 = tpu.vector_load_idx %arg20[%get3A_275] : memref<4096xf32, #tpu.memory_space<vmem>>[vector<16xi32>], vector<16xf32>,
    %add3A_277 = arith.addf %add3A_271, %gather3A_276 : vector<16xf32>
    %get3A_278 = arith.constant 43 : i32
    %get3A_279 = arith.index_cast %get3A_278 : i32 to index
    %get3A_280 = arith.constant 0 : index
    %get3A_281 = tpu.vector_load %arg18[%get3A_279, %get3A_280] {strides = array<i32>} : memref<64x16xi32, #tpu.memory_space<vmem>>, vector<16xi32>,
    %gather3A_282 = tpu.vector_load_idx %arg20[%get3A_281] : memref<4096xf32, #tpu.memory_space<vmem>>[vector<16xi32>], vector<16xf32>,
    %add3A_283 = arith.addf %add3A_277, %gather3A_282 : vector<16xf32>
    %get3A_284 = arith.constant 44 : i32
    %get3A_285 = arith.index_cast %get3A_284 : i32 to index
    %get3A_286 = arith.constant 0 : index
    %get3A_287 = tpu.vector_load %arg18[%get3A_285, %get3A_286] {strides = array<i32>} : memref<64x16xi32, #tpu.memory_space<vmem>>, vector<16xi32>,
    %gather3A_288 = tpu.vector_load_idx %arg20[%get3A_287] : memref<4096xf32, #tpu.memory_space<vmem>>[vector<16xi32>], vector<16xf32>,
    %add3A_289 = arith.addf %add3A_283, %gather3A_288 : vector<16xf32>
    %get3A_290 = arith.constant 45 : i32
    %get3A_291 = arith.index_cast %get3A_290 : i32 to index
    %get3A_292 = arith.constant 0 : index
    %get3A_293 = tpu.vector_load %arg18[%get3A_291, %get3A_292] {strides = array<i32>} : memref<64x16xi32, #tpu.memory_space<vmem>>, vector<16xi32>,
    %gather3A_294 = tpu.vector_load_idx %arg20[%get3A_293] : memref<4096xf32, #tpu.memory_space<vmem>>[vector<16xi32>], vector<16xf32>,
    %add3A_295 = arith.addf %add3A_289, %gather3A_294 : vector<16xf32>
    %get3A_296 = arith.constant 46 : i32
    %get3A_297 = arith.index_cast %get3A_296 : i32 to index
    %get3A_298 = arith.constant 0 : index
    %get3A_299 = tpu.vector_load %arg18[%get3A_297, %get3A_298] {strides = array<i32>} : memref<64x16xi32, #tpu.memory_space<vmem>>, vector<16xi32>,
    %gather3A_300 = tpu.vector_load_idx %arg20[%get3A_299] : memref<4096xf32, #tpu.memory_space<vmem>>[vector<16xi32>], vector<16xf32>,
    %add3A_301 = arith.addf %add3A_295, %gather3A_300 : vector<16xf32>
    %get3A_302 = arith.constant 47 : i32
    %get3A_303 = arith.index_cast %get3A_302 : i32 to index
    %get3A_304 = arith.constant 0 : index
    %get3A_305 = tpu.vector_load %arg18[%get3A_303, %get3A_304] {strides = array<i32>} : memref<64x16xi32, #tpu.memory_space<vmem>>, vector<16xi32>,
    %gather3A_306 = tpu.vector_load_idx %arg20[%get3A_305] : memref<4096xf32, #tpu.memory_space<vmem>>[vector<16xi32>], vector<16xf32>,
    %add3A_307 = arith.addf %add3A_301, %gather3A_306 : vector<16xf32>
    %get3A_308 = arith.constant 48 : i32
    %get3A_309 = arith.index_cast %get3A_308 : i32 to index
    %get3A_310 = arith.constant 0 : index
    %get3A_311 = tpu.vector_load %arg18[%get3A_309, %get3A_310] {strides = array<i32>} : memref<64x16xi32, #tpu.memory_space<vmem>>, vector<16xi32>,
    %gather3A_312 = tpu.vector_load_idx %arg20[%get3A_311] : memref<4096xf32, #tpu.memory_space<vmem>>[vector<16xi32>], vector<16xf32>,
    %add3A_313 = arith.addf %add3A_307, %gather3A_312 : vector<16xf32>
    %get3A_314 = arith.constant 49 : i32
    %get3A_315 = arith.index_cast %get3A_314 : i32 to index
    %get3A_316 = arith.constant 0 : index
    %get3A_317 = tpu.vector_load %arg18[%get3A_315, %get3A_316] {strides = array<i32>} : memref<64x16xi32, #tpu.memory_space<vmem>>, vector<16xi32>,
    %gather3A_318 = tpu.vector_load_idx %arg20[%get3A_317] : memref<4096xf32, #tpu.memory_space<vmem>>[vector<16xi32>], vector<16xf32>,
    %add3A_319 = arith.addf %add3A_313, %gather3A_318 : vector<16xf32>
    %get3A_320 = arith.constant 50 : i32
    %get3A_321 = arith.index_cast %get3A_320 : i32 to index
    %get3A_322 = arith.constant 0 : index
    %get3A_323 = tpu.vector_load %arg18[%get3A_321, %get3A_322] {strides = array<i32>} : memref<64x16xi32, #tpu.memory_space<vmem>>, vector<16xi32>,
    %gather3A_324 = tpu.vector_load_idx %arg20[%get3A_323] : memref<4096xf32, #tpu.memory_space<vmem>>[vector<16xi32>], vector<16xf32>,
    %add3A_325 = arith.addf %add3A_319, %gather3A_324 : vector<16xf32>
    %get3A_326 = arith.constant 51 : i32
    %get3A_327 = arith.index_cast %get3A_326 : i32 to index
    %get3A_328 = arith.constant 0 : index
    %get3A_329 = tpu.vector_load %arg18[%get3A_327, %get3A_328] {strides = array<i32>} : memref<64x16xi32, #tpu.memory_space<vmem>>, vector<16xi32>,
    %gather3A_330 = tpu.vector_load_idx %arg20[%get3A_329] : memref<4096xf32, #tpu.memory_space<vmem>>[vector<16xi32>], vector<16xf32>,
    %add3A_331 = arith.addf %add3A_325, %gather3A_330 : vector<16xf32>
    %get3A_332 = arith.constant 52 : i32
    %get3A_333 = arith.index_cast %get3A_332 : i32 to index
    %get3A_334 = arith.constant 0 : index
    %get3A_335 = tpu.vector_load %arg18[%get3A_333, %get3A_334] {strides = array<i32>} : memref<64x16xi32, #tpu.memory_space<vmem>>, vector<16xi32>,
    %gather3A_336 = tpu.vector_load_idx %arg20[%get3A_335] : memref<4096xf32, #tpu.memory_space<vmem>>[vector<16xi32>], vector<16xf32>,
    %add3A_337 = arith.addf %add3A_331, %gather3A_336 : vector<16xf32>
    %get3A_338 = arith.constant 53 : i32
    %get3A_339 = arith.index_cast %get3A_338 : i32 to index
    %get3A_340 = arith.constant 0 : index
    %get3A_341 = tpu.vector_load %arg18[%get3A_339, %get3A_340] {strides = array<i32>} : memref<64x16xi32, #tpu.memory_space<vmem>>, vector<16xi32>,
    %gather3A_342 = tpu.vector_load_idx %arg20[%get3A_341] : memref<4096xf32, #tpu.memory_space<vmem>>[vector<16xi32>], vector<16xf32>,
    %add3A_343 = arith.addf %add3A_337, %gather3A_342 : vector<16xf32>
    %get3A_344 = arith.constant 54 : i32
    %get3A_345 = arith.index_cast %get3A_344 : i32 to index
    %get3A_346 = arith.constant 0 : index
    %get3A_347 = tpu.vector_load %arg18[%get3A_345, %get3A_346] {strides = array<i32>} : memref<64x16xi32, #tpu.memory_space<vmem>>, vector<16xi32>,
    %gather3A_348 = tpu.vector_load_idx %arg20[%get3A_347] : memref<4096xf32, #tpu.memory_space<vmem>>[vector<16xi32>], vector<16xf32>,
    %add3A_349 = arith.addf %add3A_343, %gather3A_348 : vector<16xf32>
    %get3A_350 = arith.constant 55 : i32
    %get3A_351 = arith.index_cast %get3A_350 : i32 to index
    %get3A_352 = arith.constant 0 : index
    %get3A_353 = tpu.vector_load %arg18[%get3A_351, %get3A_352] {strides = array<i32>} : memref<64x16xi32, #tpu.memory_space<vmem>>, vector<16xi32>,
    %gather3A_354 = tpu.vector_load_idx %arg20[%get3A_353] : memref<4096xf32, #tpu.memory_space<vmem>>[vector<16xi32>], vector<16xf32>,
    %add3A_355 = arith.addf %add3A_349, %gather3A_354 : vector<16xf32>
    %get3A_356 = arith.constant 56 : i32
    %get3A_357 = arith.index_cast %get3A_356 : i32 to index
    %get3A_358 = arith.constant 0 : index
    %get3A_359 = tpu.vector_load %arg18[%get3A_357, %get3A_358] {strides = array<i32>} : memref<64x16xi32, #tpu.memory_space<vmem>>, vector<16xi32>,
    %gather3A_360 = tpu.vector_load_idx %arg20[%get3A_359] : memref<4096xf32, #tpu.memory_space<vmem>>[vector<16xi32>], vector<16xf32>,
    %add3A_361 = arith.addf %add3A_355, %gather3A_360 : vector<16xf32>
    %get3A_362 = arith.constant 57 : i32
    %get3A_363 = arith.index_cast %get3A_362 : i32 to index
    %get3A_364 = arith.constant 0 : index
    %get3A_365 = tpu.vector_load %arg18[%get3A_363, %get3A_364] {strides = array<i32>} : memref<64x16xi32, #tpu.memory_space<vmem>>, vector<16xi32>,
    %gather3A_366 = tpu.vector_load_idx %arg20[%get3A_365] : memref<4096xf32, #tpu.memory_space<vmem>>[vector<16xi32>], vector<16xf32>,
    %add3A_367 = arith.addf %add3A_361, %gather3A_366 : vector<16xf32>
    %get3A_368 = arith.constant 58 : i32
    %get3A_369 = arith.index_cast %get3A_368 : i32 to index
    %get3A_370 = arith.constant 0 : index
    %get3A_371 = tpu.vector_load %arg18[%get3A_369, %get3A_370] {strides = array<i32>} : memref<64x16xi32, #tpu.memory_space<vmem>>, vector<16xi32>,
    %gather3A_372 = tpu.vector_load_idx %arg20[%get3A_371] : memref<4096xf32, #tpu.memory_space<vmem>>[vector<16xi32>], vector<16xf32>,
    %add3A_373 = arith.addf %add3A_367, %gather3A_372 : vector<16xf32>
    %get3A_374 = arith.constant 59 : i32
    %get3A_375 = arith.index_cast %get3A_374 : i32 to index
    %get3A_376 = arith.constant 0 : index
    %get3A_377 = tpu.vector_load %arg18[%get3A_375, %get3A_376] {strides = array<i32>} : memref<64x16xi32, #tpu.memory_space<vmem>>, vector<16xi32>,
    %gather3A_378 = tpu.vector_load_idx %arg20[%get3A_377] : memref<4096xf32, #tpu.memory_space<vmem>>[vector<16xi32>], vector<16xf32>,
    %add3A_379 = arith.addf %add3A_373, %gather3A_378 : vector<16xf32>
    %get3A_380 = arith.constant 60 : i32
    %get3A_381 = arith.index_cast %get3A_380 : i32 to index
    %get3A_382 = arith.constant 0 : index
    %get3A_383 = tpu.vector_load %arg18[%get3A_381, %get3A_382] {strides = array<i32>} : memref<64x16xi32, #tpu.memory_space<vmem>>, vector<16xi32>,
    %gather3A_384 = tpu.vector_load_idx %arg20[%get3A_383] : memref<4096xf32, #tpu.memory_space<vmem>>[vector<16xi32>], vector<16xf32>,
    %add3A_385 = arith.addf %add3A_379, %gather3A_384 : vector<16xf32>
    %get3A_386 = arith.constant 61 : i32
    %get3A_387 = arith.index_cast %get3A_386 : i32 to index
    %get3A_388 = arith.constant 0 : index
    %get3A_389 = tpu.vector_load %arg18[%get3A_387, %get3A_388] {strides = array<i32>} : memref<64x16xi32, #tpu.memory_space<vmem>>, vector<16xi32>,
    %gather3A_390 = tpu.vector_load_idx %arg20[%get3A_389] : memref<4096xf32, #tpu.memory_space<vmem>>[vector<16xi32>], vector<16xf32>,
    %add3A_391 = arith.addf %add3A_385, %gather3A_390 : vector<16xf32>
    %get3A_392 = arith.constant 62 : i32
    %get3A_393 = arith.index_cast %get3A_392 : i32 to index
    %get3A_394 = arith.constant 0 : index
    %get3A_395 = tpu.vector_load %arg18[%get3A_393, %get3A_394] {strides = array<i32>} : memref<64x16xi32, #tpu.memory_space<vmem>>, vector<16xi32>,
    %gather3A_396 = tpu.vector_load_idx %arg20[%get3A_395] : memref<4096xf32, #tpu.memory_space<vmem>>[vector<16xi32>], vector<16xf32>,
    %add3A_397 = arith.addf %add3A_391, %gather3A_396 : vector<16xf32>
    %get3A_398 = arith.constant 63 : i32
    %get3A_399 = arith.index_cast %get3A_398 : i32 to index
    %get3A_400 = arith.constant 0 : index
    %get3A_401 = tpu.vector_load %arg18[%get3A_399, %get3A_400] {strides = array<i32>} : memref<64x16xi32, #tpu.memory_space<vmem>>, vector<16xi32>,
    %gather3A_402 = tpu.vector_load_idx %arg20[%get3A_401] : memref<4096xf32, #tpu.memory_space<vmem>>[vector<16xi32>], vector<16xf32>,
    %add3A_403 = arith.addf %add3A_397, %gather3A_402 : vector<16xf32>
    %swap3A = arith.constant 0 : index
    %swap3A_404 = tpu.vector_load %arg23[%swap3A] {strides = array<i32>} : memref<16xf32, #tpu.memory_space<vmem>>, vector<16xf32>,
    tpu.vector_store %arg23[%swap3A], %add3A_403 {strides = array<i32>} : memref<16xf32, #tpu.memory_space<vmem>>, vector<16xf32>,
    "tpu.region"() ({
      %run_scoped3A = tpu.sem_alloc : memref<!tpu.dma_semaphore, #tpu.memory_space<semaphore_mem>>
      %dma_start3A_1985 = tpu.memref_slice %arg12[%mul3A_2] : memref<512xf32, #tpu.memory_space<hbm>> -> memref<16xf32, #tpu.memory_space<hbm>>
      %dma_start3A_1986 = tpu.memref_slice %arg12[%mul3A_2] : memref<512xf32, #tpu.memory_space<hbm>> -> memref<16xf32, #tpu.memory_space<hbm>>
      tpu.enqueue_dma source(%arg23 : memref<16xf32, #tpu.memory_space<vmem>>) target(%dma_start3A_1986 : memref<16xf32, #tpu.memory_space<hbm>>) target_semaphore(%run_scoped3A : memref<!tpu.dma_semaphore, #tpu.memory_space<semaphore_mem>>)
      %dma_wait3A_1987 = tpu.memref_slice %arg12[%mul3A_2] : memref<512xf32, #tpu.memory_space<hbm>> -> memref<16xf32, #tpu.memory_space<hbm>>
      %dma_wait3A_1988 = tpu.memref_slice %arg12[%mul3A_2] : memref<512xf32, #tpu.memory_space<hbm>> -> memref<16xf32, #tpu.memory_space<hbm>>
      tpu.wait_dma2 semaphore(%run_scoped3A : memref<!tpu.dma_semaphore, #tpu.memory_space<semaphore_mem>>) src(%arg23 : memref<16xf32, #tpu.memory_space<vmem>>) dst(%dma_wait3A_1988 : memref<16xf32, #tpu.memory_space<hbm>>)
      tpu.yield
    }) : () -> ()
    %get3A_405 = arith.constant 0 : index
    %get3A_406 = tpu.vector_load %arg19[%get3A_405] {strides = array<i32>} : memref<16xi32, #tpu.memory_space<vmem>>, vector<16xi32>,
    %gather3A_407 = tpu.vector_load_idx %arg20[%get3A_406] : memref<4096xf32, #tpu.memory_space<vmem>>[vector<16xi32>], vector<16xf32>,
    %swap3A_408 = arith.constant 0 : index
    %swap3A_409 = tpu.vector_load %arg23[%swap3A_408] {strides = array<i32>} : memref<16xf32, #tpu.memory_space<vmem>>, vector<16xf32>,
    tpu.vector_store %arg23[%swap3A_408], %gather3A_407 {strides = array<i32>} : memref<16xf32, #tpu.memory_space<vmem>>, vector<16xf32>,
    "tpu.region"() ({
      %run_scoped3A = tpu.sem_alloc : memref<!tpu.dma_semaphore, #tpu.memory_space<semaphore_mem>>
      %dma_start3A_1985 = tpu.memref_slice %arg13[%mul3A_2] : memref<512xf32, #tpu.memory_space<hbm>> -> memref<16xf32, #tpu.memory_space<hbm>>
      %dma_start3A_1986 = tpu.memref_slice %arg13[%mul3A_2] : memref<512xf32, #tpu.memory_space<hbm>> -> memref<16xf32, #tpu.memory_space<hbm>>
      tpu.enqueue_dma source(%arg23 : memref<16xf32, #tpu.memory_space<vmem>>) target(%dma_start3A_1986 : memref<16xf32, #tpu.memory_space<hbm>>) target_semaphore(%run_scoped3A : memref<!tpu.dma_semaphore, #tpu.memory_space<semaphore_mem>>)
      %dma_wait3A_1987 = tpu.memref_slice %arg13[%mul3A_2] : memref<512xf32, #tpu.memory_space<hbm>> -> memref<16xf32, #tpu.memory_space<hbm>>
      %dma_wait3A_1988 = tpu.memref_slice %arg13[%mul3A_2] : memref<512xf32, #tpu.memory_space<hbm>> -> memref<16xf32, #tpu.memory_space<hbm>>
      tpu.wait_dma2 semaphore(%run_scoped3A : memref<!tpu.dma_semaphore, #tpu.memory_space<semaphore_mem>>) src(%arg23 : memref<16xf32, #tpu.memory_space<vmem>>) dst(%dma_wait3A_1988 : memref<16xf32, #tpu.memory_space<hbm>>)
      tpu.yield
    }) : () -> ()
    %dma_wait3A = arith.constant 0 : i32
    %dma_wait3A_410 = tpu.memref_slice %arg19[%dma_wait3A] : memref<16xi32, #tpu.memory_space<vmem>> -> memref<8xi32, #tpu.memory_space<vmem>>
    %dma_wait3A_411 = arith.constant 0 : i32
    %dma_wait3A_412 = arith.constant 0 : i32
    %dma_wait3A_413 = tpu.memref_slice %arg2[%dma_wait3A_411, %dma_wait3A_412] : memref<4096x4096xf32, #tpu.memory_space<hbm>> -> memref<4096x4096xf32, #tpu.memory_space<hbm>>
    tpu.wait_indirect_dma semaphore(%arg24 : memref<!tpu.dma_semaphore, #tpu.memory_space<semaphore_mem>>) src(%dma_wait3A_413 : memref<4096x4096xf32, #tpu.memory_space<hbm>>) dst(%arg15 : memref<8x4096xf32, #tpu.memory_space<vmem>>)
    %get3A_414 = arith.constant 0 : i32
    %get3A_415 = arith.index_cast %get3A_414 : i32 to index
    %get3A_416 = arith.constant 0 : index
    %get3A_417 = tpu.vector_load %arg18[%get3A_415, %get3A_416] {strides = array<i32>} : memref<64x16xi32, #tpu.memory_space<vmem>>, vector<16xi32>,
    %gather3A_418 = tpu.vector_load_idx %arg15[%and3A_17, %get3A_417] : memref<8x4096xf32, #tpu.memory_space<vmem>>[vector<16xi32>, vector<16xi32>], vector<16xf32>,
    %add3A_419 = arith.addf %broadcast_in_dim3A_21, %gather3A_418 : vector<16xf32>
    %get3A_420 = arith.constant 1 : i32
    %get3A_421 = arith.index_cast %get3A_420 : i32 to index
    %get3A_422 = arith.constant 0 : index
    %get3A_423 = tpu.vector_load %arg18[%get3A_421, %get3A_422] {strides = array<i32>} : memref<64x16xi32, #tpu.memory_space<vmem>>, vector<16xi32>,
    %gather3A_424 = tpu.vector_load_idx %arg15[%and3A_17, %get3A_423] : memref<8x4096xf32, #tpu.memory_space<vmem>>[vector<16xi32>, vector<16xi32>], vector<16xf32>,
    %add3A_425 = arith.addf %add3A_419, %gather3A_424 : vector<16xf32>
    %get3A_426 = arith.constant 2 : i32
    %get3A_427 = arith.index_cast %get3A_426 : i32 to index
    %get3A_428 = arith.constant 0 : index
    %get3A_429 = tpu.vector_load %arg18[%get3A_427, %get3A_428] {strides = array<i32>} : memref<64x16xi32, #tpu.memory_space<vmem>>, vector<16xi32>,
    %gather3A_430 = tpu.vector_load_idx %arg15[%and3A_17, %get3A_429] : memref<8x4096xf32, #tpu.memory_space<vmem>>[vector<16xi32>, vector<16xi32>], vector<16xf32>,
    %add3A_431 = arith.addf %add3A_425, %gather3A_430 : vector<16xf32>
    %get3A_432 = arith.constant 3 : i32
    %get3A_433 = arith.index_cast %get3A_432 : i32 to index
    %get3A_434 = arith.constant 0 : index
    %get3A_435 = tpu.vector_load %arg18[%get3A_433, %get3A_434] {strides = array<i32>} : memref<64x16xi32, #tpu.memory_space<vmem>>, vector<16xi32>,
    %gather3A_436 = tpu.vector_load_idx %arg15[%and3A_17, %get3A_435] : memref<8x4096xf32, #tpu.memory_space<vmem>>[vector<16xi32>, vector<16xi32>], vector<16xf32>,
    %add3A_437 = arith.addf %add3A_431, %gather3A_436 : vector<16xf32>
    %get3A_438 = arith.constant 4 : i32
    %get3A_439 = arith.index_cast %get3A_438 : i32 to index
    %get3A_440 = arith.constant 0 : index
    %get3A_441 = tpu.vector_load %arg18[%get3A_439, %get3A_440] {strides = array<i32>} : memref<64x16xi32, #tpu.memory_space<vmem>>, vector<16xi32>,
    %gather3A_442 = tpu.vector_load_idx %arg15[%and3A_17, %get3A_441] : memref<8x4096xf32, #tpu.memory_space<vmem>>[vector<16xi32>, vector<16xi32>], vector<16xf32>,
    %add3A_443 = arith.addf %add3A_437, %gather3A_442 : vector<16xf32>
    %get3A_444 = arith.constant 5 : i32
    %get3A_445 = arith.index_cast %get3A_444 : i32 to index
    %get3A_446 = arith.constant 0 : index
    %get3A_447 = tpu.vector_load %arg18[%get3A_445, %get3A_446] {strides = array<i32>} : memref<64x16xi32, #tpu.memory_space<vmem>>, vector<16xi32>,
    %gather3A_448 = tpu.vector_load_idx %arg15[%and3A_17, %get3A_447] : memref<8x4096xf32, #tpu.memory_space<vmem>>[vector<16xi32>, vector<16xi32>], vector<16xf32>,
    %add3A_449 = arith.addf %add3A_443, %gather3A_448 : vector<16xf32>
    %get3A_450 = arith.constant 6 : i32
    %get3A_451 = arith.index_cast %get3A_450 : i32 to index
    %get3A_452 = arith.constant 0 : index
    %get3A_453 = tpu.vector_load %arg18[%get3A_451, %get3A_452] {strides = array<i32>} : memref<64x16xi32, #tpu.memory_space<vmem>>, vector<16xi32>,
    %gather3A_454 = tpu.vector_load_idx %arg15[%and3A_17, %get3A_453] : memref<8x4096xf32, #tpu.memory_space<vmem>>[vector<16xi32>, vector<16xi32>], vector<16xf32>,
    %add3A_455 = arith.addf %add3A_449, %gather3A_454 : vector<16xf32>
    %get3A_456 = arith.constant 7 : i32
    %get3A_457 = arith.index_cast %get3A_456 : i32 to index
    %get3A_458 = arith.constant 0 : index
    %get3A_459 = tpu.vector_load %arg18[%get3A_457, %get3A_458] {strides = array<i32>} : memref<64x16xi32, #tpu.memory_space<vmem>>, vector<16xi32>,
    %gather3A_460 = tpu.vector_load_idx %arg15[%and3A_17, %get3A_459] : memref<8x4096xf32, #tpu.memory_space<vmem>>[vector<16xi32>, vector<16xi32>], vector<16xf32>,
    %add3A_461 = arith.addf %add3A_455, %gather3A_460 : vector<16xf32>
    %get3A_462 = arith.constant 8 : i32
    %get3A_463 = arith.index_cast %get3A_462 : i32 to index
    %get3A_464 = arith.constant 0 : index
    %get3A_465 = tpu.vector_load %arg18[%get3A_463, %get3A_464] {strides = array<i32>} : memref<64x16xi32, #tpu.memory_space<vmem>>, vector<16xi32>,
    %gather3A_466 = tpu.vector_load_idx %arg15[%and3A_17, %get3A_465] : memref<8x4096xf32, #tpu.memory_space<vmem>>[vector<16xi32>, vector<16xi32>], vector<16xf32>,
    %add3A_467 = arith.addf %add3A_461, %gather3A_466 : vector<16xf32>
    %get3A_468 = arith.constant 9 : i32
    %get3A_469 = arith.index_cast %get3A_468 : i32 to index
    %get3A_470 = arith.constant 0 : index
    %get3A_471 = tpu.vector_load %arg18[%get3A_469, %get3A_470] {strides = array<i32>} : memref<64x16xi32, #tpu.memory_space<vmem>>, vector<16xi32>,
    %gather3A_472 = tpu.vector_load_idx %arg15[%and3A_17, %get3A_471] : memref<8x4096xf32, #tpu.memory_space<vmem>>[vector<16xi32>, vector<16xi32>], vector<16xf32>,
    %add3A_473 = arith.addf %add3A_467, %gather3A_472 : vector<16xf32>
    %get3A_474 = arith.constant 10 : i32
    %get3A_475 = arith.index_cast %get3A_474 : i32 to index
    %get3A_476 = arith.constant 0 : index
    %get3A_477 = tpu.vector_load %arg18[%get3A_475, %get3A_476] {strides = array<i32>} : memref<64x16xi32, #tpu.memory_space<vmem>>, vector<16xi32>,
    %gather3A_478 = tpu.vector_load_idx %arg15[%and3A_17, %get3A_477] : memref<8x4096xf32, #tpu.memory_space<vmem>>[vector<16xi32>, vector<16xi32>], vector<16xf32>,
    %add3A_479 = arith.addf %add3A_473, %gather3A_478 : vector<16xf32>
    %get3A_480 = arith.constant 11 : i32
    %get3A_481 = arith.index_cast %get3A_480 : i32 to index
    %get3A_482 = arith.constant 0 : index
    %get3A_483 = tpu.vector_load %arg18[%get3A_481, %get3A_482] {strides = array<i32>} : memref<64x16xi32, #tpu.memory_space<vmem>>, vector<16xi32>,
    %gather3A_484 = tpu.vector_load_idx %arg15[%and3A_17, %get3A_483] : memref<8x4096xf32, #tpu.memory_space<vmem>>[vector<16xi32>, vector<16xi32>], vector<16xf32>,
    %add3A_485 = arith.addf %add3A_479, %gather3A_484 : vector<16xf32>
    %get3A_486 = arith.constant 12 : i32
    %get3A_487 = arith.index_cast %get3A_486 : i32 to index
    %get3A_488 = arith.constant 0 : index
    %get3A_489 = tpu.vector_load %arg18[%get3A_487, %get3A_488] {strides = array<i32>} : memref<64x16xi32, #tpu.memory_space<vmem>>, vector<16xi32>,
    %gather3A_490 = tpu.vector_load_idx %arg15[%and3A_17, %get3A_489] : memref<8x4096xf32, #tpu.memory_space<vmem>>[vector<16xi32>, vector<16xi32>], vector<16xf32>,
    %add3A_491 = arith.addf %add3A_485, %gather3A_490 : vector<16xf32>
    %get3A_492 = arith.constant 13 : i32
    %get3A_493 = arith.index_cast %get3A_492 : i32 to index
    %get3A_494 = arith.constant 0 : index
    %get3A_495 = tpu.vector_load %arg18[%get3A_493, %get3A_494] {strides = array<i32>} : memref<64x16xi32, #tpu.memory_space<vmem>>, vector<16xi32>,
    %gather3A_496 = tpu.vector_load_idx %arg15[%and3A_17, %get3A_495] : memref<8x4096xf32, #tpu.memory_space<vmem>>[vector<16xi32>, vector<16xi32>], vector<16xf32>,
    %add3A_497 = arith.addf %add3A_491, %gather3A_496 : vector<16xf32>
    %get3A_498 = arith.constant 14 : i32
    %get3A_499 = arith.index_cast %get3A_498 : i32 to index
    %get3A_500 = arith.constant 0 : index
    %get3A_501 = tpu.vector_load %arg18[%get3A_499, %get3A_500] {strides = array<i32>} : memref<64x16xi32, #tpu.memory_space<vmem>>, vector<16xi32>,
    %gather3A_502 = tpu.vector_load_idx %arg15[%and3A_17, %get3A_501] : memref<8x4096xf32, #tpu.memory_space<vmem>>[vector<16xi32>, vector<16xi32>], vector<16xf32>,
    %add3A_503 = arith.addf %add3A_497, %gather3A_502 : vector<16xf32>
    %get3A_504 = arith.constant 15 : i32
    %get3A_505 = arith.index_cast %get3A_504 : i32 to index
    %get3A_506 = arith.constant 0 : index
    %get3A_507 = tpu.vector_load %arg18[%get3A_505, %get3A_506] {strides = array<i32>} : memref<64x16xi32, #tpu.memory_space<vmem>>, vector<16xi32>,
    %gather3A_508 = tpu.vector_load_idx %arg15[%and3A_17, %get3A_507] : memref<8x4096xf32, #tpu.memory_space<vmem>>[vector<16xi32>, vector<16xi32>], vector<16xf32>,
    %add3A_509 = arith.addf %add3A_503, %gather3A_508 : vector<16xf32>
    %get3A_510 = arith.constant 16 : i32
    %get3A_511 = arith.index_cast %get3A_510 : i32 to index
    %get3A_512 = arith.constant 0 : index
    %get3A_513 = tpu.vector_load %arg18[%get3A_511, %get3A_512] {strides = array<i32>} : memref<64x16xi32, #tpu.memory_space<vmem>>, vector<16xi32>,
    %gather3A_514 = tpu.vector_load_idx %arg15[%and3A_17, %get3A_513] : memref<8x4096xf32, #tpu.memory_space<vmem>>[vector<16xi32>, vector<16xi32>], vector<16xf32>,
    %add3A_515 = arith.addf %add3A_509, %gather3A_514 : vector<16xf32>
    %get3A_516 = arith.constant 17 : i32
    %get3A_517 = arith.index_cast %get3A_516 : i32 to index
    %get3A_518 = arith.constant 0 : index
    %get3A_519 = tpu.vector_load %arg18[%get3A_517, %get3A_518] {strides = array<i32>} : memref<64x16xi32, #tpu.memory_space<vmem>>, vector<16xi32>,
    %gather3A_520 = tpu.vector_load_idx %arg15[%and3A_17, %get3A_519] : memref<8x4096xf32, #tpu.memory_space<vmem>>[vector<16xi32>, vector<16xi32>], vector<16xf32>,
    %add3A_521 = arith.addf %add3A_515, %gather3A_520 : vector<16xf32>
    %get3A_522 = arith.constant 18 : i32
    %get3A_523 = arith.index_cast %get3A_522 : i32 to index
    %get3A_524 = arith.constant 0 : index
    %get3A_525 = tpu.vector_load %arg18[%get3A_523, %get3A_524] {strides = array<i32>} : memref<64x16xi32, #tpu.memory_space<vmem>>, vector<16xi32>,
    %gather3A_526 = tpu.vector_load_idx %arg15[%and3A_17, %get3A_525] : memref<8x4096xf32, #tpu.memory_space<vmem>>[vector<16xi32>, vector<16xi32>], vector<16xf32>,
    %add3A_527 = arith.addf %add3A_521, %gather3A_526 : vector<16xf32>
    %get3A_528 = arith.constant 19 : i32
    %get3A_529 = arith.index_cast %get3A_528 : i32 to index
    %get3A_530 = arith.constant 0 : index
    %get3A_531 = tpu.vector_load %arg18[%get3A_529, %get3A_530] {strides = array<i32>} : memref<64x16xi32, #tpu.memory_space<vmem>>, vector<16xi32>,
    %gather3A_532 = tpu.vector_load_idx %arg15[%and3A_17, %get3A_531] : memref<8x4096xf32, #tpu.memory_space<vmem>>[vector<16xi32>, vector<16xi32>], vector<16xf32>,
    %add3A_533 = arith.addf %add3A_527, %gather3A_532 : vector<16xf32>
    %get3A_534 = arith.constant 20 : i32
    %get3A_535 = arith.index_cast %get3A_534 : i32 to index
    %get3A_536 = arith.constant 0 : index
    %get3A_537 = tpu.vector_load %arg18[%get3A_535, %get3A_536] {strides = array<i32>} : memref<64x16xi32, #tpu.memory_space<vmem>>, vector<16xi32>,
    %gather3A_538 = tpu.vector_load_idx %arg15[%and3A_17, %get3A_537] : memref<8x4096xf32, #tpu.memory_space<vmem>>[vector<16xi32>, vector<16xi32>], vector<16xf32>,
    %add3A_539 = arith.addf %add3A_533, %gather3A_538 : vector<16xf32>
    %get3A_540 = arith.constant 21 : i32
    %get3A_541 = arith.index_cast %get3A_540 : i32 to index
    %get3A_542 = arith.constant 0 : index
    %get3A_543 = tpu.vector_load %arg18[%get3A_541, %get3A_542] {strides = array<i32>} : memref<64x16xi32, #tpu.memory_space<vmem>>, vector<16xi32>,
    %gather3A_544 = tpu.vector_load_idx %arg15[%and3A_17, %get3A_543] : memref<8x4096xf32, #tpu.memory_space<vmem>>[vector<16xi32>, vector<16xi32>], vector<16xf32>,
    %add3A_545 = arith.addf %add3A_539, %gather3A_544 : vector<16xf32>
    %get3A_546 = arith.constant 22 : i32
    %get3A_547 = arith.index_cast %get3A_546 : i32 to index
    %get3A_548 = arith.constant 0 : index
    %get3A_549 = tpu.vector_load %arg18[%get3A_547, %get3A_548] {strides = array<i32>} : memref<64x16xi32, #tpu.memory_space<vmem>>, vector<16xi32>,
    %gather3A_550 = tpu.vector_load_idx %arg15[%and3A_17, %get3A_549] : memref<8x4096xf32, #tpu.memory_space<vmem>>[vector<16xi32>, vector<16xi32>], vector<16xf32>,
    %add3A_551 = arith.addf %add3A_545, %gather3A_550 : vector<16xf32>
    %get3A_552 = arith.constant 23 : i32
    %get3A_553 = arith.index_cast %get3A_552 : i32 to index
    %get3A_554 = arith.constant 0 : index
    %get3A_555 = tpu.vector_load %arg18[%get3A_553, %get3A_554] {strides = array<i32>} : memref<64x16xi32, #tpu.memory_space<vmem>>, vector<16xi32>,
    %gather3A_556 = tpu.vector_load_idx %arg15[%and3A_17, %get3A_555] : memref<8x4096xf32, #tpu.memory_space<vmem>>[vector<16xi32>, vector<16xi32>], vector<16xf32>,
    %add3A_557 = arith.addf %add3A_551, %gather3A_556 : vector<16xf32>
    %get3A_558 = arith.constant 24 : i32
    %get3A_559 = arith.index_cast %get3A_558 : i32 to index
    %get3A_560 = arith.constant 0 : index
    %get3A_561 = tpu.vector_load %arg18[%get3A_559, %get3A_560] {strides = array<i32>} : memref<64x16xi32, #tpu.memory_space<vmem>>, vector<16xi32>,
    %gather3A_562 = tpu.vector_load_idx %arg15[%and3A_17, %get3A_561] : memref<8x4096xf32, #tpu.memory_space<vmem>>[vector<16xi32>, vector<16xi32>], vector<16xf32>,
    %add3A_563 = arith.addf %add3A_557, %gather3A_562 : vector<16xf32>
    %get3A_564 = arith.constant 25 : i32
    %get3A_565 = arith.index_cast %get3A_564 : i32 to index
    %get3A_566 = arith.constant 0 : index
    %get3A_567 = tpu.vector_load %arg18[%get3A_565, %get3A_566] {strides = array<i32>} : memref<64x16xi32, #tpu.memory_space<vmem>>, vector<16xi32>,
    %gather3A_568 = tpu.vector_load_idx %arg15[%and3A_17, %get3A_567] : memref<8x4096xf32, #tpu.memory_space<vmem>>[vector<16xi32>, vector<16xi32>], vector<16xf32>,
    %add3A_569 = arith.addf %add3A_563, %gather3A_568 : vector<16xf32>
    %get3A_570 = arith.constant 26 : i32
    %get3A_571 = arith.index_cast %get3A_570 : i32 to index
    %get3A_572 = arith.constant 0 : index
    %get3A_573 = tpu.vector_load %arg18[%get3A_571, %get3A_572] {strides = array<i32>} : memref<64x16xi32, #tpu.memory_space<vmem>>, vector<16xi32>,
    %gather3A_574 = tpu.vector_load_idx %arg15[%and3A_17, %get3A_573] : memref<8x4096xf32, #tpu.memory_space<vmem>>[vector<16xi32>, vector<16xi32>], vector<16xf32>,
    %add3A_575 = arith.addf %add3A_569, %gather3A_574 : vector<16xf32>
    %get3A_576 = arith.constant 27 : i32
    %get3A_577 = arith.index_cast %get3A_576 : i32 to index
    %get3A_578 = arith.constant 0 : index
    %get3A_579 = tpu.vector_load %arg18[%get3A_577, %get3A_578] {strides = array<i32>} : memref<64x16xi32, #tpu.memory_space<vmem>>, vector<16xi32>,
    %gather3A_580 = tpu.vector_load_idx %arg15[%and3A_17, %get3A_579] : memref<8x4096xf32, #tpu.memory_space<vmem>>[vector<16xi32>, vector<16xi32>], vector<16xf32>,
    %add3A_581 = arith.addf %add3A_575, %gather3A_580 : vector<16xf32>
    %get3A_582 = arith.constant 28 : i32
    %get3A_583 = arith.index_cast %get3A_582 : i32 to index
    %get3A_584 = arith.constant 0 : index
    %get3A_585 = tpu.vector_load %arg18[%get3A_583, %get3A_584] {strides = array<i32>} : memref<64x16xi32, #tpu.memory_space<vmem>>, vector<16xi32>,
    %gather3A_586 = tpu.vector_load_idx %arg15[%and3A_17, %get3A_585] : memref<8x4096xf32, #tpu.memory_space<vmem>>[vector<16xi32>, vector<16xi32>], vector<16xf32>,
    %add3A_587 = arith.addf %add3A_581, %gather3A_586 : vector<16xf32>
    %get3A_588 = arith.constant 29 : i32
    %get3A_589 = arith.index_cast %get3A_588 : i32 to index
    %get3A_590 = arith.constant 0 : index
    %get3A_591 = tpu.vector_load %arg18[%get3A_589, %get3A_590] {strides = array<i32>} : memref<64x16xi32, #tpu.memory_space<vmem>>, vector<16xi32>,
    %gather3A_592 = tpu.vector_load_idx %arg15[%and3A_17, %get3A_591] : memref<8x4096xf32, #tpu.memory_space<vmem>>[vector<16xi32>, vector<16xi32>], vector<16xf32>,
    %add3A_593 = arith.addf %add3A_587, %gather3A_592 : vector<16xf32>
    %get3A_594 = arith.constant 30 : i32
    %get3A_595 = arith.index_cast %get3A_594 : i32 to index
    %get3A_596 = arith.constant 0 : index
    %get3A_597 = tpu.vector_load %arg18[%get3A_595, %get3A_596] {strides = array<i32>} : memref<64x16xi32, #tpu.memory_space<vmem>>, vector<16xi32>,
    %gather3A_598 = tpu.vector_load_idx %arg15[%and3A_17, %get3A_597] : memref<8x4096xf32, #tpu.memory_space<vmem>>[vector<16xi32>, vector<16xi32>], vector<16xf32>,
    %add3A_599 = arith.addf %add3A_593, %gather3A_598 : vector<16xf32>
    %get3A_600 = arith.constant 31 : i32
    %get3A_601 = arith.index_cast %get3A_600 : i32 to index
    %get3A_602 = arith.constant 0 : index
    %get3A_603 = tpu.vector_load %arg18[%get3A_601, %get3A_602] {strides = array<i32>} : memref<64x16xi32, #tpu.memory_space<vmem>>, vector<16xi32>,
    %gather3A_604 = tpu.vector_load_idx %arg15[%and3A_17, %get3A_603] : memref<8x4096xf32, #tpu.memory_space<vmem>>[vector<16xi32>, vector<16xi32>], vector<16xf32>,
    %add3A_605 = arith.addf %add3A_599, %gather3A_604 : vector<16xf32>
    %get3A_606 = arith.constant 32 : i32
    %get3A_607 = arith.index_cast %get3A_606 : i32 to index
    %get3A_608 = arith.constant 0 : index
    %get3A_609 = tpu.vector_load %arg18[%get3A_607, %get3A_608] {strides = array<i32>} : memref<64x16xi32, #tpu.memory_space<vmem>>, vector<16xi32>,
    %gather3A_610 = tpu.vector_load_idx %arg15[%and3A_17, %get3A_609] : memref<8x4096xf32, #tpu.memory_space<vmem>>[vector<16xi32>, vector<16xi32>], vector<16xf32>,
    %add3A_611 = arith.addf %add3A_605, %gather3A_610 : vector<16xf32>
    %get3A_612 = arith.constant 33 : i32
    %get3A_613 = arith.index_cast %get3A_612 : i32 to index
    %get3A_614 = arith.constant 0 : index
    %get3A_615 = tpu.vector_load %arg18[%get3A_613, %get3A_614] {strides = array<i32>} : memref<64x16xi32, #tpu.memory_space<vmem>>, vector<16xi32>,
    %gather3A_616 = tpu.vector_load_idx %arg15[%and3A_17, %get3A_615] : memref<8x4096xf32, #tpu.memory_space<vmem>>[vector<16xi32>, vector<16xi32>], vector<16xf32>,
    %add3A_617 = arith.addf %add3A_611, %gather3A_616 : vector<16xf32>
    %get3A_618 = arith.constant 34 : i32
    %get3A_619 = arith.index_cast %get3A_618 : i32 to index
    %get3A_620 = arith.constant 0 : index
    %get3A_621 = tpu.vector_load %arg18[%get3A_619, %get3A_620] {strides = array<i32>} : memref<64x16xi32, #tpu.memory_space<vmem>>, vector<16xi32>,
    %gather3A_622 = tpu.vector_load_idx %arg15[%and3A_17, %get3A_621] : memref<8x4096xf32, #tpu.memory_space<vmem>>[vector<16xi32>, vector<16xi32>], vector<16xf32>,
    %add3A_623 = arith.addf %add3A_617, %gather3A_622 : vector<16xf32>
    %get3A_624 = arith.constant 35 : i32
    %get3A_625 = arith.index_cast %get3A_624 : i32 to index
    %get3A_626 = arith.constant 0 : index
    %get3A_627 = tpu.vector_load %arg18[%get3A_625, %get3A_626] {strides = array<i32>} : memref<64x16xi32, #tpu.memory_space<vmem>>, vector<16xi32>,
    %gather3A_628 = tpu.vector_load_idx %arg15[%and3A_17, %get3A_627] : memref<8x4096xf32, #tpu.memory_space<vmem>>[vector<16xi32>, vector<16xi32>], vector<16xf32>,
    %add3A_629 = arith.addf %add3A_623, %gather3A_628 : vector<16xf32>
    %get3A_630 = arith.constant 36 : i32
    %get3A_631 = arith.index_cast %get3A_630 : i32 to index
    %get3A_632 = arith.constant 0 : index
    %get3A_633 = tpu.vector_load %arg18[%get3A_631, %get3A_632] {strides = array<i32>} : memref<64x16xi32, #tpu.memory_space<vmem>>, vector<16xi32>,
    %gather3A_634 = tpu.vector_load_idx %arg15[%and3A_17, %get3A_633] : memref<8x4096xf32, #tpu.memory_space<vmem>>[vector<16xi32>, vector<16xi32>], vector<16xf32>,
    %add3A_635 = arith.addf %add3A_629, %gather3A_634 : vector<16xf32>
    %get3A_636 = arith.constant 37 : i32
    %get3A_637 = arith.index_cast %get3A_636 : i32 to index
    %get3A_638 = arith.constant 0 : index
    %get3A_639 = tpu.vector_load %arg18[%get3A_637, %get3A_638] {strides = array<i32>} : memref<64x16xi32, #tpu.memory_space<vmem>>, vector<16xi32>,
    %gather3A_640 = tpu.vector_load_idx %arg15[%and3A_17, %get3A_639] : memref<8x4096xf32, #tpu.memory_space<vmem>>[vector<16xi32>, vector<16xi32>], vector<16xf32>,
    %add3A_641 = arith.addf %add3A_635, %gather3A_640 : vector<16xf32>
    %get3A_642 = arith.constant 38 : i32
    %get3A_643 = arith.index_cast %get3A_642 : i32 to index
    %get3A_644 = arith.constant 0 : index
    %get3A_645 = tpu.vector_load %arg18[%get3A_643, %get3A_644] {strides = array<i32>} : memref<64x16xi32, #tpu.memory_space<vmem>>, vector<16xi32>,
    %gather3A_646 = tpu.vector_load_idx %arg15[%and3A_17, %get3A_645] : memref<8x4096xf32, #tpu.memory_space<vmem>>[vector<16xi32>, vector<16xi32>], vector<16xf32>,
    %add3A_647 = arith.addf %add3A_641, %gather3A_646 : vector<16xf32>
    %get3A_648 = arith.constant 39 : i32
    %get3A_649 = arith.index_cast %get3A_648 : i32 to index
    %get3A_650 = arith.constant 0 : index
    %get3A_651 = tpu.vector_load %arg18[%get3A_649, %get3A_650] {strides = array<i32>} : memref<64x16xi32, #tpu.memory_space<vmem>>, vector<16xi32>,
    %gather3A_652 = tpu.vector_load_idx %arg15[%and3A_17, %get3A_651] : memref<8x4096xf32, #tpu.memory_space<vmem>>[vector<16xi32>, vector<16xi32>], vector<16xf32>,
    %add3A_653 = arith.addf %add3A_647, %gather3A_652 : vector<16xf32>
    %get3A_654 = arith.constant 40 : i32
    %get3A_655 = arith.index_cast %get3A_654 : i32 to index
    %get3A_656 = arith.constant 0 : index
    %get3A_657 = tpu.vector_load %arg18[%get3A_655, %get3A_656] {strides = array<i32>} : memref<64x16xi32, #tpu.memory_space<vmem>>, vector<16xi32>,
    %gather3A_658 = tpu.vector_load_idx %arg15[%and3A_17, %get3A_657] : memref<8x4096xf32, #tpu.memory_space<vmem>>[vector<16xi32>, vector<16xi32>], vector<16xf32>,
    %add3A_659 = arith.addf %add3A_653, %gather3A_658 : vector<16xf32>
    %get3A_660 = arith.constant 41 : i32
    %get3A_661 = arith.index_cast %get3A_660 : i32 to index
    %get3A_662 = arith.constant 0 : index
    %get3A_663 = tpu.vector_load %arg18[%get3A_661, %get3A_662] {strides = array<i32>} : memref<64x16xi32, #tpu.memory_space<vmem>>, vector<16xi32>,
    %gather3A_664 = tpu.vector_load_idx %arg15[%and3A_17, %get3A_663] : memref<8x4096xf32, #tpu.memory_space<vmem>>[vector<16xi32>, vector<16xi32>], vector<16xf32>,
    %add3A_665 = arith.addf %add3A_659, %gather3A_664 : vector<16xf32>
    %get3A_666 = arith.constant 42 : i32
    %get3A_667 = arith.index_cast %get3A_666 : i32 to index
    %get3A_668 = arith.constant 0 : index
    %get3A_669 = tpu.vector_load %arg18[%get3A_667, %get3A_668] {strides = array<i32>} : memref<64x16xi32, #tpu.memory_space<vmem>>, vector<16xi32>,
    %gather3A_670 = tpu.vector_load_idx %arg15[%and3A_17, %get3A_669] : memref<8x4096xf32, #tpu.memory_space<vmem>>[vector<16xi32>, vector<16xi32>], vector<16xf32>,
    %add3A_671 = arith.addf %add3A_665, %gather3A_670 : vector<16xf32>
    %get3A_672 = arith.constant 43 : i32
    %get3A_673 = arith.index_cast %get3A_672 : i32 to index
    %get3A_674 = arith.constant 0 : index
    %get3A_675 = tpu.vector_load %arg18[%get3A_673, %get3A_674] {strides = array<i32>} : memref<64x16xi32, #tpu.memory_space<vmem>>, vector<16xi32>,
    %gather3A_676 = tpu.vector_load_idx %arg15[%and3A_17, %get3A_675] : memref<8x4096xf32, #tpu.memory_space<vmem>>[vector<16xi32>, vector<16xi32>], vector<16xf32>,
    %add3A_677 = arith.addf %add3A_671, %gather3A_676 : vector<16xf32>
    %get3A_678 = arith.constant 44 : i32
    %get3A_679 = arith.index_cast %get3A_678 : i32 to index
    %get3A_680 = arith.constant 0 : index
    %get3A_681 = tpu.vector_load %arg18[%get3A_679, %get3A_680] {strides = array<i32>} : memref<64x16xi32, #tpu.memory_space<vmem>>, vector<16xi32>,
    %gather3A_682 = tpu.vector_load_idx %arg15[%and3A_17, %get3A_681] : memref<8x4096xf32, #tpu.memory_space<vmem>>[vector<16xi32>, vector<16xi32>], vector<16xf32>,
    %add3A_683 = arith.addf %add3A_677, %gather3A_682 : vector<16xf32>
    %get3A_684 = arith.constant 45 : i32
    %get3A_685 = arith.index_cast %get3A_684 : i32 to index
    %get3A_686 = arith.constant 0 : index
    %get3A_687 = tpu.vector_load %arg18[%get3A_685, %get3A_686] {strides = array<i32>} : memref<64x16xi32, #tpu.memory_space<vmem>>, vector<16xi32>,
    %gather3A_688 = tpu.vector_load_idx %arg15[%and3A_17, %get3A_687] : memref<8x4096xf32, #tpu.memory_space<vmem>>[vector<16xi32>, vector<16xi32>], vector<16xf32>,
    %add3A_689 = arith.addf %add3A_683, %gather3A_688 : vector<16xf32>
    %get3A_690 = arith.constant 46 : i32
    %get3A_691 = arith.index_cast %get3A_690 : i32 to index
    %get3A_692 = arith.constant 0 : index
    %get3A_693 = tpu.vector_load %arg18[%get3A_691, %get3A_692] {strides = array<i32>} : memref<64x16xi32, #tpu.memory_space<vmem>>, vector<16xi32>,
    %gather3A_694 = tpu.vector_load_idx %arg15[%and3A_17, %get3A_693] : memref<8x4096xf32, #tpu.memory_space<vmem>>[vector<16xi32>, vector<16xi32>], vector<16xf32>,
    %add3A_695 = arith.addf %add3A_689, %gather3A_694 : vector<16xf32>
    %get3A_696 = arith.constant 47 : i32
    %get3A_697 = arith.index_cast %get3A_696 : i32 to index
    %get3A_698 = arith.constant 0 : index
    %get3A_699 = tpu.vector_load %arg18[%get3A_697, %get3A_698] {strides = array<i32>} : memref<64x16xi32, #tpu.memory_space<vmem>>, vector<16xi32>,
    %gather3A_700 = tpu.vector_load_idx %arg15[%and3A_17, %get3A_699] : memref<8x4096xf32, #tpu.memory_space<vmem>>[vector<16xi32>, vector<16xi32>], vector<16xf32>,
    %add3A_701 = arith.addf %add3A_695, %gather3A_700 : vector<16xf32>
    %get3A_702 = arith.constant 48 : i32
    %get3A_703 = arith.index_cast %get3A_702 : i32 to index
    %get3A_704 = arith.constant 0 : index
    %get3A_705 = tpu.vector_load %arg18[%get3A_703, %get3A_704] {strides = array<i32>} : memref<64x16xi32, #tpu.memory_space<vmem>>, vector<16xi32>,
    %gather3A_706 = tpu.vector_load_idx %arg15[%and3A_17, %get3A_705] : memref<8x4096xf32, #tpu.memory_space<vmem>>[vector<16xi32>, vector<16xi32>], vector<16xf32>,
    %add3A_707 = arith.addf %add3A_701, %gather3A_706 : vector<16xf32>
    %get3A_708 = arith.constant 49 : i32
    %get3A_709 = arith.index_cast %get3A_708 : i32 to index
    %get3A_710 = arith.constant 0 : index
    %get3A_711 = tpu.vector_load %arg18[%get3A_709, %get3A_710] {strides = array<i32>} : memref<64x16xi32, #tpu.memory_space<vmem>>, vector<16xi32>,
    %gather3A_712 = tpu.vector_load_idx %arg15[%and3A_17, %get3A_711] : memref<8x4096xf32, #tpu.memory_space<vmem>>[vector<16xi32>, vector<16xi32>], vector<16xf32>,
    %add3A_713 = arith.addf %add3A_707, %gather3A_712 : vector<16xf32>
    %get3A_714 = arith.constant 50 : i32
    %get3A_715 = arith.index_cast %get3A_714 : i32 to index
    %get3A_716 = arith.constant 0 : index
    %get3A_717 = tpu.vector_load %arg18[%get3A_715, %get3A_716] {strides = array<i32>} : memref<64x16xi32, #tpu.memory_space<vmem>>, vector<16xi32>,
    %gather3A_718 = tpu.vector_load_idx %arg15[%and3A_17, %get3A_717] : memref<8x4096xf32, #tpu.memory_space<vmem>>[vector<16xi32>, vector<16xi32>], vector<16xf32>,
    %add3A_719 = arith.addf %add3A_713, %gather3A_718 : vector<16xf32>
    %get3A_720 = arith.constant 51 : i32
    %get3A_721 = arith.index_cast %get3A_720 : i32 to index
    %get3A_722 = arith.constant 0 : index
    %get3A_723 = tpu.vector_load %arg18[%get3A_721, %get3A_722] {strides = array<i32>} : memref<64x16xi32, #tpu.memory_space<vmem>>, vector<16xi32>,
    %gather3A_724 = tpu.vector_load_idx %arg15[%and3A_17, %get3A_723] : memref<8x4096xf32, #tpu.memory_space<vmem>>[vector<16xi32>, vector<16xi32>], vector<16xf32>,
    %add3A_725 = arith.addf %add3A_719, %gather3A_724 : vector<16xf32>
    %get3A_726 = arith.constant 52 : i32
    %get3A_727 = arith.index_cast %get3A_726 : i32 to index
    %get3A_728 = arith.constant 0 : index
    %get3A_729 = tpu.vector_load %arg18[%get3A_727, %get3A_728] {strides = array<i32>} : memref<64x16xi32, #tpu.memory_space<vmem>>, vector<16xi32>,
    %gather3A_730 = tpu.vector_load_idx %arg15[%and3A_17, %get3A_729] : memref<8x4096xf32, #tpu.memory_space<vmem>>[vector<16xi32>, vector<16xi32>], vector<16xf32>,
    %add3A_731 = arith.addf %add3A_725, %gather3A_730 : vector<16xf32>
    %get3A_732 = arith.constant 53 : i32
    %get3A_733 = arith.index_cast %get3A_732 : i32 to index
    %get3A_734 = arith.constant 0 : index
    %get3A_735 = tpu.vector_load %arg18[%get3A_733, %get3A_734] {strides = array<i32>} : memref<64x16xi32, #tpu.memory_space<vmem>>, vector<16xi32>,
    %gather3A_736 = tpu.vector_load_idx %arg15[%and3A_17, %get3A_735] : memref<8x4096xf32, #tpu.memory_space<vmem>>[vector<16xi32>, vector<16xi32>], vector<16xf32>,
    %add3A_737 = arith.addf %add3A_731, %gather3A_736 : vector<16xf32>
    %get3A_738 = arith.constant 54 : i32
    %get3A_739 = arith.index_cast %get3A_738 : i32 to index
    %get3A_740 = arith.constant 0 : index
    %get3A_741 = tpu.vector_load %arg18[%get3A_739, %get3A_740] {strides = array<i32>} : memref<64x16xi32, #tpu.memory_space<vmem>>, vector<16xi32>,
    %gather3A_742 = tpu.vector_load_idx %arg15[%and3A_17, %get3A_741] : memref<8x4096xf32, #tpu.memory_space<vmem>>[vector<16xi32>, vector<16xi32>], vector<16xf32>,
    %add3A_743 = arith.addf %add3A_737, %gather3A_742 : vector<16xf32>
    %get3A_744 = arith.constant 55 : i32
    %get3A_745 = arith.index_cast %get3A_744 : i32 to index
    %get3A_746 = arith.constant 0 : index
    %get3A_747 = tpu.vector_load %arg18[%get3A_745, %get3A_746] {strides = array<i32>} : memref<64x16xi32, #tpu.memory_space<vmem>>, vector<16xi32>,
    %gather3A_748 = tpu.vector_load_idx %arg15[%and3A_17, %get3A_747] : memref<8x4096xf32, #tpu.memory_space<vmem>>[vector<16xi32>, vector<16xi32>], vector<16xf32>,
    %add3A_749 = arith.addf %add3A_743, %gather3A_748 : vector<16xf32>
    %get3A_750 = arith.constant 56 : i32
    %get3A_751 = arith.index_cast %get3A_750 : i32 to index
    %get3A_752 = arith.constant 0 : index
    %get3A_753 = tpu.vector_load %arg18[%get3A_751, %get3A_752] {strides = array<i32>} : memref<64x16xi32, #tpu.memory_space<vmem>>, vector<16xi32>,
    %gather3A_754 = tpu.vector_load_idx %arg15[%and3A_17, %get3A_753] : memref<8x4096xf32, #tpu.memory_space<vmem>>[vector<16xi32>, vector<16xi32>], vector<16xf32>,
    %add3A_755 = arith.addf %add3A_749, %gather3A_754 : vector<16xf32>
    %get3A_756 = arith.constant 57 : i32
    %get3A_757 = arith.index_cast %get3A_756 : i32 to index
    %get3A_758 = arith.constant 0 : index
    %get3A_759 = tpu.vector_load %arg18[%get3A_757, %get3A_758] {strides = array<i32>} : memref<64x16xi32, #tpu.memory_space<vmem>>, vector<16xi32>,
    %gather3A_760 = tpu.vector_load_idx %arg15[%and3A_17, %get3A_759] : memref<8x4096xf32, #tpu.memory_space<vmem>>[vector<16xi32>, vector<16xi32>], vector<16xf32>,
    %add3A_761 = arith.addf %add3A_755, %gather3A_760 : vector<16xf32>
    %get3A_762 = arith.constant 58 : i32
    %get3A_763 = arith.index_cast %get3A_762 : i32 to index
    %get3A_764 = arith.constant 0 : index
    %get3A_765 = tpu.vector_load %arg18[%get3A_763, %get3A_764] {strides = array<i32>} : memref<64x16xi32, #tpu.memory_space<vmem>>, vector<16xi32>,
    %gather3A_766 = tpu.vector_load_idx %arg15[%and3A_17, %get3A_765] : memref<8x4096xf32, #tpu.memory_space<vmem>>[vector<16xi32>, vector<16xi32>], vector<16xf32>,
    %add3A_767 = arith.addf %add3A_761, %gather3A_766 : vector<16xf32>
    %get3A_768 = arith.constant 59 : i32
    %get3A_769 = arith.index_cast %get3A_768 : i32 to index
    %get3A_770 = arith.constant 0 : index
    %get3A_771 = tpu.vector_load %arg18[%get3A_769, %get3A_770] {strides = array<i32>} : memref<64x16xi32, #tpu.memory_space<vmem>>, vector<16xi32>,
    %gather3A_772 = tpu.vector_load_idx %arg15[%and3A_17, %get3A_771] : memref<8x4096xf32, #tpu.memory_space<vmem>>[vector<16xi32>, vector<16xi32>], vector<16xf32>,
    %add3A_773 = arith.addf %add3A_767, %gather3A_772 : vector<16xf32>
    %get3A_774 = arith.constant 60 : i32
    %get3A_775 = arith.index_cast %get3A_774 : i32 to index
    %get3A_776 = arith.constant 0 : index
    %get3A_777 = tpu.vector_load %arg18[%get3A_775, %get3A_776] {strides = array<i32>} : memref<64x16xi32, #tpu.memory_space<vmem>>, vector<16xi32>,
    %gather3A_778 = tpu.vector_load_idx %arg15[%and3A_17, %get3A_777] : memref<8x4096xf32, #tpu.memory_space<vmem>>[vector<16xi32>, vector<16xi32>], vector<16xf32>,
    %add3A_779 = arith.addf %add3A_773, %gather3A_778 : vector<16xf32>
    %get3A_780 = arith.constant 61 : i32
    %get3A_781 = arith.index_cast %get3A_780 : i32 to index
    %get3A_782 = arith.constant 0 : index
    %get3A_783 = tpu.vector_load %arg18[%get3A_781, %get3A_782] {strides = array<i32>} : memref<64x16xi32, #tpu.memory_space<vmem>>, vector<16xi32>,
    %gather3A_784 = tpu.vector_load_idx %arg15[%and3A_17, %get3A_783] : memref<8x4096xf32, #tpu.memory_space<vmem>>[vector<16xi32>, vector<16xi32>], vector<16xf32>,
    %add3A_785 = arith.addf %add3A_779, %gather3A_784 : vector<16xf32>
    %get3A_786 = arith.constant 62 : i32
    %get3A_787 = arith.index_cast %get3A_786 : i32 to index
    %get3A_788 = arith.constant 0 : index
    %get3A_789 = tpu.vector_load %arg18[%get3A_787, %get3A_788] {strides = array<i32>} : memref<64x16xi32, #tpu.memory_space<vmem>>, vector<16xi32>,
    %gather3A_790 = tpu.vector_load_idx %arg15[%and3A_17, %get3A_789] : memref<8x4096xf32, #tpu.memory_space<vmem>>[vector<16xi32>, vector<16xi32>], vector<16xf32>,
    %add3A_791 = arith.addf %add3A_785, %gather3A_790 : vector<16xf32>
    %get3A_792 = arith.constant 63 : i32
    %get3A_793 = arith.index_cast %get3A_792 : i32 to index
    %get3A_794 = arith.constant 0 : index
    %get3A_795 = tpu.vector_load %arg18[%get3A_793, %get3A_794] {strides = array<i32>} : memref<64x16xi32, #tpu.memory_space<vmem>>, vector<16xi32>,
    %gather3A_796 = tpu.vector_load_idx %arg15[%and3A_17, %get3A_795] : memref<8x4096xf32, #tpu.memory_space<vmem>>[vector<16xi32>, vector<16xi32>], vector<16xf32>,
    %add3A_797 = arith.addf %add3A_791, %gather3A_796 : vector<16xf32>
    %add3A_798 = arith.constant 8 : i32
    %add3A_799 = arith.addi %mul3A_2, %add3A_798 : i32
    %dma_start3A_800 = arith.constant 0 : i32
    %dma_start3A_801 = tpu.memref_slice %arg4[%add3A_799, %dma_start3A_800] : memref<512x4096xf32, #tpu.memory_space<hbm>> -> memref<8x4096xf32, #tpu.memory_space<hbm>>
    %dma_start3A_802 = arith.constant 0 : i32
    %dma_start3A_803 = tpu.memref_slice %arg4[%add3A_799, %dma_start3A_802] : memref<512x4096xf32, #tpu.memory_space<hbm>> -> memref<8x4096xf32, #tpu.memory_space<hbm>>
    tpu.enqueue_dma source(%dma_start3A_803 : memref<8x4096xf32, #tpu.memory_space<hbm>>) target(%arg15 : memref<8x4096xf32, #tpu.memory_space<vmem>>) target_semaphore(%arg24 : memref<!tpu.dma_semaphore, #tpu.memory_space<semaphore_mem>>)
    %dma_wait3A_804 = arith.constant 8 : i32
    %dma_wait3A_805 = tpu.memref_slice %arg19[%dma_wait3A_804] : memref<16xi32, #tpu.memory_space<vmem>> -> memref<8xi32, #tpu.memory_space<vmem>>
    %dma_wait3A_806 = arith.constant 0 : i32
    %dma_wait3A_807 = arith.constant 0 : i32
    %dma_wait3A_808 = tpu.memref_slice %arg2[%dma_wait3A_806, %dma_wait3A_807] : memref<4096x4096xf32, #tpu.memory_space<hbm>> -> memref<4096x4096xf32, #tpu.memory_space<hbm>>
    tpu.wait_indirect_dma semaphore(%arg25 : memref<!tpu.dma_semaphore, #tpu.memory_space<semaphore_mem>>) src(%dma_wait3A_808 : memref<4096x4096xf32, #tpu.memory_space<hbm>>) dst(%arg16 : memref<8x4096xf32, #tpu.memory_space<vmem>>)
    %get3A_809 = arith.constant 0 : i32
    %get3A_810 = arith.index_cast %get3A_809 : i32 to index
    %get3A_811 = arith.constant 0 : index
    %get3A_812 = tpu.vector_load %arg18[%get3A_810, %get3A_811] {strides = array<i32>} : memref<64x16xi32, #tpu.memory_space<vmem>>, vector<16xi32>,
    %gather3A_813 = tpu.vector_load_idx %arg16[%and3A_17, %get3A_812] : memref<8x4096xf32, #tpu.memory_space<vmem>>[vector<16xi32>, vector<16xi32>], vector<16xf32>,
    %add3A_814 = arith.addf %broadcast_in_dim3A_21, %gather3A_813 : vector<16xf32>
    %get3A_815 = arith.constant 1 : i32
    %get3A_816 = arith.index_cast %get3A_815 : i32 to index
    %get3A_817 = arith.constant 0 : index
    %get3A_818 = tpu.vector_load %arg18[%get3A_816, %get3A_817] {strides = array<i32>} : memref<64x16xi32, #tpu.memory_space<vmem>>, vector<16xi32>,
    %gather3A_819 = tpu.vector_load_idx %arg16[%and3A_17, %get3A_818] : memref<8x4096xf32, #tpu.memory_space<vmem>>[vector<16xi32>, vector<16xi32>], vector<16xf32>,
    %add3A_820 = arith.addf %add3A_814, %gather3A_819 : vector<16xf32>
    %get3A_821 = arith.constant 2 : i32
    %get3A_822 = arith.index_cast %get3A_821 : i32 to index
    %get3A_823 = arith.constant 0 : index
    %get3A_824 = tpu.vector_load %arg18[%get3A_822, %get3A_823] {strides = array<i32>} : memref<64x16xi32, #tpu.memory_space<vmem>>, vector<16xi32>,
    %gather3A_825 = tpu.vector_load_idx %arg16[%and3A_17, %get3A_824] : memref<8x4096xf32, #tpu.memory_space<vmem>>[vector<16xi32>, vector<16xi32>], vector<16xf32>,
    %add3A_826 = arith.addf %add3A_820, %gather3A_825 : vector<16xf32>
    %get3A_827 = arith.constant 3 : i32
    %get3A_828 = arith.index_cast %get3A_827 : i32 to index
    %get3A_829 = arith.constant 0 : index
    %get3A_830 = tpu.vector_load %arg18[%get3A_828, %get3A_829] {strides = array<i32>} : memref<64x16xi32, #tpu.memory_space<vmem>>, vector<16xi32>,
    %gather3A_831 = tpu.vector_load_idx %arg16[%and3A_17, %get3A_830] : memref<8x4096xf32, #tpu.memory_space<vmem>>[vector<16xi32>, vector<16xi32>], vector<16xf32>,
    %add3A_832 = arith.addf %add3A_826, %gather3A_831 : vector<16xf32>
    %get3A_833 = arith.constant 4 : i32
    %get3A_834 = arith.index_cast %get3A_833 : i32 to index
    %get3A_835 = arith.constant 0 : index
    %get3A_836 = tpu.vector_load %arg18[%get3A_834, %get3A_835] {strides = array<i32>} : memref<64x16xi32, #tpu.memory_space<vmem>>, vector<16xi32>,
    %gather3A_837 = tpu.vector_load_idx %arg16[%and3A_17, %get3A_836] : memref<8x4096xf32, #tpu.memory_space<vmem>>[vector<16xi32>, vector<16xi32>], vector<16xf32>,
    %add3A_838 = arith.addf %add3A_832, %gather3A_837 : vector<16xf32>
    %get3A_839 = arith.constant 5 : i32
    %get3A_840 = arith.index_cast %get3A_839 : i32 to index
    %get3A_841 = arith.constant 0 : index
    %get3A_842 = tpu.vector_load %arg18[%get3A_840, %get3A_841] {strides = array<i32>} : memref<64x16xi32, #tpu.memory_space<vmem>>, vector<16xi32>,
    %gather3A_843 = tpu.vector_load_idx %arg16[%and3A_17, %get3A_842] : memref<8x4096xf32, #tpu.memory_space<vmem>>[vector<16xi32>, vector<16xi32>], vector<16xf32>,
    %add3A_844 = arith.addf %add3A_838, %gather3A_843 : vector<16xf32>
    %get3A_845 = arith.constant 6 : i32
    %get3A_846 = arith.index_cast %get3A_845 : i32 to index
    %get3A_847 = arith.constant 0 : index
    %get3A_848 = tpu.vector_load %arg18[%get3A_846, %get3A_847] {strides = array<i32>} : memref<64x16xi32, #tpu.memory_space<vmem>>, vector<16xi32>,
    %gather3A_849 = tpu.vector_load_idx %arg16[%and3A_17, %get3A_848] : memref<8x4096xf32, #tpu.memory_space<vmem>>[vector<16xi32>, vector<16xi32>], vector<16xf32>,
    %add3A_850 = arith.addf %add3A_844, %gather3A_849 : vector<16xf32>
    %get3A_851 = arith.constant 7 : i32
    %get3A_852 = arith.index_cast %get3A_851 : i32 to index
    %get3A_853 = arith.constant 0 : index
    %get3A_854 = tpu.vector_load %arg18[%get3A_852, %get3A_853] {strides = array<i32>} : memref<64x16xi32, #tpu.memory_space<vmem>>, vector<16xi32>,
    %gather3A_855 = tpu.vector_load_idx %arg16[%and3A_17, %get3A_854] : memref<8x4096xf32, #tpu.memory_space<vmem>>[vector<16xi32>, vector<16xi32>], vector<16xf32>,
    %add3A_856 = arith.addf %add3A_850, %gather3A_855 : vector<16xf32>
    %get3A_857 = arith.constant 8 : i32
    %get3A_858 = arith.index_cast %get3A_857 : i32 to index
    %get3A_859 = arith.constant 0 : index
    %get3A_860 = tpu.vector_load %arg18[%get3A_858, %get3A_859] {strides = array<i32>} : memref<64x16xi32, #tpu.memory_space<vmem>>, vector<16xi32>,
    %gather3A_861 = tpu.vector_load_idx %arg16[%and3A_17, %get3A_860] : memref<8x4096xf32, #tpu.memory_space<vmem>>[vector<16xi32>, vector<16xi32>], vector<16xf32>,
    %add3A_862 = arith.addf %add3A_856, %gather3A_861 : vector<16xf32>
    %get3A_863 = arith.constant 9 : i32
    %get3A_864 = arith.index_cast %get3A_863 : i32 to index
    %get3A_865 = arith.constant 0 : index
    %get3A_866 = tpu.vector_load %arg18[%get3A_864, %get3A_865] {strides = array<i32>} : memref<64x16xi32, #tpu.memory_space<vmem>>, vector<16xi32>,
    %gather3A_867 = tpu.vector_load_idx %arg16[%and3A_17, %get3A_866] : memref<8x4096xf32, #tpu.memory_space<vmem>>[vector<16xi32>, vector<16xi32>], vector<16xf32>,
    %add3A_868 = arith.addf %add3A_862, %gather3A_867 : vector<16xf32>
    %get3A_869 = arith.constant 10 : i32
    %get3A_870 = arith.index_cast %get3A_869 : i32 to index
    %get3A_871 = arith.constant 0 : index
    %get3A_872 = tpu.vector_load %arg18[%get3A_870, %get3A_871] {strides = array<i32>} : memref<64x16xi32, #tpu.memory_space<vmem>>, vector<16xi32>,
    %gather3A_873 = tpu.vector_load_idx %arg16[%and3A_17, %get3A_872] : memref<8x4096xf32, #tpu.memory_space<vmem>>[vector<16xi32>, vector<16xi32>], vector<16xf32>,
    %add3A_874 = arith.addf %add3A_868, %gather3A_873 : vector<16xf32>
    %get3A_875 = arith.constant 11 : i32
    %get3A_876 = arith.index_cast %get3A_875 : i32 to index
    %get3A_877 = arith.constant 0 : index
    %get3A_878 = tpu.vector_load %arg18[%get3A_876, %get3A_877] {strides = array<i32>} : memref<64x16xi32, #tpu.memory_space<vmem>>, vector<16xi32>,
    %gather3A_879 = tpu.vector_load_idx %arg16[%and3A_17, %get3A_878] : memref<8x4096xf32, #tpu.memory_space<vmem>>[vector<16xi32>, vector<16xi32>], vector<16xf32>,
    %add3A_880 = arith.addf %add3A_874, %gather3A_879 : vector<16xf32>
    %get3A_881 = arith.constant 12 : i32
    %get3A_882 = arith.index_cast %get3A_881 : i32 to index
    %get3A_883 = arith.constant 0 : index
    %get3A_884 = tpu.vector_load %arg18[%get3A_882, %get3A_883] {strides = array<i32>} : memref<64x16xi32, #tpu.memory_space<vmem>>, vector<16xi32>,
    %gather3A_885 = tpu.vector_load_idx %arg16[%and3A_17, %get3A_884] : memref<8x4096xf32, #tpu.memory_space<vmem>>[vector<16xi32>, vector<16xi32>], vector<16xf32>,
    %add3A_886 = arith.addf %add3A_880, %gather3A_885 : vector<16xf32>
    %get3A_887 = arith.constant 13 : i32
    %get3A_888 = arith.index_cast %get3A_887 : i32 to index
    %get3A_889 = arith.constant 0 : index
    %get3A_890 = tpu.vector_load %arg18[%get3A_888, %get3A_889] {strides = array<i32>} : memref<64x16xi32, #tpu.memory_space<vmem>>, vector<16xi32>,
    %gather3A_891 = tpu.vector_load_idx %arg16[%and3A_17, %get3A_890] : memref<8x4096xf32, #tpu.memory_space<vmem>>[vector<16xi32>, vector<16xi32>], vector<16xf32>,
    %add3A_892 = arith.addf %add3A_886, %gather3A_891 : vector<16xf32>
    %get3A_893 = arith.constant 14 : i32
    %get3A_894 = arith.index_cast %get3A_893 : i32 to index
    %get3A_895 = arith.constant 0 : index
    %get3A_896 = tpu.vector_load %arg18[%get3A_894, %get3A_895] {strides = array<i32>} : memref<64x16xi32, #tpu.memory_space<vmem>>, vector<16xi32>,
    %gather3A_897 = tpu.vector_load_idx %arg16[%and3A_17, %get3A_896] : memref<8x4096xf32, #tpu.memory_space<vmem>>[vector<16xi32>, vector<16xi32>], vector<16xf32>,
    %add3A_898 = arith.addf %add3A_892, %gather3A_897 : vector<16xf32>
    %get3A_899 = arith.constant 15 : i32
    %get3A_900 = arith.index_cast %get3A_899 : i32 to index
    %get3A_901 = arith.constant 0 : index
    %get3A_902 = tpu.vector_load %arg18[%get3A_900, %get3A_901] {strides = array<i32>} : memref<64x16xi32, #tpu.memory_space<vmem>>, vector<16xi32>,
    %gather3A_903 = tpu.vector_load_idx %arg16[%and3A_17, %get3A_902] : memref<8x4096xf32, #tpu.memory_space<vmem>>[vector<16xi32>, vector<16xi32>], vector<16xf32>,
    %add3A_904 = arith.addf %add3A_898, %gather3A_903 : vector<16xf32>
    %get3A_905 = arith.constant 16 : i32
    %get3A_906 = arith.index_cast %get3A_905 : i32 to index
    %get3A_907 = arith.constant 0 : index
    %get3A_908 = tpu.vector_load %arg18[%get3A_906, %get3A_907] {strides = array<i32>} : memref<64x16xi32, #tpu.memory_space<vmem>>, vector<16xi32>,
    %gather3A_909 = tpu.vector_load_idx %arg16[%and3A_17, %get3A_908] : memref<8x4096xf32, #tpu.memory_space<vmem>>[vector<16xi32>, vector<16xi32>], vector<16xf32>,
    %add3A_910 = arith.addf %add3A_904, %gather3A_909 : vector<16xf32>
    %get3A_911 = arith.constant 17 : i32
    %get3A_912 = arith.index_cast %get3A_911 : i32 to index
    %get3A_913 = arith.constant 0 : index
    %get3A_914 = tpu.vector_load %arg18[%get3A_912, %get3A_913] {strides = array<i32>} : memref<64x16xi32, #tpu.memory_space<vmem>>, vector<16xi32>,
    %gather3A_915 = tpu.vector_load_idx %arg16[%and3A_17, %get3A_914] : memref<8x4096xf32, #tpu.memory_space<vmem>>[vector<16xi32>, vector<16xi32>], vector<16xf32>,
    %add3A_916 = arith.addf %add3A_910, %gather3A_915 : vector<16xf32>
    %get3A_917 = arith.constant 18 : i32
    %get3A_918 = arith.index_cast %get3A_917 : i32 to index
    %get3A_919 = arith.constant 0 : index
    %get3A_920 = tpu.vector_load %arg18[%get3A_918, %get3A_919] {strides = array<i32>} : memref<64x16xi32, #tpu.memory_space<vmem>>, vector<16xi32>,
    %gather3A_921 = tpu.vector_load_idx %arg16[%and3A_17, %get3A_920] : memref<8x4096xf32, #tpu.memory_space<vmem>>[vector<16xi32>, vector<16xi32>], vector<16xf32>,
    %add3A_922 = arith.addf %add3A_916, %gather3A_921 : vector<16xf32>
    %get3A_923 = arith.constant 19 : i32
    %get3A_924 = arith.index_cast %get3A_923 : i32 to index
    %get3A_925 = arith.constant 0 : index
    %get3A_926 = tpu.vector_load %arg18[%get3A_924, %get3A_925] {strides = array<i32>} : memref<64x16xi32, #tpu.memory_space<vmem>>, vector<16xi32>,
    %gather3A_927 = tpu.vector_load_idx %arg16[%and3A_17, %get3A_926] : memref<8x4096xf32, #tpu.memory_space<vmem>>[vector<16xi32>, vector<16xi32>], vector<16xf32>,
    %add3A_928 = arith.addf %add3A_922, %gather3A_927 : vector<16xf32>
    %get3A_929 = arith.constant 20 : i32
    %get3A_930 = arith.index_cast %get3A_929 : i32 to index
    %get3A_931 = arith.constant 0 : index
    %get3A_932 = tpu.vector_load %arg18[%get3A_930, %get3A_931] {strides = array<i32>} : memref<64x16xi32, #tpu.memory_space<vmem>>, vector<16xi32>,
    %gather3A_933 = tpu.vector_load_idx %arg16[%and3A_17, %get3A_932] : memref<8x4096xf32, #tpu.memory_space<vmem>>[vector<16xi32>, vector<16xi32>], vector<16xf32>,
    %add3A_934 = arith.addf %add3A_928, %gather3A_933 : vector<16xf32>
    %get3A_935 = arith.constant 21 : i32
    %get3A_936 = arith.index_cast %get3A_935 : i32 to index
    %get3A_937 = arith.constant 0 : index
    %get3A_938 = tpu.vector_load %arg18[%get3A_936, %get3A_937] {strides = array<i32>} : memref<64x16xi32, #tpu.memory_space<vmem>>, vector<16xi32>,
    %gather3A_939 = tpu.vector_load_idx %arg16[%and3A_17, %get3A_938] : memref<8x4096xf32, #tpu.memory_space<vmem>>[vector<16xi32>, vector<16xi32>], vector<16xf32>,
    %add3A_940 = arith.addf %add3A_934, %gather3A_939 : vector<16xf32>
    %get3A_941 = arith.constant 22 : i32
    %get3A_942 = arith.index_cast %get3A_941 : i32 to index
    %get3A_943 = arith.constant 0 : index
    %get3A_944 = tpu.vector_load %arg18[%get3A_942, %get3A_943] {strides = array<i32>} : memref<64x16xi32, #tpu.memory_space<vmem>>, vector<16xi32>,
    %gather3A_945 = tpu.vector_load_idx %arg16[%and3A_17, %get3A_944] : memref<8x4096xf32, #tpu.memory_space<vmem>>[vector<16xi32>, vector<16xi32>], vector<16xf32>,
    %add3A_946 = arith.addf %add3A_940, %gather3A_945 : vector<16xf32>
    %get3A_947 = arith.constant 23 : i32
    %get3A_948 = arith.index_cast %get3A_947 : i32 to index
    %get3A_949 = arith.constant 0 : index
    %get3A_950 = tpu.vector_load %arg18[%get3A_948, %get3A_949] {strides = array<i32>} : memref<64x16xi32, #tpu.memory_space<vmem>>, vector<16xi32>,
    %gather3A_951 = tpu.vector_load_idx %arg16[%and3A_17, %get3A_950] : memref<8x4096xf32, #tpu.memory_space<vmem>>[vector<16xi32>, vector<16xi32>], vector<16xf32>,
    %add3A_952 = arith.addf %add3A_946, %gather3A_951 : vector<16xf32>
    %get3A_953 = arith.constant 24 : i32
    %get3A_954 = arith.index_cast %get3A_953 : i32 to index
    %get3A_955 = arith.constant 0 : index
    %get3A_956 = tpu.vector_load %arg18[%get3A_954, %get3A_955] {strides = array<i32>} : memref<64x16xi32, #tpu.memory_space<vmem>>, vector<16xi32>,
    %gather3A_957 = tpu.vector_load_idx %arg16[%and3A_17, %get3A_956] : memref<8x4096xf32, #tpu.memory_space<vmem>>[vector<16xi32>, vector<16xi32>], vector<16xf32>,
    %add3A_958 = arith.addf %add3A_952, %gather3A_957 : vector<16xf32>
    %get3A_959 = arith.constant 25 : i32
    %get3A_960 = arith.index_cast %get3A_959 : i32 to index
    %get3A_961 = arith.constant 0 : index
    %get3A_962 = tpu.vector_load %arg18[%get3A_960, %get3A_961] {strides = array<i32>} : memref<64x16xi32, #tpu.memory_space<vmem>>, vector<16xi32>,
    %gather3A_963 = tpu.vector_load_idx %arg16[%and3A_17, %get3A_962] : memref<8x4096xf32, #tpu.memory_space<vmem>>[vector<16xi32>, vector<16xi32>], vector<16xf32>,
    %add3A_964 = arith.addf %add3A_958, %gather3A_963 : vector<16xf32>
    %get3A_965 = arith.constant 26 : i32
    %get3A_966 = arith.index_cast %get3A_965 : i32 to index
    %get3A_967 = arith.constant 0 : index
    %get3A_968 = tpu.vector_load %arg18[%get3A_966, %get3A_967] {strides = array<i32>} : memref<64x16xi32, #tpu.memory_space<vmem>>, vector<16xi32>,
    %gather3A_969 = tpu.vector_load_idx %arg16[%and3A_17, %get3A_968] : memref<8x4096xf32, #tpu.memory_space<vmem>>[vector<16xi32>, vector<16xi32>], vector<16xf32>,
    %add3A_970 = arith.addf %add3A_964, %gather3A_969 : vector<16xf32>
    %get3A_971 = arith.constant 27 : i32
    %get3A_972 = arith.index_cast %get3A_971 : i32 to index
    %get3A_973 = arith.constant 0 : index
    %get3A_974 = tpu.vector_load %arg18[%get3A_972, %get3A_973] {strides = array<i32>} : memref<64x16xi32, #tpu.memory_space<vmem>>, vector<16xi32>,
    %gather3A_975 = tpu.vector_load_idx %arg16[%and3A_17, %get3A_974] : memref<8x4096xf32, #tpu.memory_space<vmem>>[vector<16xi32>, vector<16xi32>], vector<16xf32>,
    %add3A_976 = arith.addf %add3A_970, %gather3A_975 : vector<16xf32>
    %get3A_977 = arith.constant 28 : i32
    %get3A_978 = arith.index_cast %get3A_977 : i32 to index
    %get3A_979 = arith.constant 0 : index
    %get3A_980 = tpu.vector_load %arg18[%get3A_978, %get3A_979] {strides = array<i32>} : memref<64x16xi32, #tpu.memory_space<vmem>>, vector<16xi32>,
    %gather3A_981 = tpu.vector_load_idx %arg16[%and3A_17, %get3A_980] : memref<8x4096xf32, #tpu.memory_space<vmem>>[vector<16xi32>, vector<16xi32>], vector<16xf32>,
    %add3A_982 = arith.addf %add3A_976, %gather3A_981 : vector<16xf32>
    %get3A_983 = arith.constant 29 : i32
    %get3A_984 = arith.index_cast %get3A_983 : i32 to index
    %get3A_985 = arith.constant 0 : index
    %get3A_986 = tpu.vector_load %arg18[%get3A_984, %get3A_985] {strides = array<i32>} : memref<64x16xi32, #tpu.memory_space<vmem>>, vector<16xi32>,
    %gather3A_987 = tpu.vector_load_idx %arg16[%and3A_17, %get3A_986] : memref<8x4096xf32, #tpu.memory_space<vmem>>[vector<16xi32>, vector<16xi32>], vector<16xf32>,
    %add3A_988 = arith.addf %add3A_982, %gather3A_987 : vector<16xf32>
    %get3A_989 = arith.constant 30 : i32
    %get3A_990 = arith.index_cast %get3A_989 : i32 to index
    %get3A_991 = arith.constant 0 : index
    %get3A_992 = tpu.vector_load %arg18[%get3A_990, %get3A_991] {strides = array<i32>} : memref<64x16xi32, #tpu.memory_space<vmem>>, vector<16xi32>,
    %gather3A_993 = tpu.vector_load_idx %arg16[%and3A_17, %get3A_992] : memref<8x4096xf32, #tpu.memory_space<vmem>>[vector<16xi32>, vector<16xi32>], vector<16xf32>,
    %add3A_994 = arith.addf %add3A_988, %gather3A_993 : vector<16xf32>
    %get3A_995 = arith.constant 31 : i32
    %get3A_996 = arith.index_cast %get3A_995 : i32 to index
    %get3A_997 = arith.constant 0 : index
    %get3A_998 = tpu.vector_load %arg18[%get3A_996, %get3A_997] {strides = array<i32>} : memref<64x16xi32, #tpu.memory_space<vmem>>, vector<16xi32>,
    %gather3A_999 = tpu.vector_load_idx %arg16[%and3A_17, %get3A_998] : memref<8x4096xf32, #tpu.memory_space<vmem>>[vector<16xi32>, vector<16xi32>], vector<16xf32>,
    %add3A_1000 = arith.addf %add3A_994, %gather3A_999 : vector<16xf32>
    %get3A_1001 = arith.constant 32 : i32
    %get3A_1002 = arith.index_cast %get3A_1001 : i32 to index
    %get3A_1003 = arith.constant 0 : index
    %get3A_1004 = tpu.vector_load %arg18[%get3A_1002, %get3A_1003] {strides = array<i32>} : memref<64x16xi32, #tpu.memory_space<vmem>>, vector<16xi32>,
    %gather3A_1005 = tpu.vector_load_idx %arg16[%and3A_17, %get3A_1004] : memref<8x4096xf32, #tpu.memory_space<vmem>>[vector<16xi32>, vector<16xi32>], vector<16xf32>,
    %add3A_1006 = arith.addf %add3A_1000, %gather3A_1005 : vector<16xf32>
    %get3A_1007 = arith.constant 33 : i32
    %get3A_1008 = arith.index_cast %get3A_1007 : i32 to index
    %get3A_1009 = arith.constant 0 : index
    %get3A_1010 = tpu.vector_load %arg18[%get3A_1008, %get3A_1009] {strides = array<i32>} : memref<64x16xi32, #tpu.memory_space<vmem>>, vector<16xi32>,
    %gather3A_1011 = tpu.vector_load_idx %arg16[%and3A_17, %get3A_1010] : memref<8x4096xf32, #tpu.memory_space<vmem>>[vector<16xi32>, vector<16xi32>], vector<16xf32>,
    %add3A_1012 = arith.addf %add3A_1006, %gather3A_1011 : vector<16xf32>
    %get3A_1013 = arith.constant 34 : i32
    %get3A_1014 = arith.index_cast %get3A_1013 : i32 to index
    %get3A_1015 = arith.constant 0 : index
    %get3A_1016 = tpu.vector_load %arg18[%get3A_1014, %get3A_1015] {strides = array<i32>} : memref<64x16xi32, #tpu.memory_space<vmem>>, vector<16xi32>,
    %gather3A_1017 = tpu.vector_load_idx %arg16[%and3A_17, %get3A_1016] : memref<8x4096xf32, #tpu.memory_space<vmem>>[vector<16xi32>, vector<16xi32>], vector<16xf32>,
    %add3A_1018 = arith.addf %add3A_1012, %gather3A_1017 : vector<16xf32>
    %get3A_1019 = arith.constant 35 : i32
    %get3A_1020 = arith.index_cast %get3A_1019 : i32 to index
    %get3A_1021 = arith.constant 0 : index
    %get3A_1022 = tpu.vector_load %arg18[%get3A_1020, %get3A_1021] {strides = array<i32>} : memref<64x16xi32, #tpu.memory_space<vmem>>, vector<16xi32>,
    %gather3A_1023 = tpu.vector_load_idx %arg16[%and3A_17, %get3A_1022] : memref<8x4096xf32, #tpu.memory_space<vmem>>[vector<16xi32>, vector<16xi32>], vector<16xf32>,
    %add3A_1024 = arith.addf %add3A_1018, %gather3A_1023 : vector<16xf32>
    %get3A_1025 = arith.constant 36 : i32
    %get3A_1026 = arith.index_cast %get3A_1025 : i32 to index
    %get3A_1027 = arith.constant 0 : index
    %get3A_1028 = tpu.vector_load %arg18[%get3A_1026, %get3A_1027] {strides = array<i32>} : memref<64x16xi32, #tpu.memory_space<vmem>>, vector<16xi32>,
    %gather3A_1029 = tpu.vector_load_idx %arg16[%and3A_17, %get3A_1028] : memref<8x4096xf32, #tpu.memory_space<vmem>>[vector<16xi32>, vector<16xi32>], vector<16xf32>,
    %add3A_1030 = arith.addf %add3A_1024, %gather3A_1029 : vector<16xf32>
    %get3A_1031 = arith.constant 37 : i32
    %get3A_1032 = arith.index_cast %get3A_1031 : i32 to index
    %get3A_1033 = arith.constant 0 : index
    %get3A_1034 = tpu.vector_load %arg18[%get3A_1032, %get3A_1033] {strides = array<i32>} : memref<64x16xi32, #tpu.memory_space<vmem>>, vector<16xi32>,
    %gather3A_1035 = tpu.vector_load_idx %arg16[%and3A_17, %get3A_1034] : memref<8x4096xf32, #tpu.memory_space<vmem>>[vector<16xi32>, vector<16xi32>], vector<16xf32>,
    %add3A_1036 = arith.addf %add3A_1030, %gather3A_1035 : vector<16xf32>
    %get3A_1037 = arith.constant 38 : i32
    %get3A_1038 = arith.index_cast %get3A_1037 : i32 to index
    %get3A_1039 = arith.constant 0 : index
    %get3A_1040 = tpu.vector_load %arg18[%get3A_1038, %get3A_1039] {strides = array<i32>} : memref<64x16xi32, #tpu.memory_space<vmem>>, vector<16xi32>,
    %gather3A_1041 = tpu.vector_load_idx %arg16[%and3A_17, %get3A_1040] : memref<8x4096xf32, #tpu.memory_space<vmem>>[vector<16xi32>, vector<16xi32>], vector<16xf32>,
    %add3A_1042 = arith.addf %add3A_1036, %gather3A_1041 : vector<16xf32>
    %get3A_1043 = arith.constant 39 : i32
    %get3A_1044 = arith.index_cast %get3A_1043 : i32 to index
    %get3A_1045 = arith.constant 0 : index
    %get3A_1046 = tpu.vector_load %arg18[%get3A_1044, %get3A_1045] {strides = array<i32>} : memref<64x16xi32, #tpu.memory_space<vmem>>, vector<16xi32>,
    %gather3A_1047 = tpu.vector_load_idx %arg16[%and3A_17, %get3A_1046] : memref<8x4096xf32, #tpu.memory_space<vmem>>[vector<16xi32>, vector<16xi32>], vector<16xf32>,
    %add3A_1048 = arith.addf %add3A_1042, %gather3A_1047 : vector<16xf32>
    %get3A_1049 = arith.constant 40 : i32
    %get3A_1050 = arith.index_cast %get3A_1049 : i32 to index
    %get3A_1051 = arith.constant 0 : index
    %get3A_1052 = tpu.vector_load %arg18[%get3A_1050, %get3A_1051] {strides = array<i32>} : memref<64x16xi32, #tpu.memory_space<vmem>>, vector<16xi32>,
    %gather3A_1053 = tpu.vector_load_idx %arg16[%and3A_17, %get3A_1052] : memref<8x4096xf32, #tpu.memory_space<vmem>>[vector<16xi32>, vector<16xi32>], vector<16xf32>,
    %add3A_1054 = arith.addf %add3A_1048, %gather3A_1053 : vector<16xf32>
    %get3A_1055 = arith.constant 41 : i32
    %get3A_1056 = arith.index_cast %get3A_1055 : i32 to index
    %get3A_1057 = arith.constant 0 : index
    %get3A_1058 = tpu.vector_load %arg18[%get3A_1056, %get3A_1057] {strides = array<i32>} : memref<64x16xi32, #tpu.memory_space<vmem>>, vector<16xi32>,
    %gather3A_1059 = tpu.vector_load_idx %arg16[%and3A_17, %get3A_1058] : memref<8x4096xf32, #tpu.memory_space<vmem>>[vector<16xi32>, vector<16xi32>], vector<16xf32>,
    %add3A_1060 = arith.addf %add3A_1054, %gather3A_1059 : vector<16xf32>
    %get3A_1061 = arith.constant 42 : i32
    %get3A_1062 = arith.index_cast %get3A_1061 : i32 to index
    %get3A_1063 = arith.constant 0 : index
    %get3A_1064 = tpu.vector_load %arg18[%get3A_1062, %get3A_1063] {strides = array<i32>} : memref<64x16xi32, #tpu.memory_space<vmem>>, vector<16xi32>,
    %gather3A_1065 = tpu.vector_load_idx %arg16[%and3A_17, %get3A_1064] : memref<8x4096xf32, #tpu.memory_space<vmem>>[vector<16xi32>, vector<16xi32>], vector<16xf32>,
    %add3A_1066 = arith.addf %add3A_1060, %gather3A_1065 : vector<16xf32>
    %get3A_1067 = arith.constant 43 : i32
    %get3A_1068 = arith.index_cast %get3A_1067 : i32 to index
    %get3A_1069 = arith.constant 0 : index
    %get3A_1070 = tpu.vector_load %arg18[%get3A_1068, %get3A_1069] {strides = array<i32>} : memref<64x16xi32, #tpu.memory_space<vmem>>, vector<16xi32>,
    %gather3A_1071 = tpu.vector_load_idx %arg16[%and3A_17, %get3A_1070] : memref<8x4096xf32, #tpu.memory_space<vmem>>[vector<16xi32>, vector<16xi32>], vector<16xf32>,
    %add3A_1072 = arith.addf %add3A_1066, %gather3A_1071 : vector<16xf32>
    %get3A_1073 = arith.constant 44 : i32
    %get3A_1074 = arith.index_cast %get3A_1073 : i32 to index
    %get3A_1075 = arith.constant 0 : index
    %get3A_1076 = tpu.vector_load %arg18[%get3A_1074, %get3A_1075] {strides = array<i32>} : memref<64x16xi32, #tpu.memory_space<vmem>>, vector<16xi32>,
    %gather3A_1077 = tpu.vector_load_idx %arg16[%and3A_17, %get3A_1076] : memref<8x4096xf32, #tpu.memory_space<vmem>>[vector<16xi32>, vector<16xi32>], vector<16xf32>,
    %add3A_1078 = arith.addf %add3A_1072, %gather3A_1077 : vector<16xf32>
    %get3A_1079 = arith.constant 45 : i32
    %get3A_1080 = arith.index_cast %get3A_1079 : i32 to index
    %get3A_1081 = arith.constant 0 : index
    %get3A_1082 = tpu.vector_load %arg18[%get3A_1080, %get3A_1081] {strides = array<i32>} : memref<64x16xi32, #tpu.memory_space<vmem>>, vector<16xi32>,
    %gather3A_1083 = tpu.vector_load_idx %arg16[%and3A_17, %get3A_1082] : memref<8x4096xf32, #tpu.memory_space<vmem>>[vector<16xi32>, vector<16xi32>], vector<16xf32>,
    %add3A_1084 = arith.addf %add3A_1078, %gather3A_1083 : vector<16xf32>
    %get3A_1085 = arith.constant 46 : i32
    %get3A_1086 = arith.index_cast %get3A_1085 : i32 to index
    %get3A_1087 = arith.constant 0 : index
    %get3A_1088 = tpu.vector_load %arg18[%get3A_1086, %get3A_1087] {strides = array<i32>} : memref<64x16xi32, #tpu.memory_space<vmem>>, vector<16xi32>,
    %gather3A_1089 = tpu.vector_load_idx %arg16[%and3A_17, %get3A_1088] : memref<8x4096xf32, #tpu.memory_space<vmem>>[vector<16xi32>, vector<16xi32>], vector<16xf32>,
    %add3A_1090 = arith.addf %add3A_1084, %gather3A_1089 : vector<16xf32>
    %get3A_1091 = arith.constant 47 : i32
    %get3A_1092 = arith.index_cast %get3A_1091 : i32 to index
    %get3A_1093 = arith.constant 0 : index
    %get3A_1094 = tpu.vector_load %arg18[%get3A_1092, %get3A_1093] {strides = array<i32>} : memref<64x16xi32, #tpu.memory_space<vmem>>, vector<16xi32>,
    %gather3A_1095 = tpu.vector_load_idx %arg16[%and3A_17, %get3A_1094] : memref<8x4096xf32, #tpu.memory_space<vmem>>[vector<16xi32>, vector<16xi32>], vector<16xf32>,
    %add3A_1096 = arith.addf %add3A_1090, %gather3A_1095 : vector<16xf32>
    %get3A_1097 = arith.constant 48 : i32
    %get3A_1098 = arith.index_cast %get3A_1097 : i32 to index
    %get3A_1099 = arith.constant 0 : index
    %get3A_1100 = tpu.vector_load %arg18[%get3A_1098, %get3A_1099] {strides = array<i32>} : memref<64x16xi32, #tpu.memory_space<vmem>>, vector<16xi32>,
    %gather3A_1101 = tpu.vector_load_idx %arg16[%and3A_17, %get3A_1100] : memref<8x4096xf32, #tpu.memory_space<vmem>>[vector<16xi32>, vector<16xi32>], vector<16xf32>,
    %add3A_1102 = arith.addf %add3A_1096, %gather3A_1101 : vector<16xf32>
    %get3A_1103 = arith.constant 49 : i32
    %get3A_1104 = arith.index_cast %get3A_1103 : i32 to index
    %get3A_1105 = arith.constant 0 : index
    %get3A_1106 = tpu.vector_load %arg18[%get3A_1104, %get3A_1105] {strides = array<i32>} : memref<64x16xi32, #tpu.memory_space<vmem>>, vector<16xi32>,
    %gather3A_1107 = tpu.vector_load_idx %arg16[%and3A_17, %get3A_1106] : memref<8x4096xf32, #tpu.memory_space<vmem>>[vector<16xi32>, vector<16xi32>], vector<16xf32>,
    %add3A_1108 = arith.addf %add3A_1102, %gather3A_1107 : vector<16xf32>
    %get3A_1109 = arith.constant 50 : i32
    %get3A_1110 = arith.index_cast %get3A_1109 : i32 to index
    %get3A_1111 = arith.constant 0 : index
    %get3A_1112 = tpu.vector_load %arg18[%get3A_1110, %get3A_1111] {strides = array<i32>} : memref<64x16xi32, #tpu.memory_space<vmem>>, vector<16xi32>,
    %gather3A_1113 = tpu.vector_load_idx %arg16[%and3A_17, %get3A_1112] : memref<8x4096xf32, #tpu.memory_space<vmem>>[vector<16xi32>, vector<16xi32>], vector<16xf32>,
    %add3A_1114 = arith.addf %add3A_1108, %gather3A_1113 : vector<16xf32>
    %get3A_1115 = arith.constant 51 : i32
    %get3A_1116 = arith.index_cast %get3A_1115 : i32 to index
    %get3A_1117 = arith.constant 0 : index
    %get3A_1118 = tpu.vector_load %arg18[%get3A_1116, %get3A_1117] {strides = array<i32>} : memref<64x16xi32, #tpu.memory_space<vmem>>, vector<16xi32>,
    %gather3A_1119 = tpu.vector_load_idx %arg16[%and3A_17, %get3A_1118] : memref<8x4096xf32, #tpu.memory_space<vmem>>[vector<16xi32>, vector<16xi32>], vector<16xf32>,
    %add3A_1120 = arith.addf %add3A_1114, %gather3A_1119 : vector<16xf32>
    %get3A_1121 = arith.constant 52 : i32
    %get3A_1122 = arith.index_cast %get3A_1121 : i32 to index
    %get3A_1123 = arith.constant 0 : index
    %get3A_1124 = tpu.vector_load %arg18[%get3A_1122, %get3A_1123] {strides = array<i32>} : memref<64x16xi32, #tpu.memory_space<vmem>>, vector<16xi32>,
    %gather3A_1125 = tpu.vector_load_idx %arg16[%and3A_17, %get3A_1124] : memref<8x4096xf32, #tpu.memory_space<vmem>>[vector<16xi32>, vector<16xi32>], vector<16xf32>,
    %add3A_1126 = arith.addf %add3A_1120, %gather3A_1125 : vector<16xf32>
    %get3A_1127 = arith.constant 53 : i32
    %get3A_1128 = arith.index_cast %get3A_1127 : i32 to index
    %get3A_1129 = arith.constant 0 : index
    %get3A_1130 = tpu.vector_load %arg18[%get3A_1128, %get3A_1129] {strides = array<i32>} : memref<64x16xi32, #tpu.memory_space<vmem>>, vector<16xi32>,
    %gather3A_1131 = tpu.vector_load_idx %arg16[%and3A_17, %get3A_1130] : memref<8x4096xf32, #tpu.memory_space<vmem>>[vector<16xi32>, vector<16xi32>], vector<16xf32>,
    %add3A_1132 = arith.addf %add3A_1126, %gather3A_1131 : vector<16xf32>
    %get3A_1133 = arith.constant 54 : i32
    %get3A_1134 = arith.index_cast %get3A_1133 : i32 to index
    %get3A_1135 = arith.constant 0 : index
    %get3A_1136 = tpu.vector_load %arg18[%get3A_1134, %get3A_1135] {strides = array<i32>} : memref<64x16xi32, #tpu.memory_space<vmem>>, vector<16xi32>,
    %gather3A_1137 = tpu.vector_load_idx %arg16[%and3A_17, %get3A_1136] : memref<8x4096xf32, #tpu.memory_space<vmem>>[vector<16xi32>, vector<16xi32>], vector<16xf32>,
    %add3A_1138 = arith.addf %add3A_1132, %gather3A_1137 : vector<16xf32>
    %get3A_1139 = arith.constant 55 : i32
    %get3A_1140 = arith.index_cast %get3A_1139 : i32 to index
    %get3A_1141 = arith.constant 0 : index
    %get3A_1142 = tpu.vector_load %arg18[%get3A_1140, %get3A_1141] {strides = array<i32>} : memref<64x16xi32, #tpu.memory_space<vmem>>, vector<16xi32>,
    %gather3A_1143 = tpu.vector_load_idx %arg16[%and3A_17, %get3A_1142] : memref<8x4096xf32, #tpu.memory_space<vmem>>[vector<16xi32>, vector<16xi32>], vector<16xf32>,
    %add3A_1144 = arith.addf %add3A_1138, %gather3A_1143 : vector<16xf32>
    %get3A_1145 = arith.constant 56 : i32
    %get3A_1146 = arith.index_cast %get3A_1145 : i32 to index
    %get3A_1147 = arith.constant 0 : index
    %get3A_1148 = tpu.vector_load %arg18[%get3A_1146, %get3A_1147] {strides = array<i32>} : memref<64x16xi32, #tpu.memory_space<vmem>>, vector<16xi32>,
    %gather3A_1149 = tpu.vector_load_idx %arg16[%and3A_17, %get3A_1148] : memref<8x4096xf32, #tpu.memory_space<vmem>>[vector<16xi32>, vector<16xi32>], vector<16xf32>,
    %add3A_1150 = arith.addf %add3A_1144, %gather3A_1149 : vector<16xf32>
    %get3A_1151 = arith.constant 57 : i32
    %get3A_1152 = arith.index_cast %get3A_1151 : i32 to index
    %get3A_1153 = arith.constant 0 : index
    %get3A_1154 = tpu.vector_load %arg18[%get3A_1152, %get3A_1153] {strides = array<i32>} : memref<64x16xi32, #tpu.memory_space<vmem>>, vector<16xi32>,
    %gather3A_1155 = tpu.vector_load_idx %arg16[%and3A_17, %get3A_1154] : memref<8x4096xf32, #tpu.memory_space<vmem>>[vector<16xi32>, vector<16xi32>], vector<16xf32>,
    %add3A_1156 = arith.addf %add3A_1150, %gather3A_1155 : vector<16xf32>
    %get3A_1157 = arith.constant 58 : i32
    %get3A_1158 = arith.index_cast %get3A_1157 : i32 to index
    %get3A_1159 = arith.constant 0 : index
    %get3A_1160 = tpu.vector_load %arg18[%get3A_1158, %get3A_1159] {strides = array<i32>} : memref<64x16xi32, #tpu.memory_space<vmem>>, vector<16xi32>,
    %gather3A_1161 = tpu.vector_load_idx %arg16[%and3A_17, %get3A_1160] : memref<8x4096xf32, #tpu.memory_space<vmem>>[vector<16xi32>, vector<16xi32>], vector<16xf32>,
    %add3A_1162 = arith.addf %add3A_1156, %gather3A_1161 : vector<16xf32>
    %get3A_1163 = arith.constant 59 : i32
    %get3A_1164 = arith.index_cast %get3A_1163 : i32 to index
    %get3A_1165 = arith.constant 0 : index
    %get3A_1166 = tpu.vector_load %arg18[%get3A_1164, %get3A_1165] {strides = array<i32>} : memref<64x16xi32, #tpu.memory_space<vmem>>, vector<16xi32>,
    %gather3A_1167 = tpu.vector_load_idx %arg16[%and3A_17, %get3A_1166] : memref<8x4096xf32, #tpu.memory_space<vmem>>[vector<16xi32>, vector<16xi32>], vector<16xf32>,
    %add3A_1168 = arith.addf %add3A_1162, %gather3A_1167 : vector<16xf32>
    %get3A_1169 = arith.constant 60 : i32
    %get3A_1170 = arith.index_cast %get3A_1169 : i32 to index
    %get3A_1171 = arith.constant 0 : index
    %get3A_1172 = tpu.vector_load %arg18[%get3A_1170, %get3A_1171] {strides = array<i32>} : memref<64x16xi32, #tpu.memory_space<vmem>>, vector<16xi32>,
    %gather3A_1173 = tpu.vector_load_idx %arg16[%and3A_17, %get3A_1172] : memref<8x4096xf32, #tpu.memory_space<vmem>>[vector<16xi32>, vector<16xi32>], vector<16xf32>,
    %add3A_1174 = arith.addf %add3A_1168, %gather3A_1173 : vector<16xf32>
    %get3A_1175 = arith.constant 61 : i32
    %get3A_1176 = arith.index_cast %get3A_1175 : i32 to index
    %get3A_1177 = arith.constant 0 : index
    %get3A_1178 = tpu.vector_load %arg18[%get3A_1176, %get3A_1177] {strides = array<i32>} : memref<64x16xi32, #tpu.memory_space<vmem>>, vector<16xi32>,
    %gather3A_1179 = tpu.vector_load_idx %arg16[%and3A_17, %get3A_1178] : memref<8x4096xf32, #tpu.memory_space<vmem>>[vector<16xi32>, vector<16xi32>], vector<16xf32>,
    %add3A_1180 = arith.addf %add3A_1174, %gather3A_1179 : vector<16xf32>
    %get3A_1181 = arith.constant 62 : i32
    %get3A_1182 = arith.index_cast %get3A_1181 : i32 to index
    %get3A_1183 = arith.constant 0 : index
    %get3A_1184 = tpu.vector_load %arg18[%get3A_1182, %get3A_1183] {strides = array<i32>} : memref<64x16xi32, #tpu.memory_space<vmem>>, vector<16xi32>,
    %gather3A_1185 = tpu.vector_load_idx %arg16[%and3A_17, %get3A_1184] : memref<8x4096xf32, #tpu.memory_space<vmem>>[vector<16xi32>, vector<16xi32>], vector<16xf32>,
    %add3A_1186 = arith.addf %add3A_1180, %gather3A_1185 : vector<16xf32>
    %get3A_1187 = arith.constant 63 : i32
    %get3A_1188 = arith.index_cast %get3A_1187 : i32 to index
    %get3A_1189 = arith.constant 0 : index
    %get3A_1190 = tpu.vector_load %arg18[%get3A_1188, %get3A_1189] {strides = array<i32>} : memref<64x16xi32, #tpu.memory_space<vmem>>, vector<16xi32>,
    %gather3A_1191 = tpu.vector_load_idx %arg16[%and3A_17, %get3A_1190] : memref<8x4096xf32, #tpu.memory_space<vmem>>[vector<16xi32>, vector<16xi32>], vector<16xf32>,
    %add3A_1192 = arith.addf %add3A_1186, %gather3A_1191 : vector<16xf32>
    %select_n3A = arith.select %lt3A_19, %add3A_797, %broadcast_in_dim3A_21 : vector<16xi1>, vector<16xf32>
    %select_n3A_1193 = arith.select %not3A_20, %add3A_1192, %broadcast_in_dim3A_21 : vector<16xi1>, vector<16xf32>
    %add3A_1194 = arith.addf %select_n3A, %select_n3A_1193 : vector<16xf32>
    %swap3A_1195 = arith.constant 0 : index
    %swap3A_1196 = tpu.vector_load %arg23[%swap3A_1195] {strides = array<i32>} : memref<16xf32, #tpu.memory_space<vmem>>, vector<16xf32>,
    tpu.vector_store %arg23[%swap3A_1195], %add3A_1194 {strides = array<i32>} : memref<16xf32, #tpu.memory_space<vmem>>, vector<16xf32>,
    "tpu.region"() ({
      %run_scoped3A = tpu.sem_alloc : memref<!tpu.dma_semaphore, #tpu.memory_space<semaphore_mem>>
      %dma_start3A_1985 = tpu.memref_slice %arg10[%mul3A_2] : memref<512xf32, #tpu.memory_space<hbm>> -> memref<16xf32, #tpu.memory_space<hbm>>
      %dma_start3A_1986 = tpu.memref_slice %arg10[%mul3A_2] : memref<512xf32, #tpu.memory_space<hbm>> -> memref<16xf32, #tpu.memory_space<hbm>>
      tpu.enqueue_dma source(%arg23 : memref<16xf32, #tpu.memory_space<vmem>>) target(%dma_start3A_1986 : memref<16xf32, #tpu.memory_space<hbm>>) target_semaphore(%run_scoped3A : memref<!tpu.dma_semaphore, #tpu.memory_space<semaphore_mem>>)
      %dma_wait3A_1987 = tpu.memref_slice %arg10[%mul3A_2] : memref<512xf32, #tpu.memory_space<hbm>> -> memref<16xf32, #tpu.memory_space<hbm>>
      %dma_wait3A_1988 = tpu.memref_slice %arg10[%mul3A_2] : memref<512xf32, #tpu.memory_space<hbm>> -> memref<16xf32, #tpu.memory_space<hbm>>
      tpu.wait_dma2 semaphore(%run_scoped3A : memref<!tpu.dma_semaphore, #tpu.memory_space<semaphore_mem>>) src(%arg23 : memref<16xf32, #tpu.memory_space<vmem>>) dst(%dma_wait3A_1988 : memref<16xf32, #tpu.memory_space<hbm>>)
      tpu.yield
    }) : () -> ()
    %eq3A = arith.constant 0 : i32
    %eq3A_1197 = arith.cmpi eq, %add3A, %eq3A : i32
    %convert_element_type3A = arith.extui %eq3A_1197 : i1 to i32
    %cond3A = arith.constant 0 : i32
    %cond3A_1198 = arith.cmpi ne, %convert_element_type3A, %cond3A : i32
    scf.if %cond3A_1198 {
      "tpu.region"() ({
        %run_scoped3A = tpu.sem_alloc : memref<!tpu.dma_semaphore, #tpu.memory_space<semaphore_mem>>
        tpu.enqueue_dma source(%arg8 : memref<8xi32, #tpu.memory_space<hbm>>) target(%arg21 : memref<8xi32, #tpu.memory_space<vmem>>) target_semaphore(%run_scoped3A : memref<!tpu.dma_semaphore, #tpu.memory_space<semaphore_mem>>)
        tpu.wait_dma2 semaphore(%run_scoped3A : memref<!tpu.dma_semaphore, #tpu.memory_space<semaphore_mem>>) src(%arg8 : memref<8xi32, #tpu.memory_space<hbm>>) dst(%arg21 : memref<8xi32, #tpu.memory_space<vmem>>)
        tpu.yield
      }) : () -> ()
      "tpu.region"() ({
        %run_scoped3A = tpu.sem_alloc : memref<!tpu.dma_semaphore, #tpu.memory_space<semaphore_mem>>
        tpu.enqueue_dma source(%arg9 : memref<256xi32, #tpu.memory_space<hbm>>) target(%arg22 : memref<256xi32, #tpu.memory_space<vmem>>) target_semaphore(%run_scoped3A : memref<!tpu.dma_semaphore, #tpu.memory_space<semaphore_mem>>)
        tpu.wait_dma2 semaphore(%run_scoped3A : memref<!tpu.dma_semaphore, #tpu.memory_space<semaphore_mem>>) src(%arg9 : memref<256xi32, #tpu.memory_space<hbm>>) dst(%arg22 : memref<256xi32, #tpu.memory_space<vmem>>)
        tpu.yield
      }) : () -> ()
      %dma_start3A_1985 = arith.constant 0 : i32
      %dma_start3A_1986 = arith.constant 0 : i32
      %dma_start3A_1987 = tpu.memref_slice %arg3[%dma_start3A_1985, %dma_start3A_1986] : memref<4096x4096xf32, #tpu.memory_space<hbm>> -> memref<4096x4096xf32, #tpu.memory_space<hbm>>
      tpu.enqueue_indirect_dma source(%dma_start3A_1987 : memref<4096x4096xf32, #tpu.memory_space<hbm>>) target(%arg16 : memref<8x4096xf32, #tpu.memory_space<vmem>>) offsets(%arg21 : memref<8xi32, #tpu.memory_space<vmem>>) semaphore(%arg25 : memref<!tpu.dma_semaphore, #tpu.memory_space<semaphore_mem>>)
    } else {
    }
    %dma_wait3A_1199 = arith.constant 0 : i32
    %dma_wait3A_1200 = tpu.memref_slice %arg4[%mul3A_2, %dma_wait3A_1199] : memref<512x4096xf32, #tpu.memory_space<hbm>> -> memref<8x4096xf32, #tpu.memory_space<hbm>>
    %dma_wait3A_1201 = arith.constant 0 : i32
    %dma_wait3A_1202 = tpu.memref_slice %arg4[%mul3A_2, %dma_wait3A_1201] : memref<512x4096xf32, #tpu.memory_space<hbm>> -> memref<8x4096xf32, #tpu.memory_space<hbm>>
    tpu.wait_dma2 semaphore(%arg26 : memref<!tpu.dma_semaphore, #tpu.memory_space<semaphore_mem>>) src(%dma_wait3A_1202 : memref<8x4096xf32, #tpu.memory_space<hbm>>) dst(%arg17 : memref<8x4096xf32, #tpu.memory_space<vmem>>)
    %get3A_1203 = arith.constant 0 : i32
    %get3A_1204 = arith.index_cast %get3A_1203 : i32 to index
    %get3A_1205 = arith.constant 0 : index
    %get3A_1206 = tpu.vector_load %arg18[%get3A_1204, %get3A_1205] {strides = array<i32>} : memref<64x16xi32, #tpu.memory_space<vmem>>, vector<16xi32>,
    %gather3A_1207 = tpu.vector_load_idx %arg17[%and3A_17, %get3A_1206] : memref<8x4096xf32, #tpu.memory_space<vmem>>[vector<16xi32>, vector<16xi32>], vector<16xf32>,
    %add3A_1208 = arith.addf %broadcast_in_dim3A_21, %gather3A_1207 : vector<16xf32>
    %get3A_1209 = arith.constant 1 : i32
    %get3A_1210 = arith.index_cast %get3A_1209 : i32 to index
    %get3A_1211 = arith.constant 0 : index
    %get3A_1212 = tpu.vector_load %arg18[%get3A_1210, %get3A_1211] {strides = array<i32>} : memref<64x16xi32, #tpu.memory_space<vmem>>, vector<16xi32>,
    %gather3A_1213 = tpu.vector_load_idx %arg17[%and3A_17, %get3A_1212] : memref<8x4096xf32, #tpu.memory_space<vmem>>[vector<16xi32>, vector<16xi32>], vector<16xf32>,
    %add3A_1214 = arith.addf %add3A_1208, %gather3A_1213 : vector<16xf32>
    %get3A_1215 = arith.constant 2 : i32
    %get3A_1216 = arith.index_cast %get3A_1215 : i32 to index
    %get3A_1217 = arith.constant 0 : index
    %get3A_1218 = tpu.vector_load %arg18[%get3A_1216, %get3A_1217] {strides = array<i32>} : memref<64x16xi32, #tpu.memory_space<vmem>>, vector<16xi32>,
    %gather3A_1219 = tpu.vector_load_idx %arg17[%and3A_17, %get3A_1218] : memref<8x4096xf32, #tpu.memory_space<vmem>>[vector<16xi32>, vector<16xi32>], vector<16xf32>,
    %add3A_1220 = arith.addf %add3A_1214, %gather3A_1219 : vector<16xf32>
    %get3A_1221 = arith.constant 3 : i32
    %get3A_1222 = arith.index_cast %get3A_1221 : i32 to index
    %get3A_1223 = arith.constant 0 : index
    %get3A_1224 = tpu.vector_load %arg18[%get3A_1222, %get3A_1223] {strides = array<i32>} : memref<64x16xi32, #tpu.memory_space<vmem>>, vector<16xi32>,
    %gather3A_1225 = tpu.vector_load_idx %arg17[%and3A_17, %get3A_1224] : memref<8x4096xf32, #tpu.memory_space<vmem>>[vector<16xi32>, vector<16xi32>], vector<16xf32>,
    %add3A_1226 = arith.addf %add3A_1220, %gather3A_1225 : vector<16xf32>
    %get3A_1227 = arith.constant 4 : i32
    %get3A_1228 = arith.index_cast %get3A_1227 : i32 to index
    %get3A_1229 = arith.constant 0 : index
    %get3A_1230 = tpu.vector_load %arg18[%get3A_1228, %get3A_1229] {strides = array<i32>} : memref<64x16xi32, #tpu.memory_space<vmem>>, vector<16xi32>,
    %gather3A_1231 = tpu.vector_load_idx %arg17[%and3A_17, %get3A_1230] : memref<8x4096xf32, #tpu.memory_space<vmem>>[vector<16xi32>, vector<16xi32>], vector<16xf32>,
    %add3A_1232 = arith.addf %add3A_1226, %gather3A_1231 : vector<16xf32>
    %get3A_1233 = arith.constant 5 : i32
    %get3A_1234 = arith.index_cast %get3A_1233 : i32 to index
    %get3A_1235 = arith.constant 0 : index
    %get3A_1236 = tpu.vector_load %arg18[%get3A_1234, %get3A_1235] {strides = array<i32>} : memref<64x16xi32, #tpu.memory_space<vmem>>, vector<16xi32>,
    %gather3A_1237 = tpu.vector_load_idx %arg17[%and3A_17, %get3A_1236] : memref<8x4096xf32, #tpu.memory_space<vmem>>[vector<16xi32>, vector<16xi32>], vector<16xf32>,
    %add3A_1238 = arith.addf %add3A_1232, %gather3A_1237 : vector<16xf32>
    %get3A_1239 = arith.constant 6 : i32
    %get3A_1240 = arith.index_cast %get3A_1239 : i32 to index
    %get3A_1241 = arith.constant 0 : index
    %get3A_1242 = tpu.vector_load %arg18[%get3A_1240, %get3A_1241] {strides = array<i32>} : memref<64x16xi32, #tpu.memory_space<vmem>>, vector<16xi32>,
    %gather3A_1243 = tpu.vector_load_idx %arg17[%and3A_17, %get3A_1242] : memref<8x4096xf32, #tpu.memory_space<vmem>>[vector<16xi32>, vector<16xi32>], vector<16xf32>,
    %add3A_1244 = arith.addf %add3A_1238, %gather3A_1243 : vector<16xf32>
    %get3A_1245 = arith.constant 7 : i32
    %get3A_1246 = arith.index_cast %get3A_1245 : i32 to index
    %get3A_1247 = arith.constant 0 : index
    %get3A_1248 = tpu.vector_load %arg18[%get3A_1246, %get3A_1247] {strides = array<i32>} : memref<64x16xi32, #tpu.memory_space<vmem>>, vector<16xi32>,
    %gather3A_1249 = tpu.vector_load_idx %arg17[%and3A_17, %get3A_1248] : memref<8x4096xf32, #tpu.memory_space<vmem>>[vector<16xi32>, vector<16xi32>], vector<16xf32>,
    %add3A_1250 = arith.addf %add3A_1244, %gather3A_1249 : vector<16xf32>
    %get3A_1251 = arith.constant 8 : i32
    %get3A_1252 = arith.index_cast %get3A_1251 : i32 to index
    %get3A_1253 = arith.constant 0 : index
    %get3A_1254 = tpu.vector_load %arg18[%get3A_1252, %get3A_1253] {strides = array<i32>} : memref<64x16xi32, #tpu.memory_space<vmem>>, vector<16xi32>,
    %gather3A_1255 = tpu.vector_load_idx %arg17[%and3A_17, %get3A_1254] : memref<8x4096xf32, #tpu.memory_space<vmem>>[vector<16xi32>, vector<16xi32>], vector<16xf32>,
    %add3A_1256 = arith.addf %add3A_1250, %gather3A_1255 : vector<16xf32>
    %get3A_1257 = arith.constant 9 : i32
    %get3A_1258 = arith.index_cast %get3A_1257 : i32 to index
    %get3A_1259 = arith.constant 0 : index
    %get3A_1260 = tpu.vector_load %arg18[%get3A_1258, %get3A_1259] {strides = array<i32>} : memref<64x16xi32, #tpu.memory_space<vmem>>, vector<16xi32>,
    %gather3A_1261 = tpu.vector_load_idx %arg17[%and3A_17, %get3A_1260] : memref<8x4096xf32, #tpu.memory_space<vmem>>[vector<16xi32>, vector<16xi32>], vector<16xf32>,
    %add3A_1262 = arith.addf %add3A_1256, %gather3A_1261 : vector<16xf32>
    %get3A_1263 = arith.constant 10 : i32
    %get3A_1264 = arith.index_cast %get3A_1263 : i32 to index
    %get3A_1265 = arith.constant 0 : index
    %get3A_1266 = tpu.vector_load %arg18[%get3A_1264, %get3A_1265] {strides = array<i32>} : memref<64x16xi32, #tpu.memory_space<vmem>>, vector<16xi32>,
    %gather3A_1267 = tpu.vector_load_idx %arg17[%and3A_17, %get3A_1266] : memref<8x4096xf32, #tpu.memory_space<vmem>>[vector<16xi32>, vector<16xi32>], vector<16xf32>,
    %add3A_1268 = arith.addf %add3A_1262, %gather3A_1267 : vector<16xf32>
    %get3A_1269 = arith.constant 11 : i32
    %get3A_1270 = arith.index_cast %get3A_1269 : i32 to index
    %get3A_1271 = arith.constant 0 : index
    %get3A_1272 = tpu.vector_load %arg18[%get3A_1270, %get3A_1271] {strides = array<i32>} : memref<64x16xi32, #tpu.memory_space<vmem>>, vector<16xi32>,
    %gather3A_1273 = tpu.vector_load_idx %arg17[%and3A_17, %get3A_1272] : memref<8x4096xf32, #tpu.memory_space<vmem>>[vector<16xi32>, vector<16xi32>], vector<16xf32>,
    %add3A_1274 = arith.addf %add3A_1268, %gather3A_1273 : vector<16xf32>
    %get3A_1275 = arith.constant 12 : i32
    %get3A_1276 = arith.index_cast %get3A_1275 : i32 to index
    %get3A_1277 = arith.constant 0 : index
    %get3A_1278 = tpu.vector_load %arg18[%get3A_1276, %get3A_1277] {strides = array<i32>} : memref<64x16xi32, #tpu.memory_space<vmem>>, vector<16xi32>,
    %gather3A_1279 = tpu.vector_load_idx %arg17[%and3A_17, %get3A_1278] : memref<8x4096xf32, #tpu.memory_space<vmem>>[vector<16xi32>, vector<16xi32>], vector<16xf32>,
    %add3A_1280 = arith.addf %add3A_1274, %gather3A_1279 : vector<16xf32>
    %get3A_1281 = arith.constant 13 : i32
    %get3A_1282 = arith.index_cast %get3A_1281 : i32 to index
    %get3A_1283 = arith.constant 0 : index
    %get3A_1284 = tpu.vector_load %arg18[%get3A_1282, %get3A_1283] {strides = array<i32>} : memref<64x16xi32, #tpu.memory_space<vmem>>, vector<16xi32>,
    %gather3A_1285 = tpu.vector_load_idx %arg17[%and3A_17, %get3A_1284] : memref<8x4096xf32, #tpu.memory_space<vmem>>[vector<16xi32>, vector<16xi32>], vector<16xf32>,
    %add3A_1286 = arith.addf %add3A_1280, %gather3A_1285 : vector<16xf32>
    %get3A_1287 = arith.constant 14 : i32
    %get3A_1288 = arith.index_cast %get3A_1287 : i32 to index
    %get3A_1289 = arith.constant 0 : index
    %get3A_1290 = tpu.vector_load %arg18[%get3A_1288, %get3A_1289] {strides = array<i32>} : memref<64x16xi32, #tpu.memory_space<vmem>>, vector<16xi32>,
    %gather3A_1291 = tpu.vector_load_idx %arg17[%and3A_17, %get3A_1290] : memref<8x4096xf32, #tpu.memory_space<vmem>>[vector<16xi32>, vector<16xi32>], vector<16xf32>,
    %add3A_1292 = arith.addf %add3A_1286, %gather3A_1291 : vector<16xf32>
    %get3A_1293 = arith.constant 15 : i32
    %get3A_1294 = arith.index_cast %get3A_1293 : i32 to index
    %get3A_1295 = arith.constant 0 : index
    %get3A_1296 = tpu.vector_load %arg18[%get3A_1294, %get3A_1295] {strides = array<i32>} : memref<64x16xi32, #tpu.memory_space<vmem>>, vector<16xi32>,
    %gather3A_1297 = tpu.vector_load_idx %arg17[%and3A_17, %get3A_1296] : memref<8x4096xf32, #tpu.memory_space<vmem>>[vector<16xi32>, vector<16xi32>], vector<16xf32>,
    %add3A_1298 = arith.addf %add3A_1292, %gather3A_1297 : vector<16xf32>
    %get3A_1299 = arith.constant 16 : i32
    %get3A_1300 = arith.index_cast %get3A_1299 : i32 to index
    %get3A_1301 = arith.constant 0 : index
    %get3A_1302 = tpu.vector_load %arg18[%get3A_1300, %get3A_1301] {strides = array<i32>} : memref<64x16xi32, #tpu.memory_space<vmem>>, vector<16xi32>,
    %gather3A_1303 = tpu.vector_load_idx %arg17[%and3A_17, %get3A_1302] : memref<8x4096xf32, #tpu.memory_space<vmem>>[vector<16xi32>, vector<16xi32>], vector<16xf32>,
    %add3A_1304 = arith.addf %add3A_1298, %gather3A_1303 : vector<16xf32>
    %get3A_1305 = arith.constant 17 : i32
    %get3A_1306 = arith.index_cast %get3A_1305 : i32 to index
    %get3A_1307 = arith.constant 0 : index
    %get3A_1308 = tpu.vector_load %arg18[%get3A_1306, %get3A_1307] {strides = array<i32>} : memref<64x16xi32, #tpu.memory_space<vmem>>, vector<16xi32>,
    %gather3A_1309 = tpu.vector_load_idx %arg17[%and3A_17, %get3A_1308] : memref<8x4096xf32, #tpu.memory_space<vmem>>[vector<16xi32>, vector<16xi32>], vector<16xf32>,
    %add3A_1310 = arith.addf %add3A_1304, %gather3A_1309 : vector<16xf32>
    %get3A_1311 = arith.constant 18 : i32
    %get3A_1312 = arith.index_cast %get3A_1311 : i32 to index
    %get3A_1313 = arith.constant 0 : index
    %get3A_1314 = tpu.vector_load %arg18[%get3A_1312, %get3A_1313] {strides = array<i32>} : memref<64x16xi32, #tpu.memory_space<vmem>>, vector<16xi32>,
    %gather3A_1315 = tpu.vector_load_idx %arg17[%and3A_17, %get3A_1314] : memref<8x4096xf32, #tpu.memory_space<vmem>>[vector<16xi32>, vector<16xi32>], vector<16xf32>,
    %add3A_1316 = arith.addf %add3A_1310, %gather3A_1315 : vector<16xf32>
    %get3A_1317 = arith.constant 19 : i32
    %get3A_1318 = arith.index_cast %get3A_1317 : i32 to index
    %get3A_1319 = arith.constant 0 : index
    %get3A_1320 = tpu.vector_load %arg18[%get3A_1318, %get3A_1319] {strides = array<i32>} : memref<64x16xi32, #tpu.memory_space<vmem>>, vector<16xi32>,
    %gather3A_1321 = tpu.vector_load_idx %arg17[%and3A_17, %get3A_1320] : memref<8x4096xf32, #tpu.memory_space<vmem>>[vector<16xi32>, vector<16xi32>], vector<16xf32>,
    %add3A_1322 = arith.addf %add3A_1316, %gather3A_1321 : vector<16xf32>
    %get3A_1323 = arith.constant 20 : i32
    %get3A_1324 = arith.index_cast %get3A_1323 : i32 to index
    %get3A_1325 = arith.constant 0 : index
    %get3A_1326 = tpu.vector_load %arg18[%get3A_1324, %get3A_1325] {strides = array<i32>} : memref<64x16xi32, #tpu.memory_space<vmem>>, vector<16xi32>,
    %gather3A_1327 = tpu.vector_load_idx %arg17[%and3A_17, %get3A_1326] : memref<8x4096xf32, #tpu.memory_space<vmem>>[vector<16xi32>, vector<16xi32>], vector<16xf32>,
    %add3A_1328 = arith.addf %add3A_1322, %gather3A_1327 : vector<16xf32>
    %get3A_1329 = arith.constant 21 : i32
    %get3A_1330 = arith.index_cast %get3A_1329 : i32 to index
    %get3A_1331 = arith.constant 0 : index
    %get3A_1332 = tpu.vector_load %arg18[%get3A_1330, %get3A_1331] {strides = array<i32>} : memref<64x16xi32, #tpu.memory_space<vmem>>, vector<16xi32>,
    %gather3A_1333 = tpu.vector_load_idx %arg17[%and3A_17, %get3A_1332] : memref<8x4096xf32, #tpu.memory_space<vmem>>[vector<16xi32>, vector<16xi32>], vector<16xf32>,
    %add3A_1334 = arith.addf %add3A_1328, %gather3A_1333 : vector<16xf32>
    %get3A_1335 = arith.constant 22 : i32
    %get3A_1336 = arith.index_cast %get3A_1335 : i32 to index
    %get3A_1337 = arith.constant 0 : index
    %get3A_1338 = tpu.vector_load %arg18[%get3A_1336, %get3A_1337] {strides = array<i32>} : memref<64x16xi32, #tpu.memory_space<vmem>>, vector<16xi32>,
    %gather3A_1339 = tpu.vector_load_idx %arg17[%and3A_17, %get3A_1338] : memref<8x4096xf32, #tpu.memory_space<vmem>>[vector<16xi32>, vector<16xi32>], vector<16xf32>,
    %add3A_1340 = arith.addf %add3A_1334, %gather3A_1339 : vector<16xf32>
    %get3A_1341 = arith.constant 23 : i32
    %get3A_1342 = arith.index_cast %get3A_1341 : i32 to index
    %get3A_1343 = arith.constant 0 : index
    %get3A_1344 = tpu.vector_load %arg18[%get3A_1342, %get3A_1343] {strides = array<i32>} : memref<64x16xi32, #tpu.memory_space<vmem>>, vector<16xi32>,
    %gather3A_1345 = tpu.vector_load_idx %arg17[%and3A_17, %get3A_1344] : memref<8x4096xf32, #tpu.memory_space<vmem>>[vector<16xi32>, vector<16xi32>], vector<16xf32>,
    %add3A_1346 = arith.addf %add3A_1340, %gather3A_1345 : vector<16xf32>
    %get3A_1347 = arith.constant 24 : i32
    %get3A_1348 = arith.index_cast %get3A_1347 : i32 to index
    %get3A_1349 = arith.constant 0 : index
    %get3A_1350 = tpu.vector_load %arg18[%get3A_1348, %get3A_1349] {strides = array<i32>} : memref<64x16xi32, #tpu.memory_space<vmem>>, vector<16xi32>,
    %gather3A_1351 = tpu.vector_load_idx %arg17[%and3A_17, %get3A_1350] : memref<8x4096xf32, #tpu.memory_space<vmem>>[vector<16xi32>, vector<16xi32>], vector<16xf32>,
    %add3A_1352 = arith.addf %add3A_1346, %gather3A_1351 : vector<16xf32>
    %get3A_1353 = arith.constant 25 : i32
    %get3A_1354 = arith.index_cast %get3A_1353 : i32 to index
    %get3A_1355 = arith.constant 0 : index
    %get3A_1356 = tpu.vector_load %arg18[%get3A_1354, %get3A_1355] {strides = array<i32>} : memref<64x16xi32, #tpu.memory_space<vmem>>, vector<16xi32>,
    %gather3A_1357 = tpu.vector_load_idx %arg17[%and3A_17, %get3A_1356] : memref<8x4096xf32, #tpu.memory_space<vmem>>[vector<16xi32>, vector<16xi32>], vector<16xf32>,
    %add3A_1358 = arith.addf %add3A_1352, %gather3A_1357 : vector<16xf32>
    %get3A_1359 = arith.constant 26 : i32
    %get3A_1360 = arith.index_cast %get3A_1359 : i32 to index
    %get3A_1361 = arith.constant 0 : index
    %get3A_1362 = tpu.vector_load %arg18[%get3A_1360, %get3A_1361] {strides = array<i32>} : memref<64x16xi32, #tpu.memory_space<vmem>>, vector<16xi32>,
    %gather3A_1363 = tpu.vector_load_idx %arg17[%and3A_17, %get3A_1362] : memref<8x4096xf32, #tpu.memory_space<vmem>>[vector<16xi32>, vector<16xi32>], vector<16xf32>,
    %add3A_1364 = arith.addf %add3A_1358, %gather3A_1363 : vector<16xf32>
    %get3A_1365 = arith.constant 27 : i32
    %get3A_1366 = arith.index_cast %get3A_1365 : i32 to index
    %get3A_1367 = arith.constant 0 : index
    %get3A_1368 = tpu.vector_load %arg18[%get3A_1366, %get3A_1367] {strides = array<i32>} : memref<64x16xi32, #tpu.memory_space<vmem>>, vector<16xi32>,
    %gather3A_1369 = tpu.vector_load_idx %arg17[%and3A_17, %get3A_1368] : memref<8x4096xf32, #tpu.memory_space<vmem>>[vector<16xi32>, vector<16xi32>], vector<16xf32>,
    %add3A_1370 = arith.addf %add3A_1364, %gather3A_1369 : vector<16xf32>
    %get3A_1371 = arith.constant 28 : i32
    %get3A_1372 = arith.index_cast %get3A_1371 : i32 to index
    %get3A_1373 = arith.constant 0 : index
    %get3A_1374 = tpu.vector_load %arg18[%get3A_1372, %get3A_1373] {strides = array<i32>} : memref<64x16xi32, #tpu.memory_space<vmem>>, vector<16xi32>,
    %gather3A_1375 = tpu.vector_load_idx %arg17[%and3A_17, %get3A_1374] : memref<8x4096xf32, #tpu.memory_space<vmem>>[vector<16xi32>, vector<16xi32>], vector<16xf32>,
    %add3A_1376 = arith.addf %add3A_1370, %gather3A_1375 : vector<16xf32>
    %get3A_1377 = arith.constant 29 : i32
    %get3A_1378 = arith.index_cast %get3A_1377 : i32 to index
    %get3A_1379 = arith.constant 0 : index
    %get3A_1380 = tpu.vector_load %arg18[%get3A_1378, %get3A_1379] {strides = array<i32>} : memref<64x16xi32, #tpu.memory_space<vmem>>, vector<16xi32>,
    %gather3A_1381 = tpu.vector_load_idx %arg17[%and3A_17, %get3A_1380] : memref<8x4096xf32, #tpu.memory_space<vmem>>[vector<16xi32>, vector<16xi32>], vector<16xf32>,
    %add3A_1382 = arith.addf %add3A_1376, %gather3A_1381 : vector<16xf32>
    %get3A_1383 = arith.constant 30 : i32
    %get3A_1384 = arith.index_cast %get3A_1383 : i32 to index
    %get3A_1385 = arith.constant 0 : index
    %get3A_1386 = tpu.vector_load %arg18[%get3A_1384, %get3A_1385] {strides = array<i32>} : memref<64x16xi32, #tpu.memory_space<vmem>>, vector<16xi32>,
    %gather3A_1387 = tpu.vector_load_idx %arg17[%and3A_17, %get3A_1386] : memref<8x4096xf32, #tpu.memory_space<vmem>>[vector<16xi32>, vector<16xi32>], vector<16xf32>,
    %add3A_1388 = arith.addf %add3A_1382, %gather3A_1387 : vector<16xf32>
    %get3A_1389 = arith.constant 31 : i32
    %get3A_1390 = arith.index_cast %get3A_1389 : i32 to index
    %get3A_1391 = arith.constant 0 : index
    %get3A_1392 = tpu.vector_load %arg18[%get3A_1390, %get3A_1391] {strides = array<i32>} : memref<64x16xi32, #tpu.memory_space<vmem>>, vector<16xi32>,
    %gather3A_1393 = tpu.vector_load_idx %arg17[%and3A_17, %get3A_1392] : memref<8x4096xf32, #tpu.memory_space<vmem>>[vector<16xi32>, vector<16xi32>], vector<16xf32>,
    %add3A_1394 = arith.addf %add3A_1388, %gather3A_1393 : vector<16xf32>
    %get3A_1395 = arith.constant 32 : i32
    %get3A_1396 = arith.index_cast %get3A_1395 : i32 to index
    %get3A_1397 = arith.constant 0 : index
    %get3A_1398 = tpu.vector_load %arg18[%get3A_1396, %get3A_1397] {strides = array<i32>} : memref<64x16xi32, #tpu.memory_space<vmem>>, vector<16xi32>,
    %gather3A_1399 = tpu.vector_load_idx %arg17[%and3A_17, %get3A_1398] : memref<8x4096xf32, #tpu.memory_space<vmem>>[vector<16xi32>, vector<16xi32>], vector<16xf32>,
    %add3A_1400 = arith.addf %add3A_1394, %gather3A_1399 : vector<16xf32>
    %get3A_1401 = arith.constant 33 : i32
    %get3A_1402 = arith.index_cast %get3A_1401 : i32 to index
    %get3A_1403 = arith.constant 0 : index
    %get3A_1404 = tpu.vector_load %arg18[%get3A_1402, %get3A_1403] {strides = array<i32>} : memref<64x16xi32, #tpu.memory_space<vmem>>, vector<16xi32>,
    %gather3A_1405 = tpu.vector_load_idx %arg17[%and3A_17, %get3A_1404] : memref<8x4096xf32, #tpu.memory_space<vmem>>[vector<16xi32>, vector<16xi32>], vector<16xf32>,
    %add3A_1406 = arith.addf %add3A_1400, %gather3A_1405 : vector<16xf32>
    %get3A_1407 = arith.constant 34 : i32
    %get3A_1408 = arith.index_cast %get3A_1407 : i32 to index
    %get3A_1409 = arith.constant 0 : index
    %get3A_1410 = tpu.vector_load %arg18[%get3A_1408, %get3A_1409] {strides = array<i32>} : memref<64x16xi32, #tpu.memory_space<vmem>>, vector<16xi32>,
    %gather3A_1411 = tpu.vector_load_idx %arg17[%and3A_17, %get3A_1410] : memref<8x4096xf32, #tpu.memory_space<vmem>>[vector<16xi32>, vector<16xi32>], vector<16xf32>,
    %add3A_1412 = arith.addf %add3A_1406, %gather3A_1411 : vector<16xf32>
    %get3A_1413 = arith.constant 35 : i32
    %get3A_1414 = arith.index_cast %get3A_1413 : i32 to index
    %get3A_1415 = arith.constant 0 : index
    %get3A_1416 = tpu.vector_load %arg18[%get3A_1414, %get3A_1415] {strides = array<i32>} : memref<64x16xi32, #tpu.memory_space<vmem>>, vector<16xi32>,
    %gather3A_1417 = tpu.vector_load_idx %arg17[%and3A_17, %get3A_1416] : memref<8x4096xf32, #tpu.memory_space<vmem>>[vector<16xi32>, vector<16xi32>], vector<16xf32>,
    %add3A_1418 = arith.addf %add3A_1412, %gather3A_1417 : vector<16xf32>
    %get3A_1419 = arith.constant 36 : i32
    %get3A_1420 = arith.index_cast %get3A_1419 : i32 to index
    %get3A_1421 = arith.constant 0 : index
    %get3A_1422 = tpu.vector_load %arg18[%get3A_1420, %get3A_1421] {strides = array<i32>} : memref<64x16xi32, #tpu.memory_space<vmem>>, vector<16xi32>,
    %gather3A_1423 = tpu.vector_load_idx %arg17[%and3A_17, %get3A_1422] : memref<8x4096xf32, #tpu.memory_space<vmem>>[vector<16xi32>, vector<16xi32>], vector<16xf32>,
    %add3A_1424 = arith.addf %add3A_1418, %gather3A_1423 : vector<16xf32>
    %get3A_1425 = arith.constant 37 : i32
    %get3A_1426 = arith.index_cast %get3A_1425 : i32 to index
    %get3A_1427 = arith.constant 0 : index
    %get3A_1428 = tpu.vector_load %arg18[%get3A_1426, %get3A_1427] {strides = array<i32>} : memref<64x16xi32, #tpu.memory_space<vmem>>, vector<16xi32>,
    %gather3A_1429 = tpu.vector_load_idx %arg17[%and3A_17, %get3A_1428] : memref<8x4096xf32, #tpu.memory_space<vmem>>[vector<16xi32>, vector<16xi32>], vector<16xf32>,
    %add3A_1430 = arith.addf %add3A_1424, %gather3A_1429 : vector<16xf32>
    %get3A_1431 = arith.constant 38 : i32
    %get3A_1432 = arith.index_cast %get3A_1431 : i32 to index
    %get3A_1433 = arith.constant 0 : index
    %get3A_1434 = tpu.vector_load %arg18[%get3A_1432, %get3A_1433] {strides = array<i32>} : memref<64x16xi32, #tpu.memory_space<vmem>>, vector<16xi32>,
    %gather3A_1435 = tpu.vector_load_idx %arg17[%and3A_17, %get3A_1434] : memref<8x4096xf32, #tpu.memory_space<vmem>>[vector<16xi32>, vector<16xi32>], vector<16xf32>,
    %add3A_1436 = arith.addf %add3A_1430, %gather3A_1435 : vector<16xf32>
    %get3A_1437 = arith.constant 39 : i32
    %get3A_1438 = arith.index_cast %get3A_1437 : i32 to index
    %get3A_1439 = arith.constant 0 : index
    %get3A_1440 = tpu.vector_load %arg18[%get3A_1438, %get3A_1439] {strides = array<i32>} : memref<64x16xi32, #tpu.memory_space<vmem>>, vector<16xi32>,
    %gather3A_1441 = tpu.vector_load_idx %arg17[%and3A_17, %get3A_1440] : memref<8x4096xf32, #tpu.memory_space<vmem>>[vector<16xi32>, vector<16xi32>], vector<16xf32>,
    %add3A_1442 = arith.addf %add3A_1436, %gather3A_1441 : vector<16xf32>
    %get3A_1443 = arith.constant 40 : i32
    %get3A_1444 = arith.index_cast %get3A_1443 : i32 to index
    %get3A_1445 = arith.constant 0 : index
    %get3A_1446 = tpu.vector_load %arg18[%get3A_1444, %get3A_1445] {strides = array<i32>} : memref<64x16xi32, #tpu.memory_space<vmem>>, vector<16xi32>,
    %gather3A_1447 = tpu.vector_load_idx %arg17[%and3A_17, %get3A_1446] : memref<8x4096xf32, #tpu.memory_space<vmem>>[vector<16xi32>, vector<16xi32>], vector<16xf32>,
    %add3A_1448 = arith.addf %add3A_1442, %gather3A_1447 : vector<16xf32>
    %get3A_1449 = arith.constant 41 : i32
    %get3A_1450 = arith.index_cast %get3A_1449 : i32 to index
    %get3A_1451 = arith.constant 0 : index
    %get3A_1452 = tpu.vector_load %arg18[%get3A_1450, %get3A_1451] {strides = array<i32>} : memref<64x16xi32, #tpu.memory_space<vmem>>, vector<16xi32>,
    %gather3A_1453 = tpu.vector_load_idx %arg17[%and3A_17, %get3A_1452] : memref<8x4096xf32, #tpu.memory_space<vmem>>[vector<16xi32>, vector<16xi32>], vector<16xf32>,
    %add3A_1454 = arith.addf %add3A_1448, %gather3A_1453 : vector<16xf32>
    %get3A_1455 = arith.constant 42 : i32
    %get3A_1456 = arith.index_cast %get3A_1455 : i32 to index
    %get3A_1457 = arith.constant 0 : index
    %get3A_1458 = tpu.vector_load %arg18[%get3A_1456, %get3A_1457] {strides = array<i32>} : memref<64x16xi32, #tpu.memory_space<vmem>>, vector<16xi32>,
    %gather3A_1459 = tpu.vector_load_idx %arg17[%and3A_17, %get3A_1458] : memref<8x4096xf32, #tpu.memory_space<vmem>>[vector<16xi32>, vector<16xi32>], vector<16xf32>,
    %add3A_1460 = arith.addf %add3A_1454, %gather3A_1459 : vector<16xf32>
    %get3A_1461 = arith.constant 43 : i32
    %get3A_1462 = arith.index_cast %get3A_1461 : i32 to index
    %get3A_1463 = arith.constant 0 : index
    %get3A_1464 = tpu.vector_load %arg18[%get3A_1462, %get3A_1463] {strides = array<i32>} : memref<64x16xi32, #tpu.memory_space<vmem>>, vector<16xi32>,
    %gather3A_1465 = tpu.vector_load_idx %arg17[%and3A_17, %get3A_1464] : memref<8x4096xf32, #tpu.memory_space<vmem>>[vector<16xi32>, vector<16xi32>], vector<16xf32>,
    %add3A_1466 = arith.addf %add3A_1460, %gather3A_1465 : vector<16xf32>
    %get3A_1467 = arith.constant 44 : i32
    %get3A_1468 = arith.index_cast %get3A_1467 : i32 to index
    %get3A_1469 = arith.constant 0 : index
    %get3A_1470 = tpu.vector_load %arg18[%get3A_1468, %get3A_1469] {strides = array<i32>} : memref<64x16xi32, #tpu.memory_space<vmem>>, vector<16xi32>,
    %gather3A_1471 = tpu.vector_load_idx %arg17[%and3A_17, %get3A_1470] : memref<8x4096xf32, #tpu.memory_space<vmem>>[vector<16xi32>, vector<16xi32>], vector<16xf32>,
    %add3A_1472 = arith.addf %add3A_1466, %gather3A_1471 : vector<16xf32>
    %get3A_1473 = arith.constant 45 : i32
    %get3A_1474 = arith.index_cast %get3A_1473 : i32 to index
    %get3A_1475 = arith.constant 0 : index
    %get3A_1476 = tpu.vector_load %arg18[%get3A_1474, %get3A_1475] {strides = array<i32>} : memref<64x16xi32, #tpu.memory_space<vmem>>, vector<16xi32>,
    %gather3A_1477 = tpu.vector_load_idx %arg17[%and3A_17, %get3A_1476] : memref<8x4096xf32, #tpu.memory_space<vmem>>[vector<16xi32>, vector<16xi32>], vector<16xf32>,
    %add3A_1478 = arith.addf %add3A_1472, %gather3A_1477 : vector<16xf32>
    %get3A_1479 = arith.constant 46 : i32
    %get3A_1480 = arith.index_cast %get3A_1479 : i32 to index
    %get3A_1481 = arith.constant 0 : index
    %get3A_1482 = tpu.vector_load %arg18[%get3A_1480, %get3A_1481] {strides = array<i32>} : memref<64x16xi32, #tpu.memory_space<vmem>>, vector<16xi32>,
    %gather3A_1483 = tpu.vector_load_idx %arg17[%and3A_17, %get3A_1482] : memref<8x4096xf32, #tpu.memory_space<vmem>>[vector<16xi32>, vector<16xi32>], vector<16xf32>,
    %add3A_1484 = arith.addf %add3A_1478, %gather3A_1483 : vector<16xf32>
    %get3A_1485 = arith.constant 47 : i32
    %get3A_1486 = arith.index_cast %get3A_1485 : i32 to index
    %get3A_1487 = arith.constant 0 : index
    %get3A_1488 = tpu.vector_load %arg18[%get3A_1486, %get3A_1487] {strides = array<i32>} : memref<64x16xi32, #tpu.memory_space<vmem>>, vector<16xi32>,
    %gather3A_1489 = tpu.vector_load_idx %arg17[%and3A_17, %get3A_1488] : memref<8x4096xf32, #tpu.memory_space<vmem>>[vector<16xi32>, vector<16xi32>], vector<16xf32>,
    %add3A_1490 = arith.addf %add3A_1484, %gather3A_1489 : vector<16xf32>
    %get3A_1491 = arith.constant 48 : i32
    %get3A_1492 = arith.index_cast %get3A_1491 : i32 to index
    %get3A_1493 = arith.constant 0 : index
    %get3A_1494 = tpu.vector_load %arg18[%get3A_1492, %get3A_1493] {strides = array<i32>} : memref<64x16xi32, #tpu.memory_space<vmem>>, vector<16xi32>,
    %gather3A_1495 = tpu.vector_load_idx %arg17[%and3A_17, %get3A_1494] : memref<8x4096xf32, #tpu.memory_space<vmem>>[vector<16xi32>, vector<16xi32>], vector<16xf32>,
    %add3A_1496 = arith.addf %add3A_1490, %gather3A_1495 : vector<16xf32>
    %get3A_1497 = arith.constant 49 : i32
    %get3A_1498 = arith.index_cast %get3A_1497 : i32 to index
    %get3A_1499 = arith.constant 0 : index
    %get3A_1500 = tpu.vector_load %arg18[%get3A_1498, %get3A_1499] {strides = array<i32>} : memref<64x16xi32, #tpu.memory_space<vmem>>, vector<16xi32>,
    %gather3A_1501 = tpu.vector_load_idx %arg17[%and3A_17, %get3A_1500] : memref<8x4096xf32, #tpu.memory_space<vmem>>[vector<16xi32>, vector<16xi32>], vector<16xf32>,
    %add3A_1502 = arith.addf %add3A_1496, %gather3A_1501 : vector<16xf32>
    %get3A_1503 = arith.constant 50 : i32
    %get3A_1504 = arith.index_cast %get3A_1503 : i32 to index
    %get3A_1505 = arith.constant 0 : index
    %get3A_1506 = tpu.vector_load %arg18[%get3A_1504, %get3A_1505] {strides = array<i32>} : memref<64x16xi32, #tpu.memory_space<vmem>>, vector<16xi32>,
    %gather3A_1507 = tpu.vector_load_idx %arg17[%and3A_17, %get3A_1506] : memref<8x4096xf32, #tpu.memory_space<vmem>>[vector<16xi32>, vector<16xi32>], vector<16xf32>,
    %add3A_1508 = arith.addf %add3A_1502, %gather3A_1507 : vector<16xf32>
    %get3A_1509 = arith.constant 51 : i32
    %get3A_1510 = arith.index_cast %get3A_1509 : i32 to index
    %get3A_1511 = arith.constant 0 : index
    %get3A_1512 = tpu.vector_load %arg18[%get3A_1510, %get3A_1511] {strides = array<i32>} : memref<64x16xi32, #tpu.memory_space<vmem>>, vector<16xi32>,
    %gather3A_1513 = tpu.vector_load_idx %arg17[%and3A_17, %get3A_1512] : memref<8x4096xf32, #tpu.memory_space<vmem>>[vector<16xi32>, vector<16xi32>], vector<16xf32>,
    %add3A_1514 = arith.addf %add3A_1508, %gather3A_1513 : vector<16xf32>
    %get3A_1515 = arith.constant 52 : i32
    %get3A_1516 = arith.index_cast %get3A_1515 : i32 to index
    %get3A_1517 = arith.constant 0 : index
    %get3A_1518 = tpu.vector_load %arg18[%get3A_1516, %get3A_1517] {strides = array<i32>} : memref<64x16xi32, #tpu.memory_space<vmem>>, vector<16xi32>,
    %gather3A_1519 = tpu.vector_load_idx %arg17[%and3A_17, %get3A_1518] : memref<8x4096xf32, #tpu.memory_space<vmem>>[vector<16xi32>, vector<16xi32>], vector<16xf32>,
    %add3A_1520 = arith.addf %add3A_1514, %gather3A_1519 : vector<16xf32>
    %get3A_1521 = arith.constant 53 : i32
    %get3A_1522 = arith.index_cast %get3A_1521 : i32 to index
    %get3A_1523 = arith.constant 0 : index
    %get3A_1524 = tpu.vector_load %arg18[%get3A_1522, %get3A_1523] {strides = array<i32>} : memref<64x16xi32, #tpu.memory_space<vmem>>, vector<16xi32>,
    %gather3A_1525 = tpu.vector_load_idx %arg17[%and3A_17, %get3A_1524] : memref<8x4096xf32, #tpu.memory_space<vmem>>[vector<16xi32>, vector<16xi32>], vector<16xf32>,
    %add3A_1526 = arith.addf %add3A_1520, %gather3A_1525 : vector<16xf32>
    %get3A_1527 = arith.constant 54 : i32
    %get3A_1528 = arith.index_cast %get3A_1527 : i32 to index
    %get3A_1529 = arith.constant 0 : index
    %get3A_1530 = tpu.vector_load %arg18[%get3A_1528, %get3A_1529] {strides = array<i32>} : memref<64x16xi32, #tpu.memory_space<vmem>>, vector<16xi32>,
    %gather3A_1531 = tpu.vector_load_idx %arg17[%and3A_17, %get3A_1530] : memref<8x4096xf32, #tpu.memory_space<vmem>>[vector<16xi32>, vector<16xi32>], vector<16xf32>,
    %add3A_1532 = arith.addf %add3A_1526, %gather3A_1531 : vector<16xf32>
    %get3A_1533 = arith.constant 55 : i32
    %get3A_1534 = arith.index_cast %get3A_1533 : i32 to index
    %get3A_1535 = arith.constant 0 : index
    %get3A_1536 = tpu.vector_load %arg18[%get3A_1534, %get3A_1535] {strides = array<i32>} : memref<64x16xi32, #tpu.memory_space<vmem>>, vector<16xi32>,
    %gather3A_1537 = tpu.vector_load_idx %arg17[%and3A_17, %get3A_1536] : memref<8x4096xf32, #tpu.memory_space<vmem>>[vector<16xi32>, vector<16xi32>], vector<16xf32>,
    %add3A_1538 = arith.addf %add3A_1532, %gather3A_1537 : vector<16xf32>
    %get3A_1539 = arith.constant 56 : i32
    %get3A_1540 = arith.index_cast %get3A_1539 : i32 to index
    %get3A_1541 = arith.constant 0 : index
    %get3A_1542 = tpu.vector_load %arg18[%get3A_1540, %get3A_1541] {strides = array<i32>} : memref<64x16xi32, #tpu.memory_space<vmem>>, vector<16xi32>,
    %gather3A_1543 = tpu.vector_load_idx %arg17[%and3A_17, %get3A_1542] : memref<8x4096xf32, #tpu.memory_space<vmem>>[vector<16xi32>, vector<16xi32>], vector<16xf32>,
    %add3A_1544 = arith.addf %add3A_1538, %gather3A_1543 : vector<16xf32>
    %get3A_1545 = arith.constant 57 : i32
    %get3A_1546 = arith.index_cast %get3A_1545 : i32 to index
    %get3A_1547 = arith.constant 0 : index
    %get3A_1548 = tpu.vector_load %arg18[%get3A_1546, %get3A_1547] {strides = array<i32>} : memref<64x16xi32, #tpu.memory_space<vmem>>, vector<16xi32>,
    %gather3A_1549 = tpu.vector_load_idx %arg17[%and3A_17, %get3A_1548] : memref<8x4096xf32, #tpu.memory_space<vmem>>[vector<16xi32>, vector<16xi32>], vector<16xf32>,
    %add3A_1550 = arith.addf %add3A_1544, %gather3A_1549 : vector<16xf32>
    %get3A_1551 = arith.constant 58 : i32
    %get3A_1552 = arith.index_cast %get3A_1551 : i32 to index
    %get3A_1553 = arith.constant 0 : index
    %get3A_1554 = tpu.vector_load %arg18[%get3A_1552, %get3A_1553] {strides = array<i32>} : memref<64x16xi32, #tpu.memory_space<vmem>>, vector<16xi32>,
    %gather3A_1555 = tpu.vector_load_idx %arg17[%and3A_17, %get3A_1554] : memref<8x4096xf32, #tpu.memory_space<vmem>>[vector<16xi32>, vector<16xi32>], vector<16xf32>,
    %add3A_1556 = arith.addf %add3A_1550, %gather3A_1555 : vector<16xf32>
    %get3A_1557 = arith.constant 59 : i32
    %get3A_1558 = arith.index_cast %get3A_1557 : i32 to index
    %get3A_1559 = arith.constant 0 : index
    %get3A_1560 = tpu.vector_load %arg18[%get3A_1558, %get3A_1559] {strides = array<i32>} : memref<64x16xi32, #tpu.memory_space<vmem>>, vector<16xi32>,
    %gather3A_1561 = tpu.vector_load_idx %arg17[%and3A_17, %get3A_1560] : memref<8x4096xf32, #tpu.memory_space<vmem>>[vector<16xi32>, vector<16xi32>], vector<16xf32>,
    %add3A_1562 = arith.addf %add3A_1556, %gather3A_1561 : vector<16xf32>
    %get3A_1563 = arith.constant 60 : i32
    %get3A_1564 = arith.index_cast %get3A_1563 : i32 to index
    %get3A_1565 = arith.constant 0 : index
    %get3A_1566 = tpu.vector_load %arg18[%get3A_1564, %get3A_1565] {strides = array<i32>} : memref<64x16xi32, #tpu.memory_space<vmem>>, vector<16xi32>,
    %gather3A_1567 = tpu.vector_load_idx %arg17[%and3A_17, %get3A_1566] : memref<8x4096xf32, #tpu.memory_space<vmem>>[vector<16xi32>, vector<16xi32>], vector<16xf32>,
    %add3A_1568 = arith.addf %add3A_1562, %gather3A_1567 : vector<16xf32>
    %get3A_1569 = arith.constant 61 : i32
    %get3A_1570 = arith.index_cast %get3A_1569 : i32 to index
    %get3A_1571 = arith.constant 0 : index
    %get3A_1572 = tpu.vector_load %arg18[%get3A_1570, %get3A_1571] {strides = array<i32>} : memref<64x16xi32, #tpu.memory_space<vmem>>, vector<16xi32>,
    %gather3A_1573 = tpu.vector_load_idx %arg17[%and3A_17, %get3A_1572] : memref<8x4096xf32, #tpu.memory_space<vmem>>[vector<16xi32>, vector<16xi32>], vector<16xf32>,
    %add3A_1574 = arith.addf %add3A_1568, %gather3A_1573 : vector<16xf32>
    %get3A_1575 = arith.constant 62 : i32
    %get3A_1576 = arith.index_cast %get3A_1575 : i32 to index
    %get3A_1577 = arith.constant 0 : index
    %get3A_1578 = tpu.vector_load %arg18[%get3A_1576, %get3A_1577] {strides = array<i32>} : memref<64x16xi32, #tpu.memory_space<vmem>>, vector<16xi32>,
    %gather3A_1579 = tpu.vector_load_idx %arg17[%and3A_17, %get3A_1578] : memref<8x4096xf32, #tpu.memory_space<vmem>>[vector<16xi32>, vector<16xi32>], vector<16xf32>,
    %add3A_1580 = arith.addf %add3A_1574, %gather3A_1579 : vector<16xf32>
    %get3A_1581 = arith.constant 63 : i32
    %get3A_1582 = arith.index_cast %get3A_1581 : i32 to index
    %get3A_1583 = arith.constant 0 : index
    %get3A_1584 = tpu.vector_load %arg18[%get3A_1582, %get3A_1583] {strides = array<i32>} : memref<64x16xi32, #tpu.memory_space<vmem>>, vector<16xi32>,
    %gather3A_1585 = tpu.vector_load_idx %arg17[%and3A_17, %get3A_1584] : memref<8x4096xf32, #tpu.memory_space<vmem>>[vector<16xi32>, vector<16xi32>], vector<16xf32>,
    %add3A_1586 = arith.addf %add3A_1580, %gather3A_1585 : vector<16xf32>
    %dma_wait3A_1587 = arith.constant 0 : i32
    %dma_wait3A_1588 = tpu.memref_slice %arg4[%add3A_799, %dma_wait3A_1587] : memref<512x4096xf32, #tpu.memory_space<hbm>> -> memref<8x4096xf32, #tpu.memory_space<hbm>>
    %dma_wait3A_1589 = arith.constant 0 : i32
    %dma_wait3A_1590 = tpu.memref_slice %arg4[%add3A_799, %dma_wait3A_1589] : memref<512x4096xf32, #tpu.memory_space<hbm>> -> memref<8x4096xf32, #tpu.memory_space<hbm>>
    tpu.wait_dma2 semaphore(%arg24 : memref<!tpu.dma_semaphore, #tpu.memory_space<semaphore_mem>>) src(%dma_wait3A_1590 : memref<8x4096xf32, #tpu.memory_space<hbm>>) dst(%arg15 : memref<8x4096xf32, #tpu.memory_space<vmem>>)
    %get3A_1591 = arith.constant 0 : i32
    %get3A_1592 = arith.index_cast %get3A_1591 : i32 to index
    %get3A_1593 = arith.constant 0 : index
    %get3A_1594 = tpu.vector_load %arg18[%get3A_1592, %get3A_1593] {strides = array<i32>} : memref<64x16xi32, #tpu.memory_space<vmem>>, vector<16xi32>,
    %gather3A_1595 = tpu.vector_load_idx %arg15[%and3A_17, %get3A_1594] : memref<8x4096xf32, #tpu.memory_space<vmem>>[vector<16xi32>, vector<16xi32>], vector<16xf32>,
    %add3A_1596 = arith.addf %broadcast_in_dim3A_21, %gather3A_1595 : vector<16xf32>
    %get3A_1597 = arith.constant 1 : i32
    %get3A_1598 = arith.index_cast %get3A_1597 : i32 to index
    %get3A_1599 = arith.constant 0 : index
    %get3A_1600 = tpu.vector_load %arg18[%get3A_1598, %get3A_1599] {strides = array<i32>} : memref<64x16xi32, #tpu.memory_space<vmem>>, vector<16xi32>,
    %gather3A_1601 = tpu.vector_load_idx %arg15[%and3A_17, %get3A_1600] : memref<8x4096xf32, #tpu.memory_space<vmem>>[vector<16xi32>, vector<16xi32>], vector<16xf32>,
    %add3A_1602 = arith.addf %add3A_1596, %gather3A_1601 : vector<16xf32>
    %get3A_1603 = arith.constant 2 : i32
    %get3A_1604 = arith.index_cast %get3A_1603 : i32 to index
    %get3A_1605 = arith.constant 0 : index
    %get3A_1606 = tpu.vector_load %arg18[%get3A_1604, %get3A_1605] {strides = array<i32>} : memref<64x16xi32, #tpu.memory_space<vmem>>, vector<16xi32>,
    %gather3A_1607 = tpu.vector_load_idx %arg15[%and3A_17, %get3A_1606] : memref<8x4096xf32, #tpu.memory_space<vmem>>[vector<16xi32>, vector<16xi32>], vector<16xf32>,
    %add3A_1608 = arith.addf %add3A_1602, %gather3A_1607 : vector<16xf32>
    %get3A_1609 = arith.constant 3 : i32
    %get3A_1610 = arith.index_cast %get3A_1609 : i32 to index
    %get3A_1611 = arith.constant 0 : index
    %get3A_1612 = tpu.vector_load %arg18[%get3A_1610, %get3A_1611] {strides = array<i32>} : memref<64x16xi32, #tpu.memory_space<vmem>>, vector<16xi32>,
    %gather3A_1613 = tpu.vector_load_idx %arg15[%and3A_17, %get3A_1612] : memref<8x4096xf32, #tpu.memory_space<vmem>>[vector<16xi32>, vector<16xi32>], vector<16xf32>,
    %add3A_1614 = arith.addf %add3A_1608, %gather3A_1613 : vector<16xf32>
    %get3A_1615 = arith.constant 4 : i32
    %get3A_1616 = arith.index_cast %get3A_1615 : i32 to index
    %get3A_1617 = arith.constant 0 : index
    %get3A_1618 = tpu.vector_load %arg18[%get3A_1616, %get3A_1617] {strides = array<i32>} : memref<64x16xi32, #tpu.memory_space<vmem>>, vector<16xi32>,
    %gather3A_1619 = tpu.vector_load_idx %arg15[%and3A_17, %get3A_1618] : memref<8x4096xf32, #tpu.memory_space<vmem>>[vector<16xi32>, vector<16xi32>], vector<16xf32>,
    %add3A_1620 = arith.addf %add3A_1614, %gather3A_1619 : vector<16xf32>
    %get3A_1621 = arith.constant 5 : i32
    %get3A_1622 = arith.index_cast %get3A_1621 : i32 to index
    %get3A_1623 = arith.constant 0 : index
    %get3A_1624 = tpu.vector_load %arg18[%get3A_1622, %get3A_1623] {strides = array<i32>} : memref<64x16xi32, #tpu.memory_space<vmem>>, vector<16xi32>,
    %gather3A_1625 = tpu.vector_load_idx %arg15[%and3A_17, %get3A_1624] : memref<8x4096xf32, #tpu.memory_space<vmem>>[vector<16xi32>, vector<16xi32>], vector<16xf32>,
    %add3A_1626 = arith.addf %add3A_1620, %gather3A_1625 : vector<16xf32>
    %get3A_1627 = arith.constant 6 : i32
    %get3A_1628 = arith.index_cast %get3A_1627 : i32 to index
    %get3A_1629 = arith.constant 0 : index
    %get3A_1630 = tpu.vector_load %arg18[%get3A_1628, %get3A_1629] {strides = array<i32>} : memref<64x16xi32, #tpu.memory_space<vmem>>, vector<16xi32>,
    %gather3A_1631 = tpu.vector_load_idx %arg15[%and3A_17, %get3A_1630] : memref<8x4096xf32, #tpu.memory_space<vmem>>[vector<16xi32>, vector<16xi32>], vector<16xf32>,
    %add3A_1632 = arith.addf %add3A_1626, %gather3A_1631 : vector<16xf32>
    %get3A_1633 = arith.constant 7 : i32
    %get3A_1634 = arith.index_cast %get3A_1633 : i32 to index
    %get3A_1635 = arith.constant 0 : index
    %get3A_1636 = tpu.vector_load %arg18[%get3A_1634, %get3A_1635] {strides = array<i32>} : memref<64x16xi32, #tpu.memory_space<vmem>>, vector<16xi32>,
    %gather3A_1637 = tpu.vector_load_idx %arg15[%and3A_17, %get3A_1636] : memref<8x4096xf32, #tpu.memory_space<vmem>>[vector<16xi32>, vector<16xi32>], vector<16xf32>,
    %add3A_1638 = arith.addf %add3A_1632, %gather3A_1637 : vector<16xf32>
    %get3A_1639 = arith.constant 8 : i32
    %get3A_1640 = arith.index_cast %get3A_1639 : i32 to index
    %get3A_1641 = arith.constant 0 : index
    %get3A_1642 = tpu.vector_load %arg18[%get3A_1640, %get3A_1641] {strides = array<i32>} : memref<64x16xi32, #tpu.memory_space<vmem>>, vector<16xi32>,
    %gather3A_1643 = tpu.vector_load_idx %arg15[%and3A_17, %get3A_1642] : memref<8x4096xf32, #tpu.memory_space<vmem>>[vector<16xi32>, vector<16xi32>], vector<16xf32>,
    %add3A_1644 = arith.addf %add3A_1638, %gather3A_1643 : vector<16xf32>
    %get3A_1645 = arith.constant 9 : i32
    %get3A_1646 = arith.index_cast %get3A_1645 : i32 to index
    %get3A_1647 = arith.constant 0 : index
    %get3A_1648 = tpu.vector_load %arg18[%get3A_1646, %get3A_1647] {strides = array<i32>} : memref<64x16xi32, #tpu.memory_space<vmem>>, vector<16xi32>,
    %gather3A_1649 = tpu.vector_load_idx %arg15[%and3A_17, %get3A_1648] : memref<8x4096xf32, #tpu.memory_space<vmem>>[vector<16xi32>, vector<16xi32>], vector<16xf32>,
    %add3A_1650 = arith.addf %add3A_1644, %gather3A_1649 : vector<16xf32>
    %get3A_1651 = arith.constant 10 : i32
    %get3A_1652 = arith.index_cast %get3A_1651 : i32 to index
    %get3A_1653 = arith.constant 0 : index
    %get3A_1654 = tpu.vector_load %arg18[%get3A_1652, %get3A_1653] {strides = array<i32>} : memref<64x16xi32, #tpu.memory_space<vmem>>, vector<16xi32>,
    %gather3A_1655 = tpu.vector_load_idx %arg15[%and3A_17, %get3A_1654] : memref<8x4096xf32, #tpu.memory_space<vmem>>[vector<16xi32>, vector<16xi32>], vector<16xf32>,
    %add3A_1656 = arith.addf %add3A_1650, %gather3A_1655 : vector<16xf32>
    %get3A_1657 = arith.constant 11 : i32
    %get3A_1658 = arith.index_cast %get3A_1657 : i32 to index
    %get3A_1659 = arith.constant 0 : index
    %get3A_1660 = tpu.vector_load %arg18[%get3A_1658, %get3A_1659] {strides = array<i32>} : memref<64x16xi32, #tpu.memory_space<vmem>>, vector<16xi32>,
    %gather3A_1661 = tpu.vector_load_idx %arg15[%and3A_17, %get3A_1660] : memref<8x4096xf32, #tpu.memory_space<vmem>>[vector<16xi32>, vector<16xi32>], vector<16xf32>,
    %add3A_1662 = arith.addf %add3A_1656, %gather3A_1661 : vector<16xf32>
    %get3A_1663 = arith.constant 12 : i32
    %get3A_1664 = arith.index_cast %get3A_1663 : i32 to index
    %get3A_1665 = arith.constant 0 : index
    %get3A_1666 = tpu.vector_load %arg18[%get3A_1664, %get3A_1665] {strides = array<i32>} : memref<64x16xi32, #tpu.memory_space<vmem>>, vector<16xi32>,
    %gather3A_1667 = tpu.vector_load_idx %arg15[%and3A_17, %get3A_1666] : memref<8x4096xf32, #tpu.memory_space<vmem>>[vector<16xi32>, vector<16xi32>], vector<16xf32>,
    %add3A_1668 = arith.addf %add3A_1662, %gather3A_1667 : vector<16xf32>
    %get3A_1669 = arith.constant 13 : i32
    %get3A_1670 = arith.index_cast %get3A_1669 : i32 to index
    %get3A_1671 = arith.constant 0 : index
    %get3A_1672 = tpu.vector_load %arg18[%get3A_1670, %get3A_1671] {strides = array<i32>} : memref<64x16xi32, #tpu.memory_space<vmem>>, vector<16xi32>,
    %gather3A_1673 = tpu.vector_load_idx %arg15[%and3A_17, %get3A_1672] : memref<8x4096xf32, #tpu.memory_space<vmem>>[vector<16xi32>, vector<16xi32>], vector<16xf32>,
    %add3A_1674 = arith.addf %add3A_1668, %gather3A_1673 : vector<16xf32>
    %get3A_1675 = arith.constant 14 : i32
    %get3A_1676 = arith.index_cast %get3A_1675 : i32 to index
    %get3A_1677 = arith.constant 0 : index
    %get3A_1678 = tpu.vector_load %arg18[%get3A_1676, %get3A_1677] {strides = array<i32>} : memref<64x16xi32, #tpu.memory_space<vmem>>, vector<16xi32>,
    %gather3A_1679 = tpu.vector_load_idx %arg15[%and3A_17, %get3A_1678] : memref<8x4096xf32, #tpu.memory_space<vmem>>[vector<16xi32>, vector<16xi32>], vector<16xf32>,
    %add3A_1680 = arith.addf %add3A_1674, %gather3A_1679 : vector<16xf32>
    %get3A_1681 = arith.constant 15 : i32
    %get3A_1682 = arith.index_cast %get3A_1681 : i32 to index
    %get3A_1683 = arith.constant 0 : index
    %get3A_1684 = tpu.vector_load %arg18[%get3A_1682, %get3A_1683] {strides = array<i32>} : memref<64x16xi32, #tpu.memory_space<vmem>>, vector<16xi32>,
    %gather3A_1685 = tpu.vector_load_idx %arg15[%and3A_17, %get3A_1684] : memref<8x4096xf32, #tpu.memory_space<vmem>>[vector<16xi32>, vector<16xi32>], vector<16xf32>,
    %add3A_1686 = arith.addf %add3A_1680, %gather3A_1685 : vector<16xf32>
    %get3A_1687 = arith.constant 16 : i32
    %get3A_1688 = arith.index_cast %get3A_1687 : i32 to index
    %get3A_1689 = arith.constant 0 : index
    %get3A_1690 = tpu.vector_load %arg18[%get3A_1688, %get3A_1689] {strides = array<i32>} : memref<64x16xi32, #tpu.memory_space<vmem>>, vector<16xi32>,
    %gather3A_1691 = tpu.vector_load_idx %arg15[%and3A_17, %get3A_1690] : memref<8x4096xf32, #tpu.memory_space<vmem>>[vector<16xi32>, vector<16xi32>], vector<16xf32>,
    %add3A_1692 = arith.addf %add3A_1686, %gather3A_1691 : vector<16xf32>
    %get3A_1693 = arith.constant 17 : i32
    %get3A_1694 = arith.index_cast %get3A_1693 : i32 to index
    %get3A_1695 = arith.constant 0 : index
    %get3A_1696 = tpu.vector_load %arg18[%get3A_1694, %get3A_1695] {strides = array<i32>} : memref<64x16xi32, #tpu.memory_space<vmem>>, vector<16xi32>,
    %gather3A_1697 = tpu.vector_load_idx %arg15[%and3A_17, %get3A_1696] : memref<8x4096xf32, #tpu.memory_space<vmem>>[vector<16xi32>, vector<16xi32>], vector<16xf32>,
    %add3A_1698 = arith.addf %add3A_1692, %gather3A_1697 : vector<16xf32>
    %get3A_1699 = arith.constant 18 : i32
    %get3A_1700 = arith.index_cast %get3A_1699 : i32 to index
    %get3A_1701 = arith.constant 0 : index
    %get3A_1702 = tpu.vector_load %arg18[%get3A_1700, %get3A_1701] {strides = array<i32>} : memref<64x16xi32, #tpu.memory_space<vmem>>, vector<16xi32>,
    %gather3A_1703 = tpu.vector_load_idx %arg15[%and3A_17, %get3A_1702] : memref<8x4096xf32, #tpu.memory_space<vmem>>[vector<16xi32>, vector<16xi32>], vector<16xf32>,
    %add3A_1704 = arith.addf %add3A_1698, %gather3A_1703 : vector<16xf32>
    %get3A_1705 = arith.constant 19 : i32
    %get3A_1706 = arith.index_cast %get3A_1705 : i32 to index
    %get3A_1707 = arith.constant 0 : index
    %get3A_1708 = tpu.vector_load %arg18[%get3A_1706, %get3A_1707] {strides = array<i32>} : memref<64x16xi32, #tpu.memory_space<vmem>>, vector<16xi32>,
    %gather3A_1709 = tpu.vector_load_idx %arg15[%and3A_17, %get3A_1708] : memref<8x4096xf32, #tpu.memory_space<vmem>>[vector<16xi32>, vector<16xi32>], vector<16xf32>,
    %add3A_1710 = arith.addf %add3A_1704, %gather3A_1709 : vector<16xf32>
    %get3A_1711 = arith.constant 20 : i32
    %get3A_1712 = arith.index_cast %get3A_1711 : i32 to index
    %get3A_1713 = arith.constant 0 : index
    %get3A_1714 = tpu.vector_load %arg18[%get3A_1712, %get3A_1713] {strides = array<i32>} : memref<64x16xi32, #tpu.memory_space<vmem>>, vector<16xi32>,
    %gather3A_1715 = tpu.vector_load_idx %arg15[%and3A_17, %get3A_1714] : memref<8x4096xf32, #tpu.memory_space<vmem>>[vector<16xi32>, vector<16xi32>], vector<16xf32>,
    %add3A_1716 = arith.addf %add3A_1710, %gather3A_1715 : vector<16xf32>
    %get3A_1717 = arith.constant 21 : i32
    %get3A_1718 = arith.index_cast %get3A_1717 : i32 to index
    %get3A_1719 = arith.constant 0 : index
    %get3A_1720 = tpu.vector_load %arg18[%get3A_1718, %get3A_1719] {strides = array<i32>} : memref<64x16xi32, #tpu.memory_space<vmem>>, vector<16xi32>,
    %gather3A_1721 = tpu.vector_load_idx %arg15[%and3A_17, %get3A_1720] : memref<8x4096xf32, #tpu.memory_space<vmem>>[vector<16xi32>, vector<16xi32>], vector<16xf32>,
    %add3A_1722 = arith.addf %add3A_1716, %gather3A_1721 : vector<16xf32>
    %get3A_1723 = arith.constant 22 : i32
    %get3A_1724 = arith.index_cast %get3A_1723 : i32 to index
    %get3A_1725 = arith.constant 0 : index
    %get3A_1726 = tpu.vector_load %arg18[%get3A_1724, %get3A_1725] {strides = array<i32>} : memref<64x16xi32, #tpu.memory_space<vmem>>, vector<16xi32>,
    %gather3A_1727 = tpu.vector_load_idx %arg15[%and3A_17, %get3A_1726] : memref<8x4096xf32, #tpu.memory_space<vmem>>[vector<16xi32>, vector<16xi32>], vector<16xf32>,
    %add3A_1728 = arith.addf %add3A_1722, %gather3A_1727 : vector<16xf32>
    %get3A_1729 = arith.constant 23 : i32
    %get3A_1730 = arith.index_cast %get3A_1729 : i32 to index
    %get3A_1731 = arith.constant 0 : index
    %get3A_1732 = tpu.vector_load %arg18[%get3A_1730, %get3A_1731] {strides = array<i32>} : memref<64x16xi32, #tpu.memory_space<vmem>>, vector<16xi32>,
    %gather3A_1733 = tpu.vector_load_idx %arg15[%and3A_17, %get3A_1732] : memref<8x4096xf32, #tpu.memory_space<vmem>>[vector<16xi32>, vector<16xi32>], vector<16xf32>,
    %add3A_1734 = arith.addf %add3A_1728, %gather3A_1733 : vector<16xf32>
    %get3A_1735 = arith.constant 24 : i32
    %get3A_1736 = arith.index_cast %get3A_1735 : i32 to index
    %get3A_1737 = arith.constant 0 : index
    %get3A_1738 = tpu.vector_load %arg18[%get3A_1736, %get3A_1737] {strides = array<i32>} : memref<64x16xi32, #tpu.memory_space<vmem>>, vector<16xi32>,
    %gather3A_1739 = tpu.vector_load_idx %arg15[%and3A_17, %get3A_1738] : memref<8x4096xf32, #tpu.memory_space<vmem>>[vector<16xi32>, vector<16xi32>], vector<16xf32>,
    %add3A_1740 = arith.addf %add3A_1734, %gather3A_1739 : vector<16xf32>
    %get3A_1741 = arith.constant 25 : i32
    %get3A_1742 = arith.index_cast %get3A_1741 : i32 to index
    %get3A_1743 = arith.constant 0 : index
    %get3A_1744 = tpu.vector_load %arg18[%get3A_1742, %get3A_1743] {strides = array<i32>} : memref<64x16xi32, #tpu.memory_space<vmem>>, vector<16xi32>,
    %gather3A_1745 = tpu.vector_load_idx %arg15[%and3A_17, %get3A_1744] : memref<8x4096xf32, #tpu.memory_space<vmem>>[vector<16xi32>, vector<16xi32>], vector<16xf32>,
    %add3A_1746 = arith.addf %add3A_1740, %gather3A_1745 : vector<16xf32>
    %get3A_1747 = arith.constant 26 : i32
    %get3A_1748 = arith.index_cast %get3A_1747 : i32 to index
    %get3A_1749 = arith.constant 0 : index
    %get3A_1750 = tpu.vector_load %arg18[%get3A_1748, %get3A_1749] {strides = array<i32>} : memref<64x16xi32, #tpu.memory_space<vmem>>, vector<16xi32>,
    %gather3A_1751 = tpu.vector_load_idx %arg15[%and3A_17, %get3A_1750] : memref<8x4096xf32, #tpu.memory_space<vmem>>[vector<16xi32>, vector<16xi32>], vector<16xf32>,
    %add3A_1752 = arith.addf %add3A_1746, %gather3A_1751 : vector<16xf32>
    %get3A_1753 = arith.constant 27 : i32
    %get3A_1754 = arith.index_cast %get3A_1753 : i32 to index
    %get3A_1755 = arith.constant 0 : index
    %get3A_1756 = tpu.vector_load %arg18[%get3A_1754, %get3A_1755] {strides = array<i32>} : memref<64x16xi32, #tpu.memory_space<vmem>>, vector<16xi32>,
    %gather3A_1757 = tpu.vector_load_idx %arg15[%and3A_17, %get3A_1756] : memref<8x4096xf32, #tpu.memory_space<vmem>>[vector<16xi32>, vector<16xi32>], vector<16xf32>,
    %add3A_1758 = arith.addf %add3A_1752, %gather3A_1757 : vector<16xf32>
    %get3A_1759 = arith.constant 28 : i32
    %get3A_1760 = arith.index_cast %get3A_1759 : i32 to index
    %get3A_1761 = arith.constant 0 : index
    %get3A_1762 = tpu.vector_load %arg18[%get3A_1760, %get3A_1761] {strides = array<i32>} : memref<64x16xi32, #tpu.memory_space<vmem>>, vector<16xi32>,
    %gather3A_1763 = tpu.vector_load_idx %arg15[%and3A_17, %get3A_1762] : memref<8x4096xf32, #tpu.memory_space<vmem>>[vector<16xi32>, vector<16xi32>], vector<16xf32>,
    %add3A_1764 = arith.addf %add3A_1758, %gather3A_1763 : vector<16xf32>
    %get3A_1765 = arith.constant 29 : i32
    %get3A_1766 = arith.index_cast %get3A_1765 : i32 to index
    %get3A_1767 = arith.constant 0 : index
    %get3A_1768 = tpu.vector_load %arg18[%get3A_1766, %get3A_1767] {strides = array<i32>} : memref<64x16xi32, #tpu.memory_space<vmem>>, vector<16xi32>,
    %gather3A_1769 = tpu.vector_load_idx %arg15[%and3A_17, %get3A_1768] : memref<8x4096xf32, #tpu.memory_space<vmem>>[vector<16xi32>, vector<16xi32>], vector<16xf32>,
    %add3A_1770 = arith.addf %add3A_1764, %gather3A_1769 : vector<16xf32>
    %get3A_1771 = arith.constant 30 : i32
    %get3A_1772 = arith.index_cast %get3A_1771 : i32 to index
    %get3A_1773 = arith.constant 0 : index
    %get3A_1774 = tpu.vector_load %arg18[%get3A_1772, %get3A_1773] {strides = array<i32>} : memref<64x16xi32, #tpu.memory_space<vmem>>, vector<16xi32>,
    %gather3A_1775 = tpu.vector_load_idx %arg15[%and3A_17, %get3A_1774] : memref<8x4096xf32, #tpu.memory_space<vmem>>[vector<16xi32>, vector<16xi32>], vector<16xf32>,
    %add3A_1776 = arith.addf %add3A_1770, %gather3A_1775 : vector<16xf32>
    %get3A_1777 = arith.constant 31 : i32
    %get3A_1778 = arith.index_cast %get3A_1777 : i32 to index
    %get3A_1779 = arith.constant 0 : index
    %get3A_1780 = tpu.vector_load %arg18[%get3A_1778, %get3A_1779] {strides = array<i32>} : memref<64x16xi32, #tpu.memory_space<vmem>>, vector<16xi32>,
    %gather3A_1781 = tpu.vector_load_idx %arg15[%and3A_17, %get3A_1780] : memref<8x4096xf32, #tpu.memory_space<vmem>>[vector<16xi32>, vector<16xi32>], vector<16xf32>,
    %add3A_1782 = arith.addf %add3A_1776, %gather3A_1781 : vector<16xf32>
    %get3A_1783 = arith.constant 32 : i32
    %get3A_1784 = arith.index_cast %get3A_1783 : i32 to index
    %get3A_1785 = arith.constant 0 : index
    %get3A_1786 = tpu.vector_load %arg18[%get3A_1784, %get3A_1785] {strides = array<i32>} : memref<64x16xi32, #tpu.memory_space<vmem>>, vector<16xi32>,
    %gather3A_1787 = tpu.vector_load_idx %arg15[%and3A_17, %get3A_1786] : memref<8x4096xf32, #tpu.memory_space<vmem>>[vector<16xi32>, vector<16xi32>], vector<16xf32>,
    %add3A_1788 = arith.addf %add3A_1782, %gather3A_1787 : vector<16xf32>
    %get3A_1789 = arith.constant 33 : i32
    %get3A_1790 = arith.index_cast %get3A_1789 : i32 to index
    %get3A_1791 = arith.constant 0 : index
    %get3A_1792 = tpu.vector_load %arg18[%get3A_1790, %get3A_1791] {strides = array<i32>} : memref<64x16xi32, #tpu.memory_space<vmem>>, vector<16xi32>,
    %gather3A_1793 = tpu.vector_load_idx %arg15[%and3A_17, %get3A_1792] : memref<8x4096xf32, #tpu.memory_space<vmem>>[vector<16xi32>, vector<16xi32>], vector<16xf32>,
    %add3A_1794 = arith.addf %add3A_1788, %gather3A_1793 : vector<16xf32>
    %get3A_1795 = arith.constant 34 : i32
    %get3A_1796 = arith.index_cast %get3A_1795 : i32 to index
    %get3A_1797 = arith.constant 0 : index
    %get3A_1798 = tpu.vector_load %arg18[%get3A_1796, %get3A_1797] {strides = array<i32>} : memref<64x16xi32, #tpu.memory_space<vmem>>, vector<16xi32>,
    %gather3A_1799 = tpu.vector_load_idx %arg15[%and3A_17, %get3A_1798] : memref<8x4096xf32, #tpu.memory_space<vmem>>[vector<16xi32>, vector<16xi32>], vector<16xf32>,
    %add3A_1800 = arith.addf %add3A_1794, %gather3A_1799 : vector<16xf32>
    %get3A_1801 = arith.constant 35 : i32
    %get3A_1802 = arith.index_cast %get3A_1801 : i32 to index
    %get3A_1803 = arith.constant 0 : index
    %get3A_1804 = tpu.vector_load %arg18[%get3A_1802, %get3A_1803] {strides = array<i32>} : memref<64x16xi32, #tpu.memory_space<vmem>>, vector<16xi32>,
    %gather3A_1805 = tpu.vector_load_idx %arg15[%and3A_17, %get3A_1804] : memref<8x4096xf32, #tpu.memory_space<vmem>>[vector<16xi32>, vector<16xi32>], vector<16xf32>,
    %add3A_1806 = arith.addf %add3A_1800, %gather3A_1805 : vector<16xf32>
    %get3A_1807 = arith.constant 36 : i32
    %get3A_1808 = arith.index_cast %get3A_1807 : i32 to index
    %get3A_1809 = arith.constant 0 : index
    %get3A_1810 = tpu.vector_load %arg18[%get3A_1808, %get3A_1809] {strides = array<i32>} : memref<64x16xi32, #tpu.memory_space<vmem>>, vector<16xi32>,
    %gather3A_1811 = tpu.vector_load_idx %arg15[%and3A_17, %get3A_1810] : memref<8x4096xf32, #tpu.memory_space<vmem>>[vector<16xi32>, vector<16xi32>], vector<16xf32>,
    %add3A_1812 = arith.addf %add3A_1806, %gather3A_1811 : vector<16xf32>
    %get3A_1813 = arith.constant 37 : i32
    %get3A_1814 = arith.index_cast %get3A_1813 : i32 to index
    %get3A_1815 = arith.constant 0 : index
    %get3A_1816 = tpu.vector_load %arg18[%get3A_1814, %get3A_1815] {strides = array<i32>} : memref<64x16xi32, #tpu.memory_space<vmem>>, vector<16xi32>,
    %gather3A_1817 = tpu.vector_load_idx %arg15[%and3A_17, %get3A_1816] : memref<8x4096xf32, #tpu.memory_space<vmem>>[vector<16xi32>, vector<16xi32>], vector<16xf32>,
    %add3A_1818 = arith.addf %add3A_1812, %gather3A_1817 : vector<16xf32>
    %get3A_1819 = arith.constant 38 : i32
    %get3A_1820 = arith.index_cast %get3A_1819 : i32 to index
    %get3A_1821 = arith.constant 0 : index
    %get3A_1822 = tpu.vector_load %arg18[%get3A_1820, %get3A_1821] {strides = array<i32>} : memref<64x16xi32, #tpu.memory_space<vmem>>, vector<16xi32>,
    %gather3A_1823 = tpu.vector_load_idx %arg15[%and3A_17, %get3A_1822] : memref<8x4096xf32, #tpu.memory_space<vmem>>[vector<16xi32>, vector<16xi32>], vector<16xf32>,
    %add3A_1824 = arith.addf %add3A_1818, %gather3A_1823 : vector<16xf32>
    %get3A_1825 = arith.constant 39 : i32
    %get3A_1826 = arith.index_cast %get3A_1825 : i32 to index
    %get3A_1827 = arith.constant 0 : index
    %get3A_1828 = tpu.vector_load %arg18[%get3A_1826, %get3A_1827] {strides = array<i32>} : memref<64x16xi32, #tpu.memory_space<vmem>>, vector<16xi32>,
    %gather3A_1829 = tpu.vector_load_idx %arg15[%and3A_17, %get3A_1828] : memref<8x4096xf32, #tpu.memory_space<vmem>>[vector<16xi32>, vector<16xi32>], vector<16xf32>,
    %add3A_1830 = arith.addf %add3A_1824, %gather3A_1829 : vector<16xf32>
    %get3A_1831 = arith.constant 40 : i32
    %get3A_1832 = arith.index_cast %get3A_1831 : i32 to index
    %get3A_1833 = arith.constant 0 : index
    %get3A_1834 = tpu.vector_load %arg18[%get3A_1832, %get3A_1833] {strides = array<i32>} : memref<64x16xi32, #tpu.memory_space<vmem>>, vector<16xi32>,
    %gather3A_1835 = tpu.vector_load_idx %arg15[%and3A_17, %get3A_1834] : memref<8x4096xf32, #tpu.memory_space<vmem>>[vector<16xi32>, vector<16xi32>], vector<16xf32>,
    %add3A_1836 = arith.addf %add3A_1830, %gather3A_1835 : vector<16xf32>
    %get3A_1837 = arith.constant 41 : i32
    %get3A_1838 = arith.index_cast %get3A_1837 : i32 to index
    %get3A_1839 = arith.constant 0 : index
    %get3A_1840 = tpu.vector_load %arg18[%get3A_1838, %get3A_1839] {strides = array<i32>} : memref<64x16xi32, #tpu.memory_space<vmem>>, vector<16xi32>,
    %gather3A_1841 = tpu.vector_load_idx %arg15[%and3A_17, %get3A_1840] : memref<8x4096xf32, #tpu.memory_space<vmem>>[vector<16xi32>, vector<16xi32>], vector<16xf32>,
    %add3A_1842 = arith.addf %add3A_1836, %gather3A_1841 : vector<16xf32>
    %get3A_1843 = arith.constant 42 : i32
    %get3A_1844 = arith.index_cast %get3A_1843 : i32 to index
    %get3A_1845 = arith.constant 0 : index
    %get3A_1846 = tpu.vector_load %arg18[%get3A_1844, %get3A_1845] {strides = array<i32>} : memref<64x16xi32, #tpu.memory_space<vmem>>, vector<16xi32>,
    %gather3A_1847 = tpu.vector_load_idx %arg15[%and3A_17, %get3A_1846] : memref<8x4096xf32, #tpu.memory_space<vmem>>[vector<16xi32>, vector<16xi32>], vector<16xf32>,
    %add3A_1848 = arith.addf %add3A_1842, %gather3A_1847 : vector<16xf32>
    %get3A_1849 = arith.constant 43 : i32
    %get3A_1850 = arith.index_cast %get3A_1849 : i32 to index
    %get3A_1851 = arith.constant 0 : index
    %get3A_1852 = tpu.vector_load %arg18[%get3A_1850, %get3A_1851] {strides = array<i32>} : memref<64x16xi32, #tpu.memory_space<vmem>>, vector<16xi32>,
    %gather3A_1853 = tpu.vector_load_idx %arg15[%and3A_17, %get3A_1852] : memref<8x4096xf32, #tpu.memory_space<vmem>>[vector<16xi32>, vector<16xi32>], vector<16xf32>,
    %add3A_1854 = arith.addf %add3A_1848, %gather3A_1853 : vector<16xf32>
    %get3A_1855 = arith.constant 44 : i32
    %get3A_1856 = arith.index_cast %get3A_1855 : i32 to index
    %get3A_1857 = arith.constant 0 : index
    %get3A_1858 = tpu.vector_load %arg18[%get3A_1856, %get3A_1857] {strides = array<i32>} : memref<64x16xi32, #tpu.memory_space<vmem>>, vector<16xi32>,
    %gather3A_1859 = tpu.vector_load_idx %arg15[%and3A_17, %get3A_1858] : memref<8x4096xf32, #tpu.memory_space<vmem>>[vector<16xi32>, vector<16xi32>], vector<16xf32>,
    %add3A_1860 = arith.addf %add3A_1854, %gather3A_1859 : vector<16xf32>
    %get3A_1861 = arith.constant 45 : i32
    %get3A_1862 = arith.index_cast %get3A_1861 : i32 to index
    %get3A_1863 = arith.constant 0 : index
    %get3A_1864 = tpu.vector_load %arg18[%get3A_1862, %get3A_1863] {strides = array<i32>} : memref<64x16xi32, #tpu.memory_space<vmem>>, vector<16xi32>,
    %gather3A_1865 = tpu.vector_load_idx %arg15[%and3A_17, %get3A_1864] : memref<8x4096xf32, #tpu.memory_space<vmem>>[vector<16xi32>, vector<16xi32>], vector<16xf32>,
    %add3A_1866 = arith.addf %add3A_1860, %gather3A_1865 : vector<16xf32>
    %get3A_1867 = arith.constant 46 : i32
    %get3A_1868 = arith.index_cast %get3A_1867 : i32 to index
    %get3A_1869 = arith.constant 0 : index
    %get3A_1870 = tpu.vector_load %arg18[%get3A_1868, %get3A_1869] {strides = array<i32>} : memref<64x16xi32, #tpu.memory_space<vmem>>, vector<16xi32>,
    %gather3A_1871 = tpu.vector_load_idx %arg15[%and3A_17, %get3A_1870] : memref<8x4096xf32, #tpu.memory_space<vmem>>[vector<16xi32>, vector<16xi32>], vector<16xf32>,
    %add3A_1872 = arith.addf %add3A_1866, %gather3A_1871 : vector<16xf32>
    %get3A_1873 = arith.constant 47 : i32
    %get3A_1874 = arith.index_cast %get3A_1873 : i32 to index
    %get3A_1875 = arith.constant 0 : index
    %get3A_1876 = tpu.vector_load %arg18[%get3A_1874, %get3A_1875] {strides = array<i32>} : memref<64x16xi32, #tpu.memory_space<vmem>>, vector<16xi32>,
    %gather3A_1877 = tpu.vector_load_idx %arg15[%and3A_17, %get3A_1876] : memref<8x4096xf32, #tpu.memory_space<vmem>>[vector<16xi32>, vector<16xi32>], vector<16xf32>,
    %add3A_1878 = arith.addf %add3A_1872, %gather3A_1877 : vector<16xf32>
    %get3A_1879 = arith.constant 48 : i32
    %get3A_1880 = arith.index_cast %get3A_1879 : i32 to index
    %get3A_1881 = arith.constant 0 : index
    %get3A_1882 = tpu.vector_load %arg18[%get3A_1880, %get3A_1881] {strides = array<i32>} : memref<64x16xi32, #tpu.memory_space<vmem>>, vector<16xi32>,
    %gather3A_1883 = tpu.vector_load_idx %arg15[%and3A_17, %get3A_1882] : memref<8x4096xf32, #tpu.memory_space<vmem>>[vector<16xi32>, vector<16xi32>], vector<16xf32>,
    %add3A_1884 = arith.addf %add3A_1878, %gather3A_1883 : vector<16xf32>
    %get3A_1885 = arith.constant 49 : i32
    %get3A_1886 = arith.index_cast %get3A_1885 : i32 to index
    %get3A_1887 = arith.constant 0 : index
    %get3A_1888 = tpu.vector_load %arg18[%get3A_1886, %get3A_1887] {strides = array<i32>} : memref<64x16xi32, #tpu.memory_space<vmem>>, vector<16xi32>,
    %gather3A_1889 = tpu.vector_load_idx %arg15[%and3A_17, %get3A_1888] : memref<8x4096xf32, #tpu.memory_space<vmem>>[vector<16xi32>, vector<16xi32>], vector<16xf32>,
    %add3A_1890 = arith.addf %add3A_1884, %gather3A_1889 : vector<16xf32>
    %get3A_1891 = arith.constant 50 : i32
    %get3A_1892 = arith.index_cast %get3A_1891 : i32 to index
    %get3A_1893 = arith.constant 0 : index
    %get3A_1894 = tpu.vector_load %arg18[%get3A_1892, %get3A_1893] {strides = array<i32>} : memref<64x16xi32, #tpu.memory_space<vmem>>, vector<16xi32>,
    %gather3A_1895 = tpu.vector_load_idx %arg15[%and3A_17, %get3A_1894] : memref<8x4096xf32, #tpu.memory_space<vmem>>[vector<16xi32>, vector<16xi32>], vector<16xf32>,
    %add3A_1896 = arith.addf %add3A_1890, %gather3A_1895 : vector<16xf32>
    %get3A_1897 = arith.constant 51 : i32
    %get3A_1898 = arith.index_cast %get3A_1897 : i32 to index
    %get3A_1899 = arith.constant 0 : index
    %get3A_1900 = tpu.vector_load %arg18[%get3A_1898, %get3A_1899] {strides = array<i32>} : memref<64x16xi32, #tpu.memory_space<vmem>>, vector<16xi32>,
    %gather3A_1901 = tpu.vector_load_idx %arg15[%and3A_17, %get3A_1900] : memref<8x4096xf32, #tpu.memory_space<vmem>>[vector<16xi32>, vector<16xi32>], vector<16xf32>,
    %add3A_1902 = arith.addf %add3A_1896, %gather3A_1901 : vector<16xf32>
    %get3A_1903 = arith.constant 52 : i32
    %get3A_1904 = arith.index_cast %get3A_1903 : i32 to index
    %get3A_1905 = arith.constant 0 : index
    %get3A_1906 = tpu.vector_load %arg18[%get3A_1904, %get3A_1905] {strides = array<i32>} : memref<64x16xi32, #tpu.memory_space<vmem>>, vector<16xi32>,
    %gather3A_1907 = tpu.vector_load_idx %arg15[%and3A_17, %get3A_1906] : memref<8x4096xf32, #tpu.memory_space<vmem>>[vector<16xi32>, vector<16xi32>], vector<16xf32>,
    %add3A_1908 = arith.addf %add3A_1902, %gather3A_1907 : vector<16xf32>
    %get3A_1909 = arith.constant 53 : i32
    %get3A_1910 = arith.index_cast %get3A_1909 : i32 to index
    %get3A_1911 = arith.constant 0 : index
    %get3A_1912 = tpu.vector_load %arg18[%get3A_1910, %get3A_1911] {strides = array<i32>} : memref<64x16xi32, #tpu.memory_space<vmem>>, vector<16xi32>,
    %gather3A_1913 = tpu.vector_load_idx %arg15[%and3A_17, %get3A_1912] : memref<8x4096xf32, #tpu.memory_space<vmem>>[vector<16xi32>, vector<16xi32>], vector<16xf32>,
    %add3A_1914 = arith.addf %add3A_1908, %gather3A_1913 : vector<16xf32>
    %get3A_1915 = arith.constant 54 : i32
    %get3A_1916 = arith.index_cast %get3A_1915 : i32 to index
    %get3A_1917 = arith.constant 0 : index
    %get3A_1918 = tpu.vector_load %arg18[%get3A_1916, %get3A_1917] {strides = array<i32>} : memref<64x16xi32, #tpu.memory_space<vmem>>, vector<16xi32>,
    %gather3A_1919 = tpu.vector_load_idx %arg15[%and3A_17, %get3A_1918] : memref<8x4096xf32, #tpu.memory_space<vmem>>[vector<16xi32>, vector<16xi32>], vector<16xf32>,
    %add3A_1920 = arith.addf %add3A_1914, %gather3A_1919 : vector<16xf32>
    %get3A_1921 = arith.constant 55 : i32
    %get3A_1922 = arith.index_cast %get3A_1921 : i32 to index
    %get3A_1923 = arith.constant 0 : index
    %get3A_1924 = tpu.vector_load %arg18[%get3A_1922, %get3A_1923] {strides = array<i32>} : memref<64x16xi32, #tpu.memory_space<vmem>>, vector<16xi32>,
    %gather3A_1925 = tpu.vector_load_idx %arg15[%and3A_17, %get3A_1924] : memref<8x4096xf32, #tpu.memory_space<vmem>>[vector<16xi32>, vector<16xi32>], vector<16xf32>,
    %add3A_1926 = arith.addf %add3A_1920, %gather3A_1925 : vector<16xf32>
    %get3A_1927 = arith.constant 56 : i32
    %get3A_1928 = arith.index_cast %get3A_1927 : i32 to index
    %get3A_1929 = arith.constant 0 : index
    %get3A_1930 = tpu.vector_load %arg18[%get3A_1928, %get3A_1929] {strides = array<i32>} : memref<64x16xi32, #tpu.memory_space<vmem>>, vector<16xi32>,
    %gather3A_1931 = tpu.vector_load_idx %arg15[%and3A_17, %get3A_1930] : memref<8x4096xf32, #tpu.memory_space<vmem>>[vector<16xi32>, vector<16xi32>], vector<16xf32>,
    %add3A_1932 = arith.addf %add3A_1926, %gather3A_1931 : vector<16xf32>
    %get3A_1933 = arith.constant 57 : i32
    %get3A_1934 = arith.index_cast %get3A_1933 : i32 to index
    %get3A_1935 = arith.constant 0 : index
    %get3A_1936 = tpu.vector_load %arg18[%get3A_1934, %get3A_1935] {strides = array<i32>} : memref<64x16xi32, #tpu.memory_space<vmem>>, vector<16xi32>,
    %gather3A_1937 = tpu.vector_load_idx %arg15[%and3A_17, %get3A_1936] : memref<8x4096xf32, #tpu.memory_space<vmem>>[vector<16xi32>, vector<16xi32>], vector<16xf32>,
    %add3A_1938 = arith.addf %add3A_1932, %gather3A_1937 : vector<16xf32>
    %get3A_1939 = arith.constant 58 : i32
    %get3A_1940 = arith.index_cast %get3A_1939 : i32 to index
    %get3A_1941 = arith.constant 0 : index
    %get3A_1942 = tpu.vector_load %arg18[%get3A_1940, %get3A_1941] {strides = array<i32>} : memref<64x16xi32, #tpu.memory_space<vmem>>, vector<16xi32>,
    %gather3A_1943 = tpu.vector_load_idx %arg15[%and3A_17, %get3A_1942] : memref<8x4096xf32, #tpu.memory_space<vmem>>[vector<16xi32>, vector<16xi32>], vector<16xf32>,
    %add3A_1944 = arith.addf %add3A_1938, %gather3A_1943 : vector<16xf32>
    %get3A_1945 = arith.constant 59 : i32
    %get3A_1946 = arith.index_cast %get3A_1945 : i32 to index
    %get3A_1947 = arith.constant 0 : index
    %get3A_1948 = tpu.vector_load %arg18[%get3A_1946, %get3A_1947] {strides = array<i32>} : memref<64x16xi32, #tpu.memory_space<vmem>>, vector<16xi32>,
    %gather3A_1949 = tpu.vector_load_idx %arg15[%and3A_17, %get3A_1948] : memref<8x4096xf32, #tpu.memory_space<vmem>>[vector<16xi32>, vector<16xi32>], vector<16xf32>,
    %add3A_1950 = arith.addf %add3A_1944, %gather3A_1949 : vector<16xf32>
    %get3A_1951 = arith.constant 60 : i32
    %get3A_1952 = arith.index_cast %get3A_1951 : i32 to index
    %get3A_1953 = arith.constant 0 : index
    %get3A_1954 = tpu.vector_load %arg18[%get3A_1952, %get3A_1953] {strides = array<i32>} : memref<64x16xi32, #tpu.memory_space<vmem>>, vector<16xi32>,
    %gather3A_1955 = tpu.vector_load_idx %arg15[%and3A_17, %get3A_1954] : memref<8x4096xf32, #tpu.memory_space<vmem>>[vector<16xi32>, vector<16xi32>], vector<16xf32>,
    %add3A_1956 = arith.addf %add3A_1950, %gather3A_1955 : vector<16xf32>
    %get3A_1957 = arith.constant 61 : i32
    %get3A_1958 = arith.index_cast %get3A_1957 : i32 to index
    %get3A_1959 = arith.constant 0 : index
    %get3A_1960 = tpu.vector_load %arg18[%get3A_1958, %get3A_1959] {strides = array<i32>} : memref<64x16xi32, #tpu.memory_space<vmem>>, vector<16xi32>,
    %gather3A_1961 = tpu.vector_load_idx %arg15[%and3A_17, %get3A_1960] : memref<8x4096xf32, #tpu.memory_space<vmem>>[vector<16xi32>, vector<16xi32>], vector<16xf32>,
    %add3A_1962 = arith.addf %add3A_1956, %gather3A_1961 : vector<16xf32>
    %get3A_1963 = arith.constant 62 : i32
    %get3A_1964 = arith.index_cast %get3A_1963 : i32 to index
    %get3A_1965 = arith.constant 0 : index
    %get3A_1966 = tpu.vector_load %arg18[%get3A_1964, %get3A_1965] {strides = array<i32>} : memref<64x16xi32, #tpu.memory_space<vmem>>, vector<16xi32>,
    %gather3A_1967 = tpu.vector_load_idx %arg15[%and3A_17, %get3A_1966] : memref<8x4096xf32, #tpu.memory_space<vmem>>[vector<16xi32>, vector<16xi32>], vector<16xf32>,
    %add3A_1968 = arith.addf %add3A_1962, %gather3A_1967 : vector<16xf32>
    %get3A_1969 = arith.constant 63 : i32
    %get3A_1970 = arith.index_cast %get3A_1969 : i32 to index
    %get3A_1971 = arith.constant 0 : index
    %get3A_1972 = tpu.vector_load %arg18[%get3A_1970, %get3A_1971] {strides = array<i32>} : memref<64x16xi32, #tpu.memory_space<vmem>>, vector<16xi32>,
    %gather3A_1973 = tpu.vector_load_idx %arg15[%and3A_17, %get3A_1972] : memref<8x4096xf32, #tpu.memory_space<vmem>>[vector<16xi32>, vector<16xi32>], vector<16xf32>,
    %add3A_1974 = arith.addf %add3A_1968, %gather3A_1973 : vector<16xf32>
    %select_n3A_1975 = arith.select %lt3A_19, %add3A_1586, %broadcast_in_dim3A_21 : vector<16xi1>, vector<16xf32>
    %select_n3A_1976 = arith.select %not3A_20, %add3A_1974, %broadcast_in_dim3A_21 : vector<16xi1>, vector<16xf32>
    %add3A_1977 = arith.addf %select_n3A_1975, %select_n3A_1976 : vector<16xf32>
    %swap3A_1978 = arith.constant 0 : index
    %swap3A_1979 = tpu.vector_load %arg23[%swap3A_1978] {strides = array<i32>} : memref<16xf32, #tpu.memory_space<vmem>>, vector<16xf32>,
    tpu.vector_store %arg23[%swap3A_1978], %add3A_1977 {strides = array<i32>} : memref<16xf32, #tpu.memory_space<vmem>>, vector<16xf32>,
    "tpu.region"() ({
      %run_scoped3A = tpu.sem_alloc : memref<!tpu.dma_semaphore, #tpu.memory_space<semaphore_mem>>
      %dma_start3A_1985 = tpu.memref_slice %arg11[%mul3A_2] : memref<512xf32, #tpu.memory_space<hbm>> -> memref<16xf32, #tpu.memory_space<hbm>>
      %dma_start3A_1986 = tpu.memref_slice %arg11[%mul3A_2] : memref<512xf32, #tpu.memory_space<hbm>> -> memref<16xf32, #tpu.memory_space<hbm>>
      tpu.enqueue_dma source(%arg23 : memref<16xf32, #tpu.memory_space<vmem>>) target(%dma_start3A_1986 : memref<16xf32, #tpu.memory_space<hbm>>) target_semaphore(%run_scoped3A : memref<!tpu.dma_semaphore, #tpu.memory_space<semaphore_mem>>)
      %dma_wait3A_1987 = tpu.memref_slice %arg11[%mul3A_2] : memref<512xf32, #tpu.memory_space<hbm>> -> memref<16xf32, #tpu.memory_space<hbm>>
      %dma_wait3A_1988 = tpu.memref_slice %arg11[%mul3A_2] : memref<512xf32, #tpu.memory_space<hbm>> -> memref<16xf32, #tpu.memory_space<hbm>>
      tpu.wait_dma2 semaphore(%run_scoped3A : memref<!tpu.dma_semaphore, #tpu.memory_space<semaphore_mem>>) src(%arg23 : memref<16xf32, #tpu.memory_space<vmem>>) dst(%dma_wait3A_1988 : memref<16xf32, #tpu.memory_space<hbm>>)
      tpu.yield
    }) : () -> ()
    %eq3A_1980 = arith.constant 0 : i32
    %eq3A_1981 = arith.cmpi eq, %add3A, %eq3A_1980 : i32
    %convert_element_type3A_1982 = arith.extui %eq3A_1981 : i1 to i32
    %cond3A_1983 = arith.constant 0 : i32
    %cond3A_1984 = arith.cmpi ne, %convert_element_type3A_1982, %cond3A_1983 : i32
    scf.if %cond3A_1984 {
      %dma_wait3A_1985 = arith.constant 0 : i32
      %dma_wait3A_1986 = arith.constant 0 : i32
      %dma_wait3A_1987 = tpu.memref_slice %arg3[%dma_wait3A_1985, %dma_wait3A_1986] : memref<4096x4096xf32, #tpu.memory_space<hbm>> -> memref<4096x4096xf32, #tpu.memory_space<hbm>>
      tpu.wait_indirect_dma semaphore(%arg25 : memref<!tpu.dma_semaphore, #tpu.memory_space<semaphore_mem>>) src(%dma_wait3A_1987 : memref<4096x4096xf32, #tpu.memory_space<hbm>>) dst(%arg16 : memref<8x4096xf32, #tpu.memory_space<vmem>>)
      %broadcast_in_dim3A_1988 = arith.constant 0 : i32
      %broadcast_in_dim3A_1989 = vector.broadcast %broadcast_in_dim3A_1988 : i32 to vector<16xi32>
      %get3A_1990 = arith.constant 0 : index
      %get3A_1991 = tpu.vector_load %arg22[%get3A_1990] {strides = array<i32>} : memref<256xi32, #tpu.memory_space<vmem>>, vector<16xi32>,
      %gather3A_1992 = tpu.vector_load_idx %arg16[%broadcast_in_dim3A_1989, %get3A_1991] : memref<8x4096xf32, #tpu.memory_space<vmem>>[vector<16xi32>, vector<16xi32>], vector<16xf32>,
      %add3A_1993 = arith.addf %broadcast_in_dim3A_21, %gather3A_1992 : vector<16xf32>
      %get3A_1994 = arith.constant 16 : index
      %get3A_1995 = tpu.vector_load %arg22[%get3A_1994] {strides = array<i32>} : memref<256xi32, #tpu.memory_space<vmem>>, vector<16xi32>,
      %gather3A_1996 = tpu.vector_load_idx %arg16[%broadcast_in_dim3A_1989, %get3A_1995] : memref<8x4096xf32, #tpu.memory_space<vmem>>[vector<16xi32>, vector<16xi32>], vector<16xf32>,
      %add3A_1997 = arith.addf %add3A_1993, %gather3A_1996 : vector<16xf32>
      %get3A_1998 = arith.constant 32 : index
      %get3A_1999 = tpu.vector_load %arg22[%get3A_1998] {strides = array<i32>} : memref<256xi32, #tpu.memory_space<vmem>>, vector<16xi32>,
      %gather3A_2000 = tpu.vector_load_idx %arg16[%broadcast_in_dim3A_1989, %get3A_1999] : memref<8x4096xf32, #tpu.memory_space<vmem>>[vector<16xi32>, vector<16xi32>], vector<16xf32>,
      %add3A_2001 = arith.addf %add3A_1997, %gather3A_2000 : vector<16xf32>
      %get3A_2002 = arith.constant 48 : index
      %get3A_2003 = tpu.vector_load %arg22[%get3A_2002] {strides = array<i32>} : memref<256xi32, #tpu.memory_space<vmem>>, vector<16xi32>,
      %gather3A_2004 = tpu.vector_load_idx %arg16[%broadcast_in_dim3A_1989, %get3A_2003] : memref<8x4096xf32, #tpu.memory_space<vmem>>[vector<16xi32>, vector<16xi32>], vector<16xf32>,
      %add3A_2005 = arith.addf %add3A_2001, %gather3A_2004 : vector<16xf32>
      %get3A_2006 = arith.constant 64 : index
      %get3A_2007 = tpu.vector_load %arg22[%get3A_2006] {strides = array<i32>} : memref<256xi32, #tpu.memory_space<vmem>>, vector<16xi32>,
      %gather3A_2008 = tpu.vector_load_idx %arg16[%broadcast_in_dim3A_1989, %get3A_2007] : memref<8x4096xf32, #tpu.memory_space<vmem>>[vector<16xi32>, vector<16xi32>], vector<16xf32>,
      %add3A_2009 = arith.addf %add3A_2005, %gather3A_2008 : vector<16xf32>
      %get3A_2010 = arith.constant 80 : index
      %get3A_2011 = tpu.vector_load %arg22[%get3A_2010] {strides = array<i32>} : memref<256xi32, #tpu.memory_space<vmem>>, vector<16xi32>,
      %gather3A_2012 = tpu.vector_load_idx %arg16[%broadcast_in_dim3A_1989, %get3A_2011] : memref<8x4096xf32, #tpu.memory_space<vmem>>[vector<16xi32>, vector<16xi32>], vector<16xf32>,
      %add3A_2013 = arith.addf %add3A_2009, %gather3A_2012 : vector<16xf32>
      %get3A_2014 = arith.constant 96 : index
      %get3A_2015 = tpu.vector_load %arg22[%get3A_2014] {strides = array<i32>} : memref<256xi32, #tpu.memory_space<vmem>>, vector<16xi32>,
      %gather3A_2016 = tpu.vector_load_idx %arg16[%broadcast_in_dim3A_1989, %get3A_2015] : memref<8x4096xf32, #tpu.memory_space<vmem>>[vector<16xi32>, vector<16xi32>], vector<16xf32>,
      %add3A_2017 = arith.addf %add3A_2013, %gather3A_2016 : vector<16xf32>
      %get3A_2018 = arith.constant 112 : index
      %get3A_2019 = tpu.vector_load %arg22[%get3A_2018] {strides = array<i32>} : memref<256xi32, #tpu.memory_space<vmem>>, vector<16xi32>,
      %gather3A_2020 = tpu.vector_load_idx %arg16[%broadcast_in_dim3A_1989, %get3A_2019] : memref<8x4096xf32, #tpu.memory_space<vmem>>[vector<16xi32>, vector<16xi32>], vector<16xf32>,
      %add3A_2021 = arith.addf %add3A_2017, %gather3A_2020 : vector<16xf32>
      %get3A_2022 = arith.constant 128 : index
      %get3A_2023 = tpu.vector_load %arg22[%get3A_2022] {strides = array<i32>} : memref<256xi32, #tpu.memory_space<vmem>>, vector<16xi32>,
      %gather3A_2024 = tpu.vector_load_idx %arg16[%broadcast_in_dim3A_1989, %get3A_2023] : memref<8x4096xf32, #tpu.memory_space<vmem>>[vector<16xi32>, vector<16xi32>], vector<16xf32>,
      %add3A_2025 = arith.addf %add3A_2021, %gather3A_2024 : vector<16xf32>
      %get3A_2026 = arith.constant 144 : index
      %get3A_2027 = tpu.vector_load %arg22[%get3A_2026] {strides = array<i32>} : memref<256xi32, #tpu.memory_space<vmem>>, vector<16xi32>,
      %gather3A_2028 = tpu.vector_load_idx %arg16[%broadcast_in_dim3A_1989, %get3A_2027] : memref<8x4096xf32, #tpu.memory_space<vmem>>[vector<16xi32>, vector<16xi32>], vector<16xf32>,
      %add3A_2029 = arith.addf %add3A_2025, %gather3A_2028 : vector<16xf32>
      %get3A_2030 = arith.constant 160 : index
      %get3A_2031 = tpu.vector_load %arg22[%get3A_2030] {strides = array<i32>} : memref<256xi32, #tpu.memory_space<vmem>>, vector<16xi32>,
      %gather3A_2032 = tpu.vector_load_idx %arg16[%broadcast_in_dim3A_1989, %get3A_2031] : memref<8x4096xf32, #tpu.memory_space<vmem>>[vector<16xi32>, vector<16xi32>], vector<16xf32>,
      %add3A_2033 = arith.addf %add3A_2029, %gather3A_2032 : vector<16xf32>
      %get3A_2034 = arith.constant 176 : index
      %get3A_2035 = tpu.vector_load %arg22[%get3A_2034] {strides = array<i32>} : memref<256xi32, #tpu.memory_space<vmem>>, vector<16xi32>,
      %gather3A_2036 = tpu.vector_load_idx %arg16[%broadcast_in_dim3A_1989, %get3A_2035] : memref<8x4096xf32, #tpu.memory_space<vmem>>[vector<16xi32>, vector<16xi32>], vector<16xf32>,
      %add3A_2037 = arith.addf %add3A_2033, %gather3A_2036 : vector<16xf32>
      %get3A_2038 = arith.constant 192 : index
      %get3A_2039 = tpu.vector_load %arg22[%get3A_2038] {strides = array<i32>} : memref<256xi32, #tpu.memory_space<vmem>>, vector<16xi32>,
      %gather3A_2040 = tpu.vector_load_idx %arg16[%broadcast_in_dim3A_1989, %get3A_2039] : memref<8x4096xf32, #tpu.memory_space<vmem>>[vector<16xi32>, vector<16xi32>], vector<16xf32>,
      %add3A_2041 = arith.addf %add3A_2037, %gather3A_2040 : vector<16xf32>
      %get3A_2042 = arith.constant 208 : index
      %get3A_2043 = tpu.vector_load %arg22[%get3A_2042] {strides = array<i32>} : memref<256xi32, #tpu.memory_space<vmem>>, vector<16xi32>,
      %gather3A_2044 = tpu.vector_load_idx %arg16[%broadcast_in_dim3A_1989, %get3A_2043] : memref<8x4096xf32, #tpu.memory_space<vmem>>[vector<16xi32>, vector<16xi32>], vector<16xf32>,
      %add3A_2045 = arith.addf %add3A_2041, %gather3A_2044 : vector<16xf32>
      %get3A_2046 = arith.constant 224 : index
      %get3A_2047 = tpu.vector_load %arg22[%get3A_2046] {strides = array<i32>} : memref<256xi32, #tpu.memory_space<vmem>>, vector<16xi32>,
      %gather3A_2048 = tpu.vector_load_idx %arg16[%broadcast_in_dim3A_1989, %get3A_2047] : memref<8x4096xf32, #tpu.memory_space<vmem>>[vector<16xi32>, vector<16xi32>], vector<16xf32>,
      %add3A_2049 = arith.addf %add3A_2045, %gather3A_2048 : vector<16xf32>
      %get3A_2050 = arith.constant 240 : index
      %get3A_2051 = tpu.vector_load %arg22[%get3A_2050] {strides = array<i32>} : memref<256xi32, #tpu.memory_space<vmem>>, vector<16xi32>,
      %gather3A_2052 = tpu.vector_load_idx %arg16[%broadcast_in_dim3A_1989, %get3A_2051] : memref<8x4096xf32, #tpu.memory_space<vmem>>[vector<16xi32>, vector<16xi32>], vector<16xf32>,
      %add3A_2053 = arith.addf %add3A_2049, %gather3A_2052 : vector<16xf32>
      %reduce_sum3A = arith.constant true
      %reduce_sum3A_2054 = vector.broadcast %reduce_sum3A : i1 to vector<16xi1>
      %reduce_sum3A_2055 = tpu.scan <sum>, %add3A_2053 masked %reduce_sum3A_2054 : vector<16xf32>, vector<16xi1> -> vector<16xf32>
      %reduce_sum3A_2056 = vector.extract %reduce_sum3A_2055[15] : f32 from vector<16xf32>
      %broadcast_in_dim3A_2057 = vector.broadcast %reduce_sum3A_2056 : f32 to vector<16xf32>
      %swap3A_2058 = arith.constant 0 : index
      %swap3A_2059 = tpu.vector_load %arg23[%swap3A_2058] {strides = array<i32>} : memref<16xf32, #tpu.memory_space<vmem>>, vector<16xf32>,
      tpu.vector_store %arg23[%swap3A_2058], %broadcast_in_dim3A_2057 {strides = array<i32>} : memref<16xf32, #tpu.memory_space<vmem>>, vector<16xf32>,
      "tpu.region"() ({
        %run_scoped3A = tpu.sem_alloc : memref<!tpu.dma_semaphore, #tpu.memory_space<semaphore_mem>>
        tpu.enqueue_dma source(%arg23 : memref<16xf32, #tpu.memory_space<vmem>>) target(%arg14 : memref<16xf32, #tpu.memory_space<hbm>>) target_semaphore(%run_scoped3A : memref<!tpu.dma_semaphore, #tpu.memory_space<semaphore_mem>>)
        tpu.wait_dma2 semaphore(%run_scoped3A : memref<!tpu.dma_semaphore, #tpu.memory_space<semaphore_mem>>) src(%arg23 : memref<16xf32, #tpu.memory_space<vmem>>) dst(%arg14 : memref<16xf32, #tpu.memory_space<hbm>>)
        tpu.yield
      }) : () -> ()
    } else {
    }
    return
  }
}

module attributes {stable_mosaic.version = 14 : i64} {
  func.func @_ape_body(%arg0: i32, %arg1: memref<2048x256xf32, #tpu.memory_space<vmem>>, %arg2: memref<2048x256xf32, #tpu.memory_space<vmem>>, %arg3: memref<2048x256xf32, #tpu.memory_space<vmem>>, %arg4: memref<1x256xi32, #tpu.memory_space<vmem>>, %arg5: memref<1xi32, #tpu.memory_space<smem>>, %arg6: memref<1x1xf32, #tpu.memory_space<smem>>, %arg7: memref<1x1xf32, #tpu.memory_space<smem>>, %arg8: memref<1x1xf32, #tpu.memory_space<smem>>, %arg9: memref<256x256xf32, #tpu.memory_space<vmem>>, %arg10: memref<1x256xf32, #tpu.memory_space<vmem>>) attributes {dimension_semantics = [#tpu.dimension_semantics<arbitrary>], iteration_bounds = array<i64: 10>, scalar_prefetch = 0 : i64, scratch_operands = 2 : i64, tpu.core_type = #tpu.core_type<tc>, window_params = [{transform_indices = @transform_0, window_bounds = array<i64: 2048, 256>}, {transform_indices = @transform_1, window_bounds = array<i64: 2048, 256>}, {transform_indices = @transform_2, window_bounds = array<i64: 2048, 256>}, {pipeline_mode = #tpu.pipeline_mode<synchronous>, transform_indices = @transform_3, window_bounds = array<i64: 1, 256>}, {transform_indices = @transform_4, window_bounds = array<i64: 1>}, {transform_indices = @transform_5, window_bounds = array<i64: 1, 1>}, {transform_indices = @transform_6, window_bounds = array<i64: 1, 1>}, {transform_indices = @transform_7, window_bounds = array<i64: 1, 1>}]} {
    %eq3A = arith.constant 0 : i32
    %eq3A_0 = arith.cmpi eq, %arg0, %eq3A : i32
    %convert_element_type3A = arith.extui %eq3A_0 : i1 to i32
    %cond3A = arith.constant 0 : i32
    %cond3A_1 = arith.cmpi ne, %convert_element_type3A, %cond3A : i32
    scf.if %cond3A_1 {
      %swap3A = arith.constant 0.000000e+00 : f32
      %swap3A_15 = arith.constant 0 : index
      %swap3A_16 = arith.constant 0 : index
      %swap3A_17 = memref.load %arg6[%swap3A_15, %swap3A_16] : memref<1x1xf32, #tpu.memory_space<smem>>
      memref.store %swap3A, %arg6[%swap3A_15, %swap3A_16] : memref<1x1xf32, #tpu.memory_space<smem>>
      %swap3A_18 = arith.constant 0.000000e+00 : f32
      %swap3A_19 = arith.constant 0 : index
      %swap3A_20 = arith.constant 0 : index
      %swap3A_21 = memref.load %arg7[%swap3A_19, %swap3A_20] : memref<1x1xf32, #tpu.memory_space<smem>>
      memref.store %swap3A_18, %arg7[%swap3A_19, %swap3A_20] : memref<1x1xf32, #tpu.memory_space<smem>>
      %broadcast_in_dim3A = arith.constant 0.000000e+00 : f32
      %broadcast_in_dim3A_22 = vector.broadcast %broadcast_in_dim3A : f32 to vector<256x256xf32>
      %swap3A_23 = arith.constant 0 : index
      %swap3A_24 = arith.constant 0 : index
      %swap3A_25 = vector.load %arg9[%swap3A_23, %swap3A_24] : memref<256x256xf32, #tpu.memory_space<vmem>>, vector<256x256xf32>
      tpu.vector_store %arg9[%swap3A_23, %swap3A_24], %broadcast_in_dim3A_22 {strides = array<i32>} : memref<256x256xf32, #tpu.memory_space<vmem>>, vector<256x256xf32>,
      %broadcast_in_dim3A_26 = arith.constant 0.000000e+00 : f32
      %broadcast_in_dim3A_27 = vector.broadcast %broadcast_in_dim3A_26 : f32 to vector<1x256xf32>
      %swap3A_28 = arith.constant 0 : index
      %swap3A_29 = arith.constant 0 : index
      %swap3A_30 = vector.load %arg10[%swap3A_28, %swap3A_29] : memref<1x256xf32, #tpu.memory_space<vmem>>, vector<1x256xf32>
      tpu.vector_store %arg10[%swap3A_28, %swap3A_29], %broadcast_in_dim3A_27 {strides = array<i32>} : memref<1x256xf32, #tpu.memory_space<vmem>>, vector<1x256xf32>,
    } else {
    }
    %lt3A = arith.constant 8 : i32
    %lt3A_2 = arith.cmpi slt, %arg0, %lt3A : i32
    %convert_element_type3A_3 = arith.extui %lt3A_2 : i1 to i32
    %cond3A_4 = arith.constant 0 : i32
    %cond3A_5 = arith.cmpi ne, %convert_element_type3A_3, %cond3A_4 : i32
    scf.if %cond3A_5 {
      %get3A = arith.constant 0 : index
      %get3A_15 = arith.constant 0 : index
      %get3A_16 = vector.load %arg1[%get3A, %get3A_15] : memref<2048x256xf32, #tpu.memory_space<vmem>>, vector<2048x256xf32>
      %get3A_17 = arith.constant 0 : index
      %get3A_18 = arith.constant 0 : index
      %get3A_19 = vector.load %arg2[%get3A_17, %get3A_18] : memref<2048x256xf32, #tpu.memory_space<vmem>>, vector<2048x256xf32>
      %sub3A = arith.subf %get3A_16, %get3A_19 : vector<2048x256xf32>
      %get3A_20 = arith.constant 0 : index
      %get3A_21 = arith.constant 0 : index
      %get3A_22 = memref.load %arg6[%get3A_20, %get3A_21] : memref<1x1xf32, #tpu.memory_space<smem>>
      %mul3A = arith.mulf %sub3A, %sub3A : vector<2048x256xf32>
      %reduce_sum3A = vector.shape_cast %mul3A : vector<2048x256xf32> to vector<1x2048x256xf32>
      %reduce_sum3A_23 = arith.constant dense<0.000000e+00> : vector<1xf32>
      %reduce_sum3A_24 = vector.multi_reduction <add>, %reduce_sum3A, %reduce_sum3A_23 [1, 2] : vector<1x2048x256xf32> to vector<1xf32>
      %reduce_sum3A_25 = vector.shape_cast %reduce_sum3A_24 : vector<1xf32> to vector<1x1x1xf32>
      %reduce_sum3A_26 = vector.extract %reduce_sum3A_25[0, 0, 0] : f32 from vector<1x1x1xf32>
      %add3A = arith.addf %get3A_22, %reduce_sum3A_26 : f32
      %swap3A = arith.constant 0 : index
      %swap3A_27 = arith.constant 0 : index
      %swap3A_28 = memref.load %arg6[%swap3A, %swap3A_27] : memref<1x1xf32, #tpu.memory_space<smem>>
      memref.store %add3A, %arg6[%swap3A, %swap3A_27] : memref<1x1xf32, #tpu.memory_space<smem>>
    } else {
    }
    %ge3A = arith.constant 8 : i32
    %ge3A_6 = arith.cmpi sge, %arg0, %ge3A : i32
    %convert_element_type3A_7 = arith.extui %ge3A_6 : i1 to i32
    %cond3A_8 = arith.constant 0 : i32
    %cond3A_9 = arith.cmpi ne, %convert_element_type3A_7, %cond3A_8 : i32
    scf.if %cond3A_9 {
      %get3A = arith.constant 0 : index
      %get3A_15 = arith.constant 0 : index
      %get3A_16 = vector.load %arg3[%get3A, %get3A_15] : memref<2048x256xf32, #tpu.memory_space<vmem>>, vector<2048x256xf32>
      %max3A = arith.constant 0.000000e+00 : f32
      %max3A_17 = vector.broadcast %max3A : f32 to vector<2048x256xf32>
      %max3A_18 = arith.maximumf %get3A_16, %max3A_17 : vector<2048x256xf32>
      %get3A_19 = arith.constant 0 : index
      %get3A_20 = arith.constant 0 : index
      %get3A_21 = memref.load %arg7[%get3A_19, %get3A_20] : memref<1x1xf32, #tpu.memory_space<smem>>
      %mul3A = arith.mulf %max3A_18, %max3A_18 : vector<2048x256xf32>
      %reduce_sum3A = vector.shape_cast %mul3A : vector<2048x256xf32> to vector<1x2048x256xf32>
      %reduce_sum3A_22 = arith.constant dense<0.000000e+00> : vector<1xf32>
      %reduce_sum3A_23 = vector.multi_reduction <add>, %reduce_sum3A, %reduce_sum3A_22 [1, 2] : vector<1x2048x256xf32> to vector<1xf32>
      %reduce_sum3A_24 = vector.shape_cast %reduce_sum3A_23 : vector<1xf32> to vector<1x1x1xf32>
      %reduce_sum3A_25 = vector.extract %reduce_sum3A_24[0, 0, 0] : f32 from vector<1x1x1xf32>
      %add3A = arith.addf %get3A_21, %reduce_sum3A_25 : f32
      %swap3A = arith.constant 0 : index
      %swap3A_26 = arith.constant 0 : index
      %swap3A_27 = memref.load %arg7[%swap3A, %swap3A_26] : memref<1x1xf32, #tpu.memory_space<smem>>
      memref.store %add3A, %arg7[%swap3A, %swap3A_26] : memref<1x1xf32, #tpu.memory_space<smem>>
      %sub3A = arith.constant 8 : i32
      %sub3A_28 = arith.subi %arg0, %sub3A : i32
      %mul3A_29 = arith.constant 2048 : i32
      %mul3A_30 = arith.muli %sub3A_28, %mul3A_29 : i32
      %get3A_31 = arith.constant 0 : index
      %get3A_32 = arith.constant 0 : index
      %get3A_33 = vector.load %arg4[%get3A_31, %get3A_32] : memref<1x256xi32, #tpu.memory_space<vmem>>, vector<1x256xi32>
      %get3A_34 = vector.shape_cast %get3A_33 : vector<1x256xi32> to vector<256xi32>
      %iota3A = tpu.iota {dimensions = array<i32: 0>} : vector<2048x256xi32>
      %add3A_35 = vector.broadcast %mul3A_30 : i32 to vector<2048x256xi32>
      %add3A_36 = arith.addi %iota3A, %add3A_35 : vector<2048x256xi32>
      %broadcast_in_dim3A = vector.shape_cast %get3A_34 : vector<256xi32> to vector<1x256xi32>
      %eq3A_37 = vector.broadcast %broadcast_in_dim3A : vector<1x256xi32> to vector<2048x256xi32>
      %eq3A_38 = arith.cmpi eq, %add3A_36, %eq3A_37 : vector<2048x256xi32>
      %convert_element_type3A_39 = arith.extui %eq3A_38 : vector<2048x256xi1> to vector<2048x256xi32>
      %convert_element_type3A_40 = arith.sitofp %convert_element_type3A_39 : vector<2048x256xi32> to vector<2048x256xf32>
      %get3A_41 = arith.constant 0 : index
      %get3A_42 = arith.constant 0 : index
      %get3A_43 = vector.load %arg9[%get3A_41, %get3A_42] : memref<256x256xf32, #tpu.memory_space<vmem>>, vector<256x256xf32>
      %dot_general3A = arith.constant dense<0.000000e+00> : vector<256x256xf32>
      %dot_general3A_44 = tpu.matmul %convert_element_type3A_40, %get3A_16, %dot_general3A {dimension_numbers = #tpu.dot_dimension_numbers<[0], [0], [1], [1], [0, 1, 1, 1], [], []>, transpose_lhs_hint = false} : vector<2048x256xf32>, vector<2048x256xf32>, vector<256x256xf32> -> vector<256x256xf32>
      %add3A_45 = arith.addf %get3A_43, %dot_general3A_44 : vector<256x256xf32>
      %swap3A_46 = arith.constant 0 : index
      %swap3A_47 = arith.constant 0 : index
      %swap3A_48 = vector.load %arg9[%swap3A_46, %swap3A_47] : memref<256x256xf32, #tpu.memory_space<vmem>>, vector<256x256xf32>
      tpu.vector_store %arg9[%swap3A_46, %swap3A_47], %add3A_45 {strides = array<i32>} : memref<256x256xf32, #tpu.memory_space<vmem>>, vector<256x256xf32>,
      %get3A_49 = arith.constant 0 : index
      %get3A_50 = memref.load %arg5[%get3A_49] : memref<1xi32, #tpu.memory_space<smem>>
      %iota3A_51 = tpu.iota {dimensions = array<i32: 0>} : vector<2048x1xi32>
      %add3A_52 = vector.broadcast %mul3A_30 : i32 to vector<2048x1xi32>
      %add3A_53 = arith.addi %iota3A_51, %add3A_52 : vector<2048x1xi32>
      %eq3A_54 = vector.broadcast %get3A_50 : i32 to vector<2048x1xi32>
      %eq3A_55 = arith.cmpi eq, %add3A_53, %eq3A_54 : vector<2048x1xi32>
      %convert_element_type3A_56 = arith.extui %eq3A_55 : vector<2048x1xi1> to vector<2048x1xi32>
      %convert_element_type3A_57 = arith.sitofp %convert_element_type3A_56 : vector<2048x1xi32> to vector<2048x1xf32>
      %get3A_58 = arith.constant 0 : index
      %get3A_59 = arith.constant 0 : index
      %get3A_60 = vector.load %arg10[%get3A_58, %get3A_59] : memref<1x256xf32, #tpu.memory_space<vmem>>, vector<1x256xf32>
      %dot_general3A_61 = arith.constant dense<0.000000e+00> : vector<1x256xf32>
      %dot_general3A_62 = tpu.matmul %convert_element_type3A_57, %get3A_16, %dot_general3A_61 {dimension_numbers = #tpu.dot_dimension_numbers<[0], [0], [1], [1], [0, 1, 1, 1], [], []>, transpose_lhs_hint = false} : vector<2048x1xf32>, vector<2048x256xf32>, vector<1x256xf32> -> vector<1x256xf32>
      %add3A_63 = arith.addf %get3A_60, %dot_general3A_62 : vector<1x256xf32>
      %swap3A_64 = arith.constant 0 : index
      %swap3A_65 = arith.constant 0 : index
      %swap3A_66 = vector.load %arg10[%swap3A_64, %swap3A_65] : memref<1x256xf32, #tpu.memory_space<vmem>>, vector<1x256xf32>
      tpu.vector_store %arg10[%swap3A_64, %swap3A_65], %add3A_63 {strides = array<i32>} : memref<1x256xf32, #tpu.memory_space<vmem>>, vector<1x256xf32>,
    } else {
    }
    %eq3A_10 = arith.constant 9 : i32
    %eq3A_11 = arith.cmpi eq, %arg0, %eq3A_10 : i32
    %convert_element_type3A_12 = arith.extui %eq3A_11 : i1 to i32
    %cond3A_13 = arith.constant 0 : i32
    %cond3A_14 = arith.cmpi ne, %convert_element_type3A_12, %cond3A_13 : i32
    scf.if %cond3A_14 {
      %get3A = arith.constant 0 : index
      %get3A_15 = arith.constant 0 : index
      %get3A_16 = vector.load %arg9[%get3A, %get3A_15] : memref<256x256xf32, #tpu.memory_space<vmem>>, vector<256x256xf32>
      %get3A_17 = arith.constant 0 : index
      %get3A_18 = arith.constant 0 : index
      %get3A_19 = vector.load %arg10[%get3A_17, %get3A_18] : memref<1x256xf32, #tpu.memory_space<vmem>>, vector<1x256xf32>
      %sub3A = vector.broadcast %get3A_19 : vector<1x256xf32> to vector<256x256xf32>
      %sub3A_20 = arith.subf %get3A_16, %sub3A : vector<256x256xf32>
      %mul3A = arith.mulf %sub3A_20, %sub3A_20 : vector<256x256xf32>
      %reduce_sum3A = vector.shape_cast %mul3A : vector<256x256xf32> to vector<1x256x256xf32>
      %reduce_sum3A_21 = arith.constant dense<0.000000e+00> : vector<1xf32>
      %reduce_sum3A_22 = vector.multi_reduction <add>, %reduce_sum3A, %reduce_sum3A_21 [1, 2] : vector<1x256x256xf32> to vector<1xf32>
      %reduce_sum3A_23 = vector.shape_cast %reduce_sum3A_22 : vector<1xf32> to vector<1x1x1xf32>
      %reduce_sum3A_24 = vector.extract %reduce_sum3A_23[0, 0, 0] : f32 from vector<1x1x1xf32>
      %swap3A = arith.constant 0 : index
      %swap3A_25 = arith.constant 0 : index
      %swap3A_26 = memref.load %arg8[%swap3A, %swap3A_25] : memref<1x1xf32, #tpu.memory_space<smem>>
      memref.store %reduce_sum3A_24, %arg8[%swap3A, %swap3A_25] : memref<1x1xf32, #tpu.memory_space<smem>>
    } else {
    }
    return
  }
  func.func @transform_0(%arg0: i32) -> (i32, i32) {
    %lt3A = arith.constant 8 : i32
    %lt3A_0 = arith.cmpi slt, %arg0, %lt3A : i32
    %jit3A = arith.constant 7 : i32
    %select_n3A = arith.select %lt3A_0, %arg0, %jit3A : i32
    %c0_i32 = arith.constant 0 : i32
    %c0_i32_1 = arith.constant 0 : i32
    return %select_n3A, %c0_i32 : i32, i32
  }
  func.func @transform_1(%arg0: i32) -> (i32, i32) {
    %lt3A = arith.constant 8 : i32
    %lt3A_0 = arith.cmpi slt, %arg0, %lt3A : i32
    %jit3A = arith.constant 7 : i32
    %select_n3A = arith.select %lt3A_0, %arg0, %jit3A : i32
    %c0_i32 = arith.constant 0 : i32
    %c0_i32_1 = arith.constant 0 : i32
    return %select_n3A, %c0_i32 : i32, i32
  }
  func.func @transform_2(%arg0: i32) -> (i32, i32) {
    %lt3A = arith.constant 8 : i32
    %lt3A_0 = arith.cmpi slt, %arg0, %lt3A : i32
    %sub3A = arith.constant 8 : i32
    %sub3A_1 = arith.subi %arg0, %sub3A : i32
    %jit3A = arith.constant 0 : i32
    %select_n3A = arith.select %lt3A_0, %jit3A, %sub3A_1 : i32
    %c0_i32 = arith.constant 0 : i32
    %c0_i32_2 = arith.constant 0 : i32
    return %select_n3A, %c0_i32 : i32, i32
  }
  func.func @transform_3(%arg0: i32) -> (i32, i32) {
    %c0_i32 = arith.constant 0 : i32
    %c0_i32_0 = arith.constant 0 : i32
    %c0_i32_1 = arith.constant 0 : i32
    return %c0_i32, %c0_i32_0 : i32, i32
  }
  func.func @transform_4(%arg0: i32) -> i32 {
    %c0_i32 = arith.constant 0 : i32
    %c0_i32_0 = arith.constant 0 : i32
    return %c0_i32 : i32
  }
  func.func @transform_5(%arg0: i32) -> (i32, i32) {
    %c0_i32 = arith.constant 0 : i32
    %c0_i32_0 = arith.constant 0 : i32
    %c0_i32_1 = arith.constant 0 : i32
    return %c0_i32, %c0_i32_0 : i32, i32
  }
  func.func @transform_6(%arg0: i32) -> (i32, i32) {
    %c0_i32 = arith.constant 0 : i32
    %c0_i32_0 = arith.constant 0 : i32
    %c0_i32_1 = arith.constant 0 : i32
    return %c0_i32, %c0_i32_0 : i32, i32
  }
  func.func @transform_7(%arg0: i32) -> (i32, i32) {
    %c0_i32 = arith.constant 0 : i32
    %c0_i32_0 = arith.constant 0 : i32
    %c0_i32_1 = arith.constant 0 : i32
    return %c0_i32, %c0_i32_0 : i32, i32
  }
}

module attributes {stable_mosaic.version = 14 : i64} {
  func.func @_combine_body(%arg0: memref<1x1xf32, #tpu.memory_space<smem>>, %arg1: memref<1x1xf32, #tpu.memory_space<smem>>, %arg2: memref<1x1xf32, #tpu.memory_space<smem>>, %arg3: memref<1x1xf32, #tpu.memory_space<smem>>, %arg4: memref<1x16xf32, #tpu.memory_space<smem>>, %arg5: memref<1x1xf32, #tpu.memory_space<smem>>, %arg6: memref<1x512xf32, #tpu.memory_space<vmem>>, %arg7: memref<1x512xf32, #tpu.memory_space<vmem>>, %arg8: memref<1x512xf32, #tpu.memory_space<vmem>>, %arg9: memref<1x512xf32, #tpu.memory_space<vmem>>, %arg10: memref<1x1xf32, #tpu.memory_space<smem>>) attributes {dimension_semantics = [], scalar_prefetch = 0 : i64, scratch_operands = 0 : i64, tpu.core_type = #tpu.core_type<tc>} {
    %get3A = arith.constant 0 : index
    %get3A_0 = arith.constant 0 : index
    %get3A_1 = vector.load %arg9[%get3A, %get3A_0] : memref<1x512xf32, #tpu.memory_space<vmem>>, vector<1x512xf32>
    %mul3A = arith.constant 6.400000e+01 : f32
    %mul3A_2 = vector.broadcast %mul3A : f32 to vector<1x512xf32>
    %mul3A_3 = arith.mulf %mul3A_2, %get3A_1 : vector<1x512xf32>
    %get3A_4 = arith.constant 0 : index
    %get3A_5 = arith.constant 0 : index
    %get3A_6 = vector.load %arg7[%get3A_4, %get3A_5] : memref<1x512xf32, #tpu.memory_space<vmem>>, vector<1x512xf32>
    %mul3A_7 = arith.constant 2.000000e+00 : f32
    %mul3A_8 = vector.broadcast %mul3A_7 : f32 to vector<1x512xf32>
    %mul3A_9 = arith.mulf %mul3A_8, %get3A_6 : vector<1x512xf32>
    %sub3A = arith.subf %mul3A_3, %mul3A_9 : vector<1x512xf32>
    %get3A_10 = arith.constant 0 : index
    %get3A_11 = arith.constant 0 : index
    %get3A_12 = vector.load %arg8[%get3A_10, %get3A_11] : memref<1x512xf32, #tpu.memory_space<vmem>>, vector<1x512xf32>
    %add3A = arith.addf %sub3A, %get3A_12 : vector<1x512xf32>
    %max3A = arith.constant 0.000000e+00 : f32
    %max3A_13 = vector.broadcast %max3A : f32 to vector<1x512xf32>
    %max3A_14 = arith.maximumf %add3A, %max3A_13 : vector<1x512xf32>
    %sqrt3A = math.sqrt %max3A_14 : vector<1x512xf32>
    %get3A_15 = arith.constant 0 : index
    %get3A_16 = arith.constant 0 : index
    %get3A_17 = vector.load %arg6[%get3A_15, %get3A_16] : memref<1x512xf32, #tpu.memory_space<vmem>>, vector<1x512xf32>
    %mul3A_18 = arith.mulf %sqrt3A, %get3A_17 : vector<1x512xf32>
    %reduce_sum3A = vector.shape_cast %mul3A_18 : vector<1x512xf32> to vector<1x1x512xf32>
    %reduce_sum3A_19 = arith.constant dense<0.000000e+00> : vector<1xf32>
    %reduce_sum3A_20 = vector.multi_reduction <add>, %reduce_sum3A, %reduce_sum3A_19 [1, 2] : vector<1x1x512xf32> to vector<1xf32>
    %reduce_sum3A_21 = vector.shape_cast %reduce_sum3A_20 : vector<1xf32> to vector<1x1x1xf32>
    %reduce_sum3A_22 = vector.extract %reduce_sum3A_21[0, 0, 0] : f32 from vector<1x1x1xf32>
    %get3A_23 = arith.constant 0 : index
    %get3A_24 = arith.constant 0 : index
    %get3A_25 = memref.load %arg3[%get3A_23, %get3A_24] : memref<1x1xf32, #tpu.memory_space<smem>>
    %max3A_26 = arith.constant 0.000000e+00 : f32
    %max3A_27 = arith.maximumf %get3A_25, %max3A_26 : f32
    %sqrt3A_28 = math.sqrt %max3A_27 : f32
    %get3A_29 = arith.constant 0 : index
    %get3A_30 = arith.constant 0 : index
    %get3A_31 = memref.load %arg4[%get3A_29, %get3A_30] : memref<1x16xf32, #tpu.memory_space<smem>>
    %mul3A_32 = arith.mulf %sqrt3A_28, %get3A_31 : f32
    %add3A_33 = arith.addf %reduce_sum3A_22, %mul3A_32 : f32
    %get3A_34 = arith.constant 0 : index
    %get3A_35 = arith.constant 0 : index
    %get3A_36 = memref.load %arg0[%get3A_34, %get3A_35] : memref<1x1xf32, #tpu.memory_space<smem>>
    %sqrt3A_37 = math.sqrt %get3A_36 : f32
    %get3A_38 = arith.constant 0 : index
    %get3A_39 = arith.constant 0 : index
    %get3A_40 = memref.load %arg5[%get3A_38, %get3A_39] : memref<1x1xf32, #tpu.memory_space<smem>>
    %get3A_41 = arith.constant 0 : index
    %get3A_42 = arith.constant 0 : index
    %get3A_43 = memref.load %arg1[%get3A_41, %get3A_42] : memref<1x1xf32, #tpu.memory_space<smem>>
    %sqrt3A_44 = math.sqrt %get3A_43 : f32
    %get3A_45 = arith.constant 0 : index
    %get3A_46 = arith.constant 0 : index
    %get3A_47 = memref.load %arg2[%get3A_45, %get3A_46] : memref<1x1xf32, #tpu.memory_space<smem>>
    %sqrt3A_48 = math.sqrt %get3A_47 : f32
    %add3A_49 = arith.addf %sqrt3A_44, %sqrt3A_48 : f32
    %mul3A_50 = arith.mulf %get3A_40, %add3A_49 : f32
    %add3A_51 = arith.addf %sqrt3A_37, %mul3A_50 : f32
    %add3A_52 = arith.addf %add3A_51, %add3A_33 : f32
    %swap3A = arith.constant 0 : index
    %swap3A_53 = arith.constant 0 : index
    %swap3A_54 = memref.load %arg10[%swap3A, %swap3A_53] : memref<1x1xf32, #tpu.memory_space<smem>>
    memref.store %add3A_52, %arg10[%swap3A, %swap3A_53] : memref<1x1xf32, #tpu.memory_space<smem>>
    return
  }
}

module attributes {stable_mosaic.version = 14 : i64} {
  func.func @_wg_body(%arg0: i32, %arg1: memref<256x1024xf32, #tpu.memory_space<vmem>>, %arg2: memref<1x512xi32, #tpu.memory_space<vmem>>, %arg3: memref<1x1xf32, #tpu.memory_space<smem>>, %arg4: memref<1x1024xf32, #tpu.memory_space<vmem>>, %arg5: memref<512x1024xf32, #tpu.memory_space<vmem>>, %arg6: memref<256x512xf32, #tpu.memory_space<vmem>>) attributes {dimension_semantics = [#tpu.dimension_semantics<arbitrary>], iteration_bounds = array<i64: 8>, scalar_prefetch = 0 : i64, scratch_operands = 1 : i64, tpu.core_type = #tpu.core_type<tc>, window_params = [{transform_indices = @transform_0, window_bounds = array<i64: 256, 1024>}, {pipeline_mode = #tpu.pipeline_mode<synchronous>, transform_indices = @transform_1, window_bounds = array<i64: 1, 512>}, {transform_indices = @transform_2, window_bounds = array<i64: 1, 1>}, {transform_indices = @transform_3, window_bounds = array<i64: 1, 1024>}, {transform_indices = @transform_4, window_bounds = array<i64: 512, 1024>}]} {
    %eq3A = arith.constant 0 : i32
    %eq3A_0 = arith.cmpi eq, %arg0, %eq3A : i32
    %convert_element_type3A = arith.extui %eq3A_0 : i1 to i32
    %cond3A = arith.constant 0 : i32
    %cond3A_1 = arith.cmpi ne, %convert_element_type3A, %cond3A : i32
    scf.if %cond3A_1 {
      %swap3A = arith.constant 0.000000e+00 : f32
      %swap3A_10 = arith.constant 0 : index
      %swap3A_11 = arith.constant 0 : index
      %swap3A_12 = memref.load %arg3[%swap3A_10, %swap3A_11] : memref<1x1xf32, #tpu.memory_space<smem>>
      memref.store %swap3A, %arg3[%swap3A_10, %swap3A_11] : memref<1x1xf32, #tpu.memory_space<smem>>
      %broadcast_in_dim3A = arith.constant 0.000000e+00 : f32
      %broadcast_in_dim3A_13 = vector.broadcast %broadcast_in_dim3A : f32 to vector<256x512xf32>
      %swap3A_14 = arith.constant 0 : index
      %swap3A_15 = arith.constant 0 : index
      %swap3A_16 = vector.load %arg6[%swap3A_14, %swap3A_15] : memref<256x512xf32, #tpu.memory_space<vmem>>, vector<256x512xf32>
      tpu.vector_store %arg6[%swap3A_14, %swap3A_15], %broadcast_in_dim3A_13 {strides = array<i32>} : memref<256x512xf32, #tpu.memory_space<vmem>>, vector<256x512xf32>,
    } else {
    }
    %lt3A = arith.constant 4 : i32
    %lt3A_2 = arith.cmpi slt, %arg0, %lt3A : i32
    %convert_element_type3A_3 = arith.extui %lt3A_2 : i1 to i32
    %cond3A_4 = arith.constant 0 : i32
    %cond3A_5 = arith.cmpi ne, %convert_element_type3A_3, %cond3A_4 : i32
    scf.if %cond3A_5 {
      %get3A = arith.constant 0 : index
      %get3A_10 = arith.constant 0 : index
      %get3A_11 = vector.load %arg1[%get3A, %get3A_10] : memref<256x1024xf32, #tpu.memory_space<vmem>>, vector<256x1024xf32>
      %max3A = arith.constant 0.000000e+00 : f32
      %max3A_12 = vector.broadcast %max3A : f32 to vector<256x1024xf32>
      %max3A_13 = arith.maximumf %get3A_11, %max3A_12 : vector<256x1024xf32>
      %get3A_14 = arith.constant 0 : index
      %get3A_15 = arith.constant 0 : index
      %get3A_16 = memref.load %arg3[%get3A_14, %get3A_15] : memref<1x1xf32, #tpu.memory_space<smem>>
      %mul3A = arith.mulf %max3A_13, %max3A_13 : vector<256x1024xf32>
      %reduce_sum3A = vector.shape_cast %mul3A : vector<256x1024xf32> to vector<1x256x1024xf32>
      %reduce_sum3A_17 = arith.constant dense<0.000000e+00> : vector<1xf32>
      %reduce_sum3A_18 = vector.multi_reduction <add>, %reduce_sum3A, %reduce_sum3A_17 [1, 2] : vector<1x256x1024xf32> to vector<1xf32>
      %reduce_sum3A_19 = vector.shape_cast %reduce_sum3A_18 : vector<1xf32> to vector<1x1x1xf32>
      %reduce_sum3A_20 = vector.extract %reduce_sum3A_19[0, 0, 0] : f32 from vector<1x1x1xf32>
      %add3A = arith.addf %get3A_16, %reduce_sum3A_20 : f32
      %swap3A = arith.constant 0 : index
      %swap3A_21 = arith.constant 0 : index
      %swap3A_22 = memref.load %arg3[%swap3A, %swap3A_21] : memref<1x1xf32, #tpu.memory_space<smem>>
      memref.store %add3A, %arg3[%swap3A, %swap3A_21] : memref<1x1xf32, #tpu.memory_space<smem>>
      %mul3A_23 = arith.mulf %get3A_11, %get3A_11 : vector<256x1024xf32>
      %reduce_sum3A_24 = arith.constant dense<0.000000e+00> : vector<1024xf32>
      %reduce_sum3A_25 = vector.multi_reduction <add>, %mul3A_23, %reduce_sum3A_24 [0] : vector<256x1024xf32> to vector<1024xf32>
      %swap3A_26 = arith.constant 0 : index
      %swap3A_27 = arith.constant 0 : index
      %swap3A_28 = vector.load %arg4[%swap3A_26, %swap3A_27] : memref<1x1024xf32, #tpu.memory_space<vmem>>, vector<1x1024xf32>
      %swap3A_29 = vector.shape_cast %swap3A_28 : vector<1x1024xf32> to vector<1024xf32>
      %swap3A_30 = vector.shape_cast %reduce_sum3A_25 : vector<1024xf32> to vector<1x1024xf32>
      tpu.vector_store %arg4[%swap3A_26, %swap3A_27], %swap3A_30 {strides = array<i32>} : memref<1x1024xf32, #tpu.memory_space<vmem>>, vector<1x1024xf32>,
      %get3A_31 = arith.constant 0 : index
      %get3A_32 = arith.constant 0 : index
      %get3A_33 = vector.load %arg2[%get3A_31, %get3A_32] : memref<1x512xi32, #tpu.memory_space<vmem>>, vector<1x512xi32>
      %get3A_34 = vector.shape_cast %get3A_33 : vector<1x512xi32> to vector<512xi32>
      %iota3A = tpu.iota {dimensions = array<i32: 0>} : vector<1024x512xi32>
      %mul3A_35 = arith.constant 1024 : i32
      %mul3A_36 = arith.muli %arg0, %mul3A_35 : i32
      %add3A_37 = vector.broadcast %mul3A_36 : i32 to vector<1024x512xi32>
      %add3A_38 = arith.addi %iota3A, %add3A_37 : vector<1024x512xi32>
      %broadcast_in_dim3A = vector.shape_cast %get3A_34 : vector<512xi32> to vector<1x512xi32>
      %eq3A_39 = vector.broadcast %broadcast_in_dim3A : vector<1x512xi32> to vector<1024x512xi32>
      %eq3A_40 = arith.cmpi eq, %add3A_38, %eq3A_39 : vector<1024x512xi32>
      %convert_element_type3A_41 = arith.extui %eq3A_40 : vector<1024x512xi1> to vector<1024x512xi32>
      %convert_element_type3A_42 = arith.sitofp %convert_element_type3A_41 : vector<1024x512xi32> to vector<1024x512xf32>
      %get3A_43 = arith.constant 0 : index
      %get3A_44 = arith.constant 0 : index
      %get3A_45 = vector.load %arg6[%get3A_43, %get3A_44] : memref<256x512xf32, #tpu.memory_space<vmem>>, vector<256x512xf32>
      %dot_general3A = arith.constant dense<0.000000e+00> : vector<256x512xf32>
      %dot_general3A_46 = tpu.matmul %get3A_11, %convert_element_type3A_42, %dot_general3A {dimension_numbers = #tpu.dot_dimension_numbers<[1], [0], [0], [1], [0, 0, 1, 1], [], []>, transpose_lhs_hint = false} : vector<256x1024xf32>, vector<1024x512xf32>, vector<256x512xf32> -> vector<256x512xf32>
      %add3A_47 = arith.addf %get3A_45, %dot_general3A_46 : vector<256x512xf32>
      %swap3A_48 = arith.constant 0 : index
      %swap3A_49 = arith.constant 0 : index
      %swap3A_50 = vector.load %arg6[%swap3A_48, %swap3A_49] : memref<256x512xf32, #tpu.memory_space<vmem>>, vector<256x512xf32>
      tpu.vector_store %arg6[%swap3A_48, %swap3A_49], %add3A_47 {strides = array<i32>} : memref<256x512xf32, #tpu.memory_space<vmem>>, vector<256x512xf32>,
    } else {
    }
    %ge3A = arith.constant 4 : i32
    %ge3A_6 = arith.cmpi sge, %arg0, %ge3A : i32
    %convert_element_type3A_7 = arith.extui %ge3A_6 : i1 to i32
    %cond3A_8 = arith.constant 0 : i32
    %cond3A_9 = arith.cmpi ne, %convert_element_type3A_7, %cond3A_8 : i32
    scf.if %cond3A_9 {
      %get3A = arith.constant 0 : index
      %get3A_10 = arith.constant 0 : index
      %get3A_11 = vector.load %arg6[%get3A, %get3A_10] : memref<256x512xf32, #tpu.memory_space<vmem>>, vector<256x512xf32>
      %get3A_12 = arith.constant 0 : index
      %get3A_13 = arith.constant 0 : index
      %get3A_14 = vector.load %arg1[%get3A_12, %get3A_13] : memref<256x1024xf32, #tpu.memory_space<vmem>>, vector<256x1024xf32>
      %dot_general3A = arith.constant dense<0.000000e+00> : vector<512x1024xf32>
      %dot_general3A_15 = tpu.matmul %get3A_11, %get3A_14, %dot_general3A {dimension_numbers = #tpu.dot_dimension_numbers<[0], [0], [1], [1], [0, 1, 1, 1], [], []>, transpose_lhs_hint = false} : vector<256x512xf32>, vector<256x1024xf32>, vector<512x1024xf32> -> vector<512x1024xf32>
      %swap3A = arith.constant 0 : index
      %swap3A_16 = arith.constant 0 : index
      %swap3A_17 = vector.load %arg5[%swap3A, %swap3A_16] : memref<512x1024xf32, #tpu.memory_space<vmem>>, vector<512x1024xf32>
      tpu.vector_store %arg5[%swap3A, %swap3A_16], %dot_general3A_15 {strides = array<i32>} : memref<512x1024xf32, #tpu.memory_space<vmem>>, vector<512x1024xf32>,
    } else {
    }
    return
  }
  func.func @transform_0(%arg0: i32) -> (i32, i32) {
    %lt3A = arith.constant 4 : i32
    %lt3A_0 = arith.cmpi slt, %arg0, %lt3A : i32
    %sub3A = arith.constant 4 : i32
    %sub3A_1 = arith.subi %arg0, %sub3A : i32
    %select_n3A = arith.select %lt3A_0, %arg0, %sub3A_1 : i32
    %c0_i32 = arith.constant 0 : i32
    %c0_i32_2 = arith.constant 0 : i32
    return %c0_i32, %select_n3A : i32, i32
  }
  func.func @transform_1(%arg0: i32) -> (i32, i32) {
    %c0_i32 = arith.constant 0 : i32
    %c0_i32_0 = arith.constant 0 : i32
    %c0_i32_1 = arith.constant 0 : i32
    return %c0_i32, %c0_i32_0 : i32, i32
  }
  func.func @transform_2(%arg0: i32) -> (i32, i32) {
    %c0_i32 = arith.constant 0 : i32
    %c0_i32_0 = arith.constant 0 : i32
    %c0_i32_1 = arith.constant 0 : i32
    return %c0_i32, %c0_i32_0 : i32, i32
  }
  func.func @transform_3(%arg0: i32) -> (i32, i32) {
    %lt3A = arith.constant 4 : i32
    %lt3A_0 = arith.cmpi slt, %arg0, %lt3A : i32
    %jit3A = arith.constant 3 : i32
    %select_n3A = arith.select %lt3A_0, %arg0, %jit3A : i32
    %c0_i32 = arith.constant 0 : i32
    %c0_i32_1 = arith.constant 0 : i32
    return %c0_i32, %select_n3A : i32, i32
  }
  func.func @transform_4(%arg0: i32) -> (i32, i32) {
    %lt3A = arith.constant 4 : i32
    %lt3A_0 = arith.cmpi slt, %arg0, %lt3A : i32
    %sub3A = arith.constant 4 : i32
    %sub3A_1 = arith.subi %arg0, %sub3A : i32
    %jit3A = arith.constant 0 : i32
    %select_n3A = arith.select %lt3A_0, %jit3A, %sub3A_1 : i32
    %c0_i32 = arith.constant 0 : i32
    %c0_i32_2 = arith.constant 0 : i32
    return %c0_i32, %select_n3A : i32, i32
  }
}

</mosaic_0001>

<sc_bundles>
// kernel: kernel.6.cloned.1.call-start
scs
__scs_entry_jumppad:
0x0: {  	(pc) =	sbr.rel $0x88, $3  }
0x1: {  	(tag) =	ssettag $0x0;
	lr =	simm.s32 $0x1  }
0x2: {  	[smem:$0x3F96] =	sst lr;
	_ =	strace $0xD0000000  }
0x3: {  	_ = 	snop  }
0x4: {  	_ = 	snop  }
0x5: {  	_ = 	snop  }
0x6: {  	_ = 	snop  }
0x7: {  	_ = 	snop  }
__scs_overlays_trampoline_lowered:
0x8: {  	[smem:$0x3FA5] =	sst s0  }
0x9: {  	[smem:$0x3FA6] =	sst s1  }
0xa: {  	[smem:$0x3FA7] =	sst s2  }
0xb: {  	[smem:$0x3FA8] =	sst s3  }
0xc: {  	[smem:$0x3FA9] =	sst s4  }
0xd: {  	[smem:$0x3FAA] =	sst s5  }
0xe: {  	[smem:$0x3FAB] =	sst s6  }
0xf: {  	[smem:$0x3FAC] =	sst s7  }
0x10: {  	[smem:$0x3FAD] =	sst s8  }
0x11: {  	[smem:$0x3FAE] =	sst s9;
	s0 =	simm.s32 @!p0 $0x0  }
0x12: {  	s1 =	sld [smem:$0x3F94];
	s0 =	simm.s32 @p0 $0x1  }
0x13: {  	[smem:$0x3FAF] =	sst s0;
	s0 =	simm.s32 @!p1 $0x0  }
0x14: {  	s2 =	sld [smem:$0x3F93];
	s0 =	simm.s32 @p1 $0x1  }
0x15: {  	[smem:$0x3FB0] =	sst s0;
	s0 =	simm.s32 @!p2 $0x0  }
0x16: {  	s3 =	sld [smem:$0x3FDB];
	s0 =	simm.s32 @p2 $0x1  }
0x17: {  	s4 =	simm.s32 $0x1BF5;
	[smem:$0x3FB2] =	sst s0  }
0x18: {  	s0 =	sld [smem:$0x3F95];
	_ =	swait.ge [sflag:s4], $0x0  }
0x19: {  	s7 =	sld [smem:$0x3F96]  }
0x1a: {  	s8 =	sadd.s32 $0xFFFFE003, lr  }
0x1b: {  	s9 =	sadd.s32 $0xFFFFFEF7, lr;
	s5 =	simm.s32 $0xFFFFFFFF;
	p2 =	slt.u32 s8, $0xFFFFF086  }
0x1c: {  	p1 =	slt.u32 s9, $0xF7A;
	s5 =	simm.s32 @!p2 $0x0  }
0x1d: {  	s5 =	simm.s32 @p1 $0x1;
	p0 =	seq.s32 s7, s2  }
0x1e: {  	s7 =	smul.u32 @!p0 $0xF7A, s2;
	p2 =	seq.s32 @!p0 s5, $0x0  }
0x1f: {  	s9 =	smul.u32 $0xF7A, s1;
	s8 =	simm.s32 @!p0 $0x1BF5;
	p2 =	por !p2, p0  }
0x20: {  	[sflag:s8] =	ssyncset.s32 @!p0 $0xFFFFF086;
	s6 =	sadd.s32 @!p0 s3, s7;
	s7 =	simm.s32 @!p0 $0x108  }
0x21: {  	s3 =	sadd.s32 s3, s9;
	s6 =	sadd.s32 @!p0 $0x88, s6;
	s7 =	simm.s32 @p2 $0x1082  }
0x22: {  	[simem:s7], [sflag:s8] =	dma.local @!p0 [hbm:s6], $0xF7A  }
0x23: {  	s9 =	sor.u32 $0xD0000000, s2;
	s6 =	simm.s32 $0x108;
	_ =	swait.ge @!p0 [sflag:s8], $0x0  }
0x24: {  	s3 =	sadd.s32 $0x88, s3;
	s6 =	simm.s32 @!p1 $0x1082;
	[sflag:s4] =	ssyncset.s32 $0xFFFFF086  }
0x25: {  	[simem:s6], [sflag:s4] =	dma.local [hbm:s3], $0xF7A  }
0x26: {  	[smem:$0x3F96] =	sst s1;
	(tag) =	ssettag s2;
	_ =	strace s9  }
0x27: {  	s1 =	sld [smem:$0x3FA6]  }
0x28: {  	s2 =	sld [smem:$0x3FA7]  }
0x29: {  	s4 =	sld [smem:$0x3FA9]  }
0x2a: {  	p0 =	seq.s32 s5, $0x0;
	s5 =	sld [smem:$0x3FAA]  }
0x2b: {  	s6 =	sld [smem:$0x3FAB]  }
0x2c: {  	s7 =	sld [smem:$0x3FAC]  }
0x2d: {  	s3 =	simm.s32 $0x108;
	s8 =	sld [smem:$0x3FAD]  }
0x2e: {  	s3 =	simm.s32 @!p0 $0x1082;
	s9 =	sld [smem:$0x3FAE]  }
0x2f: {  	lr =	sadd.s32 s0, s3;
	s0 =	sld [smem:$0x3FA5]  }
0x30: {  	s3 =	sld [smem:$0x3FA8]  }
0x31: {  	[smem:$0x3FB1] =	sst s10  }
0x32: {  	s10 =	sld [smem:$0x3FAF];
	_ =	sdelay $0x3  }
0x33: {  	p0 =	seq.s32 s10, $0x1;
	s10 =	sld [smem:$0x3FB1];
	_ =	sdelay $0x3  }
0x34: {  	[smem:$0x3FB1] =	sst s10  }
0x35: {  	s10 =	sld [smem:$0x3FB0];
	_ =	sdelay $0x3  }
0x36: {  	p1 =	seq.s32 s10, $0x1;
	s10 =	sld [smem:$0x3FB1];
	_ =	sdelay $0x3  }
0x37: {  	[smem:$0x3FB1] =	sst s10  }
0x38: {  	s10 =	sld [smem:$0x3FB2]  }
0x39: {  	_ = 	snop;
	(pc) =	sbr.ind lr, $3  }
0x3a: {  	_ = 	snop  }
0x3b: {  	_ = 	snop  }
0x3c: {  	p2 =	seq.s32 s10, $0x1;
	s10 =	sld [smem:$0x3FB1]  }
0x3d: {  	_ =	shalt  }
0x3e: {  	_ =	shalt  }
0x3f: {  	_ =	shalt  }
0x40: {  	_ =	shalt  }
0x41: {  	_ =	shalt  }
0x42: {  	_ =	shalt  }
0x43: {  	_ =	shalt  }
0x44: {  	_ =	shalt  }
0x45: {  	_ =	shalt  }
0x46: {  	_ =	shalt  }
0x47: {  	_ =	shalt  }
0x48: {  	_ =	shalt  }
0x49: {  	_ =	shalt  }
0x4a: {  	_ =	shalt  }
0x4b: {  	_ =	shalt  }
0x4c: {  	_ =	shalt  }
0x4d: {  	_ =	shalt  }
0x4e: {  	_ =	shalt  }
0x4f: {  	_ =	shalt  }
0x50: {  	_ =	shalt  }
0x51: {  	_ =	shalt  }
0x52: {  	_ =	shalt  }
0x53: {  	_ =	shalt  }
0x54: {  	_ =	shalt  }
0x55: {  	_ =	shalt  }
0x56: {  	_ =	shalt  }
0x57: {  	_ =	shalt  }
0x58: {  	_ =	shalt  }
0x59: {  	_ =	shalt  }
0x5a: {  	_ =	shalt  }
0x5b: {  	_ =	shalt  }
0x5c: {  	_ =	shalt  }
0x5d: {  	_ =	shalt  }
0x5e: {  	_ =	shalt  }
0x5f: {  	_ =	shalt  }
0x60: {  	_ =	shalt  }
0x61: {  	_ =	shalt  }
0x62: {  	_ =	shalt  }
0x63: {  	_ =	shalt  }
0x64: {  	_ =	shalt  }
0x65: {  	_ =	shalt  }
0x66: {  	_ =	shalt  }
0x67: {  	_ =	shalt  }
0x68: {  	_ =	shalt  }
0x69: {  	_ =	shalt  }
0x6a: {  	_ =	shalt  }
0x6b: {  	_ =	shalt  }
0x6c: {  	_ =	shalt  }
0x6d: {  	_ =	shalt  }
0x6e: {  	_ =	shalt  }
0x6f: {  	_ =	shalt  }
0x70: {  	_ =	shalt  }
0x71: {  	_ =	shalt  }
0x72: {  	_ =	shalt  }
0x73: {  	_ =	shalt  }
0x74: {  	_ =	shalt  }
0x75: {  	_ =	shalt  }
0x76: {  	_ =	shalt  }
0x77: {  	_ =	shalt  }
0x78: {  	_ =	shalt  }
0x79: {  	_ =	shalt  }
0x7a: {  	_ =	shalt  }
0x7b: {  	_ =	shalt  }
0x7c: {  	_ =	shalt  }
0x7d: {  	_ =	shalt  }
0x7e: {  	_ =	shalt  }
0x7f: {  	_ =	shalt  }
0x80: {  	_ =	shalt  }
0x81: {  	_ =	shalt  }
0x82: {  	_ =	shalt  }
0x83: {  	_ =	shalt  }
0x84: {  	_ =	shalt  }
0x85: {  	_ =	shalt  }
0x86: {  	_ =	shalt  }
0x87: {  	_ =	shalt  }
.Lfunc_end0:
.L_simem_size_0:
called_computation_lowered:
.L_overlay_start_0:
0x88: {  	s2 =	sld [smem:$0x3FD9]  }
0x89: {  	s3 =	sld [smem:$0x3FFE];
	_ =	sdelay $0x1  }
0x8a: {  	s1 =	srdreg.scid  }
0x8b: {  	s0 =	sand.u32 $0x1, s1  }
0x8c: {  	s17 =	sshll.u32 s0, $0xA;
	s2 =	sadd.s32 s3, s2  }
0x8d: {  	s2 =	sadd.s32 s2, s17  }
0x8e: {  	[smem:$0x3FBD] =	sst s2  }
0x8f: {  	_ = 	snop  }
0x90: {  	s2 =	sld [smem:$0x3FC5]  }
0x91: {  	s18 =	sld [smem:$0x3FC4]  }
0x92: {  	s4 =	sld [smem:$0x3FC0]  }
0x93: {  	s5 =	sld [smem:$0x3FBF];
	(tm) =	ssettm $0x1  }
0x94: {  	s6 =	sld [smem:$0x3FFB];
	_ =	sdelay $0x3  }
0x95: {  	_ =	strace s6  }
0x96: {  	s6 =	sld [smem:$0x3FFC];
	_ =	sdelay $0x3  }
0x97: {  	_ =	strace s6  }
0x98: {  	s6 =	sld [smem:$0x3FFD];
	_ =	sdelay $0x3  }
0x99: {  	_ =	strace s6  }
0x9a: {  	_ =	strace $0x8FFFFFFF  }
0x9b: {  	s19 =	sld [smem:$0x3FDB];
	_ =	sdelay $0x1  }
0x9c: {  	s7 =	simm.s32 $_scs_section_size  }
0x9d: {  	s8 =	simm.s32 $_size__tile_overlayer_lowered;
	s9 =	simm.s32 $_tile_overlayer_lowered  }
0x9e: {  	s22 =	simm.s32 $0x1BFF;
	s21 =	sshll.u32 s9, $0x1;
	s6 =	sadd.s32 s7, s19  }
0x9f: {  	s10 =	simm.s32 $0x0;
	s20 =	sshll.u32 s8, $0x1;
	s8 =	sadd.s32 s21, s6  }
0xa0: {  	[timem:s10], [sflag:s22] =	dma.local [hbm:s8], s20  }
0xa1: {  	_ =	swait.ge [sflag:s22], s20  }
0xa2: {  	s7 =	ssub.s32 $0x0, s20;
	[sflag:s22] =	ssyncset.done $0x0  }
0xa3: {  	[sflag:s22] =	ssyncadd.s32 s7;
	_ =	sdelay $0x1  }
0xa4: {  	s23 =	simm.s32 $0x1B8B  }
0xa5: {  	_ =	swait.ge [sflag:s23], $0x1  }
0xa6: {  	[sflag:s23] =	ssyncset.done $0x0  }
0xa7: {  	s25 =	simm.s32 $0x1B8E;
	s24 =	sld [smem:$0x3FFE];
	[sflag:s23] =	ssyncadd.s32 $0xFFFFFFFF  }
0xa8: {  	s26 =	simm.s32 $execute0_lowered;
	[smem:$0x3FD2] =	sst s25  }
0xa9: {  	s8 =	sshll.u32 s26, $0x1;
	_ =	strace $0x80000046;
	[dreg:$0x1] =	wrdreg $0xFFFFFFFF  }
0xaa: {  	s28 =	simm.s32 $_size_execute0_lowered;
	s6 =	sadd.s32 s6, s8;
	[dreg:$0x0] =	wrdreg $0x0  }
0xab: {  	s8 =	sshll.u32 s28, $0x1;
	[dreg:$0x2] =	wrdreg s6  }
0xac: {  	[dreg:$0x3] =	wrdreg s8  }
0xad: {  	[dreg:$0x4] =	wrdreg $0xC0  }
0xae: {  	_ =	task [dreg:s10], $0x5FFFF  }
0xaf: {  	[dreg:$0x1] =	wrdreg $0xFFFFFFFF  }
0xb0: {  	[dreg:$0x0] =	wrdreg $0x60  }
0xb1: {  	[dreg:$0x2] =	wrdreg s2  }
0xb2: {  	[dreg:$0x3] =	wrdreg s18  }
0xb3: {  	[dreg:$0x4] =	wrdreg s24  }
0xb4: {  	[dreg:$0x5] =	wrdreg s5  }
0xb5: {  	[dreg:$0x6] =	wrdreg s4  }
0xb6: {  	[dreg:$0x7] =	wrdreg $0x9  }
0xb7: {  	_ =	task.clear_ibuf [dreg:s10], $0x8FFFF;
	_ =	strace $0x90000046  }
0xb8: {  	s29 =	simm.s32 $0x9;
	_ =	strace $0x80000048  }
0xb9: {  	_ =	swait.ge [sflag:s29], $0x1  }
0xba: {  	[sflag:s29] =	ssyncadd.s32 $0xFFFFFFFF  }
0xbb: {  	_ =	strace $0x90000048  }
0xbc: {  	_ =	sfence  }
0xbd: {  	s30 =	sld [smem:$0x0];
	_ =	sdelay $0x2  }
0xbe: {  	s31 =	sshll.u32 s1, $0xD;
	s1 =	sshrl.u32 s1, $0x2  }
0xbf: {  	s3 =	sand.u32 $0x4000, s31;
	s1 =	sadd.s32 s1, s30  }
0xc0: {  	s0 =	sor.u32 s3, s0;
	s1 =	sshll.u32 s1, $0x11  }
0xc1: {  	s0 =	sor.u32 s1, s0  }
0xc2: {  	s0 =	sadd.s32 $0x8F2B, s0  }
0xc3: {  	[sflag:s0] =	ssyncadd.remote.s32 $0x1  }
0xc4: {  	_ =	sfence.sel $0xFFFF  }
0xc5: {  	[dreg:$0x0] =	wrdreg $0xFFFFFFFF;
	(pc) =	sbr.abs _section_cstart, $3  }
0xc6: {  	[dreg:$0x1] =	wrdreg $0xFFFFFFFF  }
0xc7: {  	_ =	task.clear_ibuf [dreg:s10], $0x2FFFF;
	_ =	strace $0x9FFFFFFF  }
0xc8: {  	(tm) =	ssettm $0x7FFFFFFF  }
0xc9: {  	_ =	shalt  }
tec
execute0_lowered:
.L_overlay_start_1:
0x0: {  	(tag) =	ssettag $0x1  }
0x1: {  	s1 =	rddreg [dreg:$0x0]  }
0x2: {  	s10 =	rddreg [dreg:$0x1]  }
0x3: {  	s0 =	rddreg [dreg:$0x2]  }
0x4: {  	s2 =	rddreg [dreg:$0x3];
	s3 =	srdreg.scid  }
0x5: {  	s4 =	stileid.u32;
	s5 =	simm.s32 $0x0;
	s3 =	sand.u32 $0x1, s3  }
0x6: {  	s4 =	sshll.u32 s4, $0x1;
	[smem:$0x7FF] =	sst s5;
	s8 =	sadd.s32 $0x4A600, s0  }
0x7: {  	s23 =	sadd.s32 $0x4A800, s0;
	s11 =	sadd.s32 $0x100, s1;
	s12 =	sadd.s32 $0x200, s1  }
0x8: {  	s13 =	sadd.s32 $0x300, s1;
	s14 =	sadd.s32 $0x400, s1;
	s15 =	sadd.s32 $0x500, s1  }
0x9: {  	s16 =	sadd.s32 $0x600, s1;
	_ =	strace $0x80000047;
	[dreg:$0x6] =	wrdreg s8  }
0xa: {  	s17 =	sadd.s32 $0x700, s1;
	s22 =	sadd.s32 $0x100, s10;
	[dreg:$0x7] =	wrdreg s23  }
0xb: {  	s4 =	sor.u32 s3, s4;
	[dreg:$0x11] =	wrdreg s22;
	s23 =	sadd.s32 $0x200, s10  }
0xc: {  	s22 =	sadd.s32 $0xC00, s10;
	s6 =	sshll.u32 s4, $0xD;
	s7 =	sshll.u32 s4, $0xA  }
0xd: {  	s24 =	sshll.u32 s4, $0x1;
	p0 =	sne.s32 s4, $0x0;
	[dreg:$0x12] =	wrdreg s23  }
0xe: {  	s4 =	sadd.s32 $0x400, s10;
	[dreg:$0x1c] =	wrdreg s22;
	s23 =	sadd.s32 $0xD00, s10  }
0xf: {  	s6 =	sadd.s32 s6, s0;
	s7 =	sadd.s32 s7, s0;
	[dreg:$0x14] =	wrdreg s4  }
0x10: {  	s9 =	sadd.s32 s24, s0;
	s0 =	sadd.s32 $0x4B200, s0;
	[dreg:$0x1d] =	wrdreg s23  }
0x11: {  	s18 =	sadd.s32 $0x800, s1;
	s2 =	sadd.s32 s2, s24;
	[dreg:$0x8] =	wrdreg s0  }
0x12: {  	s3 =	ssub.s32 $0x2, s3;
	s24 =	sadd.s32 $0x300, s10;
	[dreg:$0x9] =	wrdreg s2  }
0x13: {  	s25 =	sshrl.u32 s3, $0x1;
	s26 =	sadd.s32 $0x2400, s7;
	[dreg:$0x13] =	wrdreg s24  }
0x14: {  	s0 =	ssub.s32 s3, s25;
	s3 =	sadd.s32 $0xA600, s6;
	[dreg:$0xa] =	wrdreg s26  }
0x15: {  	s28 =	sadd.s32 $0xA00, s1;
	s7 =	sadd.s32 $0x4AE00, s9;
	[dreg:$0xb] =	wrdreg s3  }
0x16: {  	s29 =	sadd.s32 $0xB00, s1;
	s8 =	sadd.s32 $0x4B000, s9;
	[dreg:$0xc] =	wrdreg s7  }
0x17: {  	s30 =	sadd.s32 $0xC00, s1;
	s19 =	sadd.s32 $0xB600, s6;
	[dreg:$0xd] =	wrdreg s8  }
0x18: {  	s31 =	sadd.s32 $0xD00, s1;
	s20 =	sadd.s32 $0x4AA00, s9;
	[dreg:$0xe] =	wrdreg s19  }
0x19: {  	s4 =	sadd.s32 $0xF00, s10;
	s21 =	sadd.s32 $0x4AC00, s9;
	[dreg:$0xf] =	wrdreg s20  }
0x1a: {  	s6 =	sadd.s32 $0x500, s10;
	s9 =	sadd.s32 $0x800, s10;
	[dreg:$0x10] =	wrdreg s21  }
0x1b: {  	s24 =	sadd.s32 $0xE00, s10;
	s2 =	simm.s32 $0x4;
	[dreg:$0x15] =	wrdreg s6  }
0x1c: {  	s25 =	smax.u32 s0, $0x1;
	s26 =	sadd.s32 $0x900, s1;
	[dreg:$0x18] =	wrdreg s9  }
0x1d: {  	s0 =	sadd.s32 $0xE00, s1;
	s7 =	sadd.s32 $0x600, s10;
	[dreg:$0x1e] =	wrdreg s24  }
0x1e: {  	s3 =	sadd.s32 $0xF00, s1;
	s8 =	sadd.s32 $0x700, s10;
	[dreg:$0x16] =	wrdreg s7  }
.Ltmp0:
0x1f: {  	v0 =	vlaneseq.u32;
	s19 =	sadd.s32 $0x900, s10;
	[dreg:$0x17] =	wrdreg s8;
	(pc) =	sbr.rel .LBB2_1-.Ltmp0, $4  }
0x20: {  	v1 =	vshrl.u32 v0, $0x3;
	s20 =	sadd.s32 $0xA00, s10;
	s21 =	sadd.s32 $0xB00, s10;
	[dreg:$0x19] =	wrdreg s19  }
0x21: {  	v0 =	vand.u32 $0x7, v0;
	v1 =	vmul.u32 $0x8, v1;
	s6 =	simm.s32 $0x8000;
	s9 =	simm.s32 $0x1A080;
	[dreg:$0x1a] =	wrdreg s20  }
0x22: {  	vm0 =	vmmov $0xff;
	[tilespmem:$0x1FFF0] =	vst v0;
	s10 =	simm.s32 $0x1B200;
	[dreg:$0x1b] =	wrdreg s21;
	s7 =	simm.s32 $0x10000  }
0x23: {  	vm1 =	vmmov $0xffff;
	v2 =	vmul.u32 $0x80, v0;
	[tilespmem:$0x1FFE0] =	vst v1;
	vm2 =	vmmov @!p0 $0xffff;
	s19 =	simm.s32 $0x1;
	s20 =	simm.s32 $0x2;
	s21 =	simm.s32 $0x3  }
.LBB2_3:
0x24: {  	s25 =	sadd.s32 $0xFFFFFFFF, s25  }
0x25: {  	p1 =	sne.s32 s25, $0x0  }
.Ltmp1:
0x26: {  	_ = 	snop;
	(pc) =	sbr.rel @!p1 .LBB2_4-.Ltmp1, $1  }
0x27: {  	_ =	sdelay $0x3  }
.LBB2_1:
0x28: {  	s8 =	rddreg [dreg:$0x9];
	s22 =	simm.s32 $0x1A000  }
0x29: {  	[tilespmem:s22], [sflag:$0x4] =	stream.linear.gather [hbm4b:s8+s5], $0x10, $0x38;
	[tilespmem:$0x1B280] =	vst v63  }
0x2a: {  	_ =	swait.ge [sflag:s2], $0x10  }
0x2b: {  	[sflag:s2] =	ssyncset.done $0x0  }
0x2c: {  	s23 =	simm.s32 $0x18000;
	s22 =	rddreg [dreg:$0xa];
	[sflag:s2] =	ssyncadd.s32 $0xFFFFFFF0  }
0x2d: {  	[tilespmem:s23], [sflag:$0x4] =	stream.linear.gather [hbm4b:s22+s5], $0x2000, $0x38;
	[tilespmem:$0x1B280] =	vst v63  }
0x2e: {  	_ =	swait.ge [sflag:s2], $0x2000  }
0x2f: {  	[sflag:s2] =	ssyncset.done $0x0  }
0x30: {  	[sflag:s2] =	ssyncadd.s32 $0xFFFFE000  }
0x31: {  	v0 =	vld.msk [tilespmem:$0x1A000], $0xff;
	_ =	sdelay $0x2  }
0x32: {  	v3 =	vld [tilespmem:$0x1FFF0];
	_ =	sdelay $0x1  }
0x33: {  	v4 =	vld [tilespmem:$0x1FFE0];
	v1 =	vshll.u32 v0, $0x5  }
0x34: {  	v0 =	vand.u32 $0x7, v0;
	v1 =	vand.u32 $0xFFFFFF00, v1  }
0x35: {  	v0 =	vor.u32 v0, v1  }
0x36: {  	v0 =	vperm.xlane v0, v3;
	_ =	sdelay $0x1  }
0x37: {  	v0 =	vadd.s32 v4, v0;
	_ =	sdelay $0x4  }
0x38: {  	[tilespmem:s5], [sflag:$0x1] =	stream.indirect_vreg.gather [hbm4b:s1+s5], $0x80, v0, vm1, $0xb8;
	[tilespmem:$0x1B280] =	vst v63  }
0x39: {  	s24 =	simm.s32 $0x800  }
0x3a: {  	[tilespmem:s24], [sflag:$0x1] =	stream.indirect_vreg.gather [hbm4b:s11+s5], $0x80, v0, vm1, $0xb8;
	[tilespmem:$0x1B280] =	vst v63  }
0x3b: {  	s22 =	simm.s32 $0x1000  }
0x3c: {  	[tilespmem:s22], [sflag:$0x1] =	stream.indirect_vreg.gather [hbm4b:s12+s5], $0x80, v0, vm1, $0xb8;
	[tilespmem:$0x1B280] =	vst v63  }
0x3d: {  	s23 =	simm.s32 $0x1800  }
0x3e: {  	[tilespmem:s23], [sflag:$0x1] =	stream.indirect_vreg.gather [hbm4b:s13+s5], $0x80, v0, vm1, $0xb8;
	[tilespmem:$0x1B280] =	vst v63  }
0x3f: {  	s24 =	simm.s32 $0x2000  }
0x40: {  	[tilespmem:s24], [sflag:$0x1] =	stream.indirect_vreg.gather [hbm4b:s14+s5], $0x80, v0, vm1, $0xb8;
	[tilespmem:$0x1B280] =	vst v63  }
0x41: {  	s22 =	simm.s32 $0x2800  }
0x42: {  	[tilespmem:s22], [sflag:$0x1] =	stream.indirect_vreg.gather [hbm4b:s15+s5], $0x80, v0, vm1, $0xb8;
	[tilespmem:$0x1B280] =	vst v63  }
0x43: {  	s23 =	simm.s32 $0x3000  }
0x44: {  	[tilespmem:s23], [sflag:$0x1] =	stream.indirect_vreg.gather [hbm4b:s16+s5], $0x80, v0, vm1, $0xb8;
	[tilespmem:$0x1B280] =	vst v63  }
0x45: {  	s24 =	simm.s32 $0x3800  }
0x46: {  	[tilespmem:s24], [sflag:$0x1] =	stream.indirect_vreg.gather [hbm4b:s17+s5], $0x80, v0, vm1, $0xb8;
	[tilespmem:$0x1B280] =	vst v63  }
0x47: {  	s22 =	simm.s32 $0x4000  }
0x48: {  	[tilespmem:s22], [sflag:$0x1] =	stream.indirect_vreg.gather [hbm4b:s18+s5], $0x80, v0, vm1, $0xb8;
	[tilespmem:$0x1B280] =	vst v63  }
0x49: {  	s23 =	simm.s32 $0x4800  }
0x4a: {  	[tilespmem:s23], [sflag:$0x1] =	stream.indirect_vreg.gather [hbm4b:s26+s5], $0x80, v0, vm1, $0xb8;
	[tilespmem:$0x1B280] =	vst v63  }
0x4b: {  	s24 =	simm.s32 $0x5000  }
0x4c: {  	[tilespmem:s24], [sflag:$0x1] =	stream.indirect_vreg.gather [hbm4b:s28+s5], $0x80, v0, vm1, $0xb8;
	[tilespmem:$0x1B280] =	vst v63  }
0x4d: {  	s22 =	simm.s32 $0x5800  }
0x4e: {  	[tilespmem:s22], [sflag:$0x1] =	stream.indirect_vreg.gather [hbm4b:s29+s5], $0x80, v0, vm1, $0xb8;
	[tilespmem:$0x1B280] =	vst v63  }
0x4f: {  	s23 =	simm.s32 $0x6000  }
0x50: {  	[tilespmem:s23], [sflag:$0x1] =	stream.indirect_vreg.gather [hbm4b:s30+s5], $0x80, v0, vm1, $0xb8;
	[tilespmem:$0x1B280] =	vst v63  }
0x51: {  	s24 =	simm.s32 $0x6800  }
0x52: {  	[tilespmem:s24], [sflag:$0x1] =	stream.indirect_vreg.gather [hbm4b:s31+s5], $0x80, v0, vm1, $0xb8;
	[tilespmem:$0x1B280] =	vst v63  }
0x53: {  	s22 =	simm.s32 $0x7000  }
0x54: {  	[tilespmem:s22], [sflag:$0x1] =	stream.indirect_vreg.gather [hbm4b:s0+s5], $0x80, v0, vm1, $0xb8;
	[tilespmem:$0x1B280] =	vst v63  }
0x55: {  	s23 =	simm.s32 $0x7800  }
0x56: {  	[tilespmem:s23], [sflag:$0x1] =	stream.indirect_vreg.gather [hbm4b:s3+s5], $0x80, v0, vm1, $0xb8;
	[tilespmem:$0x1B280] =	vst v63  }
0x57: {  	v0 =	vld.msk [tilespmem:$0x1A008], $0xff;
	_ =	sdelay $0x4  }
0x58: {  	v1 =	vshll.u32 v0, $0x5  }
0x59: {  	v0 =	vand.u32 $0x7, v0;
	v1 =	vand.u32 $0xFFFFFF00, v1  }
0x5a: {  	v0 =	vor.u32 v0, v1  }
0x5b: {  	v0 =	vperm.xlane v0, v3;
	_ =	sdelay $0x1  }
0x5c: {  	v0 =	vadd.s32 v4, v0;
	_ =	sdelay $0x4  }
0x5d: {  	[tilespmem:s6], [sflag:$0x2] =	stream.indirect_vreg.gather [hbm4b:s1+s5], $0x80, v0, vm1, $0xb8;
	[tilespmem:$0x1B280] =	vst v63  }
0x5e: {  	s24 =	simm.s32 $0x8800  }
0x5f: {  	[tilespmem:s24], [sflag:$0x2] =	stream.indirect_vreg.gather [hbm4b:s11+s5], $0x80, v0, vm1, $0xb8;
	[tilespmem:$0x1B280] =	vst v63  }
0x60: {  	s22 =	simm.s32 $0x9000  }
0x61: {  	[tilespmem:s22], [sflag:$0x2] =	stream.indirect_vreg.gather [hbm4b:s12+s5], $0x80, v0, vm1, $0xb8;
	[tilespmem:$0x1B280] =	vst v63  }
0x62: {  	s23 =	simm.s32 $0x9800  }
0x63: {  	[tilespmem:s23], [sflag:$0x2] =	stream.indirect_vreg.gather [hbm4b:s13+s5], $0x80, v0, vm1, $0xb8;
	[tilespmem:$0x1B280] =	vst v63  }
0x64: {  	s24 =	simm.s32 $0xA000  }
0x65: {  	[tilespmem:s24], [sflag:$0x2] =	stream.indirect_vreg.gather [hbm4b:s14+s5], $0x80, v0, vm1, $0xb8;
	[tilespmem:$0x1B280] =	vst v63  }
0x66: {  	s22 =	simm.s32 $0xA800  }
0x67: {  	[tilespmem:s22], [sflag:$0x2] =	stream.indirect_vreg.gather [hbm4b:s15+s5], $0x80, v0, vm1, $0xb8;
	[tilespmem:$0x1B280] =	vst v63  }
0x68: {  	s23 =	simm.s32 $0xB000  }
0x69: {  	[tilespmem:s23], [sflag:$0x2] =	stream.indirect_vreg.gather [hbm4b:s16+s5], $0x80, v0, vm1, $0xb8;
	[tilespmem:$0x1B280] =	vst v63  }
0x6a: {  	s24 =	simm.s32 $0xB800  }
0x6b: {  	[tilespmem:s24], [sflag:$0x2] =	stream.indirect_vreg.gather [hbm4b:s17+s5], $0x80, v0, vm1, $0xb8;
	[tilespmem:$0x1B280] =	vst v63  }
0x6c: {  	s22 =	simm.s32 $0xC000  }
0x6d: {  	[tilespmem:s22], [sflag:$0x2] =	stream.indirect_vreg.gather [hbm4b:s18+s5], $0x80, v0, vm1, $0xb8;
	[tilespmem:$0x1B280] =	vst v63  }
0x6e: {  	s23 =	simm.s32 $0xC800  }
0x6f: {  	[tilespmem:s23], [sflag:$0x2] =	stream.indirect_vreg.gather [hbm4b:s26+s5], $0x80, v0, vm1, $0xb8;
	[tilespmem:$0x1B280] =	vst v63  }
0x70: {  	s24 =	simm.s32 $0xD000  }
0x71: {  	[tilespmem:s24], [sflag:$0x2] =	stream.indirect_vreg.gather [hbm4b:s28+s5], $0x80, v0, vm1, $0xb8;
	[tilespmem:$0x1B280] =	vst v63  }
0x72: {  	s22 =	simm.s32 $0xD800  }
0x73: {  	[tilespmem:s22], [sflag:$0x2] =	stream.indirect_vreg.gather [hbm4b:s29+s5], $0x80, v0, vm1, $0xb8;
	[tilespmem:$0x1B280] =	vst v63  }
0x74: {  	s23 =	simm.s32 $0xE000  }
0x75: {  	[tilespmem:s23], [sflag:$0x2] =	stream.indirect_vreg.gather [hbm4b:s30+s5], $0x80, v0, vm1, $0xb8;
	[tilespmem:$0x1B280] =	vst v63  }
0x76: {  	s24 =	simm.s32 $0xE800  }
0x77: {  	[tilespmem:s24], [sflag:$0x2] =	stream.indirect_vreg.gather [hbm4b:s31+s5], $0x80, v0, vm1, $0xb8;
	[tilespmem:$0x1B280] =	vst v63  }
0x78: {  	s22 =	simm.s32 $0xF000  }
0x79: {  	[tilespmem:s22], [sflag:$0x2] =	stream.indirect_vreg.gather [hbm4b:s0+s5], $0x80, v0, vm1, $0xb8;
	[tilespmem:$0x1B280] =	vst v63  }
0x7a: {  	s23 =	simm.s32 $0xF800  }
0x7b: {  	[tilespmem:s23], [sflag:$0x2] =	stream.indirect_vreg.gather [hbm4b:s3+s5], $0x80, v0, vm1, $0xb8;
	[tilespmem:$0x1B280] =	vst v63  }
0x7c: {  	s24 =	rddreg [dreg:$0xb]  }
0x7d: {  	[tilespmem:s7], [sflag:$0x3] =	stream.linear.gather [hbm4b:s24+s5], $0x8000, $0x38;
	[tilespmem:$0x1B280] =	vst v63  }
0x7e: {  	s22 =	rddreg [dreg:$0x6]  }
0x7f: {  	[tilespmem:s9], [sflag:$0x4] =	stream.linear.gather [hbm4b:s22+s5], $0x1000, $0x38;
	[tilespmem:$0x1B280] =	vst v63  }
0x80: {  	_ =	swait.ge [sflag:s2], $0x1000  }
0x81: {  	[sflag:s2] =	ssyncset.done $0x0  }
0x82: {  	[sflag:s2] =	ssyncadd.s32 $0xFFFFF000  }
0x83: {  	v0 =	vld [tilespmem:$0x18000];
	_ =	sdelay $0x1  }
0x84: {  	v1 =	vld [tilespmem:$0x18080];
	_ =	sdelay $0x1  }
0x85: {  	v3 =	vld [tilespmem:$0x18100];
	_ =	sdelay $0x1  }
0x86: {  	v21 =	vld [tilespmem:$0x18180]  }
0x87: {  	v5 =	vld [tilespmem:$0x18200]  }
0x88: {  	v0 =	vld.idx.msk [tilespmem:v0+s9+$0x0], $0xffff  }
0x89: {  	v6 =	vld [tilespmem:$0x18280]  }
0x8a: {  	v1 =	vld.idx.msk [tilespmem:v1+s9+$0x0], $0xffff  }
0x8b: {  	v7 =	vld [tilespmem:$0x18300]  }
0x8c: {  	v3 =	vld.idx.msk [tilespmem:v3+s9+$0x0], $0xffff  }
0x8d: {  	v8 =	vld [tilespmem:$0x18380];
	v0 =	vadd.f32 $0.0e+00, v0  }
0x8e: {  	v4 =	vld.idx.msk [tilespmem:v21+s9+$0x0], $0xffff  }
0x8f: {  	v5 =	vld.idx.msk [tilespmem:v5+s9+$0x0], $0xffff;
	v0 =	vadd.f32 v1, v0  }
0x90: {  	v1 =	vld [tilespmem:$0x18400]  }
0x91: {  	v9 =	vld [tilespmem:$0x18480];
	v0 =	vadd.f32 v3, v0  }
0x92: {  	v6 =	vld.idx.msk [tilespmem:v6+s9+$0x0], $0xffff  }
0x93: {  	v7 =	vld.idx.msk [tilespmem:v7+s9+$0x0], $0xffff;
	v0 =	vadd.f32 v4, v0  }
0x94: {  	v3 =	vld [tilespmem:$0x18500]  }
0x95: {  	v10 =	vld [tilespmem:$0x18580];
	v0 =	vadd.f32 v5, v0  }
0x96: {  	v8 =	vld.idx.msk [tilespmem:v8+s9+$0x0], $0xffff  }
0x97: {  	v22 =	vld [tilespmem:$0x18600];
	v0 =	vadd.f32 v6, v0  }
0x98: {  	v1 =	vld.idx.msk [tilespmem:v1+s9+$0x0], $0xffff  }
0x99: {  	v11 =	vld [tilespmem:$0x18680];
	v0 =	vadd.f32 v7, v0  }
0x9a: {  	v24 =	vld.idx.msk [tilespmem:v9+s9+$0x0], $0xffff  }
0x9b: {  	v23 =	vld [tilespmem:$0x18700];
	v0 =	vadd.f32 v8, v0  }
0x9c: {  	v3 =	vld.idx.msk [tilespmem:v3+s9+$0x0], $0xffff  }
0x9d: {  	v27 =	vld [tilespmem:$0x18780];
	v0 =	vadd.f32 v1, v0  }
0x9e: {  	v25 =	vld.idx.msk [tilespmem:v10+s9+$0x0], $0xffff  }
0x9f: {  	v28 =	vld [tilespmem:$0x18800];
	v0 =	vadd.f32 v24, v0  }
0xa0: {  	v4 =	vld.idx.msk [tilespmem:v22+s9+$0x0], $0xffff  }
0xa1: {  	v29 =	vld [tilespmem:$0x18880];
	v0 =	vadd.f32 v3, v0  }
0xa2: {  	v26 =	vld.idx.msk [tilespmem:v11+s9+$0x0], $0xffff  }
0xa3: {  	v1 =	vld.idx.msk [tilespmem:v23+s9+$0x0], $0xffff;
	v0 =	vadd.f32 v25, v0  }
0xa4: {  	v3 =	vld [tilespmem:$0x18900]  }
0xa5: {  	v30 =	vld [tilespmem:$0x18980];
	v0 =	vadd.f32 v4, v0  }
0xa6: {  	v5 =	vld.idx.msk [tilespmem:v27+s9+$0x0], $0xffff  }
0xa7: {  	v31 =	vld [tilespmem:$0x18A00];
	v0 =	vadd.f32 v26, v0  }
0xa8: {  	v6 =	vld.idx.msk [tilespmem:v28+s9+$0x0], $0xffff  }
0xa9: {  	v32 =	vld [tilespmem:$0x18A80];
	v0 =	vadd.f32 v1, v0  }
0xaa: {  	v34 =	vld.idx.msk [tilespmem:v29+s9+$0x0], $0xffff  }
0xab: {  	v33 =	vld [tilespmem:$0x18B00];
	v0 =	vadd.f32 v5, v0  }
0xac: {  	v1 =	vld.idx.msk [tilespmem:v3+s9+$0x0], $0xffff  }
0xad: {  	v37 =	vld [tilespmem:$0x18B80];
	v0 =	vadd.f32 v6, v0  }
0xae: {  	v3 =	vld.idx.msk [tilespmem:v30+s9+$0x0], $0xffff  }
0xaf: {  	v38 =	vld [tilespmem:$0x18C00];
	v0 =	vadd.f32 v34, v0  }
0xb0: {  	v35 =	vld.idx.msk [tilespmem:v31+s9+$0x0], $0xffff  }
0xb1: {  	v39 =	vld [tilespmem:$0x18C80];
	v0 =	vadd.f32 v1, v0  }
0xb2: {  	v36 =	vld.idx.msk [tilespmem:v32+s9+$0x0], $0xffff  }
0xb3: {  	v4 =	vld.idx.msk [tilespmem:v33+s9+$0x0], $0xffff;
	v0 =	vadd.f32 v3, v0  }
0xb4: {  	v1 =	vld [tilespmem:$0x18D00]  }
0xb5: {  	v40 =	vld [tilespmem:$0x18D80];
	v0 =	vadd.f32 v35, v0  }
0xb6: {  	v6 =	vld.idx.msk [tilespmem:v37+s9+$0x0], $0xffff  }
0xb7: {  	v43 =	vld.idx.msk [tilespmem:v38+s9+$0x0], $0xffff;
	v0 =	vadd.f32 v36, v0  }
0xb8: {  	v3 =	vld [tilespmem:$0x18E00]  }
0xb9: {  	v41 =	vld [tilespmem:$0x18E80];
	v0 =	vadd.f32 v4, v0  }
0xba: {  	v44 =	vld.idx.msk [tilespmem:v39+s9+$0x0], $0xffff  }
0xbb: {  	v42 =	vld [tilespmem:$0x18F00];
	v0 =	vadd.f32 v6, v0  }
0xbc: {  	v1 =	vld.idx.msk [tilespmem:v1+s9+$0x0], $0xffff  }
0xbd: {  	v47 =	vld [tilespmem:$0x18F80];
	v0 =	vadd.f32 v43, v0  }
0xbe: {  	v45 =	vld.idx.msk [tilespmem:v40+s9+$0x0], $0xffff  }
0xbf: {  	v48 =	vld [tilespmem:$0x19000];
	v0 =	vadd.f32 v44, v0  }
0xc0: {  	v3 =	vld.idx.msk [tilespmem:v3+s9+$0x0], $0xffff  }
0xc1: {  	v49 =	vld [tilespmem:$0x19080];
	v0 =	vadd.f32 v1, v0  }
0xc2: {  	v46 =	vld.idx.msk [tilespmem:v41+s9+$0x0], $0xffff  }
0xc3: {  	v5 =	vld.idx.msk [tilespmem:v42+s9+$0x0], $0xffff;
	v0 =	vadd.f32 v45, v0  }
0xc4: {  	v1 =	vld [tilespmem:$0x19100]  }
0xc5: {  	v50 =	vld [tilespmem:$0x19180];
	v0 =	vadd.f32 v3, v0  }
0xc6: {  	v7 =	vld.idx.msk [tilespmem:v47+s9+$0x0], $0xffff  }
0xc7: {  	v51 =	vld [tilespmem:$0x19200];
	v0 =	vadd.f32 v46, v0  }
0xc8: {  	v53 =	vld.idx.msk [tilespmem:v48+s9+$0x0], $0xffff  }
0xc9: {  	v52 =	vld [tilespmem:$0x19280];
	v0 =	vadd.f32 v5, v0  }
0xca: {  	v54 =	vld.idx.msk [tilespmem:v49+s9+$0x0], $0xffff  }
0xcb: {  	v3 =	vld [tilespmem:$0x19300];
	v0 =	vadd.f32 v7, v0  }
0xcc: {  	v1 =	vld.idx.msk [tilespmem:v1+s9+$0x0], $0xffff  }
0xcd: {  	v57 =	vld [tilespmem:$0x19380];
	v0 =	vadd.f32 v53, v0  }
0xce: {  	v55 =	vld.idx.msk [tilespmem:v50+s9+$0x0], $0xffff  }
0xcf: {  	v58 =	vld [tilespmem:$0x19400];
	v0 =	vadd.f32 v54, v0  }
0xd0: {  	v4 =	vld.idx.msk [tilespmem:v51+s9+$0x0], $0xffff  }
0xd1: {  	v59 =	vld [tilespmem:$0x19480];
	v0 =	vadd.f32 v1, v0  }
0xd2: {  	v56 =	vld.idx.msk [tilespmem:v52+s9+$0x0], $0xffff  }
0xd3: {  	v3 =	vld.idx.msk [tilespmem:v3+s9+$0x0], $0xffff;
	v0 =	vadd.f32 v55, v0  }
0xd4: {  	v1 =	vld [tilespmem:$0x19500]  }
0xd5: {  	v60 =	vld [tilespmem:$0x19580];
	v0 =	vadd.f32 v4, v0  }
0xd6: {  	v6 =	vld.idx.msk [tilespmem:v57+s9+$0x0], $0xffff  }
0xd7: {  	v61 =	vld [tilespmem:$0x19600];
	v0 =	vadd.f32 v56, v0  }
0xd8: {  	v12 =	vld.idx.msk [tilespmem:v58+s9+$0x0], $0xffff  }
0xd9: {  	v62 =	vld [tilespmem:$0x19680];
	v0 =	vadd.f32 v3, v0  }
0xda: {  	v13 =	vld.idx.msk [tilespmem:v59+s9+$0x0], $0xffff  }
0xdb: {  	v63 =	vld [tilespmem:$0x19700];
	v0 =	vadd.f32 v6, v0  }
0xdc: {  	v1 =	vld.idx.msk [tilespmem:v1+s9+$0x0], $0xffff  }
0xdd: {  	v15 =	vld [tilespmem:$0x19780];
	v0 =	vadd.f32 v12, v0  }
0xde: {  	v3 =	vld.idx.msk [tilespmem:v60+s9+$0x0], $0xffff  }
0xdf: {  	v16 =	vld [tilespmem:$0x19800];
	v0 =	vadd.f32 v13, v0  }
0xe0: {  	v5 =	vld.idx.msk [tilespmem:v61+s9+$0x0], $0xffff  }
0xe1: {  	v17 =	vld [tilespmem:$0x19880];
	v0 =	vadd.f32 v1, v0  }
0xe2: {  	v14 =	vld.idx.msk [tilespmem:v62+s9+$0x0], $0xffff  }
0xe3: {  	v4 =	vld.idx.msk [tilespmem:v63+s9+$0x0], $0xffff;
	v0 =	vadd.f32 v3, v0  }
0xe4: {  	v1 =	vld [tilespmem:$0x19900]  }
0xe5: {  	v18 =	vld [tilespmem:$0x19980];
	v0 =	vadd.f32 v5, v0  }
0xe6: {  	v7 =	vld.idx.msk [tilespmem:v15+s9+$0x0], $0xffff  }
0xe7: {  	v21 =	vld.idx.msk [tilespmem:v16+s9+$0x0], $0xffff;
	v0 =	vadd.f32 v14, v0  }
0xe8: {  	v3 =	vld [tilespmem:$0x19A00]  }
0xe9: {  	v19 =	vld [tilespmem:$0x19A80];
	v0 =	vadd.f32 v4, v0  }
0xea: {  	v22 =	vld.idx.msk [tilespmem:v17+s9+$0x0], $0xffff  }
0xeb: {  	v20 =	vld [tilespmem:$0x19B00];
	v0 =	vadd.f32 v7, v0  }
0xec: {  	v1 =	vld.idx.msk [tilespmem:v1+s9+$0x0], $0xffff  }
0xed: {  	v23 =	vld.idx.msk [tilespmem:v18+s9+$0x0], $0xffff;
	v0 =	vadd.f32 v21, v0  }
0xee: {  	v25 =	vld [tilespmem:$0x19B80]  }
0xef: {  	v26 =	vld [tilespmem:$0x19C00];
	v0 =	vadd.f32 v22, v0  }
0xf0: {  	v3 =	vld.idx.msk [tilespmem:v3+s9+$0x0], $0xffff  }
0xf1: {  	v27 =	vld [tilespmem:$0x19C80];
	v0 =	vadd.f32 v1, v0  }
0xf2: {  	v24 =	vld.idx.msk [tilespmem:v19+s9+$0x0], $0xffff  }
0xf3: {  	v5 =	vld.idx.msk [tilespmem:v20+s9+$0x0], $0xffff;
	v0 =	vadd.f32 v23, v0  }
0xf4: {  	v1 =	vld [tilespmem:$0x19D00]  }
0xf5: {  	v28 =	vld [tilespmem:$0x19D80];
	v0 =	vadd.f32 v3, v0  }
0xf6: {  	v6 =	vld.idx.msk [tilespmem:v25+s9+$0x0], $0xffff  }
0xf7: {  	v29 =	vld [tilespmem:$0x19E00];
	v0 =	vadd.f32 v24, v0  }
0xf8: {  	v31 =	vld.idx.msk [tilespmem:v26+s9+$0x0], $0xffff  }
0xf9: {  	v32 =	vld.idx.msk [tilespmem:v27+s9+$0x0], $0xffff;
	v0 =	vadd.f32 v5, v0  }
0xfa: {  	v30 =	vld [tilespmem:$0x19E80]  }
0xfb: {  	v3 =	vld [tilespmem:$0x19F00];
	v0 =	vadd.f32 v6, v0  }
0xfc: {  	v1 =	vld.idx.msk [tilespmem:v1+s9+$0x0], $0xffff  }
0xfd: {  	v33 =	vld.idx.msk [tilespmem:v28+s9+$0x0], $0xffff;
	v0 =	vadd.f32 v31, v0  }
0xfe: {  	v35 =	vld [tilespmem:$0x19F80]  }
0xff: {  	v0 =	vadd.f32 v32, v0  }
0x100: {  	v4 =	vld.idx.msk [tilespmem:v29+s9+$0x0], $0xffff  }
0x101: {  	v0 =	vadd.f32 v1, v0  }
0x102: {  	v34 =	vld.idx.msk [tilespmem:v30+s9+$0x0], $0xffff  }
0x103: {  	v0 =	vadd.f32 v33, v0  }
0x104: {  	v3 =	vld.idx.msk [tilespmem:v3+s9+$0x0], $0xffff  }
0x105: {  	v0 =	vadd.f32 v4, v0  }
0x106: {  	v1 =	vld.idx.msk [tilespmem:v35+s9+$0x0], $0xffff  }
0x107: {  	v0 =	vadd.f32 v34, v0;
	_ =	sdelay $0x1  }
0x108: {  	v0 =	vadd.f32 v3, v0;
	_ =	sdelay $0x1  }
0x109: {  	v0 =	vadd.f32 v1, v0;
	_ =	sdelay $0x1  }
0x10a: {  	s23 =	rddreg [dreg:$0xc];
	[tilespmem:$0x1B200] =	vst v0  }
0x10b: {  	[hbm4b:s23+s5] =	stream.linear.scatter [tilespmem:s10], [sflag:$0x4], $0x10, $0x38;
	[tilespmem:$0x1B280] =	vst v63  }
0x10c: {  	_ =	swait.ge [sflag:s2], $0x10  }
0x10d: {  	[sflag:s2] =	ssyncset.done $0x0  }
0x10e: {  	[sflag:s2] =	ssyncadd.s32 $0xFFFFFFF0  }
0x10f: {  	v0 =	vld [tilespmem:$0x1A000];
	_ =	sdelay $0x7  }
0x110: {  	v0 =	vld.idx.msk [tilespmem:v0+s9+$0x0], $0xffff;
	_ =	sdelay $0x4  }
0x111: {  	s24 =	rddreg [dreg:$0xd];
	[tilespmem:$0x1B200] =	vst v0  }
0x112: {  	[hbm4b:s24+s5] =	stream.linear.scatter [tilespmem:s10], [sflag:$0x4], $0x10, $0x38;
	[tilespmem:$0x1B280] =	vst v63  }
0x113: {  	_ =	swait.ge [sflag:s2], $0x10  }
0x114: {  	[sflag:s2] =	ssyncset.done $0x0  }
0x115: {  	[sflag:s2] =	ssyncadd.s32 $0xFFFFFFF0  }
0x116: {  	_ =	swait.ge [sflag:s19], $0x8000  }
0x117: {  	[sflag:s19] =	ssyncset.done $0x0  }
0x118: {  	[sflag:s19] =	ssyncadd.s32 $0xFFFF8000  }
0x119: {  	v0 =	vld [tilespmem:$0x18000]  }
0x11a: {  	v1 =	vld [tilespmem:$0x18080]  }
0x11b: {  	v3 =	vld [tilespmem:$0x18100]  }
0x11c: {  	v37 =	vld [tilespmem:$0x18180]  }
0x11d: {  	v38 =	vld [tilespmem:$0x18200]  }
0x11e: {  	v41 =	vld [tilespmem:$0x18280]  }
0x11f: {  	v42 =	vld [tilespmem:$0x18300]  }
0x120: {  	v47 =	vld [tilespmem:$0x18380]  }
0x121: {  	v48 =	vld [tilespmem:$0x18400];
	v36 =	vshll.u32 v0, $0x3  }
0x122: {  	v51 =	vld [tilespmem:$0x18480];
	v0 =	vand.u32 $0x7F, v0;
	v4 =	vand.u32 $0xFFFFFC00, v36  }
0x123: {  	v13 =	vld [tilespmem:$0x18500];
	v0 =	vor.u32 v4, v0  }
0x124: {  	v57 =	vld [tilespmem:$0x18580];
	v39 =	vand.u32 $0x7F, v1;
	v1 =	vshll.u32 v1, $0x3;
	v0 =	vor.u32 v2, v0  }
0x125: {  	v15 =	vld [tilespmem:$0x18600];
	v40 =	vshll.u32 v3, $0x3;
	v1 =	vand.u32 $0xFFFFFC00, v1  }
0x126: {  	v62 =	vld [tilespmem:$0x18680];
	v3 =	vand.u32 $0x7F, v3;
	v7 =	vand.u32 $0xFFFFFC00, v40;
	v1 =	vor.u32 v1, v39  }
0x127: {  	v63 =	vld [tilespmem:$0x18700];
	v3 =	vor.u32 v7, v3;
	v1 =	vor.u32 v2, v1  }
0x128: {  	v23 =	vld [tilespmem:$0x18780];
	v43 =	vand.u32 $0x7F, v37;
	v4 =	vshll.u32 v37, $0x3;
	v3 =	vor.u32 v2, v3  }
0x129: {  	v44 =	vshll.u32 v38, $0x3;
	v45 =	vand.u32 $0x7F, v38;
	v7 =	vld.idx.msk [tilespmem:v0+s5+$0x0], $0xffff;
	v0 =	vand.u32 $0xFFFFFC00, v4  }
0x12a: {  	v24 =	vld [tilespmem:$0x18800];
	v49 =	vshll.u32 v41, $0x3;
	v12 =	vshll.u32 v42, $0x3;
	v0 =	vor.u32 v0, v43  }
0x12b: {  	v30 =	vld [tilespmem:$0x18880];
	v8 =	vand.u32 $0x7F, v42;
	v14 =	vshll.u32 v48, $0x3;
	v0 =	vor.u32 v2, v0  }
0x12c: {  	v5 =	vshll.u32 v47, $0x3;
	v54 =	vand.u32 $0x7F, v48;
	v55 =	vand.u32 $0xFFFFFC00, v14;
	v9 =	vld.idx.msk [tilespmem:v1+s5+$0x0], $0xffff  }
0x12d: {  	v56 =	vor.u32 v55, v54;
	v1 =	vand.u32 $0x7F, v41;
	v6 =	vld.idx.msk [tilespmem:v3+s5+$0x0], $0xffff;
	v3 =	vand.u32 $0xFFFFFC00, v49  }
0x12e: {  	v31 =	vld [tilespmem:$0x18900];
	v11 =	vshll.u32 v51, $0x3;
	v58 =	vor.u32 v2, v56;
	v1 =	vor.u32 v3, v1  }
0x12f: {  	v16 =	vshll.u32 v13, $0x3;
	v38 =	vld [tilespmem:$0x18A00];
	v50 =	vand.u32 $0xFFFFFC00, v12;
	v1 =	vor.u32 v2, v1  }
0x130: {  	v53 =	vand.u32 $0xFFFFFC00, v5;
	v3 =	vor.u32 v50, v8;
	v8 =	vld.idx.msk [tilespmem:v0+s5+$0x0], $0xffff;
	v0 =	vand.u32 $0x7F, v47  }
0x131: {  	v59 =	vand.u32 $0x7F, v13;
	v48 =	vld [tilespmem:$0x18A80];
	v46 =	vand.u32 $0xFFFFFC00, v44;
	v0 =	vor.u32 v53, v0  }
0x132: {  	v10 =	vshll.u32 v57, $0x3;
	v37 =	vld [tilespmem:$0x18980];
	v4 =	vor.u32 v46, v45;
	v0 =	vor.u32 v2, v0  }
0x133: {  	v19 =	vand.u32 $0x7F, v15;
	v25 =	vshll.u32 v63, $0x3;
	v42 =	vld.idx.msk [tilespmem:v58+s5+$0x0], $0xffff;
	v4 =	vor.u32 v2, v4  }
0x134: {  	v11 =	vand.u32 $0xFFFFFC00, v11;
	v52 =	vor.u32 v2, v3;
	v18 =	vld.idx.msk [tilespmem:v1+s5+$0x0], $0xffff;
	v1 =	vand.u32 $0x7F, v51  }
0x135: {  	v27 =	vand.u32 $0x7F, v63;
	v60 =	vand.u32 $0xFFFFFC00, v16;
	v49 =	vld [tilespmem:$0x18B00];
	v1 =	vor.u32 v11, v1  }
0x136: {  	v54 =	vand.u32 $0x7F, v38;
	v50 =	vshll.u32 v38, $0x3;
	v38 =	vld [tilespmem:$0x18F00];
	v1 =	vor.u32 v2, v1  }
0x137: {  	v10 =	vand.u32 $0xFFFFFC00, v10;
	v61 =	vor.u32 v60, v59;
	v41 =	vld.idx.msk [tilespmem:v0+s5+$0x0], $0xffff;
	v0 =	vand.u32 $0x7F, v57  }
0x138: {  	v12 =	vshll.u32 v62, $0x3;
	v22 =	vld.idx.msk [tilespmem:v4+s5+$0x0], $0xffff;
	v11 =	vor.u32 v2, v61;
	v0 =	vor.u32 v10, v0  }
0x139: {  	v26 =	vand.u32 $0xFFFFFC00, v12;
	v4 =	vshll.u32 v15, $0x3;
	v5 =	vld.idx.msk [tilespmem:v52+s5+$0x0], $0xffff;
	v0 =	vor.u32 v2, v0  }
0x13a: {  	v63 =	vshll.u32 v49, $0x3;
	v17 =	vand.u32 $0x7F, v49;
	v20 =	vand.u32 $0xFFFFFC00, v4;
	v61 =	vld [tilespmem:$0x18B80]  }
0x13b: {  	v21 =	vor.u32 v20, v19;
	v19 =	vand.u32 $0xFFFFFC00, v63;
	v44 =	vld.idx.msk [tilespmem:v1+s5+$0x0], $0xffff;
	v1 =	vand.u32 $0x7F, v62  }
0x13c: {  	v28 =	vand.u32 $0xFFFFFC00, v25;
	v20 =	vor.u32 v19, v17;
	v19 =	vld [tilespmem:$0x19080];
	v1 =	vor.u32 v26, v1  }
0x13d: {  	v14 =	vshll.u32 v23, $0x3;
	v29 =	vor.u32 v28, v27;
	v45 =	vld.idx.msk [tilespmem:v11+s5+$0x0], $0xffff;
	v1 =	vor.u32 v2, v1  }
0x13e: {  	v33 =	vand.u32 $0xFFFFFC00, v14;
	v11 =	vor.u32 v2, v29;
	v51 =	vld.idx.msk [tilespmem:v0+s5+$0x0], $0xffff;
	v0 =	vand.u32 $0x7F, v23  }
0x13f: {  	v62 =	vld [tilespmem:$0x18C00];
	v0 =	vor.u32 v33, v0  }
0x140: {  	v32 =	vshll.u32 v24, $0x3;
	v34 =	vand.u32 $0x7F, v24;
	v29 =	vld [tilespmem:$0x18D80];
	v0 =	vor.u32 v2, v0  }
0x141: {  	v35 =	vand.u32 $0xFFFFFC00, v32;
	v12 =	vshll.u32 v30, $0x3;
	v10 =	vor.u32 v2, v21;
	v21 =	vld [tilespmem:$0x18C80]  }
0x142: {  	v36 =	vor.u32 v35, v34;
	v40 =	vand.u32 $0xFFFFFC00, v12;
	v57 =	vld.idx.msk [tilespmem:v1+s5+$0x0], $0xffff;
	v1 =	vand.u32 $0x7F, v30  }
0x143: {  	v39 =	vshll.u32 v31, $0x3;
	v14 =	vshll.u32 v37, $0x3;
	v55 =	vld.idx.msk [tilespmem:v11+s5+$0x0], $0xffff;
	v1 =	vor.u32 v40, v1  }
0x144: {  	v24 =	vshll.u32 v62, $0x3;
	v26 =	vand.u32 $0x7F, v62;
	v62 =	vld [tilespmem:$0x19000];
	v1 =	vor.u32 v2, v1  }
0x145: {  	v46 =	vand.u32 $0xFFFFFC00, v39;
	v52 =	vand.u32 $0xFFFFFC00, v14;
	v59 =	vld.idx.msk [tilespmem:v0+s5+$0x0], $0xffff;
	v0 =	vand.u32 $0x7F, v37  }
0x146: {  	v43 =	vand.u32 $0x7F, v31;
	v53 =	vld.idx.msk [tilespmem:v10+s5+$0x0], $0xffff;
	v10 =	vor.u32 v2, v36;
	v0 =	vor.u32 v52, v0  }
0x147: {  	v47 =	vor.u32 v46, v43;
	v36 =	vld [tilespmem:$0x18E80];
	v0 =	vor.u32 v2, v0  }
0x148: {  	v12 =	vshll.u32 v48, $0x3;
	v56 =	vand.u32 $0xFFFFFC00, v50;
	v11 =	vor.u32 v2, v47;
	v23 =	vld [tilespmem:$0x18D00]  }
0x149: {  	v60 =	vor.u32 v56, v54;
	v4 =	vand.u32 $0xFFFFFC00, v12;
	v56 =	vld.idx.msk [tilespmem:v1+s5+$0x0], $0xffff;
	v1 =	vand.u32 $0x7F, v48  }
0x14a: {  	v30 =	vld [tilespmem:$0x18E00];
	v1 =	vor.u32 v4, v1  }
0x14b: {  	v14 =	vshll.u32 v61, $0x3;
	v58 =	vld.idx.msk [tilespmem:v10+s5+$0x0], $0xffff;
	v1 =	vor.u32 v2, v1  }
0x14c: {  	v25 =	vand.u32 $0xFFFFFC00, v14;
	v10 =	vor.u32 v2, v60;
	v46 =	vld.idx.msk [tilespmem:v0+s5+$0x0], $0xffff;
	v0 =	vand.u32 $0x7F, v61  }
0x14d: {  	v27 =	vand.u32 $0xFFFFFC00, v24;
	v54 =	vld.idx.msk [tilespmem:v11+s5+$0x0], $0xffff;
	v11 =	vor.u32 v2, v20;
	v0 =	vor.u32 v25, v0  }
0x14e: {  	v12 =	vshll.u32 v21, $0x3;
	v28 =	vor.u32 v27, v26;
	v26 =	vld [tilespmem:$0x19180];
	v0 =	vor.u32 v2, v0  }
0x14f: {  	v32 =	vand.u32 $0xFFFFFC00, v12;
	v60 =	vld [tilespmem:$0x18F80]  }
0x150: {  	v31 =	vshll.u32 v23, $0x3;
	v33 =	vand.u32 $0x7F, v23;
	v49 =	vld.idx.msk [tilespmem:v1+s5+$0x0], $0xffff;
	v1 =	vand.u32 $0x7F, v21  }
0x151: {  	v34 =	vand.u32 $0xFFFFFC00, v31;
	v47 =	vld.idx.msk [tilespmem:v10+s5+$0x0], $0xffff;
	v10 =	vor.u32 v2, v28;
	v1 =	vor.u32 v32, v1  }
0x152: {  	v48 =	vld.idx.msk [tilespmem:v11+s5+$0x0], $0xffff;
	v35 =	vor.u32 v34, v33;
	v37 =	vshll.u32 v29, $0x3;
	v1 =	vor.u32 v2, v1  }
0x153: {  	v11 =	vor.u32 v2, v35;
	v13 =	vand.u32 $0xFFFFFC00, v37;
	v52 =	vld.idx.msk [tilespmem:v0+s5+$0x0], $0xffff;
	v0 =	vand.u32 $0x7F, v29  }
0x154: {  	v39 =	vshll.u32 v30, $0x3;
	v40 =	vand.u32 $0x7F, v30;
	v30 =	vld [tilespmem:$0x19280];
	v0 =	vor.u32 v13, v0  }
0x155: {  	v43 =	vand.u32 $0xFFFFFC00, v39;
	v28 =	vld [tilespmem:$0x19200];
	v0 =	vor.u32 v2, v0  }
0x156: {  	v4 =	vshll.u32 v38, $0x3;
	v50 =	vld.idx.msk [tilespmem:v10+s5+$0x0], $0xffff;
	v10 =	vor.u32 v43, v40;
	v61 =	vshll.u32 v36, $0x3  }
0x157: {  	v10 =	vor.u32 v2, v10;
	v63 =	vand.u32 $0xFFFFFC00, v61;
	v43 =	vld.idx.msk [tilespmem:v1+s5+$0x0], $0xffff;
	v1 =	vand.u32 $0x7F, v36  }
0x158: {  	v16 =	vand.u32 $0x7F, v38;
	v17 =	vand.u32 $0xFFFFFC00, v4;
	v40 =	vld.idx.msk [tilespmem:v11+s5+$0x0], $0xffff;
	v1 =	vor.u32 v63, v1  }
0x159: {  	v11 =	vor.u32 v17, v16;
	v25 =	vld [tilespmem:$0x19100];
	v1 =	vor.u32 v2, v1  }
0x15a: {  	v20 =	vshll.u32 v60, $0x3;
	v34 =	vld.idx.msk [tilespmem:v0+s5+$0x0], $0xffff;
	v0 =	vor.u32 v2, v11  }
0x15b: {  	v21 =	vand.u32 $0x7F, v60;
	v60 =	vshll.u32 v26, $0x3;
	v61 =	vand.u32 $0x7F, v26;
	v26 =	vld [tilespmem:$0x19480]  }
0x15c: {  	v23 =	vshll.u32 v62, $0x3;
	v31 =	vld.idx.msk [tilespmem:v10+s5+$0x0], $0xffff;
	v11 =	vand.u32 $0xFFFFFC00, v20  }
0x15d: {  	v24 =	vand.u32 $0x7F, v62;
	v13 =	vand.u32 $0xFFFFFC00, v23;
	v63 =	vld [tilespmem:$0x19300];
	v10 =	vor.u32 v11, v21  }
0x15e: {  	v27 =	vshll.u32 v19, $0x3;
	v38 =	vld.idx.msk [tilespmem:v1+s5+$0x0], $0xffff;
	v11 =	vor.u32 v13, v24;
	v10 =	vor.u32 v2, v10  }
0x15f: {  	v1 =	vor.u32 v2, v11;
	v11 =	vand.u32 $0xFFFFFC00, v27;
	v36 =	vld.idx.msk [tilespmem:v0+s5+$0x0], $0xffff;
	v0 =	vand.u32 $0x7F, v19  }
0x160: {  	v7 =	vadd.f32 $0.0e+00, v7;
	v4 =	vld [tilespmem:$0x19680];
	v0 =	vor.u32 v11, v0  }
0x161: {  	v35 =	vand.u32 $0x7F, v25;
	v29 =	vshll.u32 v25, $0x3;
	v25 =	vld [tilespmem:$0x19400];
	v0 =	vor.u32 v2, v0  }
0x162: {  	v7 =	vadd.f32 v9, v7;
	v17 =	vshll.u32 v26, $0x3;
	v20 =	vld [tilespmem:$0x19380]  }
0x163: {  	v62 =	vand.u32 $0xFFFFFC00, v60;
	v17 =	vand.u32 $0xFFFFFC00, v17;
	v12 =	vand.u32 $0xFFFFFC00, v29;
	v39 =	vld.idx.msk [tilespmem:v10+s5+$0x0], $0xffff  }
0x164: {  	v23 =	vshll.u32 v30, $0x3;
	v32 =	vshll.u32 v63, $0x3;
	v33 =	vand.u32 $0x7F, v63;
	v37 =	vld.idx.msk [tilespmem:v1+s5+$0x0], $0xffff  }
0x165: {  	v24 =	vand.u32 $0x7F, v30;
	v19 =	vshll.u32 v28, $0x3;
	v10 =	vor.u32 v62, v61;
	v62 =	vld [tilespmem:$0x19500]  }
0x166: {  	v21 =	vand.u32 $0xFFFFFC00, v19;
	v1 =	vor.u32 v12, v35;
	v35 =	vld.idx.msk [tilespmem:v0+s5+$0x0], $0xffff;
	v0 =	vand.u32 $0x7F, v28  }
0x167: {  	v63 =	vld [tilespmem:$0x19580];
	v13 =	vand.u32 $0xFFFFFC00, v23;
	v1 =	vor.u32 v2, v1;
	v0 =	vor.u32 v21, v0  }
0x168: {  	v60 =	vshll.u32 v20, $0x3;
	v11 =	vor.u32 v13, v24;
	v19 =	vld [tilespmem:$0x19600];
	v0 =	vor.u32 v2, v0  }
0x169: {  	v13 =	vand.u32 $0x7F, v26;
	v61 =	vand.u32 $0x7F, v20;
	v20 =	vld [tilespmem:$0x19700];
	v10 =	vor.u32 v2, v10  }
0x16a: {  	v6 =	vadd.f32 v6, v7;
	v13 =	vor.u32 v17, v13;
	v17 =	vld [tilespmem:$0x19780]  }
0x16b: {  	v15 =	vshll.u32 v25, $0x3;
	v24 =	vshll.u32 v62, $0x3;
	v14 =	vand.u32 $0x7F, v62;
	v62 =	vld [tilespmem:$0x19800]  }
0x16c: {  	v6 =	vadd.f32 v8, v6;
	v15 =	vand.u32 $0xFFFFFC00, v15;
	v28 =	vld.idx.msk [tilespmem:v1+s5+$0x0], $0xffff;
	v1 =	vor.u32 v2, v11  }
0x16d: {  	v12 =	vand.u32 $0xFFFFFC00, v60;
	v60 =	vshll.u32 v4, $0x3;
	v11 =	vand.u32 $0xFFFFFC00, v32;
	v0 =	vld.idx.msk [tilespmem:v0+s5+$0x0], $0xffff  }
0x16e: {  	v3 =	vld.idx.msk [tilespmem:v10+s5+$0x0], $0xffff;
	v32 =	vshll.u32 v19, $0x3;
	v10 =	vor.u32 v11, v33;
	v11 =	vor.u32 v12, v61  }
0x16f: {  	v12 =	vand.u32 $0x7F, v63;
	v33 =	vand.u32 $0x7F, v19;
	v10 =	vor.u32 v2, v10  }
0x170: {  	v61 =	vand.u32 $0x7F, v4;
	v4 =	vshll.u32 v20, $0x3;
	v11 =	vor.u32 v2, v11  }
0x171: {  	v19 =	vand.u32 $0xFFFFFC00, v4;
	v27 =	vshll.u32 v62, $0x3;
	v16 =	vld.idx.msk [tilespmem:v1+s5+$0x0], $0xffff;
	v1 =	vor.u32 v2, v13  }
0x172: {  	v21 =	vld [tilespmem:$0x19900];
	v13 =	vand.u32 $0xFFFFFC00, v24;
	v24 =	vshll.u32 v17, $0x3;
	[tilespmem:$0x1FB70] =	vst v0;
	v0 =	vand.u32 $0x7F, v25  }
0x173: {  	v17 =	vand.u32 $0x7F, v17;
	v25 =	vshll.u32 v63, $0x3;
	v63 =	vld [tilespmem:$0x19880];
	v0 =	vor.u32 v15, v0  }
0x174: {  	v13 =	vor.u32 v13, v14;
	v14 =	vand.u32 $0xFFFFFC00, v60;
	v29 =	vld.idx.msk [tilespmem:v10+s5+$0x0], $0xffff;
	v0 =	vor.u32 v2, v0  }
0x175: {  	v10 =	vor.u32 v2, v13;
	v13 =	vand.u32 $0xFFFFFC00, v32;
	v26 =	vand.u32 $0xFFFFFC00, v25;
	v25 =	vld.idx.msk [tilespmem:v11+s5+$0x0], $0xffff  }
0x176: {  	v11 =	vor.u32 v13, v33;
	v13 =	vor.u32 v14, v61;
	v12 =	vor.u32 v26, v12;
	v26 =	vld [tilespmem:$0x19980]  }
0x177: {  	v23 =	vld [tilespmem:$0x19A00];
	v15 =	vand.u32 $0x7F, v62;
	v61 =	vshll.u32 v21, $0x3;
	v62 =	vand.u32 $0x7F, v21  }
0x178: {  	v33 =	vld.idx.msk [tilespmem:v1+s5+$0x0], $0xffff;
	v11 =	vor.u32 v2, v11;
	v13 =	vor.u32 v2, v13;
	v30 =	vshll.u32 v63, $0x3  }
0x179: {  	v12 =	vor.u32 v2, v12;
	v14 =	vand.u32 $0x7F, v63;
	v60 =	vand.u32 $0xFFFFFC00, v30;
	v32 =	vld.idx.msk [tilespmem:v0+s5+$0x0], $0xffff  }
0x17a: {  	v0 =	vand.u32 $0x7F, v20;
	v20 =	vand.u32 $0xFFFFFC00, v24;
	v14 =	vor.u32 v60, v14;
	v24 =	vld [tilespmem:$0x19B00]  }
0x17b: {  	v63 =	vshll.u32 v26, $0x3;
	v4 =	vand.u32 $0x7F, v26;
	v26 =	vld [tilespmem:$0x19B80];
	v17 =	vor.u32 v20, v17  }
0x17c: {  	v60 =	vand.u32 $0x7F, v23;
	v20 =	vld [tilespmem:$0x19A80];
	v1 =	vor.u32 v2, v17;
	v17 =	vand.u32 $0xFFFFFC00, v27  }
0x17d: {  	v30 =	vld.idx.msk [tilespmem:v10+s5+$0x0], $0xffff;
	v0 =	vor.u32 v19, v0;
	v21 =	vand.u32 $0xFFFFFC00, v63;
	v15 =	vor.u32 v17, v15  }
0x17e: {  	v19 =	vld.idx.msk [tilespmem:v11+s5+$0x0], $0xffff;
	v0 =	vor.u32 v2, v0;
	v10 =	vor.u32 v2, v15;
	v15 =	vand.u32 $0xFFFFFC00, v61  }
0x17f: {  	v14 =	vor.u32 v2, v14;
	v17 =	vld.idx.msk [tilespmem:v12+s5+$0x0], $0xffff;
	v61 =	vshll.u32 v23, $0x3;
	v12 =	vor.u32 v15, v62  }
0x180: {  	v27 =	vld [tilespmem:$0x19C00];
	v15 =	vor.u32 v21, v4;
	v21 =	vand.u32 $0xFFFFFC00, v61;
	v63 =	vshll.u32 v24, $0x3  }
0x181: {  	v4 =	vshll.u32 v26, $0x3;
	v61 =	vld [tilespmem:$0x19D00];
	v12 =	vor.u32 v2, v12;
	v62 =	vshll.u32 v20, $0x3  }
0x182: {  	v20 =	vand.u32 $0x7F, v20;
	v11 =	vor.u32 v21, v60;
	v60 =	vld [tilespmem:$0x19C80];
	v23 =	vand.u32 $0xFFFFFC00, v62  }
0x183: {  	v15 =	vor.u32 v2, v15;
	v11 =	vor.u32 v2, v11;
	v21 =	vld.idx.msk [tilespmem:v0+s5+$0x0], $0xffff;
	v20 =	vor.u32 v23, v20  }
0x184: {  	v0 =	vand.u32 $0x7F, v24;
	v23 =	vld.idx.msk [tilespmem:v13+s5+$0x0], $0xffff;
	v13 =	vor.u32 v2, v20;
	v20 =	vand.u32 $0xFFFFFC00, v63  }
0x185: {  	v24 =	vand.u32 $0xFFFFFC00, v4;
	v62 =	vld [tilespmem:$0x19D80];
	v0 =	vor.u32 v20, v0;
	v20 =	vand.u32 $0x7F, v26  }
0x186: {  	v26 =	vld.idx.msk [tilespmem:v1+s5+$0x0], $0xffff;
	v1 =	vand.u32 $0x7F, v27;
	v20 =	vor.u32 v24, v20;
	v24 =	vshll.u32 v27, $0x3  }
0x187: {  	v4 =	vor.u32 v2, v0;
	v63 =	vshll.u32 v60, $0x3;
	v27 =	vand.u32 $0xFFFFFC00, v24;
	v24 =	vld.idx.msk [tilespmem:v10+s5+$0x0], $0xffff  }
0x188: {  	v10 =	vand.u32 $0x7F, v60;
	v1 =	vor.u32 v27, v1;
	v27 =	vand.u32 $0xFFFFFC00, v63;
	v63 =	vld [tilespmem:$0x19E00]  }
0x189: {  	[tilespmem:$0x1FB60] =	vst v3;
	v60 =	vor.u32 v2, v20;
	v20 =	vand.u32 $0x7F, v61;
	v3 =	vor.u32 v2, v1;
	v1 =	vld [tilespmem:$0x19E80]  }
0x18a: {  	v61 =	vshll.u32 v61, $0x3;
	v0 =	vshll.u32 v62, $0x3;
	v10 =	vor.u32 v27, v10;
	v27 =	vld.idx.msk [tilespmem:v14+s5+$0x0], $0xffff  }
0x18b: {  	v62 =	vand.u32 $0x7F, v62;
	v0 =	vand.u32 $0xFFFFFC00, v0;
	v14 =	vand.u32 $0xFFFFFC00, v61;
	v61 =	vld.idx.msk [tilespmem:v12+s5+$0x0], $0xffff  }
0x18c: {  	v6 =	vadd.f32 v22, v6;
	v0 =	vor.u32 v0, v62;
	v62 =	vld [tilespmem:$0x19F00];
	v10 =	vor.u32 v2, v10  }
0x18d: {  	v9 =	vor.u32 v2, v0;
	v0 =	vand.u32 $0x7F, v63;
	v12 =	vshll.u32 v63, $0x3;
	v63 =	vld [tilespmem:$0x19F80]  }
0x18e: {  	v15 =	vld.idx.msk [tilespmem:v15+s5+$0x0], $0xffff;
	v20 =	vor.u32 v14, v20;
	v12 =	vand.u32 $0xFFFFFC00, v12;
	v7 =	vshll.u32 v1, $0x3  }
0x18f: {  	v13 =	vld.idx.msk [tilespmem:v13+s5+$0x0], $0xffff;
	v1 =	vand.u32 $0x7F, v1;
	v0 =	vor.u32 v12, v0;
	v7 =	vand.u32 $0xFFFFFC00, v7  }
0x190: {  	v14 =	vld.idx.msk [tilespmem:v11+s5+$0x0], $0xffff;
	v20 =	vor.u32 v2, v20;
	v0 =	vor.u32 v2, v0;
	v1 =	vor.u32 v7, v1  }
0x191: {  	v12 =	vld.idx.msk [tilespmem:v4+s5+$0x0], $0xffff;
	v4 =	vor.u32 v2, v1;
	v1 =	vand.u32 $0x7F, v62;
	v62 =	vshll.u32 v62, $0x3  }
0x192: {  	v6 =	vadd.f32 v18, v6;
	v11 =	vld.idx.msk [tilespmem:v60+s5+$0x0], $0xffff;
	v7 =	vand.u32 $0xFFFFFC00, v62;
	v62 =	vshll.u32 v63, $0x3  }
0x193: {  	v22 =	vld.idx.msk [tilespmem:v3+s5+$0x0], $0xffff;
	v63 =	vand.u32 $0x7F, v63;
	v3 =	vor.u32 v7, v1;
	v8 =	vand.u32 $0xFFFFFC00, v62  }
0x194: {  	v5 =	vadd.f32 v5, v6;
	v1 =	vld.idx.msk [tilespmem:v10+s5+$0x0], $0xffff;
	v3 =	vor.u32 v2, v3;
	v7 =	vor.u32 v8, v63  }
0x195: {  	v8 =	vld.idx.msk [tilespmem:v20+s5+$0x0], $0xffff;
	v20 =	vor.u32 v2, v7  }
0x196: {  	v6 =	vld.idx.msk [tilespmem:v0+s5+$0x0], $0xffff;
	v0 =	vadd.f32 v41, v5  }
0x197: {  	v7 =	vld.idx.msk [tilespmem:v9+s5+$0x0], $0xffff  }
0x198: {  	v4 =	vld.idx.msk [tilespmem:v4+s5+$0x0], $0xffff;
	v0 =	vadd.f32 v42, v0  }
0x199: {  	s22 =	rddreg [dreg:$0xe];
	v5 =	vld.idx.msk [tilespmem:v3+s5+$0x0], $0xffff  }
0x19a: {  	v0 =	vadd.f32 v44, v0;
	v3 =	vld.idx.msk [tilespmem:v20+s5+$0x0], $0xffff;
	[tilespmem:s5], [sflag:$0x1] =	stream.linear.gather [hbm4b:s22+s5], $0x8000, $0x38  }
0x19b: {  	_ =	swait.ge [sflag:s20], $0x8000  }
0x19c: {  	v0 =	vadd.f32 v45, v0;
	[sflag:s20] =	ssyncset.done $0x0  }
0x19d: {  	[sflag:s20] =	ssyncadd.s32 $0xFFFF8000  }
0x19e: {  	v0 =	vadd.f32 v51, v0;
	v45 =	vld [tilespmem:$0x18000]  }
0x19f: {  	v60 =	vld [tilespmem:$0x18080]  }
0x1a0: {  	v63 =	vld [tilespmem:$0x18100];
	v0 =	vadd.f32 v53, v0  }
0x1a1: {  	v51 =	vld [tilespmem:$0x18180]  }
0x1a2: {  	v0 =	vadd.f32 v57, v0;
	_ =	sdelay $0x1  }
0x1a3: {  	v62 =	vshll.u32 v45, $0x3;
	v9 =	vand.u32 $0x7F, v45;
	v0 =	vadd.f32 v55, v0  }
0x1a4: {  	v44 =	vld [tilespmem:$0x18280];
	v53 =	vshll.u32 v60, $0x3;
	v10 =	vand.u32 $0x7F, v60;
	v20 =	vand.u32 $0x7F, v63  }
0x1a5: {  	v60 =	vshll.u32 v51, $0x3;
	v18 =	vand.u32 $0xFFFFFC00, v62;
	v41 =	vand.u32 $0xFFFFFC00, v53  }
0x1a6: {  	v55 =	vld [tilespmem:$0x18200];
	v62 =	vand.u32 $0xFFFFFC00, v60;
	v9 =	vor.u32 v18, v9;
	v0 =	vadd.f32 v59, v0  }
0x1a7: {  	v10 =	vor.u32 v41, v10;
	v59 =	vshll.u32 v63, $0x3;
	v18 =	vand.u32 $0x7F, v51  }
0x1a8: {  	v63 =	vld [tilespmem:$0x18300];
	v9 =	vor.u32 v2, v9;
	v10 =	vor.u32 v2, v10;
	v42 =	vand.u32 $0xFFFFFC00, v59  }
0x1a9: {  	v18 =	vor.u32 v62, v18;
	v59 =	vshll.u32 v44, $0x3;
	v44 =	vand.u32 $0x7F, v44  }
0x1aa: {  	v0 =	vadd.f32 v58, v0;
	v20 =	vor.u32 v42, v20;
	v18 =	vor.u32 v2, v18  }
0x1ab: {  	v58 =	vld [tilespmem:$0x18380];
	v60 =	vand.u32 $0xFFFFFC00, v59;
	v20 =	vor.u32 v2, v20;
	v57 =	vshll.u32 v55, $0x3  }
0x1ac: {  	v41 =	vand.u32 $0x7F, v55;
	v44 =	vor.u32 v60, v44;
	v0 =	vadd.f32 v56, v0  }
0x1ad: {  	v45 =	vand.u32 $0xFFFFFC00, v57;
	v44 =	vor.u32 v2, v44;
	v62 =	vshll.u32 v63, $0x3;
	v9 =	vld.idx.msk [tilespmem:v9+s6+$0x0], $0xffff  }
0x1ae: {  	v41 =	vor.u32 v45, v41;
	v42 =	vand.u32 $0x7F, v63;
	v10 =	vld.idx.msk [tilespmem:v10+s6+$0x0], $0xffff;
	v45 =	vand.u32 $0xFFFFFC00, v62  }
0x1af: {  	v0 =	vadd.f32 v54, v0;
	v41 =	vor.u32 v2, v41;
	v18 =	vld.idx.msk [tilespmem:v18+s6+$0x0], $0xffff;
	v42 =	vor.u32 v45, v42  }
0x1b0: {  	v63 =	vshll.u32 v58, $0x3;
	v56 =	vand.u32 $0x7F, v58;
	v58 =	vld [tilespmem:$0x18400];
	v59 =	vor.u32 v2, v42  }
0x1b1: {  	v20 =	vld.idx.msk [tilespmem:v20+s6+$0x0], $0xffff  }
0x1b2: {  	v57 =	vand.u32 $0xFFFFFC00, v63;
	v0 =	vadd.f32 v46, v0;
	v63 =	vld [tilespmem:$0x18480]  }
0x1b3: {  	v62 =	vld.idx.msk [tilespmem:v44+s6+$0x0], $0xffff;
	v9 =	vadd.f32 $0.0e+00, v9  }
0x1b4: {  	v0 =	vadd.f32 v47, v0;
	v41 =	vld.idx.msk [tilespmem:v41+s6+$0x0], $0xffff  }
0x1b5: {  	v9 =	vadd.f32 v10, v9;
	v10 =	vld.idx.msk [tilespmem:v59+s6+$0x0], $0xffff  }
0x1b6: {  	v60 =	vor.u32 v57, v56;
	v0 =	vadd.f32 v49, v0;
	v55 =	vld [tilespmem:$0x18500]  }
0x1b7: {  	v42 =	vor.u32 v2, v60;
	v57 =	vld [tilespmem:$0x18580];
	v9 =	vadd.f32 v20, v9  }
0x1b8: {  	v51 =	vshll.u32 v58, $0x3;
	v53 =	vand.u32 $0x7F, v58;
	v59 =	vld [tilespmem:$0x18600];
	v0 =	vadd.f32 v48, v0  }
0x1b9: {  	v56 =	vshll.u32 v63, $0x3;
	v44 =	vand.u32 $0x7F, v63;
	v63 =	vld [tilespmem:$0x18680];
	v9 =	vadd.f32 v18, v9  }
0x1ba: {  	v20 =	vand.u32 $0xFFFFFC00, v56;
	v0 =	vadd.f32 v52, v0;
	v18 =	vand.u32 $0xFFFFFC00, v51  }
0x1bb: {  	v49 =	vld [tilespmem:$0x18700];
	v58 =	vor.u32 v20, v44;
	v18 =	vor.u32 v18, v53;
	v9 =	vadd.f32 v41, v9  }
0x1bc: {  	v54 =	vld.idx.msk [tilespmem:v42+s6+$0x0], $0xffff;
	v0 =	vadd.f32 v50, v0;
	v60 =	vshll.u32 v55, $0x3;
	v42 =	vand.u32 $0x7F, v55  }
0x1bd: {  	v48 =	vand.u32 $0x7F, v57;
	v18 =	vor.u32 v2, v18;
	v9 =	vadd.f32 v62, v9  }
0x1be: {  	v50 =	vshll.u32 v59, $0x3;
	v20 =	vand.u32 $0x7F, v59;
	v53 =	vshll.u32 v63, $0x3  }
0x1bf: {  	v41 =	vand.u32 $0xFFFFFC00, v60;
	v9 =	vadd.f32 v10, v9;
	v10 =	vor.u32 v2, v58  }
0x1c0: {  	v46 =	vand.u32 $0x7F, v63;
	v41 =	vor.u32 v41, v42;
	v62 =	vshll.u32 v57, $0x3  }
0x1c1: {  	v51 =	vld [tilespmem:$0x18780];
	v55 =	vshll.u32 v49, $0x3;
	v41 =	vor.u32 v2, v41;
	v44 =	vand.u32 $0xFFFFFC00, v62  }
0x1c2: {  	v45 =	vand.u32 $0x7F, v49;
	v0 =	vadd.f32 v43, v0;
	v42 =	vor.u32 v44, v48;
	v18 =	vld.idx.msk [tilespmem:v18+s6+$0x0], $0xffff  }
0x1c3: {  	v56 =	vand.u32 $0xFFFFFC00, v55;
	v62 =	vld [tilespmem:$0x18880];
	v44 =	vand.u32 $0xFFFFFC00, v50;
	v42 =	vor.u32 v2, v42  }
0x1c4: {  	v0 =	vadd.f32 v40, v0;
	v58 =	vor.u32 v56, v45;
	v20 =	vor.u32 v44, v20;
	v10 =	vld.idx.msk [tilespmem:v10+s6+$0x0], $0xffff  }
0x1c5: {  	v45 =	vld [tilespmem:$0x18B80];
	v9 =	vadd.f32 v54, v9;
	v52 =	vor.u32 v2, v20;
	v20 =	vand.u32 $0xFFFFFC00, v53  }
0x1c6: {  	v41 =	vld.idx.msk [tilespmem:v41+s6+$0x0], $0xffff;
	v20 =	vor.u32 v20, v46  }
0x1c7: {  	v0 =	vadd.f32 v34, v0;
	v54 =	vld [tilespmem:$0x18800];
	v20 =	vor.u32 v2, v20;
	v9 =	vadd.f32 v18, v9  }
0x1c8: {  	v57 =	vld.idx.msk [tilespmem:v42+s6+$0x0], $0xffff  }
0x1c9: {  	v59 =	vor.u32 v2, v58;
	v58 =	vld [tilespmem:$0x18980];
	v0 =	vadd.f32 v31, v0;
	v9 =	vadd.f32 v10, v9  }
0x1ca: {  	v60 =	vshll.u32 v51, $0x3;
	v43 =	vand.u32 $0x7F, v51;
	v53 =	vand.u32 $0x7F, v62;
	v18 =	vld.idx.msk [tilespmem:v52+s6+$0x0], $0xffff  }
0x1cb: {  	v0 =	vadd.f32 v38, v0;
	v42 =	vand.u32 $0xFFFFFC00, v60;
	v60 =	vld [tilespmem:$0x18A00];
	v9 =	vadd.f32 v41, v9  }
0x1cc: {  	v63 =	vshll.u32 v54, $0x3;
	v42 =	vor.u32 v42, v43;
	v48 =	vand.u32 $0x7F, v54;
	v20 =	vld.idx.msk [tilespmem:v20+s6+$0x0], $0xffff  }
0x1cd: {  	v52 =	vshll.u32 v62, $0x3;
	v54 =	vld [tilespmem:$0x18900];
	v0 =	vadd.f32 v36, v0;
	v9 =	vadd.f32 v57, v9  }
0x1ce: {  	v49 =	vand.u32 $0xFFFFFC00, v63;
	v50 =	vor.u32 v2, v42;
	v34 =	vand.u32 $0xFFFFFC00, v52;
	v10 =	vld.idx.msk [tilespmem:v59+s6+$0x0], $0xffff  }
0x1cf: {  	v63 =	vld [tilespmem:$0x18A80];
	v51 =	vor.u32 v49, v48;
	v0 =	vadd.f32 v39, v0;
	v9 =	vadd.f32 v18, v9  }
0x1d0: {  	v40 =	vshll.u32 v58, $0x3;
	v55 =	vor.u32 v34, v53;
	v49 =	vld [tilespmem:$0x18C00];
	v42 =	vor.u32 v2, v51  }
0x1d1: {  	v34 =	vand.u32 $0x7F, v58;
	v51 =	vld [tilespmem:$0x18C80];
	v0 =	vadd.f32 v37, v0;
	v9 =	vadd.f32 v20, v9  }
0x1d2: {  	v43 =	vand.u32 $0x7F, v60;
	v59 =	vshll.u32 v54, $0x3;
	v62 =	vand.u32 $0x7F, v54;
	v41 =	vld [tilespmem:$0x18B00]  }
0x1d3: {  	v56 =	vld.idx.msk [tilespmem:v50+s6+$0x0], $0xffff;
	v18 =	vor.u32 v2, v55;
	v9 =	vadd.f32 v10, v9;
	v10 =	vand.u32 $0xFFFFFC00, v59  }
0x1d4: {  	v47 =	vshll.u32 v63, $0x3;
	v31 =	vand.u32 $0x7F, v63;
	v63 =	vld [tilespmem:$0x18D80];
	v10 =	vor.u32 v10, v62  }
0x1d5: {  	v57 =	vld.idx.msk [tilespmem:v42+s6+$0x0], $0xffff;
	v42 =	vshll.u32 v60, $0x3;
	v20 =	vand.u32 $0xFFFFFC00, v40;
	v10 =	vor.u32 v2, v10  }
0x1d6: {  	v0 =	vadd.f32 v35, v0;
	v44 =	vand.u32 $0xFFFFFC00, v42;
	v42 =	vld [tilespmem:$0x1FB70];
	v20 =	vor.u32 v20, v34  }
0x1d7: {  	v36 =	vand.u32 $0x7F, v49;
	v55 =	vshll.u32 v49, $0x3;
	v49 =	vld [tilespmem:$0x18F00];
	v20 =	vor.u32 v2, v20  }
0x1d8: {  	v0 =	vadd.f32 v28, v0;
	v28 =	vand.u32 $0xFFFFFC00, v55;
	v34 =	vor.u32 v44, v43;
	v18 =	vld.idx.msk [tilespmem:v18+s6+$0x0], $0xffff  }
0x1d9: {  	v55 =	vld [tilespmem:$0x19000];
	v46 =	vor.u32 v2, v34;
	v34 =	vand.u32 $0xFFFFFC00, v47;
	v9 =	vadd.f32 v56, v9  }
0x1da: {  	v48 =	vshll.u32 v41, $0x3;
	v50 =	vand.u32 $0x7F, v41;
	v31 =	vor.u32 v34, v31;
	v10 =	vld.idx.msk [tilespmem:v10+s6+$0x0], $0xffff  }
0x1db: {  	v35 =	vand.u32 $0xFFFFFC00, v48;
	v40 =	vld [tilespmem:$0x1FB60];
	v31 =	vor.u32 v2, v31;
	v9 =	vadd.f32 v57, v9  }
0x1dc: {  	v38 =	vand.u32 $0x7F, v45;
	v52 =	vshll.u32 v45, $0x3;
	v34 =	vor.u32 v35, v50;
	v20 =	vld.idx.msk [tilespmem:v20+s6+$0x0], $0xffff  }
0x1dd: {  	v48 =	vld [tilespmem:$0x18E80];
	v35 =	vand.u32 $0xFFFFFC00, v52;
	v34 =	vor.u32 v2, v34;
	v9 =	vadd.f32 v18, v9  }
0x1de: {  	v58 =	vand.u32 $0x7F, v51;
	v53 =	vor.u32 v35, v38;
	v18 =	vld.idx.msk [tilespmem:v46+s6+$0x0], $0xffff  }
0x1df: {  	v28 =	vor.u32 v28, v36;
	v56 =	vld [tilespmem:$0x18D00];
	v54 =	vor.u32 v2, v53;
	v9 =	vadd.f32 v10, v9  }
0x1e0: {  	v45 =	vand.u32 $0x7F, v63;
	v28 =	vor.u32 v2, v28;
	v44 =	vshll.u32 v63, $0x3;
	v31 =	vld.idx.msk [tilespmem:v31+s6+$0x0], $0xffff  }
0x1e1: {  	v0 =	vadd.f32 v40, v0;
	v57 =	vshll.u32 v51, $0x3;
	v51 =	vld [tilespmem:$0x18F80];
	v9 =	vadd.f32 v20, v9  }
0x1e2: {  	v38 =	vshll.u32 v55, $0x3;
	v53 =	vshll.u32 v48, $0x3;
	v59 =	vand.u32 $0xFFFFFC00, v57;
	v60 =	vld.idx.msk [tilespmem:v34+s6+$0x0], $0xffff  }
0x1e3: {  	v0 =	vadd.f32 v42, v0;
	v62 =	vor.u32 v59, v58;
	v46 =	vld [tilespmem:$0x18E00];
	v9 =	vadd.f32 v18, v9  }
0x1e4: {  	v57 =	vshll.u32 v49, $0x3;
	v34 =	vor.u32 v2, v62;
	v41 =	vshll.u32 v56, $0x3;
	v10 =	vld.idx.msk [tilespmem:v54+s6+$0x0], $0xffff  }
0x1e5: {  	v35 =	vand.u32 $0x7F, v56;
	v18 =	vand.u32 $0xFFFFFC00, v41;
	v9 =	vadd.f32 v31, v9  }
0x1e6: {  	v0 =	vadd.f32 v16, v0;
	v59 =	vshll.u32 v51, $0x3;
	v18 =	vor.u32 v18, v35  }
0x1e7: {  	v20 =	vand.u32 $0xFFFFFC00, v44;
	v18 =	vor.u32 v2, v18;
	v9 =	vadd.f32 v60, v9  }
0x1e8: {  	v28 =	vld.idx.msk [tilespmem:v28+s6+$0x0], $0xffff;
	v50 =	vshll.u32 v46, $0x3;
	v52 =	vand.u32 $0x7F, v46;
	v47 =	vor.u32 v20, v45  }
0x1e9: {  	v58 =	vld [tilespmem:$0x19080];
	v16 =	vand.u32 $0xFFFFFC00, v50;
	v9 =	vadd.f32 v10, v9;
	v10 =	vor.u32 v2, v47  }
0x1ea: {  	v0 =	vadd.f32 v29, v0;
	v62 =	vand.u32 $0xFFFFFC00, v59;
	v43 =	vld.idx.msk [tilespmem:v34+s6+$0x0], $0xffff;
	v16 =	vor.u32 v16, v52  }
0x1eb: {  	v63 =	vld [tilespmem:$0x19100];
	v54 =	vand.u32 $0xFFFFFC00, v53;
	v16 =	vor.u32 v2, v16;
	v20 =	vand.u32 $0x7F, v48  }
0x1ec: {  	v0 =	vadd.f32 v25, v0;
	v25 =	vand.u32 $0x7F, v49;
	v20 =	vor.u32 v54, v20;
	v18 =	vld.idx.msk [tilespmem:v18+s6+$0x0], $0xffff  }
0x1ed: {  	v46 =	vld [tilespmem:$0x19200];
	v56 =	vor.u32 v2, v20;
	v20 =	vand.u32 $0xFFFFFC00, v57;
	v9 =	vadd.f32 v28, v9  }
0x1ee: {  	v40 =	vshll.u32 v58, $0x3;
	v42 =	vand.u32 $0x7F, v58;
	v20 =	vor.u32 v20, v25;
	v10 =	vld.idx.msk [tilespmem:v10+s6+$0x0], $0xffff  }
0x1ef: {  	v58 =	vld [tilespmem:$0x19400];
	v20 =	vor.u32 v2, v20;
	v60 =	vand.u32 $0x7F, v51;
	v9 =	vadd.f32 v43, v9  }
0x1f0: {  	v39 =	vand.u32 $0x7F, v55;
	v0 =	vadd.f32 v32, v0;
	v36 =	vld.idx.msk [tilespmem:v16+s6+$0x0], $0xffff;
	v25 =	vor.u32 v62, v60  }
0x1f1: {  	v52 =	vld [tilespmem:$0x19280];
	v37 =	vor.u32 v2, v25;
	v25 =	vand.u32 $0xFFFFFC00, v38;
	v9 =	vadd.f32 v18, v9  }
0x1f2: {  	v29 =	vand.u32 $0xFFFFFC00, v40;
	v0 =	vadd.f32 v33, v0;
	v25 =	vor.u32 v25, v39;
	v18 =	vld.idx.msk [tilespmem:v56+s6+$0x0], $0xffff  }
0x1f3: {  	v32 =	vld [tilespmem:$0x19580];
	v44 =	vand.u32 $0x7F, v63;
	v25 =	vor.u32 v2, v25;
	v9 =	vadd.f32 v10, v9  }
0x1f4: {  	v0 =	vadd.f32 v30, v0;
	v28 =	vor.u32 v29, v42;
	v20 =	vld.idx.msk [tilespmem:v20+s6+$0x0], $0xffff;
	v43 =	vshll.u32 v63, $0x3  }
0x1f5: {  	v41 =	vld [tilespmem:$0x19180];
	v28 =	vor.u32 v2, v28;
	v29 =	vand.u32 $0xFFFFFC00, v43;
	v9 =	vadd.f32 v36, v9  }
0x1f6: {  	v0 =	vadd.f32 v17, v0;
	v16 =	vld.idx.msk [tilespmem:v37+s6+$0x0], $0xffff;
	v45 =	vor.u32 v29, v44  }
0x1f7: {  	v10 =	vor.u32 v2, v45;
	v9 =	vadd.f32 v18, v9  }
0x1f8: {  	v53 =	vand.u32 $0x7F, v46;
	v30 =	vand.u32 $0x7F, v58;
	v0 =	vadd.f32 v19, v0;
	v49 =	vld.idx.msk [tilespmem:v25+s6+$0x0], $0xffff  }
0x1f9: {  	v54 =	vld [tilespmem:$0x19300];
	v55 =	vshll.u32 v52, $0x3;
	v57 =	vand.u32 $0x7F, v52;
	v9 =	vadd.f32 v20, v9  }
0x1fa: {  	v40 =	vshll.u32 v32, $0x3;
	v47 =	vshll.u32 v41, $0x3;
	v0 =	vadd.f32 v23, v0;
	v50 =	vld.idx.msk [tilespmem:v28+s6+$0x0], $0xffff  }
0x1fb: {  	v48 =	vand.u32 $0x7F, v41;
	v17 =	vand.u32 $0xFFFFFC00, v47;
	v9 =	vadd.f32 v16, v9  }
0x1fc: {  	v51 =	vshll.u32 v46, $0x3;
	v17 =	vor.u32 v17, v48;
	v0 =	vadd.f32 v21, v0;
	v10 =	vld.idx.msk [tilespmem:v10+s6+$0x0], $0xffff  }
0x1fd: {  	v17 =	vor.u32 v2, v17;
	v56 =	vld [tilespmem:$0x19380];
	v20 =	vand.u32 $0xFFFFFC00, v51;
	v9 =	vadd.f32 v49, v9  }
0x1fe: {  	v60 =	vshll.u32 v54, $0x3;
	v0 =	vadd.f32 v26, v0;
	v16 =	vor.u32 v20, v53  }
0x1ff: {  	v35 =	vld [tilespmem:$0x19600];
	v18 =	vand.u32 $0xFFFFFC00, v55;
	v16 =	vor.u32 v2, v16;
	v9 =	vadd.f32 v50, v9  }
0x200: {  	v0 =	vadd.f32 v24, v0;
	v59 =	vor.u32 v18, v57;
	v18 =	vand.u32 $0xFFFFFC00, v60  }
0x201: {  	v62 =	vld [tilespmem:$0x19480];
	v20 =	vand.u32 $0x7F, v54;
	v9 =	vadd.f32 v10, v9;
	v10 =	vor.u32 v2, v59  }
0x202: {  	v17 =	vld.idx.msk [tilespmem:v17+s6+$0x0], $0xffff;
	v0 =	vadd.f32 v27, v0;
	v27 =	vshll.u32 v56, $0x3;
	v18 =	vor.u32 v18, v20  }
0x203: {  	v28 =	vld [tilespmem:$0x19500];
	v19 =	vand.u32 $0x7F, v56;
	v63 =	vor.u32 v2, v18;
	v18 =	vand.u32 $0xFFFFFC00, v27  }
0x204: {  	v23 =	vand.u32 $0x7F, v35;
	v29 =	vshll.u32 v58, $0x3;
	v18 =	vor.u32 v18, v19;
	v16 =	vld.idx.msk [tilespmem:v16+s6+$0x0], $0xffff  }
0x205: {  	v39 =	vld [tilespmem:$0x19680];
	v42 =	vshll.u32 v35, $0x3;
	v31 =	vand.u32 $0xFFFFFC00, v29;
	v18 =	vor.u32 v2, v18  }
0x206: {  	v34 =	vshll.u32 v62, $0x3;
	v20 =	vand.u32 $0x7F, v62;
	v19 =	vor.u32 v31, v30;
	v10 =	vld.idx.msk [tilespmem:v10+s6+$0x0], $0xffff  }
0x207: {  	v33 =	vor.u32 v2, v19;
	v19 =	vand.u32 $0xFFFFFC00, v34;
	v9 =	vadd.f32 v17, v9  }
0x208: {  	v36 =	vshll.u32 v28, $0x3;
	v37 =	vand.u32 $0x7F, v28;
	v19 =	vor.u32 v19, v20;
	v17 =	vld.idx.msk [tilespmem:v63+s6+$0x0], $0xffff  }
0x209: {  	v43 =	vld [tilespmem:$0x19700];
	v38 =	vand.u32 $0xFFFFFC00, v36;
	v19 =	vor.u32 v2, v19;
	v9 =	vadd.f32 v16, v9  }
0x20a: {  	v21 =	vand.u32 $0xFFFFFC00, v40;
	v46 =	vand.u32 $0x7F, v39;
	v20 =	vor.u32 v38, v37;
	v18 =	vld.idx.msk [tilespmem:v18+s6+$0x0], $0xffff  }
0x20b: {  	v58 =	vld [tilespmem:$0x19900];
	v24 =	vand.u32 $0x7F, v32;
	v20 =	vor.u32 v2, v20;
	v9 =	vadd.f32 v10, v9  }
0x20c: {  	v41 =	vor.u32 v21, v24;
	v21 =	vand.u32 $0xFFFFFC00, v42;
	v0 =	vadd.f32 v61, v0;
	v16 =	vld.idx.msk [tilespmem:v33+s6+$0x0], $0xffff  }
0x20d: {  	v44 =	vor.u32 v21, v23;
	v51 =	vld [tilespmem:$0x19780];
	v10 =	vor.u32 v2, v41;
	v9 =	vadd.f32 v17, v9  }
0x20e: {  	v45 =	vshll.u32 v39, $0x3;
	v52 =	vand.u32 $0x7F, v43;
	v0 =	vadd.f32 v15, v0;
	v19 =	vld.idx.msk [tilespmem:v19+s6+$0x0], $0xffff  }
0x20f: {  	v21 =	vand.u32 $0xFFFFFC00, v45;
	v54 =	vld [tilespmem:$0x19800];
	v17 =	vor.u32 v2, v44;
	v9 =	vadd.f32 v18, v9  }
0x210: {  	v48 =	vor.u32 v21, v46;
	v0 =	vadd.f32 v14, v0;
	v50 =	vshll.u32 v43, $0x3;
	v47 =	vld.idx.msk [tilespmem:v20+s6+$0x0], $0xffff  }
0x211: {  	v55 =	vld [tilespmem:$0x19880];
	v49 =	vor.u32 v2, v48;
	v20 =	vand.u32 $0xFFFFFC00, v50;
	v9 =	vadd.f32 v16, v9  }
0x212: {  	v23 =	vand.u32 $0x7F, v58;
	v0 =	vadd.f32 v13, v0;
	v53 =	vor.u32 v20, v52;
	v10 =	vld.idx.msk [tilespmem:v10+s6+$0x0], $0xffff  }
0x213: {  	v24 =	vld [tilespmem:$0x19A80];
	v21 =	vshll.u32 v58, $0x3;
	v14 =	vor.u32 v2, v53;
	v9 =	vadd.f32 v19, v9  }
0x214: {  	v0 =	vadd.f32 v12, v0;
	v56 =	vshll.u32 v51, $0x3;
	v57 =	vand.u32 $0x7F, v51;
	v17 =	vld.idx.msk [tilespmem:v17+s6+$0x0], $0xffff  }
0x215: {  	v62 =	vld [tilespmem:$0x19980];
	v60 =	vshll.u32 v54, $0x3;
	v18 =	vand.u32 $0xFFFFFC00, v56;
	v9 =	vadd.f32 v47, v9  }
0x216: {  	v61 =	vshll.u32 v55, $0x3;
	v12 =	vand.u32 $0xFFFFFC00, v60;
	v15 =	vld.idx.msk [tilespmem:v49+s6+$0x0], $0xffff;
	v59 =	vor.u32 v18, v57  }
0x217: {  	v27 =	vld [tilespmem:$0x19B00];
	v16 =	vand.u32 $0x7F, v54;
	v9 =	vadd.f32 v10, v9;
	v10 =	vor.u32 v2, v59  }
0x218: {  	v13 =	vand.u32 $0x7F, v55;
	v0 =	vadd.f32 v11, v0;
	v14 =	vld.idx.msk [tilespmem:v14+s6+$0x0], $0xffff;
	v12 =	vor.u32 v12, v16  }
0x219: {  	v63 =	vld [tilespmem:$0x19A00];
	v16 =	vand.u32 $0xFFFFFC00, v61;
	v12 =	vor.u32 v2, v12;
	v9 =	vadd.f32 v17, v9  }
0x21a: {  	v32 =	vshll.u32 v24, $0x3;
	v0 =	vadd.f32 v22, v0;
	v13 =	vor.u32 v16, v13  }
0x21b: {  	v31 =	vld [tilespmem:$0x19B80];
	v13 =	vor.u32 v2, v13;
	v9 =	vadd.f32 v15, v9;
	v15 =	vand.u32 $0xFFFFFC00, v21  }
0x21c: {  	v26 =	vshll.u32 v62, $0x3;
	v28 =	vand.u32 $0x7F, v62;
	v10 =	vld.idx.msk [tilespmem:v10+s6+$0x0], $0xffff;
	v25 =	vor.u32 v15, v23  }
0x21d: {  	v9 =	vadd.f32 v14, v9;
	v11 =	vor.u32 v2, v25;
	v14 =	vand.u32 $0xFFFFFC00, v26  }
0x21e: {  	v36 =	vshll.u32 v27, $0x3;
	v29 =	vshll.u32 v63, $0x3;
	v12 =	vld.idx.msk [tilespmem:v12+s6+$0x0], $0xffff;
	v14 =	vor.u32 v14, v28  }
0x21f: {  	v33 =	vld [tilespmem:$0x19C00];
	v30 =	vand.u32 $0x7F, v63;
	v17 =	vand.u32 $0xFFFFFC00, v29;
	v14 =	vor.u32 v2, v14  }
0x220: {  	v39 =	vshll.u32 v31, $0x3;
	v19 =	vand.u32 $0x7F, v24;
	v13 =	vld.idx.msk [tilespmem:v13+s6+$0x0], $0xffff;
	v16 =	vor.u32 v17, v30  }
0x221: {  	v37 =	vld [tilespmem:$0x19C80];
	v17 =	vand.u32 $0xFFFFFC00, v32;
	v16 =	vor.u32 v2, v16;
	v9 =	vadd.f32 v10, v9  }
0x222: {  	v40 =	vand.u32 $0x7F, v31;
	v35 =	vor.u32 v17, v19;
	v17 =	vand.u32 $0xFFFFFC00, v36;
	v34 =	vld.idx.msk [tilespmem:v11+s6+$0x0], $0xffff  }
0x223: {  	v51 =	vld [tilespmem:$0x19E00];
	v15 =	vand.u32 $0x7F, v27;
	v11 =	vor.u32 v2, v35;
	v9 =	vadd.f32 v12, v9  }
0x224: {  	v42 =	vshll.u32 v33, $0x3;
	v38 =	vor.u32 v17, v15;
	v15 =	vand.u32 $0xFFFFFC00, v39;
	v14 =	vld.idx.msk [tilespmem:v14+s6+$0x0], $0xffff  }
0x225: {  	v44 =	vld [tilespmem:$0x19D00];
	v15 =	vor.u32 v15, v40;
	v12 =	vor.u32 v2, v38;
	v9 =	vadd.f32 v13, v9  }
0x226: {  	v43 =	vand.u32 $0x7F, v33;
	v15 =	vor.u32 v2, v15;
	v41 =	vld.idx.msk [tilespmem:v16+s6+$0x0], $0xffff;
	v16 =	vand.u32 $0xFFFFFC00, v42  }
0x227: {  	v49 =	vld [tilespmem:$0x19D80];
	v47 =	vshll.u32 v37, $0x3;
	v46 =	vor.u32 v16, v43;
	v9 =	vadd.f32 v34, v9  }
0x228: {  	v48 =	vand.u32 $0x7F, v37;
	v16 =	vand.u32 $0xFFFFFC00, v47;
	v45 =	vld.idx.msk [tilespmem:v11+s6+$0x0], $0xffff;
	v11 =	vor.u32 v2, v46  }
0x229: {  	v54 =	vld [tilespmem:$0x19E80];
	v50 =	vor.u32 v16, v48;
	v9 =	vadd.f32 v14, v9  }
0x22a: {  	v0 =	vadd.f32 v1, v0;
	v53 =	vshll.u32 v44, $0x3;
	v12 =	vld.idx.msk [tilespmem:v12+s6+$0x0], $0xffff;
	v14 =	vor.u32 v2, v50  }
0x22b: {  	v1 =	vand.u32 $0x7F, v44;
	v52 =	vld.idx.msk [tilespmem:v15+s6+$0x0], $0xffff;
	v15 =	vand.u32 $0xFFFFFC00, v53;
	v9 =	vadd.f32 v41, v9  }
0x22c: {  	v58 =	vld [tilespmem:$0x19F00];
	v56 =	vshll.u32 v49, $0x3;
	v57 =	vand.u32 $0x7F, v49;
	v1 =	vor.u32 v15, v1  }
0x22d: {  	v1 =	vor.u32 v2, v1;
	v55 =	vld.idx.msk [tilespmem:v11+s6+$0x0], $0xffff;
	v11 =	vand.u32 $0xFFFFFC00, v56;
	v9 =	vadd.f32 v45, v9  }
0x22e: {  	v62 =	vld [tilespmem:$0x19F80];
	v60 =	vshll.u32 v51, $0x3;
	v61 =	vand.u32 $0x7F, v51;
	v11 =	vor.u32 v11, v57  }
0x22f: {  	v59 =	vld.idx.msk [tilespmem:v14+s6+$0x0], $0xffff;
	v11 =	vor.u32 v2, v11;
	v14 =	vand.u32 $0xFFFFFC00, v60;
	v9 =	vadd.f32 v12, v9  }
0x230: {  	v20 =	vand.u32 $0x7F, v54;
	v19 =	vshll.u32 v54, $0x3;
	v63 =	vor.u32 v14, v61  }
0x231: {  	v14 =	vand.u32 $0xFFFFFC00, v19;
	v13 =	vor.u32 v2, v63;
	v9 =	vadd.f32 v52, v9  }
0x232: {  	v22 =	vshll.u32 v58, $0x3;
	v23 =	vand.u32 $0x7F, v58;
	v1 =	vld.idx.msk [tilespmem:v1+s6+$0x0], $0xffff;
	v21 =	vor.u32 v14, v20  }
0x233: {  	v14 =	vand.u32 $0xFFFFFC00, v22;
	v10 =	vor.u32 v2, v21;
	v9 =	vadd.f32 v55, v9  }
0x234: {  	v25 =	vshll.u32 v62, $0x3;
	v26 =	vand.u32 $0x7F, v62;
	v24 =	vor.u32 v14, v23;
	v11 =	vld.idx.msk [tilespmem:v11+s6+$0x0], $0xffff  }
0x235: {  	v14 =	vand.u32 $0xFFFFFC00, v25;
	v12 =	vor.u32 v2, v24;
	v9 =	vadd.f32 v59, v9  }
0x236: {  	v14 =	vor.u32 v14, v26;
	v13 =	vld.idx.msk [tilespmem:v13+s6+$0x0], $0xffff  }
0x237: {  	v0 =	vadd.f32 v8, v0;
	v27 =	vor.u32 v2, v14;
	v1 =	vadd.f32 v1, v9  }
0x238: {  	v28 =	vld.idx.msk [tilespmem:v10+s6+$0x0], $0xffff  }
0x239: {  	v0 =	vadd.f32 v7, v0;
	v1 =	vadd.f32 v11, v1  }
0x23a: {  	v29 =	vld.idx.msk [tilespmem:v12+s6+$0x0], $0xffff  }
0x23b: {  	v0 =	vadd.f32 v6, v0;
	v1 =	vadd.f32 v13, v1  }
0x23c: {  	v30 =	vld.idx.msk [tilespmem:v27+s6+$0x0], $0xffff  }
0x23d: {  	v0 =	vadd.f32 v4, v0;
	v1 =	vadd.f32 v28, v1;
	_ =	sdelay $0x1  }
0x23e: {  	v0 =	vadd.f32 v5, v0;
	v1 =	vadd.f32 v29, v1;
	_ =	sdelay $0x1  }
0x23f: {  	v0 =	vadd.f32 v3, v0;
	v1 =	vadd.f32 v30, v1;
	_ =	sdelay $0x1  }
0x240: {  	v0 =	vnsel vm0, $0x0, v0;
	v1 =	vsel vm0, $0x0, v1  }
0x241: {  	v0 =	vadd.f32 v1, v0;
	_ =	sdelay $0x1  }
0x242: {  	s23 =	rddreg [dreg:$0xf];
	[tilespmem:$0x1B200] =	vst v0  }
0x243: {  	[hbm4b:s23+s5] =	stream.linear.scatter [tilespmem:s10], [sflag:$0x4], $0x10, $0x38;
	[tilespmem:$0x1B280] =	vst v63  }
0x244: {  	_ =	swait.ge [sflag:s2], $0x10  }
0x245: {  	s22 =	simm.s32 @!p0 $0x0;
	[sflag:s2] =	ssyncset.done $0x0  }
0x246: {  	s23 =	simm.s32 @!p0 $0x1B080;
	s8 =	rddreg [dreg:$0x7];
	[sflag:s2] =	ssyncadd.s32 $0xFFFFFFF0  }
0x247: {  	[tilespmem:s23], [sflag:$0x4] =	stream.linear.gather @!p0 [hbm4b:s8+s22], $0x80, $0x38;
	[tilespmem:$0x1B280] =	vst v63  }
0x248: {  	s23 =	simm.s32 @!p0 $0x4  }
0x249: {  	_ =	swait.ge @!p0 [sflag:s23], $0x80  }
0x24a: {  	[sflag:s23] =	ssyncset.done @!p0 $0x0  }
0x24b: {  	[sflag:s23] =	ssyncadd.s32 @!p0 $0xFFFFFF80  }
0x24c: {  	s24 =	simm.s32 @!p0 $0x1B100;
	s8 =	rddreg [dreg:$0x4]  }
0x24d: {  	[tilespmem:s24], [sflag:$0x4] =	stream.linear.gather @!p0 [hbm4b:s8+s22], $0x100, $0x38;
	[tilespmem:$0x1B280] =	vst v63  }
0x24e: {  	_ =	swait.ge @!p0 [sflag:s23], $0x100  }
0x24f: {  	[sflag:s23] =	ssyncset.done @!p0 $0x0  }
0x250: {  	[sflag:s23] =	ssyncadd.s32 @!p0 $0xFFFFFF00  }
0x251: {  	v0 =	vld.msk @!p0 [tilespmem:$0x1B080], $0xff;
	_ =	sdelay $0x4  }
0x252: {  	v1 =	vshll.u32 @!p0 v0, $0x5  }
0x253: {  	v3 =	vlaneseq.u32 @!p0;
	v0 =	vand.u32 @!p0 $0x7, v0;
	v1 =	vand.u32 @!p0 $0xFFFFFF00, v1  }
0x254: {  	v0 =	vor.u32 @!p0 v0, v1;
	v1 =	vand.u32 @!p0 $0x7, v3;
	v3 =	vshrl.u32 @!p0 v3, $0x3  }
0x255: {  	v0 =	vperm.xlane @!p0 v0, v1;
	v1 =	vmul.u32 @!p0 $0x8, v3;
	_ =	sdelay $0x1  }
0x256: {  	v0 =	vadd.s32 @!p0 v1, v0;
	_ =	sdelay $0x3  }
0x257: {  	s23 =	simm.s32 @!p0 $0x8000;
	s24 =	rddreg [dreg:$0x1]  }
0x258: {  	[tilespmem:s23], [sflag:$0x2] =	stream.indirect_vreg.gather @!p0 [hbm4b:s24+s22], $0x80, v0, vm2, $0xb8;
	[tilespmem:$0x1B280] =	vst v63  }
0x259: {  	s8 =	rddreg [dreg:$0x11];
	s23 =	simm.s32 @!p0 $0x8800  }
0x25a: {  	[tilespmem:s23], [sflag:$0x2] =	stream.indirect_vreg.gather @!p0 [hbm4b:s8+s22], $0x80, v0, vm2, $0xb8;
	[tilespmem:$0x1B280] =	vst v63  }
0x25b: {  	s23 =	simm.s32 @!p0 $0x9000;
	s8 =	rddreg [dreg:$0x12]  }
0x25c: {  	[tilespmem:s23], [sflag:$0x2] =	stream.indirect_vreg.gather @!p0 [hbm4b:s8+s22], $0x80, v0, vm2, $0xb8;
	[tilespmem:$0x1B280] =	vst v63  }
0x25d: {  	s23 =	simm.s32 @!p0 $0x9800;
	s8 =	rddreg [dreg:$0x13]  }
0x25e: {  	[tilespmem:s23], [sflag:$0x2] =	stream.indirect_vreg.gather @!p0 [hbm4b:s8+s22], $0x80, v0, vm2, $0xb8;
	[tilespmem:$0x1B280] =	vst v63  }
0x25f: {  	s23 =	simm.s32 @!p0 $0xA000;
	s8 =	rddreg [dreg:$0x14]  }
0x260: {  	[tilespmem:s23], [sflag:$0x2] =	stream.indirect_vreg.gather @!p0 [hbm4b:s8+s22], $0x80, v0, vm2, $0xb8;
	[tilespmem:$0x1B280] =	vst v63  }
0x261: {  	s23 =	simm.s32 @!p0 $0xA800;
	s8 =	rddreg [dreg:$0x15]  }
0x262: {  	[tilespmem:s23], [sflag:$0x2] =	stream.indirect_vreg.gather @!p0 [hbm4b:s8+s22], $0x80, v0, vm2, $0xb8;
	[tilespmem:$0x1B280] =	vst v63  }
0x263: {  	s23 =	simm.s32 @!p0 $0xB000;
	s8 =	rddreg [dreg:$0x16]  }
0x264: {  	[tilespmem:s23], [sflag:$0x2] =	stream.indirect_vreg.gather @!p0 [hbm4b:s8+s22], $0x80, v0, vm2, $0xb8;
	[tilespmem:$0x1B280] =	vst v63  }
0x265: {  	s23 =	simm.s32 @!p0 $0xB800;
	s8 =	rddreg [dreg:$0x17]  }
0x266: {  	[tilespmem:s23], [sflag:$0x2] =	stream.indirect_vreg.gather @!p0 [hbm4b:s8+s22], $0x80, v0, vm2, $0xb8;
	[tilespmem:$0x1B280] =	vst v63  }
0x267: {  	s23 =	simm.s32 @!p0 $0xC000;
	s8 =	rddreg [dreg:$0x18]  }
0x268: {  	[tilespmem:s23], [sflag:$0x2] =	stream.indirect_vreg.gather @!p0 [hbm4b:s8+s22], $0x80, v0, vm2, $0xb8;
	[tilespmem:$0x1B280] =	vst v63  }
0x269: {  	s23 =	simm.s32 @!p0 $0xC800;
	s8 =	rddreg [dreg:$0x19]  }
0x26a: {  	[tilespmem:s23], [sflag:$0x2] =	stream.indirect_vreg.gather @!p0 [hbm4b:s8+s22], $0x80, v0, vm2, $0xb8;
	[tilespmem:$0x1B280] =	vst v63  }
0x26b: {  	s23 =	simm.s32 @!p0 $0xD000;
	s8 =	rddreg [dreg:$0x1a]  }
0x26c: {  	[tilespmem:s23], [sflag:$0x2] =	stream.indirect_vreg.gather @!p0 [hbm4b:s8+s22], $0x80, v0, vm2, $0xb8;
	[tilespmem:$0x1B280] =	vst v63  }
0x26d: {  	s23 =	simm.s32 @!p0 $0xD800;
	s8 =	rddreg [dreg:$0x1b]  }
0x26e: {  	[tilespmem:s23], [sflag:$0x2] =	stream.indirect_vreg.gather @!p0 [hbm4b:s8+s22], $0x80, v0, vm2, $0xb8;
	[tilespmem:$0x1B280] =	vst v63  }
0x26f: {  	s23 =	simm.s32 @!p0 $0xE000;
	s8 =	rddreg [dreg:$0x1c]  }
0x270: {  	[tilespmem:s23], [sflag:$0x2] =	stream.indirect_vreg.gather @!p0 [hbm4b:s8+s22], $0x80, v0, vm2, $0xb8;
	[tilespmem:$0x1B280] =	vst v63  }
0x271: {  	s23 =	simm.s32 @!p0 $0xE800;
	s8 =	rddreg [dreg:$0x1d]  }
0x272: {  	[tilespmem:s23], [sflag:$0x2] =	stream.indirect_vreg.gather @!p0 [hbm4b:s8+s22], $0x80, v0, vm2, $0xb8;
	[tilespmem:$0x1B280] =	vst v63  }
0x273: {  	s23 =	simm.s32 @!p0 $0xF000;
	s8 =	rddreg [dreg:$0x1e]  }
0x274: {  	[tilespmem:s23], [sflag:$0x2] =	stream.indirect_vreg.gather @!p0 [hbm4b:s8+s22], $0x80, v0, vm2, $0xb8;
	[tilespmem:$0x1B280] =	vst v63  }
0x275: {  	s23 =	simm.s32 @!p0 $0xF800  }
0x276: {  	[tilespmem:s23], [sflag:$0x2] =	stream.indirect_vreg.gather @!p0 [hbm4b:s4+s22], $0x80, v0, vm2, $0xb8;
	[tilespmem:$0x1B280] =	vst v63  }
0x277: {  	_ =	swait.ge [sflag:s21], $0x8000  }
0x278: {  	[sflag:s21] =	ssyncset.done $0x0  }
0x279: {  	[sflag:s21] =	ssyncadd.s32 $0xFFFF8000  }
0x27a: {  	v1 =	vld [tilespmem:$0x18080];
	_ =	sdelay $0x1  }
0x27b: {  	v0 =	vld [tilespmem:$0x18000]  }
0x27c: {  	v3 =	vld [tilespmem:$0x18100];
	_ =	sdelay $0x1  }
0x27d: {  	v32 =	vld [tilespmem:$0x18180];
	v34 =	vand.u32 $0x7F, v1;
	v1 =	vshll.u32 v1, $0x3  }
0x27e: {  	v1 =	vand.u32 $0xFFFFFC00, v1  }
0x27f: {  	v31 =	vshll.u32 v0, $0x3;
	v1 =	vor.u32 v1, v34  }
0x280: {  	v0 =	vand.u32 $0x7F, v0;
	v35 =	vshll.u32 v3, $0x3;
	v62 =	vor.u32 v2, v1  }
0x281: {  	v3 =	vand.u32 $0x7F, v3;
	v4 =	vand.u32 $0xFFFFFC00, v31;
	v6 =	vand.u32 $0xFFFFFC00, v35  }
0x282: {  	v0 =	vor.u32 v4, v0;
	v3 =	vor.u32 v6, v3;
	v4 =	vshll.u32 v32, $0x3  }
0x283: {  	v37 =	vor.u32 v2, v3;
	v3 =	vand.u32 $0x7F, v32;
	v4 =	vand.u32 $0xFFFFFC00, v4  }
0x284: {  	v36 =	vld [tilespmem:$0x18280];
	v3 =	vor.u32 v4, v3  }
0x285: {  	v41 =	vor.u32 v2, v3;
	v3 =	vld.idx.msk [tilespmem:v62+s7+$0x0], $0xffff;
	_ =	sdelay $0x3  }
0x286: {  	v5 =	vshll.u32 v36, $0x3;
	v33 =	vor.u32 v2, v0;
	v0 =	vld [tilespmem:$0x18200]  }
0x287: {  	v5 =	vand.u32 $0xFFFFFC00, v5;
	[tilespmem:$0x1FBC0] =	vst v3;
	v3 =	vand.u32 $0x7F, v36  }
0x288: {  	v40 =	vld [tilespmem:$0x18380];
	v3 =	vor.u32 v5, v3  }
0x289: {  	v46 =	vor.u32 v2, v3;
	v3 =	vld.idx.msk [tilespmem:v41+s7+$0x0], $0xffff  }
0x28a: {  	v1 =	vld [tilespmem:$0x18300]  }
0x28b: {  	v38 =	vshll.u32 v0, $0x3  }
0x28c: {  	v0 =	vand.u32 $0x7F, v0;
	v6 =	vand.u32 $0xFFFFFC00, v38  }
0x28d: {  	v4 =	vshll.u32 v40, $0x3;
	v0 =	vor.u32 v6, v0  }
0x28e: {  	v4 =	vand.u32 $0xFFFFFC00, v4;
	v42 =	vor.u32 v2, v0;
	v0 =	vld [tilespmem:$0x18400];
	[tilespmem:$0x1FC00] =	vst v3;
	v3 =	vand.u32 $0x7F, v40  }
0x28f: {  	v45 =	vld [tilespmem:$0x18480];
	v43 =	vshll.u32 v1, $0x3;
	v3 =	vor.u32 v4, v3  }
0x290: {  	v1 =	vand.u32 $0x7F, v1;
	v6 =	vand.u32 $0xFFFFFC00, v43;
	v51 =	vor.u32 v2, v3;
	v3 =	vld.idx.msk [tilespmem:v46+s7+$0x0], $0xffff  }
0x291: {  	v1 =	vor.u32 v6, v1  }
0x292: {  	v47 =	vor.u32 v2, v1;
	v1 =	vld [tilespmem:$0x18500]  }
0x293: {  	v48 =	vshll.u32 v0, $0x3  }
0x294: {  	v5 =	vshll.u32 v45, $0x3;
	v0 =	vand.u32 $0x7F, v0;
	v6 =	vand.u32 $0xFFFFFC00, v48  }
0x295: {  	v50 =	vld [tilespmem:$0x18580];
	v5 =	vand.u32 $0xFFFFFC00, v5;
	v0 =	vor.u32 v6, v0;
	[tilespmem:$0x1FC40] =	vst v3;
	v3 =	vand.u32 $0x7F, v45  }
0x296: {  	v52 =	vor.u32 v2, v0;
	v0 =	vld [tilespmem:$0x18600];
	v3 =	vor.u32 v5, v3  }
0x297: {  	v53 =	vshll.u32 v1, $0x3;
	v56 =	vor.u32 v2, v3;
	v3 =	vld.idx.msk [tilespmem:v51+s7+$0x0], $0xffff  }
0x298: {  	v1 =	vand.u32 $0x7F, v1;
	v6 =	vand.u32 $0xFFFFFC00, v53  }
0x299: {  	v55 =	vld [tilespmem:$0x18680];
	v1 =	vor.u32 v6, v1  }
0x29a: {  	v57 =	vor.u32 v2, v1;
	v1 =	vld [tilespmem:$0x18700];
	v4 =	vshll.u32 v50, $0x3  }
0x29b: {  	v4 =	vand.u32 $0xFFFFFC00, v4;
	v58 =	vshll.u32 v0, $0x3  }
0x29c: {  	v0 =	vand.u32 $0x7F, v0;
	v6 =	vand.u32 $0xFFFFFC00, v58;
	[tilespmem:$0x1FC80] =	vst v3;
	v3 =	vand.u32 $0x7F, v50  }
0x29d: {  	v60 =	vld [tilespmem:$0x18780];
	v0 =	vor.u32 v6, v0;
	v3 =	vor.u32 v4, v3  }
0x29e: {  	v63 =	vor.u32 v2, v0;
	v0 =	vshll.u32 v55, $0x3;
	v61 =	vor.u32 v2, v3;
	v3 =	vld [tilespmem:$0x18800]  }
0x29f: {  	v12 =	vshll.u32 v1, $0x3;
	v5 =	vand.u32 $0x7F, v55;
	v0 =	vand.u32 $0xFFFFFC00, v0  }
0x2a0: {  	v1 =	vand.u32 $0x7F, v1;
	v14 =	vand.u32 $0xFFFFFC00, v12;
	v0 =	vor.u32 v0, v5  }
0x2a1: {  	v15 =	vor.u32 v2, v0;
	v0 =	vor.u32 v14, v1;
	v1 =	vld [tilespmem:$0x18880]  }
0x2a2: {  	v17 =	vld [tilespmem:$0x18900];
	v16 =	vor.u32 v2, v0;
	v0 =	vshll.u32 v60, $0x3  }
0x2a3: {  	v0 =	vand.u32 $0xFFFFFC00, v0;
	v4 =	vand.u32 $0x7F, v60;
	v19 =	vshll.u32 v3, $0x3  }
0x2a4: {  	v0 =	vor.u32 v0, v4;
	v3 =	vand.u32 $0x7F, v3;
	v21 =	vand.u32 $0xFFFFFC00, v19  }
0x2a5: {  	v22 =	vor.u32 v2, v0;
	v0 =	vor.u32 v21, v3;
	v3 =	vld [tilespmem:$0x18980]  }
0x2a6: {  	v24 =	vor.u32 v2, v0;
	v0 =	vshll.u32 v1, $0x3  }
0x2a7: {  	v26 =	vshll.u32 v17, $0x3;
	v1 =	vand.u32 $0x7F, v1;
	v0 =	vand.u32 $0xFFFFFC00, v0  }
0x2a8: {  	v27 =	vld [tilespmem:$0x18A00];
	v4 =	vand.u32 $0xFFFFFC00, v26;
	v0 =	vor.u32 v0, v1;
	v1 =	vand.u32 $0x7F, v17  }
0x2a9: {  	v28 =	vor.u32 v2, v0;
	v0 =	vor.u32 v4, v1;
	v1 =	vld [tilespmem:$0x18A80]  }
0x2aa: {  	v39 =	vld.idx.msk [tilespmem:v33+s7+$0x0], $0xffff;
	v30 =	vor.u32 v2, v0;
	v0 =	vshll.u32 v3, $0x3  }
0x2ab: {  	v44 =	vld.idx.msk [tilespmem:v37+s7+$0x0], $0xffff;
	v3 =	vand.u32 $0x7F, v3;
	v0 =	vand.u32 $0xFFFFFC00, v0  }
0x2ac: {  	v0 =	vor.u32 v0, v3;
	v3 =	vld [tilespmem:$0x18B00]  }
0x2ad: {  	[tilespmem:$0x1FB80] =	vst v33;
	v33 =	vld [tilespmem:$0x18B80];
	v32 =	vor.u32 v2, v0;
	v0 =	vshll.u32 v27, $0x3  }
0x2ae: {  	v5 =	vand.u32 $0x7F, v27;
	v0 =	vand.u32 $0xFFFFFC00, v0;
	v35 =	vshll.u32 v1, $0x3  }
0x2af: {  	[tilespmem:$0x1FB90] =	vst v37;
	v1 =	vand.u32 $0x7F, v1;
	v0 =	vor.u32 v0, v5;
	v37 =	vand.u32 $0xFFFFFC00, v35  }
0x2b0: {  	[tilespmem:$0x1FBA0] =	vst v39;
	v38 =	vor.u32 v2, v0;
	v0 =	vor.u32 v37, v1;
	v1 =	vld [tilespmem:$0x18C00]  }
0x2b1: {  	[tilespmem:$0x1FBE0] =	vst v44;
	v44 =	vld [tilespmem:$0x18D00];
	v39 =	vor.u32 v2, v0;
	v0 =	vshll.u32 v3, $0x3  }
0x2b2: {  	[tilespmem:$0x1FBD0] =	vst v42;
	v49 =	vld.idx.msk [tilespmem:v42+s7+$0x0], $0xffff;
	v42 =	vshll.u32 v33, $0x3;
	v3 =	vand.u32 $0x7F, v3;
	v0 =	vand.u32 $0xFFFFFC00, v0  }
0x2b3: {  	v54 =	vld.idx.msk [tilespmem:v47+s7+$0x0], $0xffff;
	v43 =	vand.u32 $0xFFFFFC00, v42;
	v0 =	vor.u32 v0, v3;
	v3 =	vand.u32 $0x7F, v33  }
0x2b4: {  	v40 =	vld [tilespmem:$0x18C80];
	v45 =	vor.u32 v2, v0;
	v0 =	vor.u32 v43, v3  }
0x2b5: {  	[tilespmem:$0x1FC10] =	vst v47;
	v3 =	vld [tilespmem:$0x18D80];
	v47 =	vor.u32 v2, v0;
	v0 =	vshll.u32 v1, $0x3  }
0x2b6: {  	v1 =	vand.u32 $0x7F, v1;
	v0 =	vand.u32 $0xFFFFFC00, v0  }
0x2b7: {  	v0 =	vor.u32 v0, v1  }
0x2b8: {  	[tilespmem:$0x1FC30] =	vst v51;
	v13 =	vld.idx.msk [tilespmem:v57+s7+$0x0], $0xffff;
	v51 =	vor.u32 v2, v0  }
0x2b9: {  	[tilespmem:$0x1FC20] =	vst v49;
	v49 =	vshll.u32 v40, $0x3;
	v6 =	vshll.u32 v44, $0x3;
	v11 =	vld.idx.msk [tilespmem:v56+s7+$0x0], $0xffff  }
0x2ba: {  	v50 =	vld [tilespmem:$0x18E00];
	v4 =	vand.u32 $0xFFFFFC00, v49;
	v1 =	vand.u32 $0x7F, v40;
	v60 =	vshll.u32 v3, $0x3  }
0x2bb: {  	[tilespmem:$0x1FC90] =	vst v57;
	v0 =	vor.u32 v4, v1;
	v1 =	vld [tilespmem:$0x18E80];
	v3 =	vand.u32 $0x7F, v3;
	v7 =	vand.u32 $0xFFFFFC00, v60  }
0x2bc: {  	[tilespmem:$0x1FC60] =	vst v54;
	v6 =	vand.u32 $0xFFFFFC00, v6;
	v55 =	vand.u32 $0x7F, v44;
	v54 =	vld.idx.msk [tilespmem:v45+s7+$0x0], $0xffff;
	v3 =	vor.u32 v7, v3  }
0x2bd: {  	v57 =	vor.u32 v2, v0;
	v0 =	vor.u32 v6, v55;
	v55 =	vor.u32 v2, v3;
	v3 =	vld.idx.msk [tilespmem:v51+s7+$0x0], $0xffff;
	_ =	sdelay $0x1  }
0x2be: {  	[tilespmem:$0x1FCD0] =	vst v63  }
0x2bf: {  	v20 =	vld.idx.msk [tilespmem:v63+s7+$0x0], $0xffff;
	[tilespmem:$0x1FCC0] =	vst v11  }
0x2c0: {  	v63 =	vld [tilespmem:$0x18F80];
	[tilespmem:$0x1FE60] =	vst v54;
	v54 =	vor.u32 v2, v0;
	v0 =	vshll.u32 v50, $0x3  }
0x2c1: {  	v18 =	vld.idx.msk [tilespmem:v61+s7+$0x0], $0xffff;
	v11 =	vshll.u32 v1, $0x3;
	v0 =	vand.u32 $0xFFFFFC00, v0;
	[tilespmem:$0x1FE80] =	vst v3;
	v3 =	vand.u32 $0x7F, v50  }
0x2c2: {  	[tilespmem:$0x1FCB0] =	vst v61;
	v61 =	vld [tilespmem:$0x18F00];
	v1 =	vand.u32 $0x7F, v1;
	v0 =	vor.u32 v0, v3;
	v3 =	vand.u32 $0xFFFFFC00, v11  }
0x2c3: {  	[tilespmem:$0x1FC70] =	vst v56;
	v56 =	vor.u32 v2, v0;
	v0 =	vor.u32 v3, v1;
	v3 =	vld.idx.msk [tilespmem:v57+s7+$0x0], $0xffff  }
0x2c4: {  	v59 =	vld.idx.msk [tilespmem:v52+s7+$0x0], $0xffff  }
0x2c5: {  	v12 =	vld [tilespmem:$0x19000];
	_ =	sdelay $0x1  }
0x2c6: {  	[tilespmem:$0x1FCE0] =	vst v13;
	v14 =	vshll.u32 v63, $0x3;
	v13 =	vshll.u32 v61, $0x3;
	v4 =	vand.u32 $0x7F, v63  }
0x2c7: {  	v6 =	vand.u32 $0xFFFFFC00, v13;
	v7 =	vand.u32 $0xFFFFFC00, v14;
	[tilespmem:$0x1FE90] =	vst v3;
	v3 =	vand.u32 $0x7F, v61  }
0x2c8: {  	[tilespmem:$0x1FCA0] =	vst v59;
	v59 =	vor.u32 v2, v0;
	v0 =	vor.u32 v6, v3;
	v3 =	vor.u32 v7, v4  }
0x2c9: {  	v23 =	vld.idx.msk [tilespmem:v15+s7+$0x0], $0xffff;
	v58 =	vor.u32 v2, v3;
	v3 =	vshll.u32 v12, $0x3  }
0x2ca: {  	[tilespmem:$0x1FCF0] =	vst v15;
	v15 =	vld [tilespmem:$0x19100];
	v61 =	vor.u32 v2, v0;
	v0 =	vand.u32 $0x7F, v12;
	v3 =	vand.u32 $0xFFFFFC00, v3  }
0x2cb: {  	v0 =	vor.u32 v3, v0;
	v3 =	vld.idx.msk [tilespmem:v56+s7+$0x0], $0xffff;
	_ =	sdelay $0x4  }
0x2cc: {  	[tilespmem:$0x1FEC0] =	vst v3;
	v3 =	vshll.u32 v15, $0x3  }
0x2cd: {  	v19 =	vld [tilespmem:$0x19180];
	v63 =	vor.u32 v2, v0;
	v0 =	vand.u32 $0x7F, v15;
	v3 =	vand.u32 $0xFFFFFC00, v3  }
0x2ce: {  	v1 =	vld [tilespmem:$0x19080];
	v0 =	vor.u32 v3, v0  }
0x2cf: {  	v50 =	vor.u32 v2, v0;
	v0 =	vld.idx.msk [tilespmem:v61+s7+$0x0], $0xffff;
	_ =	sdelay $0x2  }
0x2d0: {  	v48 =	vld.idx.msk [tilespmem:v39+s7+$0x0], $0xffff  }
0x2d1: {  	[tilespmem:$0x1FD00] =	vst v18  }
0x2d2: {  	v18 =	vshll.u32 v1, $0x3;
	v1 =	vand.u32 $0x7F, v1;
	[tilespmem:$0x1FEE0] =	vst v0;
	v0 =	vshll.u32 v19, $0x3  }
0x2d3: {  	v4 =	vand.u32 $0xFFFFFC00, v18;
	v3 =	vand.u32 $0x7F, v19;
	v0 =	vand.u32 $0xFFFFFC00, v0  }
0x2d4: {  	v1 =	vor.u32 v4, v1;
	v0 =	vor.u32 v0, v3  }
0x2d5: {  	[tilespmem:$0x1FE40] =	vst v48;
	v48 =	vor.u32 v2, v1;
	v42 =	vor.u32 v2, v0;
	v0 =	vld.idx.msk [tilespmem:v63+s7+$0x0], $0xffff;
	_ =	sdelay $0x1  }
0x2d6: {  	v25 =	vld.idx.msk [tilespmem:v16+s7+$0x0], $0xffff  }
0x2d7: {  	[tilespmem:$0x1FD20] =	vst v20;
	v20 =	vld [tilespmem:$0x19200]  }
0x2d8: {  	v1 =	vld [tilespmem:$0x19280]  }
0x2d9: {  	[tilespmem:$0x1FF00] =	vst v0;
	v0 =	vld.idx.msk [tilespmem:v48+s7+$0x0], $0xffff  }
0x2da: {  	v29 =	vld.idx.msk [tilespmem:v22+s7+$0x0], $0xffff  }
0x2db: {  	[tilespmem:$0x1FD40] =	vst v23;
	v31 =	vld.idx.msk [tilespmem:v24+s7+$0x0], $0xffff  }
0x2dc: {  	v23 =	vshll.u32 v20, $0x3;
	[tilespmem:$0x1FD50] =	vst v24;
	v24 =	vld [tilespmem:$0x19300]  }
0x2dd: {  	v4 =	vand.u32 $0xFFFFFC00, v23;
	v3 =	vand.u32 $0x7F, v20  }
0x2de: {  	v34 =	vld.idx.msk [tilespmem:v28+s7+$0x0], $0xffff;
	v3 =	vor.u32 v4, v3;
	[tilespmem:$0x1FF10] =	vst v0;
	v0 =	vshll.u32 v1, $0x3  }
0x2df: {  	v43 =	vor.u32 v2, v3;
	v3 =	vld [tilespmem:$0x19380];
	v1 =	vand.u32 $0x7F, v1;
	v0 =	vand.u32 $0xFFFFFC00, v0  }
0x2e0: {  	[tilespmem:$0x1FD60] =	vst v25;
	v0 =	vor.u32 v0, v1;
	v1 =	vld.idx.msk [tilespmem:v50+s7+$0x0], $0xffff  }
0x2e1: {  	[tilespmem:$0x1FD80] =	vst v29;
	v29 =	vld [tilespmem:$0x19500];
	v37 =	vor.u32 v2, v0;
	v0 =	vshll.u32 v24, $0x3  }
0x2e2: {  	[tilespmem:$0x1FD70] =	vst v28;
	v28 =	vld [tilespmem:$0x19480];
	v25 =	vand.u32 $0x7F, v24;
	v0 =	vand.u32 $0xFFFFFC00, v0  }
0x2e3: {  	[tilespmem:$0x1FBB0] =	vst v41;
	v36 =	vld.idx.msk [tilespmem:v30+s7+$0x0], $0xffff;
	v0 =	vor.u32 v0, v25  }
0x2e4: {  	v41 =	vld.idx.msk [tilespmem:v32+s7+$0x0], $0xffff;
	[tilespmem:$0x1FDC0] =	vst v34;
	v34 =	vor.u32 v2, v0;
	v0 =	vshll.u32 v3, $0x3  }
0x2e5: {  	v3 =	vand.u32 $0x7F, v3;
	[tilespmem:$0x1FF20] =	vst v1;
	v1 =	vld [tilespmem:$0x19400];
	v0 =	vand.u32 $0xFFFFFC00, v0  }
0x2e6: {  	[tilespmem:$0x1FBF0] =	vst v46;
	v0 =	vor.u32 v0, v3;
	v3 =	vld.idx.msk [tilespmem:v37+s7+$0x0], $0xffff  }
0x2e7: {  	[tilespmem:$0x1FDD0] =	vst v38;
	v46 =	vld.idx.msk [tilespmem:v38+s7+$0x0], $0xffff  }
0x2e8: {  	[tilespmem:$0x1FDE0] =	vst v36;
	v38 =	vld [tilespmem:$0x19680]  }
0x2e9: {  	v36 =	vshll.u32 v29, $0x3;
	[tilespmem:$0x1FE00] =	vst v41;
	v41 =	vld [tilespmem:$0x19700]  }
0x2ea: {  	[tilespmem:$0x1FE10] =	vst v45;
	v40 =	vand.u32 $0xFFFFFC00, v36;
	v36 =	vld [tilespmem:$0x19B80]  }
0x2eb: {  	v45 =	vld [tilespmem:$0x19780];
	[tilespmem:$0x1FF50] =	vst v3;
	v3 =	vshll.u32 v1, $0x3  }
0x2ec: {  	v10 =	vld.idx.msk [tilespmem:v47+s7+$0x0], $0xffff;
	v33 =	vor.u32 v2, v0;
	v0 =	vand.u32 $0x7F, v1;
	v1 =	vand.u32 $0xFFFFFC00, v3  }
0x2ed: {  	[tilespmem:$0x1FE20] =	vst v46;
	v46 =	vld [tilespmem:$0x19800];
	v0 =	vor.u32 v1, v0  }
0x2ee: {  	[tilespmem:$0x1FDB0] =	vst v32;
	v32 =	vor.u32 v2, v0;
	v0 =	vld.idx.msk [tilespmem:v34+s7+$0x0], $0xffff  }
0x2ef: {  	[tilespmem:$0x1FD10] =	vst v16;
	v16 =	vld.idx.msk [tilespmem:v54+s7+$0x0], $0xffff  }
0x2f0: {  	[tilespmem:$0x1FDF0] =	vst v39;
	v14 =	vld [tilespmem:$0x19980]  }
0x2f1: {  	[tilespmem:$0x1FE50] =	vst v51;
	v51 =	vld [tilespmem:$0x19880]  }
0x2f2: {  	[tilespmem:$0x1FE30] =	vst v47;
	v17 =	vld.idx.msk [tilespmem:v55+s7+$0x0], $0xffff  }
0x2f3: {  	v39 =	vand.u32 $0x7F, v29;
	v47 =	vand.u32 $0x7F, v38;
	v60 =	vld [tilespmem:$0x19900];
	[tilespmem:$0x1FF60] =	vst v0;
	v0 =	vshll.u32 v28, $0x3  }
0x2f4: {  	v49 =	vshll.u32 v41, $0x3;
	[tilespmem:$0x1FEA0] =	vst v16;
	v16 =	vld [tilespmem:$0x19A00];
	v4 =	vand.u32 $0x7F, v28;
	v0 =	vand.u32 $0xFFFFFC00, v0  }
0x2f5: {  	[tilespmem:$0x1FC50] =	vst v52;
	v52 =	vand.u32 $0x7F, v41;
	v53 =	vand.u32 $0xFFFFFC00, v49;
	v3 =	vld [tilespmem:$0x19580];
	v0 =	vor.u32 v0, v4  }
0x2f6: {  	[tilespmem:$0x1FDA0] =	vst v31;
	v13 =	vshll.u32 v46, $0x3;
	v5 =	vand.u32 $0x7F, v46;
	v31 =	vor.u32 v2, v0;
	v0 =	vld.idx.msk [tilespmem:v33+s7+$0x0], $0xffff  }
0x2f7: {  	v46 =	vshll.u32 v36, $0x3;
	v29 =	vshll.u32 v14, $0x3;
	[tilespmem:$0x1FEB0] =	vst v17;
	v17 =	vand.u32 $0x7F, v51;
	v1 =	vld [tilespmem:$0x19600]  }
0x2f8: {  	v21 =	vld.idx.msk [tilespmem:v59+s7+$0x0], $0xffff;
	v18 =	vshll.u32 v60, $0x3;
	v7 =	vand.u32 $0xFFFFFC00, v29;
	v29 =	vand.u32 $0x7F, v36  }
0x2f9: {  	v12 =	vand.u32 $0x7F, v45;
	v23 =	vand.u32 $0x7F, v60;
	v35 =	vshll.u32 v16, $0x3;
	v26 =	vld.idx.msk [tilespmem:v42+s7+$0x0], $0xffff  }
0x2fa: {  	[tilespmem:$0x1FD90] =	vst v30;
	v8 =	vand.u32 $0x7F, v16;
	v9 =	vand.u32 $0xFFFFFC00, v35;
	v4 =	vor.u32 v40, v39  }
0x2fb: {  	v41 =	vld [tilespmem:$0x19C80];
	v15 =	vand.u32 $0xFFFFFC00, v13;
	v30 =	vor.u32 v2, v4;
	[tilespmem:$0x1FF70] =	vst v0;
	v0 =	vshll.u32 v3, $0x3  }
0x2fc: {  	v19 =	vld [tilespmem:$0x19A80];
	v44 =	vshll.u32 v1, $0x3;
	v3 =	vand.u32 $0x7F, v3;
	v0 =	vand.u32 $0xFFFFFC00, v0  }
0x2fd: {  	[tilespmem:$0x1FED0] =	vst v21;
	v1 =	vand.u32 $0x7F, v1;
	v40 =	vld [tilespmem:$0x19C00];
	v0 =	vor.u32 v0, v3;
	v3 =	vand.u32 $0xFFFFFC00, v44  }
0x2fe: {  	v5 =	vor.u32 v15, v5;
	[tilespmem:$0x1FF30] =	vst v26;
	v24 =	vand.u32 $0xFFFFFC00, v18;
	v1 =	vor.u32 v3, v1;
	v3 =	vld.idx.msk [tilespmem:v32+s7+$0x0], $0xffff  }
0x2ff: {  	v6 =	vor.u32 v24, v23;
	v26 =	vor.u32 v2, v0;
	v0 =	vld.idx.msk [tilespmem:v31+s7+$0x0], $0xffff;
	v25 =	vor.u32 v2, v1  }
0x300: {  	v21 =	vor.u32 v2, v5;
	v20 =	vor.u32 v2, v6;
	v4 =	vor.u32 v53, v52;
	v1 =	vld.idx.msk [tilespmem:v30+s7+$0x0], $0xffff  }
0x301: {  	[tilespmem:$0x1FD30] =	vst v22;
	v22 =	vld.idx.msk [tilespmem:v58+s7+$0x0], $0xffff;
	v28 =	vand.u32 $0x7F, v14;
	v39 =	vshll.u32 v19, $0x3;
	v24 =	vor.u32 v2, v4  }
0x302: {  	v27 =	vld.idx.msk [tilespmem:v43+s7+$0x0], $0xffff;
	v4 =	vor.u32 v7, v28;
	v7 =	vor.u32 v9, v8;
	v8 =	vand.u32 $0xFFFFFC00, v39  }
0x303: {  	v11 =	vld [tilespmem:$0x19E80];
	v39 =	vand.u32 $0x7F, v41;
	v18 =	vor.u32 v2, v4;
	[tilespmem:$0x1FF80] =	vst v3;
	v3 =	vshll.u32 v38, $0x3  }
0x304: {  	v35 =	vand.u32 $0x7F, v40;
	[tilespmem:$0x1FF90] =	vst v0;
	v0 =	vshll.u32 v45, $0x3;
	v3 =	vand.u32 $0xFFFFFC00, v3;
	v38 =	vld.idx.msk [tilespmem:v25+s7+$0x0], $0xffff  }
0x305: {  	v0 =	vand.u32 $0xFFFFFC00, v0;
	[tilespmem:$0x1FFA0] =	vst v1;
	v1 =	vshll.u32 v51, $0x3;
	v3 =	vor.u32 v3, v47;
	v47 =	vld [tilespmem:$0x19D00]  }
0x306: {  	[tilespmem:$0x1FEF0] =	vst v22;
	v0 =	vor.u32 v0, v12;
	v1 =	vand.u32 $0xFFFFFC00, v1;
	v23 =	vor.u32 v2, v3;
	v3 =	vld [tilespmem:$0x19B00]  }
0x307: {  	[tilespmem:$0x1FF40] =	vst v27;
	v36 =	vshll.u32 v40, $0x3;
	v27 =	vld.idx.msk [tilespmem:v26+s7+$0x0], $0xffff;
	v1 =	vor.u32 v1, v17;
	v22 =	vor.u32 v2, v0  }
0x308: {  	v0 =	vand.u32 $0x7F, v19;
	v17 =	vor.u32 v2, v7;
	v19 =	vor.u32 v2, v1;
	v1 =	vld [tilespmem:$0x19D80]  }
0x309: {  	v52 =	vld.idx.msk [tilespmem:v21+s7+$0x0], $0xffff;
	v0 =	vor.u32 v8, v0;
	v8 =	vand.u32 $0xFFFFFC00, v46;
	[tilespmem:$0x1FFC0] =	vst v38;
	v38 =	vshll.u32 v41, $0x3  }
0x30a: {  	v40 =	vld [tilespmem:$0x19E00];
	v46 =	vand.u32 $0x7F, v11;
	v16 =	vor.u32 v2, v0;
	v9 =	vand.u32 $0xFFFFFC00, v38  }
0x30b: {  	v60 =	vld.idx.msk [tilespmem:v24+s7+$0x0], $0xffff;
	v49 =	vshll.u32 v47, $0x3;
	v51 =	vand.u32 $0x7F, v47;
	v45 =	vshll.u32 v3, $0x3  }
0x30c: {  	[tilespmem:$0x1FFB0] =	vst v27;
	v27 =	vld [tilespmem:$0x19F80];
	v3 =	vand.u32 $0x7F, v3;
	v41 =	vor.u32 v9, v39;
	v9 =	vand.u32 $0xFFFFFC00, v49  }
0x30d: {  	v44 =	vld.idx.msk [tilespmem:v23+s7+$0x0], $0xffff;
	v5 =	vand.u32 $0xFFFFFC00, v45;
	v4 =	vor.u32 v9, v51;
	v0 =	vand.u32 $0x7F, v1  }
0x30e: {  	v53 =	vld.idx.msk [tilespmem:v22+s7+$0x0], $0xffff;
	v3 =	vor.u32 v5, v3;
	v5 =	vor.u32 v8, v29;
	v8 =	vand.u32 $0xFFFFFC00, v36  }
0x30f: {  	v49 =	vld.idx.msk [tilespmem:v20+s7+$0x0], $0xffff;
	v12 =	vor.u32 v2, v41;
	v29 =	vshll.u32 v1, $0x3;
	v6 =	vor.u32 v8, v35  }
0x310: {  	v1 =	vand.u32 $0xFFFFFC00, v29;
	v35 =	vld [tilespmem:$0x19F00];
	v15 =	vor.u32 v2, v3;
	v14 =	vor.u32 v2, v5  }
0x311: {  	v51 =	vld.idx.msk [tilespmem:v19+s7+$0x0], $0xffff;
	v3 =	vand.u32 $0x7F, v40;
	v0 =	vor.u32 v1, v0;
	v1 =	vshll.u32 v40, $0x3  }
0x312: {  	[tilespmem:$0x1FE70] =	vst v10;
	v39 =	vld.idx.msk [tilespmem:v16+s7+$0x0], $0xffff;
	v13 =	vor.u32 v2, v6;
	v1 =	vand.u32 $0xFFFFFC00, v1;
	v10 =	vor.u32 v2, v0  }
0x313: {  	v40 =	vld.idx.msk [tilespmem:v17+s7+$0x0], $0xffff;
	v1 =	vor.u32 v1, v3;
	v3 =	vshll.u32 v11, $0x3;
	v11 =	vor.u32 v2, v4  }
0x314: {  	[tilespmem:$0x1FFD0] =	vst v44;
	v44 =	vld.idx.msk [tilespmem:v18+s7+$0x0], $0xffff;
	v3 =	vand.u32 $0xFFFFFC00, v3;
	v9 =	vor.u32 v2, v1;
	v1 =	vshll.u32 v27, $0x3  }
0x315: {  	v28 =	vor.u32 v3, v46;
	v3 =	vshll.u32 v35, $0x3;
	v0 =	vand.u32 $0x7F, v35;
	v35 =	vld.idx.msk [tilespmem:v15+s7+$0x0], $0xffff  }
0x316: {  	v47 =	vand.u32 $0x7F, v27;
	v36 =	vld.idx.msk [tilespmem:v14+s7+$0x0], $0xffff;
	v1 =	vand.u32 $0xFFFFFC00, v1  }
0x317: {  	v3 =	vand.u32 $0xFFFFFC00, v3;
	v8 =	vor.u32 v2, v28;
	v27 =	vld.idx.msk [tilespmem:v13+s7+$0x0], $0xffff;
	v1 =	vor.u32 v1, v47  }
0x318: {  	v28 =	vld.idx.msk [tilespmem:v12+s7+$0x0], $0xffff;
	v0 =	vor.u32 v3, v0;
	v7 =	vor.u32 v2, v1  }
0x319: {  	v38 =	vld.idx.msk [tilespmem:v10+s7+$0x0], $0xffff;
	v6 =	vor.u32 v2, v0  }
0x31a: {  	v29 =	vld.idx.msk [tilespmem:v11+s7+$0x0], $0xffff  }
0x31b: {  	v41 =	vld.idx.msk [tilespmem:v9+s7+$0x0], $0xffff  }
0x31c: {  	v45 =	vld.idx.msk [tilespmem:v8+s7+$0x0], $0xffff  }
0x31d: {  	v47 =	vld.idx.msk [tilespmem:v7+s7+$0x0], $0xffff  }
0x31e: {  	v46 =	vld.idx.msk [tilespmem:v6+s7+$0x0], $0xffff;
	_ =	swait.ge [sflag:s19], $0x8000  }
0x31f: {  	v0 =	vld [tilespmem:$0x1FB80];
	_ =	sdelay $0x5  }
0x320: {  	[sflag:s19] =	ssyncset.done $0x0  }
0x321: {  	[sflag:s19] =	ssyncadd.s32 $0xFFFF8000  }
0x322: {  	v1 =	vld.idx.msk [tilespmem:v0+s5+$0x0], $0xffff  }
0x323: {  	v0 =	vld [tilespmem:$0x1FB90]  }
0x324: {  	v3 =	vld.idx.msk [tilespmem:v62+s5+$0x0], $0xffff  }
0x325: {  	v62 =	vld [tilespmem:$0x1FBB0];
	_ =	sdelay $0x5  }
0x326: {  	v4 =	vld.idx.msk [tilespmem:v0+s5+$0x0], $0xffff  }
0x327: {  	v0 =	vld [tilespmem:$0x1FBA0]  }
0x328: {  	v5 =	vld.idx.msk [tilespmem:v62+s5+$0x0], $0xffff  }
0x329: {  	v62 =	vld [tilespmem:$0x1FBC0];
	_ =	sdelay $0x2  }
0x32a: {  	v0 =	vadd.f32 $0.0e+00, v0;
	_ =	sdelay $0x1  }
0x32b: {  	v0 =	vadd.f32 v62, v0;
	v62 =	vld [tilespmem:$0x1FBE0];
	_ =	sdelay $0x4  }
0x32c: {  	v0 =	vadd.f32 v62, v0;
	v62 =	vld [tilespmem:$0x1FBF0];
	_ =	sdelay $0x3  }
0x32d: {  	v1 =	vadd.f32 $0.0e+00, v1;
	_ =	sdelay $0x1  }
0x32e: {  	v1 =	vadd.f32 v3, v1;
	_ =	sdelay $0x1  }
0x32f: {  	v1 =	vadd.f32 v4, v1;
	v4 =	vld.idx.msk [tilespmem:v62+s5+$0x0], $0xffff  }
0x330: {  	v62 =	vld [tilespmem:$0x1FC00];
	_ =	sdelay $0x4  }
0x331: {  	v0 =	vadd.f32 v62, v0;
	v62 =	vld [tilespmem:$0x1FC10];
	_ =	sdelay $0x7  }
0x332: {  	v1 =	vadd.f32 v5, v1;
	v5 =	vld.idx.msk [tilespmem:v62+s5+$0x0], $0xffff  }
0x333: {  	v62 =	vld [tilespmem:$0x1FC20];
	_ =	sdelay $0x2  }
0x334: {  	v3 =	vld [tilespmem:$0x1FBD0];
	_ =	sdelay $0x1  }
0x335: {  	v0 =	vadd.f32 v62, v0;
	v62 =	vld [tilespmem:$0x1FC40];
	_ =	sdelay $0x4  }
0x336: {  	v0 =	vadd.f32 v62, v0;
	v62 =	vld [tilespmem:$0x1FC50]  }
0x337: {  	v3 =	vld.idx.msk [tilespmem:v3+s5+$0x0], $0xffff;
	_ =	sdelay $0x4  }
0x338: {  	v1 =	vadd.f32 v3, v1;
	_ =	sdelay $0x1  }
0x339: {  	v1 =	vadd.f32 v4, v1;
	v4 =	vld.idx.msk [tilespmem:v62+s5+$0x0], $0xffff  }
0x33a: {  	v62 =	vld [tilespmem:$0x1FC60];
	_ =	sdelay $0x4  }
0x33b: {  	v0 =	vadd.f32 v62, v0;
	v62 =	vld [tilespmem:$0x1FC70];
	_ =	sdelay $0x7  }
0x33c: {  	v1 =	vadd.f32 v5, v1;
	v5 =	vld.idx.msk [tilespmem:v62+s5+$0x0], $0xffff  }
0x33d: {  	v62 =	vld [tilespmem:$0x1FC80];
	_ =	sdelay $0x2  }
0x33e: {  	v3 =	vld [tilespmem:$0x1FC30];
	_ =	sdelay $0x1  }
0x33f: {  	v0 =	vadd.f32 v62, v0;
	v62 =	vld [tilespmem:$0x1FCA0];
	_ =	sdelay $0x4  }
0x340: {  	v0 =	vadd.f32 v62, v0;
	v62 =	vld [tilespmem:$0x1FCB0]  }
0x341: {  	v3 =	vld.idx.msk [tilespmem:v3+s5+$0x0], $0xffff;
	_ =	sdelay $0x4  }
0x342: {  	v1 =	vadd.f32 v3, v1;
	_ =	sdelay $0x1  }
0x343: {  	v1 =	vadd.f32 v4, v1;
	v4 =	vld.idx.msk [tilespmem:v62+s5+$0x0], $0xffff  }
0x344: {  	v62 =	vld [tilespmem:$0x1FCC0];
	_ =	sdelay $0x4  }
0x345: {  	v0 =	vadd.f32 v62, v0;
	v62 =	vld [tilespmem:$0x1FCD0];
	_ =	sdelay $0x7  }
0x346: {  	v1 =	vadd.f32 v5, v1;
	v5 =	vld.idx.msk [tilespmem:v62+s5+$0x0], $0xffff  }
0x347: {  	v62 =	vld [tilespmem:$0x1FCE0];
	_ =	sdelay $0x2  }
0x348: {  	v3 =	vld [tilespmem:$0x1FC90];
	_ =	sdelay $0x1  }
0x349: {  	v0 =	vadd.f32 v62, v0;
	v62 =	vld [tilespmem:$0x1FD00];
	_ =	sdelay $0x4  }
0x34a: {  	v0 =	vadd.f32 v62, v0;
	v62 =	vld [tilespmem:$0x1FD10]  }
0x34b: {  	v3 =	vld.idx.msk [tilespmem:v3+s5+$0x0], $0xffff;
	_ =	sdelay $0x4  }
0x34c: {  	v1 =	vadd.f32 v3, v1;
	_ =	sdelay $0x1  }
0x34d: {  	v1 =	vadd.f32 v4, v1;
	v4 =	vld.idx.msk [tilespmem:v62+s5+$0x0], $0xffff  }
0x34e: {  	v62 =	vld [tilespmem:$0x1FD20];
	_ =	sdelay $0x4  }
0x34f: {  	v0 =	vadd.f32 v62, v0;
	v62 =	vld [tilespmem:$0x1FD30];
	_ =	sdelay $0x7  }
0x350: {  	v1 =	vadd.f32 v5, v1;
	v5 =	vld.idx.msk [tilespmem:v62+s5+$0x0], $0xffff  }
0x351: {  	v62 =	vld [tilespmem:$0x1FD40];
	_ =	sdelay $0x2  }
0x352: {  	v3 =	vld [tilespmem:$0x1FCF0];
	_ =	sdelay $0x1  }
0x353: {  	v0 =	vadd.f32 v62, v0;
	v62 =	vld [tilespmem:$0x1FD60];
	_ =	sdelay $0x4  }
0x354: {  	v0 =	vadd.f32 v62, v0;
	v62 =	vld [tilespmem:$0x1FD70]  }
0x355: {  	v3 =	vld.idx.msk [tilespmem:v3+s5+$0x0], $0xffff;
	_ =	sdelay $0x4  }
0x356: {  	v1 =	vadd.f32 v3, v1;
	_ =	sdelay $0x1  }
0x357: {  	v1 =	vadd.f32 v4, v1;
	v4 =	vld.idx.msk [tilespmem:v62+s5+$0x0], $0xffff  }
0x358: {  	v62 =	vld [tilespmem:$0x1FD80];
	_ =	sdelay $0x4  }
0x359: {  	v0 =	vadd.f32 v62, v0;
	v62 =	vld [tilespmem:$0x1FD90];
	_ =	sdelay $0x7  }
0x35a: {  	v1 =	vadd.f32 v5, v1;
	v5 =	vld.idx.msk [tilespmem:v62+s5+$0x0], $0xffff  }
0x35b: {  	v62 =	vld [tilespmem:$0x1FDA0];
	_ =	sdelay $0x2  }
0x35c: {  	v3 =	vld [tilespmem:$0x1FD50];
	_ =	sdelay $0x1  }
0x35d: {  	v0 =	vadd.f32 v62, v0;
	v62 =	vld [tilespmem:$0x1FDC0];
	_ =	sdelay $0x4  }
0x35e: {  	v0 =	vadd.f32 v62, v0;
	v62 =	vld [tilespmem:$0x1FDD0]  }
0x35f: {  	v3 =	vld.idx.msk [tilespmem:v3+s5+$0x0], $0xffff;
	_ =	sdelay $0x4  }
0x360: {  	v1 =	vadd.f32 v3, v1;
	_ =	sdelay $0x1  }
0x361: {  	v1 =	vadd.f32 v4, v1;
	v4 =	vld.idx.msk [tilespmem:v62+s5+$0x0], $0xffff  }
0x362: {  	v62 =	vld [tilespmem:$0x1FDE0];
	_ =	sdelay $0x4  }
0x363: {  	v0 =	vadd.f32 v62, v0;
	v62 =	vld [tilespmem:$0x1FDF0];
	_ =	sdelay $0x7  }
0x364: {  	v1 =	vadd.f32 v5, v1;
	v5 =	vld.idx.msk [tilespmem:v62+s5+$0x0], $0xffff  }
0x365: {  	v62 =	vld [tilespmem:$0x1FE00];
	_ =	sdelay $0x2  }
0x366: {  	v3 =	vld [tilespmem:$0x1FDB0];
	_ =	sdelay $0x1  }
0x367: {  	v0 =	vadd.f32 v62, v0;
	v62 =	vld [tilespmem:$0x1FE20];
	_ =	sdelay $0x4  }
0x368: {  	v0 =	vadd.f32 v62, v0;
	v62 =	vld [tilespmem:$0x1FE30]  }
0x369: {  	v3 =	vld.idx.msk [tilespmem:v3+s5+$0x0], $0xffff;
	_ =	sdelay $0x4  }
0x36a: {  	v1 =	vadd.f32 v3, v1;
	_ =	sdelay $0x1  }
0x36b: {  	v1 =	vadd.f32 v4, v1;
	v4 =	vld.idx.msk [tilespmem:v62+s5+$0x0], $0xffff  }
0x36c: {  	v62 =	vld [tilespmem:$0x1FE40];
	_ =	sdelay $0x3  }
0x36d: {  	v3 =	vld [tilespmem:$0x1FE10]  }
0x36e: {  	v0 =	vadd.f32 v62, v0;
	v62 =	vld [tilespmem:$0x1FE50];
	_ =	sdelay $0x6  }
0x36f: {  	v3 =	vld.idx.msk [tilespmem:v3+s5+$0x0], $0xffff  }
0x370: {  	v1 =	vadd.f32 v5, v1;
	v5 =	vld.idx.msk [tilespmem:v62+s5+$0x0], $0xffff  }
0x371: {  	v62 =	vld [tilespmem:$0x1FE60];
	_ =	sdelay $0x4  }
0x372: {  	v1 =	vadd.f32 v3, v1;
	v0 =	vadd.f32 v62, v0;
	v62 =	vld [tilespmem:$0x1FE70]  }
0x373: {  	v3 =	vld.idx.msk [tilespmem:v57+s5+$0x0], $0xffff  }
0x374: {  	v57 =	vld [tilespmem:$0x1FE80];
	v1 =	vadd.f32 v4, v1  }
0x375: {  	v4 =	vld.idx.msk [tilespmem:v54+s5+$0x0], $0xffff  }
0x376: {  	v1 =	vadd.f32 v5, v1;
	v5 =	vld.idx.msk [tilespmem:v55+s5+$0x0], $0xffff  }
0x377: {  	v0 =	vadd.f32 v62, v0;
	v62 =	vld [tilespmem:$0x1FE90]  }
0x378: {  	v1 =	vadd.f32 v3, v1  }
0x379: {  	v3 =	vld.idx.msk [tilespmem:v56+s5+$0x0], $0xffff  }
0x37a: {  	v1 =	vadd.f32 v4, v1;
	v0 =	vadd.f32 v57, v0;
	v57 =	vld [tilespmem:$0x1FEA0]  }
0x37b: {  	v4 =	vld.idx.msk [tilespmem:v59+s5+$0x0], $0xffff  }
0x37c: {  	v1 =	vadd.f32 v5, v1;
	v0 =	vadd.f32 v62, v0;
	v62 =	vld [tilespmem:$0x1FEB0]  }
0x37d: {  	v59 =	vld [tilespmem:$0x1FEC0]  }
0x37e: {  	v1 =	vadd.f32 v3, v1;
	v3 =	vld.idx.msk [tilespmem:v58+s5+$0x0], $0xffff  }
0x37f: {  	v0 =	vadd.f32 v57, v0;
	v57 =	vld.idx.msk [tilespmem:v61+s5+$0x0], $0xffff  }
0x380: {  	v61 =	vld [tilespmem:$0x1FED0]  }
0x381: {  	v0 =	vadd.f32 v62, v0;
	v62 =	vld.idx.msk [tilespmem:v63+s5+$0x0], $0xffff  }
0x382: {  	v1 =	vadd.f32 v4, v1;
	v63 =	vld [tilespmem:$0x1FEE0]  }
0x383: {  	v0 =	vadd.f32 v59, v0  }
0x384: {  	v58 =	vld [tilespmem:$0x1FEF0];
	v1 =	vadd.f32 v57, v1  }
0x385: {  	v0 =	vadd.f32 v61, v0  }
0x386: {  	v59 =	vld [tilespmem:$0x1FF00];
	v1 =	vadd.f32 v3, v1  }
0x387: {  	v57 =	vld.idx.msk [tilespmem:v48+s5+$0x0], $0xffff;
	v0 =	vadd.f32 v63, v0  }
0x388: {  	v1 =	vadd.f32 v62, v1;
	v62 =	vld [tilespmem:$0x1FF10]  }
0x389: {  	v48 =	vld [tilespmem:$0x1FF20];
	v0 =	vadd.f32 v58, v0  }
0x38a: {  	v3 =	vld.idx.msk [tilespmem:v50+s5+$0x0], $0xffff  }
0x38b: {  	v61 =	vld.idx.msk [tilespmem:v42+s5+$0x0], $0xffff;
	v0 =	vadd.f32 v59, v0  }
0x38c: {  	v50 =	vld [tilespmem:$0x1FF30]  }
0x38d: {  	v55 =	vld [tilespmem:$0x1FF40];
	v1 =	vadd.f32 v57, v1;
	v0 =	vadd.f32 v62, v0  }
0x38e: {  	v63 =	vld.idx.msk [tilespmem:v43+s5+$0x0], $0xffff  }
0x38f: {  	v57 =	vld [tilespmem:$0x1FF50];
	v1 =	vadd.f32 v3, v1;
	v0 =	vadd.f32 v48, v0  }
0x390: {  	v3 =	vld.idx.msk [tilespmem:v37+s5+$0x0], $0xffff  }
0x391: {  	v54 =	vld.idx.msk [tilespmem:v34+s5+$0x0], $0xffff;
	v1 =	vadd.f32 v61, v1;
	v0 =	vadd.f32 v50, v0  }
0x392: {  	v58 =	vld [tilespmem:$0x1FF60]  }
0x393: {  	v56 =	vld.idx.msk [tilespmem:v33+s5+$0x0], $0xffff;
	v1 =	vadd.f32 v63, v1;
	v0 =	vadd.f32 v55, v0  }
0x394: {  	v61 =	vld [tilespmem:$0x1FF70]  }
0x395: {  	v63 =	vld [tilespmem:$0x1FF80];
	v1 =	vadd.f32 v3, v1;
	v0 =	vadd.f32 v57, v0  }
0x396: {  	v3 =	vld.idx.msk [tilespmem:v32+s5+$0x0], $0xffff  }
0x397: {  	v59 =	vld.idx.msk [tilespmem:v31+s5+$0x0], $0xffff;
	v1 =	vadd.f32 v54, v1;
	v0 =	vadd.f32 v58, v0  }
0x398: {  	v31 =	vld [tilespmem:$0x1FF90]  }
0x399: {  	v33 =	vld [tilespmem:$0x1FFA0];
	v1 =	vadd.f32 v56, v1;
	v0 =	vadd.f32 v61, v0  }
0x39a: {  	v62 =	vld.idx.msk [tilespmem:v30+s5+$0x0], $0xffff  }
0x39b: {  	v37 =	vld [tilespmem:$0x1FFB0];
	v1 =	vadd.f32 v3, v1;
	v0 =	vadd.f32 v63, v0  }
0x39c: {  	v3 =	vld.idx.msk [tilespmem:v26+s5+$0x0], $0xffff  }
0x39d: {  	v42 =	vld [tilespmem:$0x1FFC0];
	v1 =	vadd.f32 v59, v1;
	v0 =	vadd.f32 v31, v0  }
0x39e: {  	v32 =	vld.idx.msk [tilespmem:v25+s5+$0x0], $0xffff  }
0x39f: {  	v34 =	vld.idx.msk [tilespmem:v23+s5+$0x0], $0xffff;
	v1 =	vadd.f32 v62, v1;
	v0 =	vadd.f32 v33, v0  }
0x3a0: {  	v48 =	vld [tilespmem:$0x1FFD0]  }
0x3a1: {  	v1 =	vadd.f32 v3, v1;
	v0 =	vadd.f32 v37, v0  }
0x3a2: {  	v3 =	vld.idx.msk [tilespmem:v24+s5+$0x0], $0xffff  }
0x3a3: {  	v1 =	vadd.f32 v32, v1;
	v0 =	vadd.f32 v42, v0  }
0x3a4: {  	v43 =	vld.idx.msk [tilespmem:v22+s5+$0x0], $0xffff  }
0x3a5: {  	v1 =	vadd.f32 v34, v1;
	v0 =	vadd.f32 v48, v0  }
0x3a6: {  	v50 =	vld.idx.msk [tilespmem:v21+s5+$0x0], $0xffff  }
0x3a7: {  	v1 =	vadd.f32 v3, v1;
	v0 =	vadd.f32 v60, v0  }
0x3a8: {  	v3 =	vld.idx.msk [tilespmem:v19+s5+$0x0], $0xffff  }
0x3a9: {  	v1 =	vadd.f32 v43, v1;
	v0 =	vadd.f32 v53, v0  }
0x3aa: {  	v54 =	vld.idx.msk [tilespmem:v20+s5+$0x0], $0xffff  }
0x3ab: {  	v1 =	vadd.f32 v50, v1;
	v0 =	vadd.f32 v52, v0  }
0x3ac: {  	v55 =	vld.idx.msk [tilespmem:v18+s5+$0x0], $0xffff  }
0x3ad: {  	v1 =	vadd.f32 v3, v1;
	v0 =	vadd.f32 v51, v0  }
0x3ae: {  	v3 =	vld.idx.msk [tilespmem:v17+s5+$0x0], $0xffff  }
0x3af: {  	v1 =	vadd.f32 v54, v1;
	v0 =	vadd.f32 v49, v0  }
0x3b0: {  	v56 =	vld.idx.msk [tilespmem:v16+s5+$0x0], $0xffff  }
0x3b1: {  	v1 =	vadd.f32 v55, v1;
	v0 =	vadd.f32 v44, v0  }
0x3b2: {  	v57 =	vld.idx.msk [tilespmem:v15+s5+$0x0], $0xffff  }
0x3b3: {  	v1 =	vadd.f32 v3, v1;
	v0 =	vadd.f32 v40, v0  }
0x3b4: {  	v3 =	vld.idx.msk [tilespmem:v14+s5+$0x0], $0xffff  }
0x3b5: {  	v1 =	vadd.f32 v56, v1;
	v0 =	vadd.f32 v39, v0  }
0x3b6: {  	v58 =	vld.idx.msk [tilespmem:v13+s5+$0x0], $0xffff  }
0x3b7: {  	v1 =	vadd.f32 v57, v1;
	v0 =	vadd.f32 v35, v0  }
0x3b8: {  	v59 =	vld.idx.msk [tilespmem:v12+s5+$0x0], $0xffff  }
0x3b9: {  	v1 =	vadd.f32 v3, v1;
	v0 =	vadd.f32 v36, v0  }
0x3ba: {  	v3 =	vld.idx.msk [tilespmem:v11+s5+$0x0], $0xffff  }
0x3bb: {  	v1 =	vadd.f32 v58, v1;
	v0 =	vadd.f32 v27, v0  }
0x3bc: {  	v60 =	vld.idx.msk [tilespmem:v10+s5+$0x0], $0xffff  }
0x3bd: {  	v1 =	vadd.f32 v59, v1;
	v0 =	vadd.f32 v28, v0  }
0x3be: {  	v61 =	vld.idx.msk [tilespmem:v9+s5+$0x0], $0xffff  }
0x3bf: {  	v1 =	vadd.f32 v3, v1;
	v0 =	vadd.f32 v29, v0  }
0x3c0: {  	v3 =	vld.idx.msk [tilespmem:v8+s5+$0x0], $0xffff  }
0x3c1: {  	v1 =	vadd.f32 v60, v1;
	v0 =	vadd.f32 v38, v0  }
0x3c2: {  	v62 =	vld.idx.msk [tilespmem:v6+s5+$0x0], $0xffff  }
0x3c3: {  	v1 =	vadd.f32 v61, v1;
	v0 =	vadd.f32 v41, v0  }
0x3c4: {  	v63 =	vld.idx.msk [tilespmem:v7+s5+$0x0], $0xffff  }
0x3c5: {  	v1 =	vadd.f32 v3, v1;
	v0 =	vadd.f32 v45, v0;
	_ =	sdelay $0x1  }
0x3c6: {  	v1 =	vadd.f32 v62, v1;
	v0 =	vadd.f32 v46, v0;
	_ =	sdelay $0x1  }
0x3c7: {  	v1 =	vadd.f32 v63, v1;
	v0 =	vadd.f32 v47, v0;
	_ =	sdelay $0x1  }
0x3c8: {  	v1 =	vsel vm0, $0x0, v1;
	v0 =	vnsel vm0, $0x0, v0  }
0x3c9: {  	v0 =	vadd.f32 v1, v0;
	_ =	sdelay $0x1  }
.Ltmp2:
0x3ca: {  	s24 =	rddreg [dreg:$0x10];
	[tilespmem:$0x1B200] =	vst v0;
	(pc) =	sbr.rel @p0 .LBB2_3-.Ltmp2, $4  }
0x3cb: {  	[hbm4b:s24+s5] =	stream.linear.scatter [tilespmem:s10], [sflag:$0x4], $0x10, $0x38;
	[tilespmem:$0x1B280] =	vst v63  }
0x3cc: {  	_ =	swait.ge [sflag:s2], $0x10  }
0x3cd: {  	[sflag:s2] =	ssyncset.done $0x0  }
0x3ce: {  	[sflag:s2] =	ssyncadd.s32 $0xFFFFFFF0  }
0x3cf: {  	_ =	swait.ge [sflag:s20], $0x8000  }
0x3d0: {  	[sflag:s20] =	ssyncset.done $0x0  }
0x3d1: {  	[sflag:s20] =	ssyncadd.s32 $0xFFFF8000  }
0x3d2: {  	v0 =	vld [tilespmem:$0x1B100];
	_ =	sdelay $0x1  }
0x3d3: {  	v1 =	vld [tilespmem:$0x1B110];
	_ =	sdelay $0x1  }
0x3d4: {  	v3 =	vld [tilespmem:$0x1B120]  }
0x3d5: {  	v4 =	vshll.u32 v0, $0x3  }
0x3d6: {  	v5 =	vld [tilespmem:$0x1B130];
	v0 =	vand.u32 $0x7F, v0;
	v4 =	vand.u32 $0xFFFFFC00, v4  }
0x3d7: {  	v30 =	vshll.u32 v1, $0x3;
	v0 =	vor.u32 v0, v4  }
0x3d8: {  	v6 =	vld [tilespmem:$0x1B140];
	v1 =	vand.u32 $0x7F, v1;
	v4 =	vand.u32 $0xFFFFFC00, v30  }
0x3d9: {  	v31 =	vshll.u32 v3, $0x3;
	v1 =	vor.u32 v1, v4  }
0x3da: {  	v7 =	vld [tilespmem:$0x1B150];
	v3 =	vand.u32 $0x7F, v3;
	v4 =	vand.u32 $0xFFFFFC00, v31  }
0x3db: {  	v8 =	vld [tilespmem:$0x1B160];
	v32 =	vshll.u32 v5, $0x3;
	v3 =	vor.u32 v3, v4  }
0x3dc: {  	v5 =	vand.u32 $0x7F, v5;
	v4 =	vand.u32 $0xFFFFFC00, v32;
	v0 =	vld.idx.msk [tilespmem:v0+s6+$0x0], $0xffff  }
0x3dd: {  	v35 =	vld [tilespmem:$0x1B170];
	v9 =	vshll.u32 v6, $0x3;
	v4 =	vor.u32 v5, v4  }
0x3de: {  	v33 =	vand.u32 $0x7F, v6;
	v34 =	vand.u32 $0xFFFFFC00, v9;
	v1 =	vld.idx.msk [tilespmem:v1+s6+$0x0], $0xffff  }
0x3df: {  	v10 =	vld [tilespmem:$0x1B180];
	v36 =	vshll.u32 v7, $0x3;
	v5 =	vor.u32 v33, v34  }
0x3e0: {  	v7 =	vand.u32 $0x7F, v7;
	v6 =	vand.u32 $0xFFFFFC00, v36;
	v3 =	vld.idx.msk [tilespmem:v3+s6+$0x0], $0xffff  }
0x3e1: {  	v11 =	vld [tilespmem:$0x1B190];
	v37 =	vshll.u32 v8, $0x3;
	v6 =	vor.u32 v7, v6;
	v0 =	vadd.f32 $0.0e+00, v0  }
0x3e2: {  	v8 =	vand.u32 $0x7F, v8;
	v7 =	vand.u32 $0xFFFFFC00, v37;
	v4 =	vld.idx.msk [tilespmem:v4+s6+$0x0], $0xffff  }
0x3e3: {  	v41 =	vld [tilespmem:$0x1B1A0];
	v38 =	vshll.u32 v35, $0x3;
	v7 =	vor.u32 v8, v7;
	v0 =	vadd.f32 v1, v0  }
0x3e4: {  	v39 =	vand.u32 $0x7F, v35;
	v8 =	vand.u32 $0xFFFFFC00, v38;
	v1 =	vld.idx.msk [tilespmem:v5+s6+$0x0], $0xffff  }
0x3e5: {  	v44 =	vld [tilespmem:$0x1B1B0];
	v40 =	vshll.u32 v10, $0x3;
	v5 =	vor.u32 v39, v8;
	v0 =	vadd.f32 v3, v0  }
0x3e6: {  	v42 =	vand.u32 $0x7F, v10;
	v8 =	vand.u32 $0xFFFFFC00, v40;
	v3 =	vld.idx.msk [tilespmem:v6+s6+$0x0], $0xffff  }
0x3e7: {  	v47 =	vld [tilespmem:$0x1B1C0];
	v43 =	vshll.u32 v11, $0x3;
	v6 =	vor.u32 v42, v8;
	v0 =	vadd.f32 v4, v0  }
0x3e8: {  	v46 =	vand.u32 $0x7F, v11;
	v45 =	vld.idx.msk [tilespmem:v7+s6+$0x0], $0xffff;
	v8 =	vand.u32 $0xFFFFFC00, v43  }
0x3e9: {  	v49 =	vld [tilespmem:$0x1B1D0];
	v48 =	vshll.u32 v41, $0x3;
	v7 =	vor.u32 v46, v8;
	v0 =	vadd.f32 v1, v0  }
0x3ea: {  	v9 =	vand.u32 $0x7F, v41;
	v1 =	vld.idx.msk [tilespmem:v5+s6+$0x0], $0xffff;
	v5 =	vand.u32 $0xFFFFFC00, v48  }
0x3eb: {  	v52 =	vld [tilespmem:$0x1B1E0];
	v50 =	vshll.u32 v44, $0x3;
	v5 =	vor.u32 v9, v5;
	v0 =	vadd.f32 v3, v0  }
0x3ec: {  	v51 =	vand.u32 $0x7F, v44;
	v3 =	vld.idx.msk [tilespmem:v6+s6+$0x0], $0xffff;
	v6 =	vand.u32 $0xFFFFFC00, v50  }
0x3ed: {  	v55 =	vld [tilespmem:$0x1B1F0];
	v54 =	vshll.u32 v47, $0x3;
	v6 =	vor.u32 v51, v6;
	v0 =	vadd.f32 v45, v0  }
0x3ee: {  	v8 =	vand.u32 $0x7F, v47;
	v53 =	vld.idx.msk [tilespmem:v7+s6+$0x0], $0xffff;
	v7 =	vand.u32 $0xFFFFFC00, v54  }
0x3ef: {  	v56 =	vshll.u32 v49, $0x3;
	v0 =	vadd.f32 v1, v0;
	v1 =	vor.u32 v8, v7  }
0x3f0: {  	v57 =	vand.u32 $0x7F, v49;
	v5 =	vld.idx.msk [tilespmem:v5+s6+$0x0], $0xffff;
	v7 =	vand.u32 $0xFFFFFC00, v56  }
0x3f1: {  	v58 =	vshll.u32 v52, $0x3;
	v0 =	vadd.f32 v3, v0;
	v3 =	vor.u32 v57, v7  }
0x3f2: {  	v59 =	vand.u32 $0x7F, v52;
	v6 =	vld.idx.msk [tilespmem:v6+s6+$0x0], $0xffff;
	v7 =	vand.u32 $0xFFFFFC00, v58  }
0x3f3: {  	v61 =	vshll.u32 v55, $0x3;
	v60 =	vor.u32 v59, v7;
	v0 =	vadd.f32 v53, v0  }
0x3f4: {  	v62 =	vand.u32 $0x7F, v55;
	v7 =	vand.u32 $0xFFFFFC00, v61;
	v1 =	vld.idx.msk [tilespmem:v1+s6+$0x0], $0xffff  }
0x3f5: {  	v63 =	vor.u32 v62, v7;
	v0 =	vadd.f32 v5, v0  }
0x3f6: {  	v3 =	vld.idx.msk [tilespmem:v3+s6+$0x0], $0xffff  }
0x3f7: {  	v0 =	vadd.f32 v6, v0  }
0x3f8: {  	v4 =	vld.idx.msk [tilespmem:v60+s6+$0x0], $0xffff  }
0x3f9: {  	v0 =	vadd.f32 v1, v0  }
0x3fa: {  	v1 =	vld.idx.msk [tilespmem:v63+s6+$0x0], $0xffff  }
0x3fb: {  	v0 =	vadd.f32 v3, v0;
	_ =	sdelay $0x1  }
0x3fc: {  	v0 =	vadd.f32 v4, v0;
	_ =	sdelay $0x1  }
0x3fd: {  	v0 =	vadd.f32 v1, v0;
	_ =	sdelay $0x1  }
0x3fe: {  	(xrf2) =	vadd.scan.msk.f32 $0xffff, v0;
	_ =	sdelay $0x9  }
0x3ff: {  	v0, _, _ =	vpop (xrf2)  }
0x400: {  	v0 =	vbroadcast v0, $0xF;
	_ =	sdelay $0x1  }
.Ltmp3:
0x401: {  	s8 =	rddreg [dreg:$0x8];
	[tilespmem:$0x1B200] =	vst v0;
	(pc) =	sbr.rel .LBB2_3-.Ltmp3, $4  }
0x402: {  	[hbm4b:s8+s5] =	stream.linear.scatter [tilespmem:s10], [sflag:$0x4], $0x80, $0x38;
	[tilespmem:$0x1B280] =	vst v63  }
0x403: {  	_ =	swait.ge [sflag:s2], $0x80  }
0x404: {  	[sflag:s2] =	ssyncset.done $0x0  }
0x405: {  	[sflag:s2] =	ssyncadd.s32 $0xFFFFFF80  }
.LBB2_4:
0x406: {  	_ =	sfence.sel $0x180000  }
0x407: {  	[bflag:$0x0] =	sbarrier.arrive $0xFFFF  }
0x408: {  	_ =	strace $0x90000047  }
0x409: {  	s0 =	stileid.u32;
	[bflag:$0x2] =	sbarrier.arrive $0xFFFF  }
0x40a: {  	p0 =	sne.s32 s0, $0x0;
	s0 =	rddreg [dreg:$0x5]  }
0x40b: {  	s0 =	sadd.s32 @!p0 $0x100000, s0  }
0x40c: {  	[sflag:s0] =	ssyncadd.tile.s32 @!p0 $0x1;
	_ =	shalt  }
.Lfunc_end2:
_tile_overlayer_lowered:
.L_overlay_start_2:
0x40d: {  	(tag) =	ssettag $0x2  }
0x40e: {  	s0 =	rddreg [dreg:$0x0];
	s2 =	stileid.u32  }
0x40f: {  	s1 =	rddreg [dreg:$0x1];
	p0 =	sne.s32 s2, $0x0  }
0x410: {  	s3 =	rddreg [dreg:$0x2];
	[bflag:$0x3] =	sbarrier.arrive $0xFFFF;
	s2 =	simm.s32 @!p0 $0x1C04  }
0x411: {  	[timem:s3], [sflag:s2] =	dma.local @!p0 [hbm:s0], s1  }
0x412: {  	s0 =	simm.s32 @!p0 $0x4  }
0x413: {  	_ =	swait.ge @!p0 [sflag:s0], s1  }
0x414: {  	s1 =	ssub.s32 @!p0 $0x0, s1;
	[sflag:s0] =	ssyncset.done @!p0 $0x0  }
0x415: {  	[sflag:s0] =	ssyncadd.s32 @!p0 s1  }
0x416: {  	[bflag:$0x3] =	sbarrier.arrive $0xFFFF  }
0x417: {  	_ =	shalt  }

</sc_bundles>
